<compile_context>
chip_gen: v7x
topology: tpu7x:2x2x1
jax: 0.10.2.dev20260603
libtpu: 0.0.44.dev20260713+nightly
codegen_flags: <defaults>
</compile_context>

<pallas_src>
import jax
import jax.numpy as jnp
from jax import lax
from jax.experimental import pallas as pl
from jax.experimental.pallas import tpu as pltpu
from jax.experimental.pallas import tpu_sc as plsc

NUM_Q = 100000
NUM_C = 1024
DIM = 64
MAX_C = 4
B, L = 1024, 200

N = B * L
NUM_CORES = 2
NUM_SUBCORES = 16
NW = NUM_CORES * NUM_SUBCORES
N_PER_W = N // NW
CHUNK = 128
N_CHUNKS = N_PER_W // CHUNK
GROUPS = CHUNK // 16
PAD_ROW = NUM_C
EIDX_W = 16
WC_STRIDE = DIM + 1


def _sc_body(q_hbm, wq_hbm, wcflat_hbm, eidx_hbm, out_hbm,
             wc_v, qid_v, eidx_v, qrow_v, fus_v, addr_v, rcp_v,
             sem_q, sem_e, sem_fo, sem_qo, sem_id):
    wid = lax.axis_index("s") * NUM_CORES + lax.axis_index("c")
    pltpu.sync_copy(wcflat_hbm, wc_v)
    lane = lax.iota(jnp.int32, 16)

    def qid_fetch(ci, b):
        base = wid * N_PER_W + ci * CHUNK
        pltpu.async_copy(q_hbm.at[pl.ds(base, CHUNK)], qid_v[b], sem_id[b])

    def issue_gathers(b):
        pltpu.async_copy(eidx_hbm.at[qid_v[b]], eidx_v[b], sem_e[b])
        pltpu.async_copy(wq_hbm.at[qid_v[b]], qrow_v[b], sem_q[b])

    def out_slice(ci, lohi):
        base = wid * N_PER_W + ci * CHUNK
        return out_hbm.at[pl.ds(base, CHUNK), pl.ds(lohi * DIM, DIM)]

    def prepass(b):
        @plsc.parallel_loop(0, GROUPS, unroll=2)
        def group_body(g):
            tok = lane + g * 16
            ev = eidx_v[b]
            w0 = plsc.load_gather(ev, [tok, jnp.full((16,), 0, jnp.int32)])
            w1 = plsc.load_gather(ev, [tok, jnp.full((16,), 1, jnp.int32)])
            lo = jnp.full((16,), 0xFFFF, jnp.int32)
            sh = jnp.full((16,), 16, jnp.int32)
            e0 = w0 & lo
            e1 = jax.lax.shift_right_logical(w0, sh)
            e2 = w1 & lo
            e3 = jax.lax.shift_right_logical(w1, sh)
            one = jnp.full((16,), 1.0, jnp.float32)
            zero = jnp.full((16,), 0.0, jnp.float32)
            cnt = (jnp.where(e0 != PAD_ROW, one, zero)
                   + jnp.where(e1 != PAD_ROW, one, zero)
                   + jnp.where(e2 != PAD_ROW, one, zero)
                   + jnp.where(e3 != PAD_ROW, one, zero))
            idx4 = tok * 4
            plsc.store_scatter(rcp_v, [idx4], one / cnt)
            plsc.store_scatter(addr_v, [idx4 + 0], e0 * WC_STRIDE)
            plsc.store_scatter(addr_v, [idx4 + 1], e1 * WC_STRIDE)
            plsc.store_scatter(addr_v, [idx4 + 2], e2 * WC_STRIDE)
            plsc.store_scatter(addr_v, [idx4 + 3], e3 * WC_STRIDE)

    def fuse(b):
        @plsc.parallel_loop(0, CHUNK // 4, unroll=2)
        def tok4_body(t4):
            av = addr_v[pl.ds(t4 * 16, 16)]
            rv = rcp_v[pl.ds(t4 * 16, 16)]
            for k in range(4):
                t = t4 * 4 + k
                b0 = av[4 * k + 0]
                b1 = av[4 * k + 1]
                b2 = av[4 * k + 2]
                b3 = av[4 * k + 3]
                r = rv[4 * k]
                for j in range(DIM // 16):
                    off = 16 * j
                    s = (wc_v[pl.ds(b0 + off, 16)]
                         + wc_v[pl.ds(b1 + off, 16)]
                         + wc_v[pl.ds(b2 + off, 16)]
                         + wc_v[pl.ds(b3 + off, 16)])
                    fus_v[b][t, pl.ds(off, 16)] = s * r

    base0 = wid * N_PER_W
    pltpu.sync_copy(q_hbm.at[pl.ds(base0, CHUNK)], qid_v[0])
    issue_gathers(0)
    qid_fetch(1, 1)

    def chunk_pair(ci2, carry):
        for b in (0, 1):
            ci = ci2 * 2 + b
            nb = 1 - b
            if b == 0:
                @pl.when(ci2 >= 1)
                def _():
                    pltpu.make_async_copy(
                        qrow_v[nb], out_slice(0, 1), sem_qo[nb]).wait()
            else:
                pltpu.make_async_copy(
                    qrow_v[nb], out_slice(0, 1), sem_qo[nb]).wait()
            pltpu.make_async_copy(
                q_hbm.at[pl.ds(base0, CHUNK)], qid_v[nb], sem_id[nb]).wait()
            issue_gathers(nb)
            pltpu.make_async_copy(
                eidx_hbm.at[qid_v[b]], eidx_v[b], sem_e[b]).wait()
            prepass(b)
            @pl.when(ci2 >= 1)
            def _():
                pltpu.make_async_copy(
                    fus_v[b], out_slice(0, 0), sem_fo[b]).wait()
            fuse(b)
            pltpu.make_async_copy(
                wq_hbm.at[qid_v[b]], qrow_v[b], sem_q[b]).wait()
            pltpu.async_copy(fus_v[b], out_slice(ci, 0), sem_fo[b])
            pltpu.async_copy(qrow_v[b], out_slice(ci, 1), sem_qo[b])
            qid_fetch(ci + 2, b)
        return carry

    lax.fori_loop(0, N_CHUNKS // 2, chunk_pair, 0)

    pltpu.make_async_copy(eidx_hbm.at[qid_v[0]], eidx_v[0], sem_e[0]).wait()
    pltpu.make_async_copy(wq_hbm.at[qid_v[0]], qrow_v[0], sem_q[0]).wait()
    pltpu.make_async_copy(
        q_hbm.at[pl.ds(base0, CHUNK)], qid_v[1], sem_id[1]).wait()
    pltpu.make_async_copy(fus_v[0], out_slice(0, 0), sem_fo[0]).wait()
    pltpu.make_async_copy(fus_v[1], out_slice(0, 0), sem_fo[1]).wait()
    pltpu.make_async_copy(qrow_v[1], out_slice(0, 1), sem_qo[1]).wait()


@jax.jit
def _run(q_flat, wq, wc_flat, eidx):
    mesh = plsc.VectorSubcoreMesh(
        core_axis_name="c", subcore_axis_name="s",
        num_cores=NUM_CORES, num_subcores=NUM_SUBCORES)
    f = pl.kernel(
        _sc_body,
        out_type=jax.ShapeDtypeStruct((N, 2 * DIM), jnp.float32),
        mesh=mesh,
        compiler_params=pltpu.CompilerParams(
            needs_layout_passes=False, use_tc_tiling_on_sc=False),
        scratch_types=[
            pltpu.VMEM(((NUM_C + 1) * WC_STRIDE,), jnp.float32),
            [pltpu.VMEM((CHUNK,), jnp.int32)] * 2,
            [pltpu.VMEM((CHUNK, EIDX_W), jnp.int32)] * 2,
            [pltpu.VMEM((CHUNK, DIM), jnp.float32)] * 2,
            [pltpu.VMEM((CHUNK, DIM), jnp.float32)] * 2,
            pltpu.VMEM((CHUNK * MAX_C,), jnp.int32),
            pltpu.VMEM((CHUNK * MAX_C,), jnp.float32),
            [pltpu.SemaphoreType.DMA] * 2,
            [pltpu.SemaphoreType.DMA] * 2,
            [pltpu.SemaphoreType.DMA] * 2,
            [pltpu.SemaphoreType.DMA] * 2,
            [pltpu.SemaphoreType.DMA] * 2,
        ],
    )
    return f(q_flat, wq, wc_flat, eidx)


def kernel(question_seq, W_question, W_concept, q2c_table, q2c_mask):
    q_flat = question_seq.reshape(N).astype(jnp.int32)
    q_flat = jnp.concatenate([q_flat, jnp.zeros((2 * CHUNK,), jnp.int32)])
    mask = q2c_mask.astype(jnp.int32)
    eidx = jnp.where(mask == 1, q2c_table.astype(jnp.int32), PAD_ROW)
    packed = jnp.stack(
        [eidx[:, 0] | (eidx[:, 1] << 16), eidx[:, 2] | (eidx[:, 3] << 16)],
        axis=1)
    packed = jnp.pad(packed, ((0, 0), (0, EIDX_W - 2)))
    wc_pad = jnp.pad(W_concept, ((0, 1), (0, WC_STRIDE - DIM)))
    out = _run(q_flat, W_question, wc_pad.reshape(-1), packed)
    return out.reshape(B, L, 2 * DIM)

# --- scband reference (transcript-rebuilt; emitter-appended) ---
"""Pipeline reference for scband-ktembed-layer-386547057386 (READ-ONLY COPY).

The authoritative reference and input builder live on the scoring server;
editing this copy changes nothing except your own understanding.
"""

import jax, jax.numpy as jnp
import numpy as np

NUM_Q = 100000
NUM_C = 1024
DIM = 64
MAX_C = 4
B, L = 1024, 200


def setup_inputs(seed: int = 0) -> dict:
    key = jax.random.key(seed)
    k1, k2, k3, k4, k5 = jax.random.split(key, 5)
    question_seq = jax.random.randint(k1, (B, L), 0, NUM_Q)
    W_question = jax.random.normal(k2, (NUM_Q, DIM), dtype=jnp.float32) * 0.02
    W_concept = jax.random.normal(k3, (NUM_C, DIM), dtype=jnp.float32) * 0.02
    q2c_table = jax.random.randint(k4, (NUM_Q, MAX_C), 0, NUM_C)
    rand_mask = jax.random.bernoulli(k5, 0.5, (NUM_Q, MAX_C)).astype(jnp.int64)
    # guarantee every question has at least one concept (mirrors parse_Q_table output)
    q2c_mask = rand_mask.at[:, 0].set(1)
    return {
        "question_seq": question_seq,
        "W_question": W_question,
        "W_concept": W_concept,
        "q2c_table": q2c_table,
        "q2c_mask": q2c_mask,
    }


def reference(question_seq, W_question, W_concept, q2c_table, q2c_mask):
    # KTEmbedLayer.get_emb_question_with_concept_fused(question_seq, fusion_type='mean')
    # emb_question = embed_question(question_seq)
    emb_question = jnp.take(W_question, question_seq, axis=0)  # [B, L, DIM]
    # emb_concept = embed_concept(q2c_table[question_seq])
    c_idx = jnp.take(q2c_table, question_seq, axis=0)  # [B, L, MAX_C]
    emb_concept = jnp.take(W_concept, c_idx, axis=0)  # [B, L, MAX_C, DIM]
    mask_concept = jnp.take(q2c_mask, question_seq, axis=0).astype(jnp.float32)  # [B, L, MAX_C]
    # mean fusion over valid concepts
    emb_concept_fusion = (emb_concept * mask_concept[..., None]).sum(-2)
    emb_concept_fusion = emb_concept_fusion / mask_concept.sum(-1)[..., None]
    return jnp.concatenate((emb_concept_fusion, emb_question), axis=-1)  # [B, L, 2*DIM]

if __name__ == "__main__":
    import jax
    _d = setup_inputs()
    print(jax.jit(kernel)(*tuple(_d.values())))

</pallas_src>

<mosaic_0001>
#map = affine_map<(d0, d1) -> (0)>
#map1 = affine_map<(d0, d1) -> (0, 0)>
module attributes {stable_mosaic.version = 14 : i64} {
  func.func @_sc_body(%arg0: i32, %arg1: i32, %arg2: memref<205056xi32, #tpu.memory_space<hbm>>, %arg3: memref<100000x64xf32, #tpu.memory_space<hbm>>, %arg4: memref<66625xf32, #tpu.memory_space<hbm>>, %arg5: memref<100000x16xi32, #tpu.memory_space<hbm>>, %arg6: memref<204800x128xf32, #tpu.memory_space<hbm>>, %arg7: memref<66625xf32, #tpu.memory_space<vmem>>, %arg8: memref<128xi32, #tpu.memory_space<vmem>>, %arg9: memref<128xi32, #tpu.memory_space<vmem>>, %arg10: memref<128x16xi32, #tpu.memory_space<vmem>>, %arg11: memref<128x16xi32, #tpu.memory_space<vmem>>, %arg12: memref<128x64xf32, #tpu.memory_space<vmem>>, %arg13: memref<128x64xf32, #tpu.memory_space<vmem>>, %arg14: memref<128x64xf32, #tpu.memory_space<vmem>>, %arg15: memref<128x64xf32, #tpu.memory_space<vmem>>, %arg16: memref<512xi32, #tpu.memory_space<vmem>>, %arg17: memref<512xf32, #tpu.memory_space<vmem>>, %arg18: memref<!tpu.dma_semaphore, #tpu.memory_space<semaphore_mem>>, %arg19: memref<!tpu.dma_semaphore, #tpu.memory_space<semaphore_mem>>, %arg20: memref<!tpu.dma_semaphore, #tpu.memory_space<semaphore_mem>>, %arg21: memref<!tpu.dma_semaphore, #tpu.memory_space<semaphore_mem>>, %arg22: memref<!tpu.dma_semaphore, #tpu.memory_space<semaphore_mem>>, %arg23: memref<!tpu.dma_semaphore, #tpu.memory_space<semaphore_mem>>, %arg24: memref<!tpu.dma_semaphore, #tpu.memory_space<semaphore_mem>>, %arg25: memref<!tpu.dma_semaphore, #tpu.memory_space<semaphore_mem>>, %arg26: memref<!tpu.dma_semaphore, #tpu.memory_space<semaphore_mem>>, %arg27: memref<!tpu.dma_semaphore, #tpu.memory_space<semaphore_mem>>) attributes {dimension_semantics = [#tpu.dimension_semantics<core_parallel>, #tpu.dimension_semantics<subcore_parallel>], iteration_bounds = array<i64: 2, 16>, scalar_prefetch = 0 : i64, scratch_operands = 21 : i64, tpu.core_type = #tpu.core_type<sc_vector_subcore>, window_params = [{transform_indices = #map}, {transform_indices = #map1}, {transform_indices = #map}, {transform_indices = #map1}, {transform_indices = #map1}]} {
    %mul3A = arith.constant 2 : i32
    %mul3A_0 = arith.muli %arg1, %mul3A : i32
    %add3A = arith.addi %mul3A_0, %arg0 : i32
    "tpu.region"() ({
      %run_scoped3A = tpu.sem_alloc : memref<!tpu.dma_semaphore, #tpu.memory_space<semaphore_mem>>
      tpu.enqueue_dma source(%arg4 : memref<66625xf32, #tpu.memory_space<hbm>>) target(%arg7 : memref<66625xf32, #tpu.memory_space<vmem>>) target_semaphore(%run_scoped3A : memref<!tpu.dma_semaphore, #tpu.memory_space<semaphore_mem>>)
      tpu.wait_dma2 semaphore(%run_scoped3A : memref<!tpu.dma_semaphore, #tpu.memory_space<semaphore_mem>>) src(%arg4 : memref<66625xf32, #tpu.memory_space<hbm>>) dst(%arg7 : memref<66625xf32, #tpu.memory_space<vmem>>)
      tpu.yield
    }) : () -> ()
    %iota3A = tpu.iota {dimensions = array<i32: 0>} : vector<16xi32>
    %mul3A_1 = arith.constant 6400 : i32
    %mul3A_2 = arith.muli %add3A, %mul3A_1 : i32
    "tpu.region"() ({
      %run_scoped3A = tpu.sem_alloc : memref<!tpu.dma_semaphore, #tpu.memory_space<semaphore_mem>>
      %dma_start3A_50 = tpu.memref_slice %arg2[%mul3A_2] : memref<205056xi32, #tpu.memory_space<hbm>> -> memref<128xi32, #tpu.memory_space<hbm>>
      %dma_start3A_51 = tpu.memref_slice %arg2[%mul3A_2] : memref<205056xi32, #tpu.memory_space<hbm>> -> memref<128xi32, #tpu.memory_space<hbm>>
      tpu.enqueue_dma source(%dma_start3A_51 : memref<128xi32, #tpu.memory_space<hbm>>) target(%arg8 : memref<128xi32, #tpu.memory_space<vmem>>) target_semaphore(%run_scoped3A : memref<!tpu.dma_semaphore, #tpu.memory_space<semaphore_mem>>)
      %dma_wait3A_52 = tpu.memref_slice %arg2[%mul3A_2] : memref<205056xi32, #tpu.memory_space<hbm>> -> memref<128xi32, #tpu.memory_space<hbm>>
      %dma_wait3A_53 = tpu.memref_slice %arg2[%mul3A_2] : memref<205056xi32, #tpu.memory_space<hbm>> -> memref<128xi32, #tpu.memory_space<hbm>>
      tpu.wait_dma2 semaphore(%run_scoped3A : memref<!tpu.dma_semaphore, #tpu.memory_space<semaphore_mem>>) src(%dma_wait3A_53 : memref<128xi32, #tpu.memory_space<hbm>>) dst(%arg8 : memref<128xi32, #tpu.memory_space<vmem>>)
      tpu.yield
    }) : () -> ()
    %dma_start3A = arith.constant 0 : i32
    %dma_start3A_3 = arith.constant 0 : i32
    %dma_start3A_4 = tpu.memref_slice %arg5[%dma_start3A, %dma_start3A_3] : memref<100000x16xi32, #tpu.memory_space<hbm>> -> memref<100000x16xi32, #tpu.memory_space<hbm>>
    tpu.enqueue_indirect_dma source(%dma_start3A_4 : memref<100000x16xi32, #tpu.memory_space<hbm>>) target(%arg10 : memref<128x16xi32, #tpu.memory_space<vmem>>) offsets(%arg8 : memref<128xi32, #tpu.memory_space<vmem>>) semaphore(%arg20 : memref<!tpu.dma_semaphore, #tpu.memory_space<semaphore_mem>>)
    %dma_start3A_5 = arith.constant 0 : i32
    %dma_start3A_6 = arith.constant 0 : i32
    %dma_start3A_7 = tpu.memref_slice %arg3[%dma_start3A_5, %dma_start3A_6] : memref<100000x64xf32, #tpu.memory_space<hbm>> -> memref<100000x64xf32, #tpu.memory_space<hbm>>
    tpu.enqueue_indirect_dma source(%dma_start3A_7 : memref<100000x64xf32, #tpu.memory_space<hbm>>) target(%arg12 : memref<128x64xf32, #tpu.memory_space<vmem>>) offsets(%arg8 : memref<128xi32, #tpu.memory_space<vmem>>) semaphore(%arg18 : memref<!tpu.dma_semaphore, #tpu.memory_space<semaphore_mem>>)
    %mul3A_8 = arith.constant 6400 : i32
    %mul3A_9 = arith.muli %add3A, %mul3A_8 : i32
    %add3A_10 = arith.constant 128 : i32
    %add3A_11 = arith.addi %mul3A_9, %add3A_10 : i32
    %dma_start3A_12 = tpu.memref_slice %arg2[%add3A_11] : memref<205056xi32, #tpu.memory_space<hbm>> -> memref<128xi32, #tpu.memory_space<hbm>>
    %dma_start3A_13 = tpu.memref_slice %arg2[%add3A_11] : memref<205056xi32, #tpu.memory_space<hbm>> -> memref<128xi32, #tpu.memory_space<hbm>>
    tpu.enqueue_dma source(%dma_start3A_13 : memref<128xi32, #tpu.memory_space<hbm>>) target(%arg9 : memref<128xi32, #tpu.memory_space<vmem>>) target_semaphore(%arg27 : memref<!tpu.dma_semaphore, #tpu.memory_space<semaphore_mem>>)
    %scan3A = arith.constant 0 : i32
    %scan3A_14 = arith.constant 0 : i32
    %scan3A_15 = arith.constant 25 : i32
    %scan3A_16 = arith.addi %scan3A_14, %scan3A_15 : i32
    %scan3A_17 = arith.constant 1 : i32
    scf.for %scan3A_50 = %scan3A_14 to %scan3A_16 step %scan3A_17  : i32 {
      %mul3A_51 = arith.constant 2 : i32
      %mul3A_52 = arith.muli %scan3A_50, %mul3A_51 : i32
      %add3A_53 = arith.constant 0 : i32
      %add3A_54 = arith.addi %mul3A_52, %add3A_53 : i32
      %ge3A = arith.constant 1 : i32
      %ge3A_55 = arith.cmpi sge, %scan3A_50, %ge3A : i32
      %convert_element_type3A = arith.extui %ge3A_55 : i1 to i32
      %cond3A = arith.constant 0 : i32
      %cond3A_56 = arith.cmpi ne, %convert_element_type3A, %cond3A : i32
      scf.if %cond3A_56 {
        %mul3A_172 = arith.constant 6400 : i32
        %mul3A_173 = arith.muli %add3A, %mul3A_172 : i32
        %add3A_174 = arith.constant 0 : i32
        %add3A_175 = arith.addi %mul3A_173, %add3A_174 : i32
        %dma_wait3A_176 = arith.constant 64 : i32
        %dma_wait3A_177 = tpu.memref_slice %arg6[%add3A_175, %dma_wait3A_176] : memref<204800x128xf32, #tpu.memory_space<hbm>> -> memref<128x64xf32, #tpu.memory_space<hbm>>
        %dma_wait3A_178 = arith.constant 64 : i32
        %dma_wait3A_179 = tpu.memref_slice %arg6[%add3A_175, %dma_wait3A_178] : memref<204800x128xf32, #tpu.memory_space<hbm>> -> memref<128x64xf32, #tpu.memory_space<hbm>>
        tpu.wait_dma2 semaphore(%arg25 : memref<!tpu.dma_semaphore, #tpu.memory_space<semaphore_mem>>) src(%arg13 : memref<128x64xf32, #tpu.memory_space<vmem>>) dst(%dma_wait3A_179 : memref<128x64xf32, #tpu.memory_space<hbm>>)
      } else {
      }
      %dma_wait3A_57 = tpu.memref_slice %arg2[%mul3A_2] : memref<205056xi32, #tpu.memory_space<hbm>> -> memref<128xi32, #tpu.memory_space<hbm>>
      %dma_wait3A_58 = tpu.memref_slice %arg2[%mul3A_2] : memref<205056xi32, #tpu.memory_space<hbm>> -> memref<128xi32, #tpu.memory_space<hbm>>
      tpu.wait_dma2 semaphore(%arg27 : memref<!tpu.dma_semaphore, #tpu.memory_space<semaphore_mem>>) src(%dma_wait3A_58 : memref<128xi32, #tpu.memory_space<hbm>>) dst(%arg9 : memref<128xi32, #tpu.memory_space<vmem>>)
      %dma_start3A_59 = arith.constant 0 : i32
      %dma_start3A_60 = arith.constant 0 : i32
      %dma_start3A_61 = tpu.memref_slice %arg5[%dma_start3A_59, %dma_start3A_60] : memref<100000x16xi32, #tpu.memory_space<hbm>> -> memref<100000x16xi32, #tpu.memory_space<hbm>>
      tpu.enqueue_indirect_dma source(%dma_start3A_61 : memref<100000x16xi32, #tpu.memory_space<hbm>>) target(%arg11 : memref<128x16xi32, #tpu.memory_space<vmem>>) offsets(%arg9 : memref<128xi32, #tpu.memory_space<vmem>>) semaphore(%arg21 : memref<!tpu.dma_semaphore, #tpu.memory_space<semaphore_mem>>)
      %dma_start3A_62 = arith.constant 0 : i32
      %dma_start3A_63 = arith.constant 0 : i32
      %dma_start3A_64 = tpu.memref_slice %arg3[%dma_start3A_62, %dma_start3A_63] : memref<100000x64xf32, #tpu.memory_space<hbm>> -> memref<100000x64xf32, #tpu.memory_space<hbm>>
      tpu.enqueue_indirect_dma source(%dma_start3A_64 : memref<100000x64xf32, #tpu.memory_space<hbm>>) target(%arg13 : memref<128x64xf32, #tpu.memory_space<vmem>>) offsets(%arg9 : memref<128xi32, #tpu.memory_space<vmem>>) semaphore(%arg19 : memref<!tpu.dma_semaphore, #tpu.memory_space<semaphore_mem>>)
      %dma_wait3A_65 = arith.constant 0 : i32
      %dma_wait3A_66 = arith.constant 0 : i32
      %dma_wait3A_67 = tpu.memref_slice %arg5[%dma_wait3A_65, %dma_wait3A_66] : memref<100000x16xi32, #tpu.memory_space<hbm>> -> memref<100000x16xi32, #tpu.memory_space<hbm>>
      tpu.wait_indirect_dma semaphore(%arg20 : memref<!tpu.dma_semaphore, #tpu.memory_space<semaphore_mem>>) src(%dma_wait3A_67 : memref<100000x16xi32, #tpu.memory_space<hbm>>) dst(%arg10 : memref<128x16xi32, #tpu.memory_space<vmem>>)
      %parallel_loop3A = arith.constant 0 : i32
      %parallel_loop3A_68 = arith.constant 8 : i32
      %parallel_loop3A_69 = arith.constant 1 : i32
      scf.for %parallel_loop3A_172 = %parallel_loop3A to %parallel_loop3A_68 step %parallel_loop3A_69  : i32 {
        %parallel_loop3A_173 = arith.constant 16 : i32
        %parallel_loop3A_174 = arith.muli %parallel_loop3A_172, %parallel_loop3A_173 : i32
        %parallel_loop3A_175 = vector.broadcast %parallel_loop3A_174 : i32 to vector<16xi32>
        %parallel_loop3A_176 = arith.addi %iota3A, %parallel_loop3A_175 : vector<16xi32>
        %parallel_loop3A_177 = arith.constant 0 : i32
        %parallel_loop3A_178 = vector.broadcast %parallel_loop3A_177 : i32 to vector<16xi32>
        %parallel_loop3A_179 = tpu.vector_load_idx %arg10[%parallel_loop3A_176, %parallel_loop3A_178] : memref<128x16xi32, #tpu.memory_space<vmem>>[vector<16xi32>, vector<16xi32>], vector<16xi32>,
        %parallel_loop3A_180 = arith.constant 1 : i32
        %parallel_loop3A_181 = vector.broadcast %parallel_loop3A_180 : i32 to vector<16xi32>
        %parallel_loop3A_182 = tpu.vector_load_idx %arg10[%parallel_loop3A_176, %parallel_loop3A_181] : memref<128x16xi32, #tpu.memory_space<vmem>>[vector<16xi32>, vector<16xi32>], vector<16xi32>,
        %parallel_loop3A_183 = arith.constant 65535 : i32
        %parallel_loop3A_184 = vector.broadcast %parallel_loop3A_183 : i32 to vector<16xi32>
        %parallel_loop3A_185 = arith.constant 16 : i32
        %parallel_loop3A_186 = vector.broadcast %parallel_loop3A_185 : i32 to vector<16xi32>
        %parallel_loop3A_187 = arith.andi %parallel_loop3A_179, %parallel_loop3A_184 : vector<16xi32>
        %parallel_loop3A_188 = arith.shrui %parallel_loop3A_179, %parallel_loop3A_186 : vector<16xi32>
        %parallel_loop3A_189 = arith.andi %parallel_loop3A_182, %parallel_loop3A_184 : vector<16xi32>
        %parallel_loop3A_190 = arith.shrui %parallel_loop3A_182, %parallel_loop3A_186 : vector<16xi32>
        %parallel_loop3A_191 = arith.constant 1.000000e+00 : f32
        %parallel_loop3A_192 = vector.broadcast %parallel_loop3A_191 : f32 to vector<16xf32>
        %parallel_loop3A_193 = arith.constant 0.000000e+00 : f32
        %parallel_loop3A_194 = vector.broadcast %parallel_loop3A_193 : f32 to vector<16xf32>
        %parallel_loop3A_195 = arith.constant 1024 : i32
        %parallel_loop3A_196 = vector.broadcast %parallel_loop3A_195 : i32 to vector<16xi32>
        %parallel_loop3A_197 = arith.cmpi ne, %parallel_loop3A_187, %parallel_loop3A_196 : vector<16xi32>
        %parallel_loop3A_198 = arith.select %parallel_loop3A_197, %parallel_loop3A_192, %parallel_loop3A_194 : vector<16xi1>, vector<16xf32>
        %parallel_loop3A_199 = arith.constant 1024 : i32
        %parallel_loop3A_200 = vector.broadcast %parallel_loop3A_199 : i32 to vector<16xi32>
        %parallel_loop3A_201 = arith.cmpi ne, %parallel_loop3A_188, %parallel_loop3A_200 : vector<16xi32>
        %parallel_loop3A_202 = arith.select %parallel_loop3A_201, %parallel_loop3A_192, %parallel_loop3A_194 : vector<16xi1>, vector<16xf32>
        %parallel_loop3A_203 = arith.addf %parallel_loop3A_198, %parallel_loop3A_202 : vector<16xf32>
        %parallel_loop3A_204 = arith.constant 1024 : i32
        %parallel_loop3A_205 = vector.broadcast %parallel_loop3A_204 : i32 to vector<16xi32>
        %parallel_loop3A_206 = arith.cmpi ne, %parallel_loop3A_189, %parallel_loop3A_205 : vector<16xi32>
        %parallel_loop3A_207 = arith.select %parallel_loop3A_206, %parallel_loop3A_192, %parallel_loop3A_194 : vector<16xi1>, vector<16xf32>
        %parallel_loop3A_208 = arith.addf %parallel_loop3A_203, %parallel_loop3A_207 : vector<16xf32>
        %parallel_loop3A_209 = arith.constant 1024 : i32
        %parallel_loop3A_210 = vector.broadcast %parallel_loop3A_209 : i32 to vector<16xi32>
        %parallel_loop3A_211 = arith.cmpi ne, %parallel_loop3A_190, %parallel_loop3A_210 : vector<16xi32>
        %parallel_loop3A_212 = arith.select %parallel_loop3A_211, %parallel_loop3A_192, %parallel_loop3A_194 : vector<16xi1>, vector<16xf32>
        %parallel_loop3A_213 = arith.addf %parallel_loop3A_208, %parallel_loop3A_212 : vector<16xf32>
        %parallel_loop3A_214 = arith.constant 4 : i32
        %parallel_loop3A_215 = vector.broadcast %parallel_loop3A_214 : i32 to vector<16xi32>
        %parallel_loop3A_216 = arith.muli %parallel_loop3A_176, %parallel_loop3A_215 : vector<16xi32>
        %parallel_loop3A_217 = arith.divf %parallel_loop3A_192, %parallel_loop3A_213 : vector<16xf32>
        tpu.vector_store_idx %arg17[%parallel_loop3A_216], %parallel_loop3A_217 : memref<512xf32, #tpu.memory_space<vmem>>[vector<16xi32>], vector<16xf32>,
        %parallel_loop3A_218 = arith.constant 0 : i32
        %parallel_loop3A_219 = vector.broadcast %parallel_loop3A_218 : i32 to vector<16xi32>
        %parallel_loop3A_220 = arith.addi %parallel_loop3A_216, %parallel_loop3A_219 : vector<16xi32>
        %parallel_loop3A_221 = arith.constant 65 : i32
        %parallel_loop3A_222 = vector.broadcast %parallel_loop3A_221 : i32 to vector<16xi32>
        %parallel_loop3A_223 = arith.muli %parallel_loop3A_187, %parallel_loop3A_222 : vector<16xi32>
        tpu.vector_store_idx %arg16[%parallel_loop3A_220], %parallel_loop3A_223 : memref<512xi32, #tpu.memory_space<vmem>>[vector<16xi32>], vector<16xi32>,
        %parallel_loop3A_224 = arith.constant 1 : i32
        %parallel_loop3A_225 = vector.broadcast %parallel_loop3A_224 : i32 to vector<16xi32>
        %parallel_loop3A_226 = arith.addi %parallel_loop3A_216, %parallel_loop3A_225 : vector<16xi32>
        %parallel_loop3A_227 = arith.constant 65 : i32
        %parallel_loop3A_228 = vector.broadcast %parallel_loop3A_227 : i32 to vector<16xi32>
        %parallel_loop3A_229 = arith.muli %parallel_loop3A_188, %parallel_loop3A_228 : vector<16xi32>
        tpu.vector_store_idx %arg16[%parallel_loop3A_226], %parallel_loop3A_229 : memref<512xi32, #tpu.memory_space<vmem>>[vector<16xi32>], vector<16xi32>,
        %parallel_loop3A_230 = arith.constant 2 : i32
        %parallel_loop3A_231 = vector.broadcast %parallel_loop3A_230 : i32 to vector<16xi32>
        %parallel_loop3A_232 = arith.addi %parallel_loop3A_216, %parallel_loop3A_231 : vector<16xi32>
        %parallel_loop3A_233 = arith.constant 65 : i32
        %parallel_loop3A_234 = vector.broadcast %parallel_loop3A_233 : i32 to vector<16xi32>
        %parallel_loop3A_235 = arith.muli %parallel_loop3A_189, %parallel_loop3A_234 : vector<16xi32>
        tpu.vector_store_idx %arg16[%parallel_loop3A_232], %parallel_loop3A_235 : memref<512xi32, #tpu.memory_space<vmem>>[vector<16xi32>], vector<16xi32>,
        %parallel_loop3A_236 = arith.constant 3 : i32
        %parallel_loop3A_237 = vector.broadcast %parallel_loop3A_236 : i32 to vector<16xi32>
        %parallel_loop3A_238 = arith.addi %parallel_loop3A_216, %parallel_loop3A_237 : vector<16xi32>
        %parallel_loop3A_239 = arith.constant 65 : i32
        %parallel_loop3A_240 = vector.broadcast %parallel_loop3A_239 : i32 to vector<16xi32>
        %parallel_loop3A_241 = arith.muli %parallel_loop3A_190, %parallel_loop3A_240 : vector<16xi32>
        tpu.vector_store_idx %arg16[%parallel_loop3A_238], %parallel_loop3A_241 : memref<512xi32, #tpu.memory_space<vmem>>[vector<16xi32>], vector<16xi32>,
      } {sc.loop_unroll_factor = 2 : i64, sc.parallel_access}
      %ge3A_70 = arith.constant 1 : i32
      %ge3A_71 = arith.cmpi sge, %scan3A_50, %ge3A_70 : i32
      %convert_element_type3A_72 = arith.extui %ge3A_71 : i1 to i32
      %cond3A_73 = arith.constant 0 : i32
      %cond3A_74 = arith.cmpi ne, %convert_element_type3A_72, %cond3A_73 : i32
      scf.if %cond3A_74 {
        %mul3A_172 = arith.constant 6400 : i32
        %mul3A_173 = arith.muli %add3A, %mul3A_172 : i32
        %add3A_174 = arith.constant 0 : i32
        %add3A_175 = arith.addi %mul3A_173, %add3A_174 : i32
        %dma_wait3A_176 = arith.constant 0 : i32
        %dma_wait3A_177 = tpu.memref_slice %arg6[%add3A_175, %dma_wait3A_176] : memref<204800x128xf32, #tpu.memory_space<hbm>> -> memref<128x64xf32, #tpu.memory_space<hbm>>
        %dma_wait3A_178 = arith.constant 0 : i32
        %dma_wait3A_179 = tpu.memref_slice %arg6[%add3A_175, %dma_wait3A_178] : memref<204800x128xf32, #tpu.memory_space<hbm>> -> memref<128x64xf32, #tpu.memory_space<hbm>>
        tpu.wait_dma2 semaphore(%arg22 : memref<!tpu.dma_semaphore, #tpu.memory_space<semaphore_mem>>) src(%arg14 : memref<128x64xf32, #tpu.memory_space<vmem>>) dst(%dma_wait3A_179 : memref<128x64xf32, #tpu.memory_space<hbm>>)
      } else {
      }
      %parallel_loop3A_75 = arith.constant 0 : i32
      %parallel_loop3A_76 = arith.constant 32 : i32
      %parallel_loop3A_77 = arith.constant 1 : i32
      scf.for %parallel_loop3A_172 = %parallel_loop3A_75 to %parallel_loop3A_76 step %parallel_loop3A_77  : i32 {
        %parallel_loop3A_173 = arith.constant 16 : i32
        %parallel_loop3A_174 = arith.muli %parallel_loop3A_172, %parallel_loop3A_173 : i32
        %parallel_loop3A_175 = arith.index_cast %parallel_loop3A_174 : i32 to index
        %parallel_loop3A_176 = tpu.vector_load %arg16[%parallel_loop3A_175] {strides = array<i32>} : memref<512xi32, #tpu.memory_space<vmem>>, vector<16xi32>,
        %parallel_loop3A_177 = arith.constant 16 : i32
        %parallel_loop3A_178 = arith.muli %parallel_loop3A_172, %parallel_loop3A_177 : i32
        %parallel_loop3A_179 = arith.index_cast %parallel_loop3A_178 : i32 to index
        %parallel_loop3A_180 = tpu.vector_load %arg17[%parallel_loop3A_179] {strides = array<i32>} : memref<512xf32, #tpu.memory_space<vmem>>, vector<16xf32>,
        %parallel_loop3A_181 = arith.constant 4 : i32
        %parallel_loop3A_182 = arith.muli %parallel_loop3A_172, %parallel_loop3A_181 : i32
        %parallel_loop3A_183 = arith.constant 0 : i32
        %parallel_loop3A_184 = arith.addi %parallel_loop3A_182, %parallel_loop3A_183 : i32
        %parallel_loop3A_185 = vector.extract_strided_slice %parallel_loop3A_176 {offsets = [0], sizes = [1], strides = [1]} : vector<16xi32> to vector<1xi32>
        %parallel_loop3A_186 = vector.extract %parallel_loop3A_185[0] : i32 from vector<1xi32>
        %parallel_loop3A_187 = vector.extract_strided_slice %parallel_loop3A_176 {offsets = [1], sizes = [1], strides = [1]} : vector<16xi32> to vector<1xi32>
        %parallel_loop3A_188 = vector.extract %parallel_loop3A_187[0] : i32 from vector<1xi32>
        %parallel_loop3A_189 = vector.extract_strided_slice %parallel_loop3A_176 {offsets = [2], sizes = [1], strides = [1]} : vector<16xi32> to vector<1xi32>
        %parallel_loop3A_190 = vector.extract %parallel_loop3A_189[0] : i32 from vector<1xi32>
        %parallel_loop3A_191 = vector.extract_strided_slice %parallel_loop3A_176 {offsets = [3], sizes = [1], strides = [1]} : vector<16xi32> to vector<1xi32>
        %parallel_loop3A_192 = vector.extract %parallel_loop3A_191[0] : i32 from vector<1xi32>
        %parallel_loop3A_193 = vector.extract_strided_slice %parallel_loop3A_180 {offsets = [0], sizes = [1], strides = [1]} : vector<16xf32> to vector<1xf32>
        %parallel_loop3A_194 = vector.extract %parallel_loop3A_193[0] : f32 from vector<1xf32>
        %parallel_loop3A_195 = arith.constant 0 : i32
        %parallel_loop3A_196 = arith.addi %parallel_loop3A_186, %parallel_loop3A_195 : i32
        %parallel_loop3A_197 = arith.index_cast %parallel_loop3A_196 : i32 to index
        %parallel_loop3A_198 = tpu.vector_load %arg7[%parallel_loop3A_197] {strides = array<i32>} : memref<66625xf32, #tpu.memory_space<vmem>>, vector<16xf32>,
        %parallel_loop3A_199 = arith.constant 0 : i32
        %parallel_loop3A_200 = arith.addi %parallel_loop3A_188, %parallel_loop3A_199 : i32
        %parallel_loop3A_201 = arith.index_cast %parallel_loop3A_200 : i32 to index
        %parallel_loop3A_202 = tpu.vector_load %arg7[%parallel_loop3A_201] {strides = array<i32>} : memref<66625xf32, #tpu.memory_space<vmem>>, vector<16xf32>,
        %parallel_loop3A_203 = arith.addf %parallel_loop3A_198, %parallel_loop3A_202 : vector<16xf32>
        %parallel_loop3A_204 = arith.constant 0 : i32
        %parallel_loop3A_205 = arith.addi %parallel_loop3A_190, %parallel_loop3A_204 : i32
        %parallel_loop3A_206 = arith.index_cast %parallel_loop3A_205 : i32 to index
        %parallel_loop3A_207 = tpu.vector_load %arg7[%parallel_loop3A_206] {strides = array<i32>} : memref<66625xf32, #tpu.memory_space<vmem>>, vector<16xf32>,
        %parallel_loop3A_208 = arith.addf %parallel_loop3A_203, %parallel_loop3A_207 : vector<16xf32>
        %parallel_loop3A_209 = arith.constant 0 : i32
        %parallel_loop3A_210 = arith.addi %parallel_loop3A_192, %parallel_loop3A_209 : i32
        %parallel_loop3A_211 = arith.index_cast %parallel_loop3A_210 : i32 to index
        %parallel_loop3A_212 = tpu.vector_load %arg7[%parallel_loop3A_211] {strides = array<i32>} : memref<66625xf32, #tpu.memory_space<vmem>>, vector<16xf32>,
        %parallel_loop3A_213 = arith.addf %parallel_loop3A_208, %parallel_loop3A_212 : vector<16xf32>
        %parallel_loop3A_214 = vector.broadcast %parallel_loop3A_194 : f32 to vector<16xf32>
        %parallel_loop3A_215 = arith.mulf %parallel_loop3A_213, %parallel_loop3A_214 : vector<16xf32>
        %parallel_loop3A_216 = arith.index_cast %parallel_loop3A_184 : i32 to index
        %parallel_loop3A_217 = arith.constant 0 : index
        %parallel_loop3A_218 = tpu.vector_load %arg14[%parallel_loop3A_216, %parallel_loop3A_217] {strides = array<i32>} : memref<128x64xf32, #tpu.memory_space<vmem>>, vector<16xf32>,
        tpu.vector_store %arg14[%parallel_loop3A_216, %parallel_loop3A_217], %parallel_loop3A_215 {strides = array<i32>} : memref<128x64xf32, #tpu.memory_space<vmem>>, vector<16xf32>,
        %parallel_loop3A_219 = arith.constant 16 : i32
        %parallel_loop3A_220 = arith.addi %parallel_loop3A_186, %parallel_loop3A_219 : i32
        %parallel_loop3A_221 = arith.index_cast %parallel_loop3A_220 : i32 to index
        %parallel_loop3A_222 = tpu.vector_load %arg7[%parallel_loop3A_221] {strides = array<i32>} : memref<66625xf32, #tpu.memory_space<vmem>>, vector<16xf32>,
        %parallel_loop3A_223 = arith.constant 16 : i32
        %parallel_loop3A_224 = arith.addi %parallel_loop3A_188, %parallel_loop3A_223 : i32
        %parallel_loop3A_225 = arith.index_cast %parallel_loop3A_224 : i32 to index
        %parallel_loop3A_226 = tpu.vector_load %arg7[%parallel_loop3A_225] {strides = array<i32>} : memref<66625xf32, #tpu.memory_space<vmem>>, vector<16xf32>,
        %parallel_loop3A_227 = arith.addf %parallel_loop3A_222, %parallel_loop3A_226 : vector<16xf32>
        %parallel_loop3A_228 = arith.constant 16 : i32
        %parallel_loop3A_229 = arith.addi %parallel_loop3A_190, %parallel_loop3A_228 : i32
        %parallel_loop3A_230 = arith.index_cast %parallel_loop3A_229 : i32 to index
        %parallel_loop3A_231 = tpu.vector_load %arg7[%parallel_loop3A_230] {strides = array<i32>} : memref<66625xf32, #tpu.memory_space<vmem>>, vector<16xf32>,
        %parallel_loop3A_232 = arith.addf %parallel_loop3A_227, %parallel_loop3A_231 : vector<16xf32>
        %parallel_loop3A_233 = arith.constant 16 : i32
        %parallel_loop3A_234 = arith.addi %parallel_loop3A_192, %parallel_loop3A_233 : i32
        %parallel_loop3A_235 = arith.index_cast %parallel_loop3A_234 : i32 to index
        %parallel_loop3A_236 = tpu.vector_load %arg7[%parallel_loop3A_235] {strides = array<i32>} : memref<66625xf32, #tpu.memory_space<vmem>>, vector<16xf32>,
        %parallel_loop3A_237 = arith.addf %parallel_loop3A_232, %parallel_loop3A_236 : vector<16xf32>
        %parallel_loop3A_238 = vector.broadcast %parallel_loop3A_194 : f32 to vector<16xf32>
        %parallel_loop3A_239 = arith.mulf %parallel_loop3A_237, %parallel_loop3A_238 : vector<16xf32>
        %parallel_loop3A_240 = arith.index_cast %parallel_loop3A_184 : i32 to index
        %parallel_loop3A_241 = arith.constant 16 : index
        %parallel_loop3A_242 = tpu.vector_load %arg14[%parallel_loop3A_240, %parallel_loop3A_241] {strides = array<i32>} : memref<128x64xf32, #tpu.memory_space<vmem>>, vector<16xf32>,
        tpu.vector_store %arg14[%parallel_loop3A_240, %parallel_loop3A_241], %parallel_loop3A_239 {strides = array<i32>} : memref<128x64xf32, #tpu.memory_space<vmem>>, vector<16xf32>,
        %parallel_loop3A_243 = arith.constant 32 : i32
        %parallel_loop3A_244 = arith.addi %parallel_loop3A_186, %parallel_loop3A_243 : i32
        %parallel_loop3A_245 = arith.index_cast %parallel_loop3A_244 : i32 to index
        %parallel_loop3A_246 = tpu.vector_load %arg7[%parallel_loop3A_245] {strides = array<i32>} : memref<66625xf32, #tpu.memory_space<vmem>>, vector<16xf32>,
        %parallel_loop3A_247 = arith.constant 32 : i32
        %parallel_loop3A_248 = arith.addi %parallel_loop3A_188, %parallel_loop3A_247 : i32
        %parallel_loop3A_249 = arith.index_cast %parallel_loop3A_248 : i32 to index
        %parallel_loop3A_250 = tpu.vector_load %arg7[%parallel_loop3A_249] {strides = array<i32>} : memref<66625xf32, #tpu.memory_space<vmem>>, vector<16xf32>,
        %parallel_loop3A_251 = arith.addf %parallel_loop3A_246, %parallel_loop3A_250 : vector<16xf32>
        %parallel_loop3A_252 = arith.constant 32 : i32
        %parallel_loop3A_253 = arith.addi %parallel_loop3A_190, %parallel_loop3A_252 : i32
        %parallel_loop3A_254 = arith.index_cast %parallel_loop3A_253 : i32 to index
        %parallel_loop3A_255 = tpu.vector_load %arg7[%parallel_loop3A_254] {strides = array<i32>} : memref<66625xf32, #tpu.memory_space<vmem>>, vector<16xf32>,
        %parallel_loop3A_256 = arith.addf %parallel_loop3A_251, %parallel_loop3A_255 : vector<16xf32>
        %parallel_loop3A_257 = arith.constant 32 : i32
        %parallel_loop3A_258 = arith.addi %parallel_loop3A_192, %parallel_loop3A_257 : i32
        %parallel_loop3A_259 = arith.index_cast %parallel_loop3A_258 : i32 to index
        %parallel_loop3A_260 = tpu.vector_load %arg7[%parallel_loop3A_259] {strides = array<i32>} : memref<66625xf32, #tpu.memory_space<vmem>>, vector<16xf32>,
        %parallel_loop3A_261 = arith.addf %parallel_loop3A_256, %parallel_loop3A_260 : vector<16xf32>
        %parallel_loop3A_262 = vector.broadcast %parallel_loop3A_194 : f32 to vector<16xf32>
        %parallel_loop3A_263 = arith.mulf %parallel_loop3A_261, %parallel_loop3A_262 : vector<16xf32>
        %parallel_loop3A_264 = arith.index_cast %parallel_loop3A_184 : i32 to index
        %parallel_loop3A_265 = arith.constant 32 : index
        %parallel_loop3A_266 = tpu.vector_load %arg14[%parallel_loop3A_264, %parallel_loop3A_265] {strides = array<i32>} : memref<128x64xf32, #tpu.memory_space<vmem>>, vector<16xf32>,
        tpu.vector_store %arg14[%parallel_loop3A_264, %parallel_loop3A_265], %parallel_loop3A_263 {strides = array<i32>} : memref<128x64xf32, #tpu.memory_space<vmem>>, vector<16xf32>,
        %parallel_loop3A_267 = arith.constant 48 : i32
        %parallel_loop3A_268 = arith.addi %parallel_loop3A_186, %parallel_loop3A_267 : i32
        %parallel_loop3A_269 = arith.index_cast %parallel_loop3A_268 : i32 to index
        %parallel_loop3A_270 = tpu.vector_load %arg7[%parallel_loop3A_269] {strides = array<i32>} : memref<66625xf32, #tpu.memory_space<vmem>>, vector<16xf32>,
        %parallel_loop3A_271 = arith.constant 48 : i32
        %parallel_loop3A_272 = arith.addi %parallel_loop3A_188, %parallel_loop3A_271 : i32
        %parallel_loop3A_273 = arith.index_cast %parallel_loop3A_272 : i32 to index
        %parallel_loop3A_274 = tpu.vector_load %arg7[%parallel_loop3A_273] {strides = array<i32>} : memref<66625xf32, #tpu.memory_space<vmem>>, vector<16xf32>,
        %parallel_loop3A_275 = arith.addf %parallel_loop3A_270, %parallel_loop3A_274 : vector<16xf32>
        %parallel_loop3A_276 = arith.constant 48 : i32
        %parallel_loop3A_277 = arith.addi %parallel_loop3A_190, %parallel_loop3A_276 : i32
        %parallel_loop3A_278 = arith.index_cast %parallel_loop3A_277 : i32 to index
        %parallel_loop3A_279 = tpu.vector_load %arg7[%parallel_loop3A_278] {strides = array<i32>} : memref<66625xf32, #tpu.memory_space<vmem>>, vector<16xf32>,
        %parallel_loop3A_280 = arith.addf %parallel_loop3A_275, %parallel_loop3A_279 : vector<16xf32>
        %parallel_loop3A_281 = arith.constant 48 : i32
        %parallel_loop3A_282 = arith.addi %parallel_loop3A_192, %parallel_loop3A_281 : i32
        %parallel_loop3A_283 = arith.index_cast %parallel_loop3A_282 : i32 to index
        %parallel_loop3A_284 = tpu.vector_load %arg7[%parallel_loop3A_283] {strides = array<i32>} : memref<66625xf32, #tpu.memory_space<vmem>>, vector<16xf32>,
        %parallel_loop3A_285 = arith.addf %parallel_loop3A_280, %parallel_loop3A_284 : vector<16xf32>
        %parallel_loop3A_286 = vector.broadcast %parallel_loop3A_194 : f32 to vector<16xf32>
        %parallel_loop3A_287 = arith.mulf %parallel_loop3A_285, %parallel_loop3A_286 : vector<16xf32>
        %parallel_loop3A_288 = arith.index_cast %parallel_loop3A_184 : i32 to index
        %parallel_loop3A_289 = arith.constant 48 : index
        %parallel_loop3A_290 = tpu.vector_load %arg14[%parallel_loop3A_288, %parallel_loop3A_289] {strides = array<i32>} : memref<128x64xf32, #tpu.memory_space<vmem>>, vector<16xf32>,
        tpu.vector_store %arg14[%parallel_loop3A_288, %parallel_loop3A_289], %parallel_loop3A_287 {strides = array<i32>} : memref<128x64xf32, #tpu.memory_space<vmem>>, vector<16xf32>,
        %parallel_loop3A_291 = arith.constant 4 : i32
        %parallel_loop3A_292 = arith.muli %parallel_loop3A_172, %parallel_loop3A_291 : i32
        %parallel_loop3A_293 = arith.constant 1 : i32
        %parallel_loop3A_294 = arith.addi %parallel_loop3A_292, %parallel_loop3A_293 : i32
        %parallel_loop3A_295 = vector.extract_strided_slice %parallel_loop3A_176 {offsets = [4], sizes = [1], strides = [1]} : vector<16xi32> to vector<1xi32>
        %parallel_loop3A_296 = vector.extract %parallel_loop3A_295[0] : i32 from vector<1xi32>
        %parallel_loop3A_297 = vector.extract_strided_slice %parallel_loop3A_176 {offsets = [5], sizes = [1], strides = [1]} : vector<16xi32> to vector<1xi32>
        %parallel_loop3A_298 = vector.extract %parallel_loop3A_297[0] : i32 from vector<1xi32>
        %parallel_loop3A_299 = vector.extract_strided_slice %parallel_loop3A_176 {offsets = [6], sizes = [1], strides = [1]} : vector<16xi32> to vector<1xi32>
        %parallel_loop3A_300 = vector.extract %parallel_loop3A_299[0] : i32 from vector<1xi32>
        %parallel_loop3A_301 = vector.extract_strided_slice %parallel_loop3A_176 {offsets = [7], sizes = [1], strides = [1]} : vector<16xi32> to vector<1xi32>
        %parallel_loop3A_302 = vector.extract %parallel_loop3A_301[0] : i32 from vector<1xi32>
        %parallel_loop3A_303 = vector.extract_strided_slice %parallel_loop3A_180 {offsets = [4], sizes = [1], strides = [1]} : vector<16xf32> to vector<1xf32>
        %parallel_loop3A_304 = vector.extract %parallel_loop3A_303[0] : f32 from vector<1xf32>
        %parallel_loop3A_305 = arith.constant 0 : i32
        %parallel_loop3A_306 = arith.addi %parallel_loop3A_296, %parallel_loop3A_305 : i32
        %parallel_loop3A_307 = arith.index_cast %parallel_loop3A_306 : i32 to index
        %parallel_loop3A_308 = tpu.vector_load %arg7[%parallel_loop3A_307] {strides = array<i32>} : memref<66625xf32, #tpu.memory_space<vmem>>, vector<16xf32>,
        %parallel_loop3A_309 = arith.constant 0 : i32
        %parallel_loop3A_310 = arith.addi %parallel_loop3A_298, %parallel_loop3A_309 : i32
        %parallel_loop3A_311 = arith.index_cast %parallel_loop3A_310 : i32 to index
        %parallel_loop3A_312 = tpu.vector_load %arg7[%parallel_loop3A_311] {strides = array<i32>} : memref<66625xf32, #tpu.memory_space<vmem>>, vector<16xf32>,
        %parallel_loop3A_313 = arith.addf %parallel_loop3A_308, %parallel_loop3A_312 : vector<16xf32>
        %parallel_loop3A_314 = arith.constant 0 : i32
        %parallel_loop3A_315 = arith.addi %parallel_loop3A_300, %parallel_loop3A_314 : i32
        %parallel_loop3A_316 = arith.index_cast %parallel_loop3A_315 : i32 to index
        %parallel_loop3A_317 = tpu.vector_load %arg7[%parallel_loop3A_316] {strides = array<i32>} : memref<66625xf32, #tpu.memory_space<vmem>>, vector<16xf32>,
        %parallel_loop3A_318 = arith.addf %parallel_loop3A_313, %parallel_loop3A_317 : vector<16xf32>
        %parallel_loop3A_319 = arith.constant 0 : i32
        %parallel_loop3A_320 = arith.addi %parallel_loop3A_302, %parallel_loop3A_319 : i32
        %parallel_loop3A_321 = arith.index_cast %parallel_loop3A_320 : i32 to index
        %parallel_loop3A_322 = tpu.vector_load %arg7[%parallel_loop3A_321] {strides = array<i32>} : memref<66625xf32, #tpu.memory_space<vmem>>, vector<16xf32>,
        %parallel_loop3A_323 = arith.addf %parallel_loop3A_318, %parallel_loop3A_322 : vector<16xf32>
        %parallel_loop3A_324 = vector.broadcast %parallel_loop3A_304 : f32 to vector<16xf32>
        %parallel_loop3A_325 = arith.mulf %parallel_loop3A_323, %parallel_loop3A_324 : vector<16xf32>
        %parallel_loop3A_326 = arith.index_cast %parallel_loop3A_294 : i32 to index
        %parallel_loop3A_327 = arith.constant 0 : index
        %parallel_loop3A_328 = tpu.vector_load %arg14[%parallel_loop3A_326, %parallel_loop3A_327] {strides = array<i32>} : memref<128x64xf32, #tpu.memory_space<vmem>>, vector<16xf32>,
        tpu.vector_store %arg14[%parallel_loop3A_326, %parallel_loop3A_327], %parallel_loop3A_325 {strides = array<i32>} : memref<128x64xf32, #tpu.memory_space<vmem>>, vector<16xf32>,
        %parallel_loop3A_329 = arith.constant 16 : i32
        %parallel_loop3A_330 = arith.addi %parallel_loop3A_296, %parallel_loop3A_329 : i32
        %parallel_loop3A_331 = arith.index_cast %parallel_loop3A_330 : i32 to index
        %parallel_loop3A_332 = tpu.vector_load %arg7[%parallel_loop3A_331] {strides = array<i32>} : memref<66625xf32, #tpu.memory_space<vmem>>, vector<16xf32>,
        %parallel_loop3A_333 = arith.constant 16 : i32
        %parallel_loop3A_334 = arith.addi %parallel_loop3A_298, %parallel_loop3A_333 : i32
        %parallel_loop3A_335 = arith.index_cast %parallel_loop3A_334 : i32 to index
        %parallel_loop3A_336 = tpu.vector_load %arg7[%parallel_loop3A_335] {strides = array<i32>} : memref<66625xf32, #tpu.memory_space<vmem>>, vector<16xf32>,
        %parallel_loop3A_337 = arith.addf %parallel_loop3A_332, %parallel_loop3A_336 : vector<16xf32>
        %parallel_loop3A_338 = arith.constant 16 : i32
        %parallel_loop3A_339 = arith.addi %parallel_loop3A_300, %parallel_loop3A_338 : i32
        %parallel_loop3A_340 = arith.index_cast %parallel_loop3A_339 : i32 to index
        %parallel_loop3A_341 = tpu.vector_load %arg7[%parallel_loop3A_340] {strides = array<i32>} : memref<66625xf32, #tpu.memory_space<vmem>>, vector<16xf32>,
        %parallel_loop3A_342 = arith.addf %parallel_loop3A_337, %parallel_loop3A_341 : vector<16xf32>
        %parallel_loop3A_343 = arith.constant 16 : i32
        %parallel_loop3A_344 = arith.addi %parallel_loop3A_302, %parallel_loop3A_343 : i32
        %parallel_loop3A_345 = arith.index_cast %parallel_loop3A_344 : i32 to index
        %parallel_loop3A_346 = tpu.vector_load %arg7[%parallel_loop3A_345] {strides = array<i32>} : memref<66625xf32, #tpu.memory_space<vmem>>, vector<16xf32>,
        %parallel_loop3A_347 = arith.addf %parallel_loop3A_342, %parallel_loop3A_346 : vector<16xf32>
        %parallel_loop3A_348 = vector.broadcast %parallel_loop3A_304 : f32 to vector<16xf32>
        %parallel_loop3A_349 = arith.mulf %parallel_loop3A_347, %parallel_loop3A_348 : vector<16xf32>
        %parallel_loop3A_350 = arith.index_cast %parallel_loop3A_294 : i32 to index
        %parallel_loop3A_351 = arith.constant 16 : index
        %parallel_loop3A_352 = tpu.vector_load %arg14[%parallel_loop3A_350, %parallel_loop3A_351] {strides = array<i32>} : memref<128x64xf32, #tpu.memory_space<vmem>>, vector<16xf32>,
        tpu.vector_store %arg14[%parallel_loop3A_350, %parallel_loop3A_351], %parallel_loop3A_349 {strides = array<i32>} : memref<128x64xf32, #tpu.memory_space<vmem>>, vector<16xf32>,
        %parallel_loop3A_353 = arith.constant 32 : i32
        %parallel_loop3A_354 = arith.addi %parallel_loop3A_296, %parallel_loop3A_353 : i32
        %parallel_loop3A_355 = arith.index_cast %parallel_loop3A_354 : i32 to index
        %parallel_loop3A_356 = tpu.vector_load %arg7[%parallel_loop3A_355] {strides = array<i32>} : memref<66625xf32, #tpu.memory_space<vmem>>, vector<16xf32>,
        %parallel_loop3A_357 = arith.constant 32 : i32
        %parallel_loop3A_358 = arith.addi %parallel_loop3A_298, %parallel_loop3A_357 : i32
        %parallel_loop3A_359 = arith.index_cast %parallel_loop3A_358 : i32 to index
        %parallel_loop3A_360 = tpu.vector_load %arg7[%parallel_loop3A_359] {strides = array<i32>} : memref<66625xf32, #tpu.memory_space<vmem>>, vector<16xf32>,
        %parallel_loop3A_361 = arith.addf %parallel_loop3A_356, %parallel_loop3A_360 : vector<16xf32>
        %parallel_loop3A_362 = arith.constant 32 : i32
        %parallel_loop3A_363 = arith.addi %parallel_loop3A_300, %parallel_loop3A_362 : i32
        %parallel_loop3A_364 = arith.index_cast %parallel_loop3A_363 : i32 to index
        %parallel_loop3A_365 = tpu.vector_load %arg7[%parallel_loop3A_364] {strides = array<i32>} : memref<66625xf32, #tpu.memory_space<vmem>>, vector<16xf32>,
        %parallel_loop3A_366 = arith.addf %parallel_loop3A_361, %parallel_loop3A_365 : vector<16xf32>
        %parallel_loop3A_367 = arith.constant 32 : i32
        %parallel_loop3A_368 = arith.addi %parallel_loop3A_302, %parallel_loop3A_367 : i32
        %parallel_loop3A_369 = arith.index_cast %parallel_loop3A_368 : i32 to index
        %parallel_loop3A_370 = tpu.vector_load %arg7[%parallel_loop3A_369] {strides = array<i32>} : memref<66625xf32, #tpu.memory_space<vmem>>, vector<16xf32>,
        %parallel_loop3A_371 = arith.addf %parallel_loop3A_366, %parallel_loop3A_370 : vector<16xf32>
        %parallel_loop3A_372 = vector.broadcast %parallel_loop3A_304 : f32 to vector<16xf32>
        %parallel_loop3A_373 = arith.mulf %parallel_loop3A_371, %parallel_loop3A_372 : vector<16xf32>
        %parallel_loop3A_374 = arith.index_cast %parallel_loop3A_294 : i32 to index
        %parallel_loop3A_375 = arith.constant 32 : index
        %parallel_loop3A_376 = tpu.vector_load %arg14[%parallel_loop3A_374, %parallel_loop3A_375] {strides = array<i32>} : memref<128x64xf32, #tpu.memory_space<vmem>>, vector<16xf32>,
        tpu.vector_store %arg14[%parallel_loop3A_374, %parallel_loop3A_375], %parallel_loop3A_373 {strides = array<i32>} : memref<128x64xf32, #tpu.memory_space<vmem>>, vector<16xf32>,
        %parallel_loop3A_377 = arith.constant 48 : i32
        %parallel_loop3A_378 = arith.addi %parallel_loop3A_296, %parallel_loop3A_377 : i32
        %parallel_loop3A_379 = arith.index_cast %parallel_loop3A_378 : i32 to index
        %parallel_loop3A_380 = tpu.vector_load %arg7[%parallel_loop3A_379] {strides = array<i32>} : memref<66625xf32, #tpu.memory_space<vmem>>, vector<16xf32>,
        %parallel_loop3A_381 = arith.constant 48 : i32
        %parallel_loop3A_382 = arith.addi %parallel_loop3A_298, %parallel_loop3A_381 : i32
        %parallel_loop3A_383 = arith.index_cast %parallel_loop3A_382 : i32 to index
        %parallel_loop3A_384 = tpu.vector_load %arg7[%parallel_loop3A_383] {strides = array<i32>} : memref<66625xf32, #tpu.memory_space<vmem>>, vector<16xf32>,
        %parallel_loop3A_385 = arith.addf %parallel_loop3A_380, %parallel_loop3A_384 : vector<16xf32>
        %parallel_loop3A_386 = arith.constant 48 : i32
        %parallel_loop3A_387 = arith.addi %parallel_loop3A_300, %parallel_loop3A_386 : i32
        %parallel_loop3A_388 = arith.index_cast %parallel_loop3A_387 : i32 to index
        %parallel_loop3A_389 = tpu.vector_load %arg7[%parallel_loop3A_388] {strides = array<i32>} : memref<66625xf32, #tpu.memory_space<vmem>>, vector<16xf32>,
        %parallel_loop3A_390 = arith.addf %parallel_loop3A_385, %parallel_loop3A_389 : vector<16xf32>
        %parallel_loop3A_391 = arith.constant 48 : i32
        %parallel_loop3A_392 = arith.addi %parallel_loop3A_302, %parallel_loop3A_391 : i32
        %parallel_loop3A_393 = arith.index_cast %parallel_loop3A_392 : i32 to index
        %parallel_loop3A_394 = tpu.vector_load %arg7[%parallel_loop3A_393] {strides = array<i32>} : memref<66625xf32, #tpu.memory_space<vmem>>, vector<16xf32>,
        %parallel_loop3A_395 = arith.addf %parallel_loop3A_390, %parallel_loop3A_394 : vector<16xf32>
        %parallel_loop3A_396 = vector.broadcast %parallel_loop3A_304 : f32 to vector<16xf32>
        %parallel_loop3A_397 = arith.mulf %parallel_loop3A_395, %parallel_loop3A_396 : vector<16xf32>
        %parallel_loop3A_398 = arith.index_cast %parallel_loop3A_294 : i32 to index
        %parallel_loop3A_399 = arith.constant 48 : index
        %parallel_loop3A_400 = tpu.vector_load %arg14[%parallel_loop3A_398, %parallel_loop3A_399] {strides = array<i32>} : memref<128x64xf32, #tpu.memory_space<vmem>>, vector<16xf32>,
        tpu.vector_store %arg14[%parallel_loop3A_398, %parallel_loop3A_399], %parallel_loop3A_397 {strides = array<i32>} : memref<128x64xf32, #tpu.memory_space<vmem>>, vector<16xf32>,
        %parallel_loop3A_401 = arith.constant 4 : i32
        %parallel_loop3A_402 = arith.muli %parallel_loop3A_172, %parallel_loop3A_401 : i32
        %parallel_loop3A_403 = arith.constant 2 : i32
        %parallel_loop3A_404 = arith.addi %parallel_loop3A_402, %parallel_loop3A_403 : i32
        %parallel_loop3A_405 = vector.extract_strided_slice %parallel_loop3A_176 {offsets = [8], sizes = [1], strides = [1]} : vector<16xi32> to vector<1xi32>
        %parallel_loop3A_406 = vector.extract %parallel_loop3A_405[0] : i32 from vector<1xi32>
        %parallel_loop3A_407 = vector.extract_strided_slice %parallel_loop3A_176 {offsets = [9], sizes = [1], strides = [1]} : vector<16xi32> to vector<1xi32>
        %parallel_loop3A_408 = vector.extract %parallel_loop3A_407[0] : i32 from vector<1xi32>
        %parallel_loop3A_409 = vector.extract_strided_slice %parallel_loop3A_176 {offsets = [10], sizes = [1], strides = [1]} : vector<16xi32> to vector<1xi32>
        %parallel_loop3A_410 = vector.extract %parallel_loop3A_409[0] : i32 from vector<1xi32>
        %parallel_loop3A_411 = vector.extract_strided_slice %parallel_loop3A_176 {offsets = [11], sizes = [1], strides = [1]} : vector<16xi32> to vector<1xi32>
        %parallel_loop3A_412 = vector.extract %parallel_loop3A_411[0] : i32 from vector<1xi32>
        %parallel_loop3A_413 = vector.extract_strided_slice %parallel_loop3A_180 {offsets = [8], sizes = [1], strides = [1]} : vector<16xf32> to vector<1xf32>
        %parallel_loop3A_414 = vector.extract %parallel_loop3A_413[0] : f32 from vector<1xf32>
        %parallel_loop3A_415 = arith.constant 0 : i32
        %parallel_loop3A_416 = arith.addi %parallel_loop3A_406, %parallel_loop3A_415 : i32
        %parallel_loop3A_417 = arith.index_cast %parallel_loop3A_416 : i32 to index
        %parallel_loop3A_418 = tpu.vector_load %arg7[%parallel_loop3A_417] {strides = array<i32>} : memref<66625xf32, #tpu.memory_space<vmem>>, vector<16xf32>,
        %parallel_loop3A_419 = arith.constant 0 : i32
        %parallel_loop3A_420 = arith.addi %parallel_loop3A_408, %parallel_loop3A_419 : i32
        %parallel_loop3A_421 = arith.index_cast %parallel_loop3A_420 : i32 to index
        %parallel_loop3A_422 = tpu.vector_load %arg7[%parallel_loop3A_421] {strides = array<i32>} : memref<66625xf32, #tpu.memory_space<vmem>>, vector<16xf32>,
        %parallel_loop3A_423 = arith.addf %parallel_loop3A_418, %parallel_loop3A_422 : vector<16xf32>
        %parallel_loop3A_424 = arith.constant 0 : i32
        %parallel_loop3A_425 = arith.addi %parallel_loop3A_410, %parallel_loop3A_424 : i32
        %parallel_loop3A_426 = arith.index_cast %parallel_loop3A_425 : i32 to index
        %parallel_loop3A_427 = tpu.vector_load %arg7[%parallel_loop3A_426] {strides = array<i32>} : memref<66625xf32, #tpu.memory_space<vmem>>, vector<16xf32>,
        %parallel_loop3A_428 = arith.addf %parallel_loop3A_423, %parallel_loop3A_427 : vector<16xf32>
        %parallel_loop3A_429 = arith.constant 0 : i32
        %parallel_loop3A_430 = arith.addi %parallel_loop3A_412, %parallel_loop3A_429 : i32
        %parallel_loop3A_431 = arith.index_cast %parallel_loop3A_430 : i32 to index
        %parallel_loop3A_432 = tpu.vector_load %arg7[%parallel_loop3A_431] {strides = array<i32>} : memref<66625xf32, #tpu.memory_space<vmem>>, vector<16xf32>,
        %parallel_loop3A_433 = arith.addf %parallel_loop3A_428, %parallel_loop3A_432 : vector<16xf32>
        %parallel_loop3A_434 = vector.broadcast %parallel_loop3A_414 : f32 to vector<16xf32>
        %parallel_loop3A_435 = arith.mulf %parallel_loop3A_433, %parallel_loop3A_434 : vector<16xf32>
        %parallel_loop3A_436 = arith.index_cast %parallel_loop3A_404 : i32 to index
        %parallel_loop3A_437 = arith.constant 0 : index
        %parallel_loop3A_438 = tpu.vector_load %arg14[%parallel_loop3A_436, %parallel_loop3A_437] {strides = array<i32>} : memref<128x64xf32, #tpu.memory_space<vmem>>, vector<16xf32>,
        tpu.vector_store %arg14[%parallel_loop3A_436, %parallel_loop3A_437], %parallel_loop3A_435 {strides = array<i32>} : memref<128x64xf32, #tpu.memory_space<vmem>>, vector<16xf32>,
        %parallel_loop3A_439 = arith.constant 16 : i32
        %parallel_loop3A_440 = arith.addi %parallel_loop3A_406, %parallel_loop3A_439 : i32
        %parallel_loop3A_441 = arith.index_cast %parallel_loop3A_440 : i32 to index
        %parallel_loop3A_442 = tpu.vector_load %arg7[%parallel_loop3A_441] {strides = array<i32>} : memref<66625xf32, #tpu.memory_space<vmem>>, vector<16xf32>,
        %parallel_loop3A_443 = arith.constant 16 : i32
        %parallel_loop3A_444 = arith.addi %parallel_loop3A_408, %parallel_loop3A_443 : i32
        %parallel_loop3A_445 = arith.index_cast %parallel_loop3A_444 : i32 to index
        %parallel_loop3A_446 = tpu.vector_load %arg7[%parallel_loop3A_445] {strides = array<i32>} : memref<66625xf32, #tpu.memory_space<vmem>>, vector<16xf32>,
        %parallel_loop3A_447 = arith.addf %parallel_loop3A_442, %parallel_loop3A_446 : vector<16xf32>
        %parallel_loop3A_448 = arith.constant 16 : i32
        %parallel_loop3A_449 = arith.addi %parallel_loop3A_410, %parallel_loop3A_448 : i32
        %parallel_loop3A_450 = arith.index_cast %parallel_loop3A_449 : i32 to index
        %parallel_loop3A_451 = tpu.vector_load %arg7[%parallel_loop3A_450] {strides = array<i32>} : memref<66625xf32, #tpu.memory_space<vmem>>, vector<16xf32>,
        %parallel_loop3A_452 = arith.addf %parallel_loop3A_447, %parallel_loop3A_451 : vector<16xf32>
        %parallel_loop3A_453 = arith.constant 16 : i32
        %parallel_loop3A_454 = arith.addi %parallel_loop3A_412, %parallel_loop3A_453 : i32
        %parallel_loop3A_455 = arith.index_cast %parallel_loop3A_454 : i32 to index
        %parallel_loop3A_456 = tpu.vector_load %arg7[%parallel_loop3A_455] {strides = array<i32>} : memref<66625xf32, #tpu.memory_space<vmem>>, vector<16xf32>,
        %parallel_loop3A_457 = arith.addf %parallel_loop3A_452, %parallel_loop3A_456 : vector<16xf32>
        %parallel_loop3A_458 = vector.broadcast %parallel_loop3A_414 : f32 to vector<16xf32>
        %parallel_loop3A_459 = arith.mulf %parallel_loop3A_457, %parallel_loop3A_458 : vector<16xf32>
        %parallel_loop3A_460 = arith.index_cast %parallel_loop3A_404 : i32 to index
        %parallel_loop3A_461 = arith.constant 16 : index
        %parallel_loop3A_462 = tpu.vector_load %arg14[%parallel_loop3A_460, %parallel_loop3A_461] {strides = array<i32>} : memref<128x64xf32, #tpu.memory_space<vmem>>, vector<16xf32>,
        tpu.vector_store %arg14[%parallel_loop3A_460, %parallel_loop3A_461], %parallel_loop3A_459 {strides = array<i32>} : memref<128x64xf32, #tpu.memory_space<vmem>>, vector<16xf32>,
        %parallel_loop3A_463 = arith.constant 32 : i32
        %parallel_loop3A_464 = arith.addi %parallel_loop3A_406, %parallel_loop3A_463 : i32
        %parallel_loop3A_465 = arith.index_cast %parallel_loop3A_464 : i32 to index
        %parallel_loop3A_466 = tpu.vector_load %arg7[%parallel_loop3A_465] {strides = array<i32>} : memref<66625xf32, #tpu.memory_space<vmem>>, vector<16xf32>,
        %parallel_loop3A_467 = arith.constant 32 : i32
        %parallel_loop3A_468 = arith.addi %parallel_loop3A_408, %parallel_loop3A_467 : i32
        %parallel_loop3A_469 = arith.index_cast %parallel_loop3A_468 : i32 to index
        %parallel_loop3A_470 = tpu.vector_load %arg7[%parallel_loop3A_469] {strides = array<i32>} : memref<66625xf32, #tpu.memory_space<vmem>>, vector<16xf32>,
        %parallel_loop3A_471 = arith.addf %parallel_loop3A_466, %parallel_loop3A_470 : vector<16xf32>
        %parallel_loop3A_472 = arith.constant 32 : i32
        %parallel_loop3A_473 = arith.addi %parallel_loop3A_410, %parallel_loop3A_472 : i32
        %parallel_loop3A_474 = arith.index_cast %parallel_loop3A_473 : i32 to index
        %parallel_loop3A_475 = tpu.vector_load %arg7[%parallel_loop3A_474] {strides = array<i32>} : memref<66625xf32, #tpu.memory_space<vmem>>, vector<16xf32>,
        %parallel_loop3A_476 = arith.addf %parallel_loop3A_471, %parallel_loop3A_475 : vector<16xf32>
        %parallel_loop3A_477 = arith.constant 32 : i32
        %parallel_loop3A_478 = arith.addi %parallel_loop3A_412, %parallel_loop3A_477 : i32
        %parallel_loop3A_479 = arith.index_cast %parallel_loop3A_478 : i32 to index
        %parallel_loop3A_480 = tpu.vector_load %arg7[%parallel_loop3A_479] {strides = array<i32>} : memref<66625xf32, #tpu.memory_space<vmem>>, vector<16xf32>,
        %parallel_loop3A_481 = arith.addf %parallel_loop3A_476, %parallel_loop3A_480 : vector<16xf32>
        %parallel_loop3A_482 = vector.broadcast %parallel_loop3A_414 : f32 to vector<16xf32>
        %parallel_loop3A_483 = arith.mulf %parallel_loop3A_481, %parallel_loop3A_482 : vector<16xf32>
        %parallel_loop3A_484 = arith.index_cast %parallel_loop3A_404 : i32 to index
        %parallel_loop3A_485 = arith.constant 32 : index
        %parallel_loop3A_486 = tpu.vector_load %arg14[%parallel_loop3A_484, %parallel_loop3A_485] {strides = array<i32>} : memref<128x64xf32, #tpu.memory_space<vmem>>, vector<16xf32>,
        tpu.vector_store %arg14[%parallel_loop3A_484, %parallel_loop3A_485], %parallel_loop3A_483 {strides = array<i32>} : memref<128x64xf32, #tpu.memory_space<vmem>>, vector<16xf32>,
        %parallel_loop3A_487 = arith.constant 48 : i32
        %parallel_loop3A_488 = arith.addi %parallel_loop3A_406, %parallel_loop3A_487 : i32
        %parallel_loop3A_489 = arith.index_cast %parallel_loop3A_488 : i32 to index
        %parallel_loop3A_490 = tpu.vector_load %arg7[%parallel_loop3A_489] {strides = array<i32>} : memref<66625xf32, #tpu.memory_space<vmem>>, vector<16xf32>,
        %parallel_loop3A_491 = arith.constant 48 : i32
        %parallel_loop3A_492 = arith.addi %parallel_loop3A_408, %parallel_loop3A_491 : i32
        %parallel_loop3A_493 = arith.index_cast %parallel_loop3A_492 : i32 to index
        %parallel_loop3A_494 = tpu.vector_load %arg7[%parallel_loop3A_493] {strides = array<i32>} : memref<66625xf32, #tpu.memory_space<vmem>>, vector<16xf32>,
        %parallel_loop3A_495 = arith.addf %parallel_loop3A_490, %parallel_loop3A_494 : vector<16xf32>
        %parallel_loop3A_496 = arith.constant 48 : i32
        %parallel_loop3A_497 = arith.addi %parallel_loop3A_410, %parallel_loop3A_496 : i32
        %parallel_loop3A_498 = arith.index_cast %parallel_loop3A_497 : i32 to index
        %parallel_loop3A_499 = tpu.vector_load %arg7[%parallel_loop3A_498] {strides = array<i32>} : memref<66625xf32, #tpu.memory_space<vmem>>, vector<16xf32>,
        %parallel_loop3A_500 = arith.addf %parallel_loop3A_495, %parallel_loop3A_499 : vector<16xf32>
        %parallel_loop3A_501 = arith.constant 48 : i32
        %parallel_loop3A_502 = arith.addi %parallel_loop3A_412, %parallel_loop3A_501 : i32
        %parallel_loop3A_503 = arith.index_cast %parallel_loop3A_502 : i32 to index
        %parallel_loop3A_504 = tpu.vector_load %arg7[%parallel_loop3A_503] {strides = array<i32>} : memref<66625xf32, #tpu.memory_space<vmem>>, vector<16xf32>,
        %parallel_loop3A_505 = arith.addf %parallel_loop3A_500, %parallel_loop3A_504 : vector<16xf32>
        %parallel_loop3A_506 = vector.broadcast %parallel_loop3A_414 : f32 to vector<16xf32>
        %parallel_loop3A_507 = arith.mulf %parallel_loop3A_505, %parallel_loop3A_506 : vector<16xf32>
        %parallel_loop3A_508 = arith.index_cast %parallel_loop3A_404 : i32 to index
        %parallel_loop3A_509 = arith.constant 48 : index
        %parallel_loop3A_510 = tpu.vector_load %arg14[%parallel_loop3A_508, %parallel_loop3A_509] {strides = array<i32>} : memref<128x64xf32, #tpu.memory_space<vmem>>, vector<16xf32>,
        tpu.vector_store %arg14[%parallel_loop3A_508, %parallel_loop3A_509], %parallel_loop3A_507 {strides = array<i32>} : memref<128x64xf32, #tpu.memory_space<vmem>>, vector<16xf32>,
        %parallel_loop3A_511 = arith.constant 4 : i32
        %parallel_loop3A_512 = arith.muli %parallel_loop3A_172, %parallel_loop3A_511 : i32
        %parallel_loop3A_513 = arith.constant 3 : i32
        %parallel_loop3A_514 = arith.addi %parallel_loop3A_512, %parallel_loop3A_513 : i32
        %parallel_loop3A_515 = vector.extract_strided_slice %parallel_loop3A_176 {offsets = [12], sizes = [1], strides = [1]} : vector<16xi32> to vector<1xi32>
        %parallel_loop3A_516 = vector.extract %parallel_loop3A_515[0] : i32 from vector<1xi32>
        %parallel_loop3A_517 = vector.extract_strided_slice %parallel_loop3A_176 {offsets = [13], sizes = [1], strides = [1]} : vector<16xi32> to vector<1xi32>
        %parallel_loop3A_518 = vector.extract %parallel_loop3A_517[0] : i32 from vector<1xi32>
        %parallel_loop3A_519 = vector.extract_strided_slice %parallel_loop3A_176 {offsets = [14], sizes = [1], strides = [1]} : vector<16xi32> to vector<1xi32>
        %parallel_loop3A_520 = vector.extract %parallel_loop3A_519[0] : i32 from vector<1xi32>
        %parallel_loop3A_521 = vector.extract_strided_slice %parallel_loop3A_176 {offsets = [15], sizes = [1], strides = [1]} : vector<16xi32> to vector<1xi32>
        %parallel_loop3A_522 = vector.extract %parallel_loop3A_521[0] : i32 from vector<1xi32>
        %parallel_loop3A_523 = vector.extract_strided_slice %parallel_loop3A_180 {offsets = [12], sizes = [1], strides = [1]} : vector<16xf32> to vector<1xf32>
        %parallel_loop3A_524 = vector.extract %parallel_loop3A_523[0] : f32 from vector<1xf32>
        %parallel_loop3A_525 = arith.constant 0 : i32
        %parallel_loop3A_526 = arith.addi %parallel_loop3A_516, %parallel_loop3A_525 : i32
        %parallel_loop3A_527 = arith.index_cast %parallel_loop3A_526 : i32 to index
        %parallel_loop3A_528 = tpu.vector_load %arg7[%parallel_loop3A_527] {strides = array<i32>} : memref<66625xf32, #tpu.memory_space<vmem>>, vector<16xf32>,
        %parallel_loop3A_529 = arith.constant 0 : i32
        %parallel_loop3A_530 = arith.addi %parallel_loop3A_518, %parallel_loop3A_529 : i32
        %parallel_loop3A_531 = arith.index_cast %parallel_loop3A_530 : i32 to index
        %parallel_loop3A_532 = tpu.vector_load %arg7[%parallel_loop3A_531] {strides = array<i32>} : memref<66625xf32, #tpu.memory_space<vmem>>, vector<16xf32>,
        %parallel_loop3A_533 = arith.addf %parallel_loop3A_528, %parallel_loop3A_532 : vector<16xf32>
        %parallel_loop3A_534 = arith.constant 0 : i32
        %parallel_loop3A_535 = arith.addi %parallel_loop3A_520, %parallel_loop3A_534 : i32
        %parallel_loop3A_536 = arith.index_cast %parallel_loop3A_535 : i32 to index
        %parallel_loop3A_537 = tpu.vector_load %arg7[%parallel_loop3A_536] {strides = array<i32>} : memref<66625xf32, #tpu.memory_space<vmem>>, vector<16xf32>,
        %parallel_loop3A_538 = arith.addf %parallel_loop3A_533, %parallel_loop3A_537 : vector<16xf32>
        %parallel_loop3A_539 = arith.constant 0 : i32
        %parallel_loop3A_540 = arith.addi %parallel_loop3A_522, %parallel_loop3A_539 : i32
        %parallel_loop3A_541 = arith.index_cast %parallel_loop3A_540 : i32 to index
        %parallel_loop3A_542 = tpu.vector_load %arg7[%parallel_loop3A_541] {strides = array<i32>} : memref<66625xf32, #tpu.memory_space<vmem>>, vector<16xf32>,
        %parallel_loop3A_543 = arith.addf %parallel_loop3A_538, %parallel_loop3A_542 : vector<16xf32>
        %parallel_loop3A_544 = vector.broadcast %parallel_loop3A_524 : f32 to vector<16xf32>
        %parallel_loop3A_545 = arith.mulf %parallel_loop3A_543, %parallel_loop3A_544 : vector<16xf32>
        %parallel_loop3A_546 = arith.index_cast %parallel_loop3A_514 : i32 to index
        %parallel_loop3A_547 = arith.constant 0 : index
        %parallel_loop3A_548 = tpu.vector_load %arg14[%parallel_loop3A_546, %parallel_loop3A_547] {strides = array<i32>} : memref<128x64xf32, #tpu.memory_space<vmem>>, vector<16xf32>,
        tpu.vector_store %arg14[%parallel_loop3A_546, %parallel_loop3A_547], %parallel_loop3A_545 {strides = array<i32>} : memref<128x64xf32, #tpu.memory_space<vmem>>, vector<16xf32>,
        %parallel_loop3A_549 = arith.constant 16 : i32
        %parallel_loop3A_550 = arith.addi %parallel_loop3A_516, %parallel_loop3A_549 : i32
        %parallel_loop3A_551 = arith.index_cast %parallel_loop3A_550 : i32 to index
        %parallel_loop3A_552 = tpu.vector_load %arg7[%parallel_loop3A_551] {strides = array<i32>} : memref<66625xf32, #tpu.memory_space<vmem>>, vector<16xf32>,
        %parallel_loop3A_553 = arith.constant 16 : i32
        %parallel_loop3A_554 = arith.addi %parallel_loop3A_518, %parallel_loop3A_553 : i32
        %parallel_loop3A_555 = arith.index_cast %parallel_loop3A_554 : i32 to index
        %parallel_loop3A_556 = tpu.vector_load %arg7[%parallel_loop3A_555] {strides = array<i32>} : memref<66625xf32, #tpu.memory_space<vmem>>, vector<16xf32>,
        %parallel_loop3A_557 = arith.addf %parallel_loop3A_552, %parallel_loop3A_556 : vector<16xf32>
        %parallel_loop3A_558 = arith.constant 16 : i32
        %parallel_loop3A_559 = arith.addi %parallel_loop3A_520, %parallel_loop3A_558 : i32
        %parallel_loop3A_560 = arith.index_cast %parallel_loop3A_559 : i32 to index
        %parallel_loop3A_561 = tpu.vector_load %arg7[%parallel_loop3A_560] {strides = array<i32>} : memref<66625xf32, #tpu.memory_space<vmem>>, vector<16xf32>,
        %parallel_loop3A_562 = arith.addf %parallel_loop3A_557, %parallel_loop3A_561 : vector<16xf32>
        %parallel_loop3A_563 = arith.constant 16 : i32
        %parallel_loop3A_564 = arith.addi %parallel_loop3A_522, %parallel_loop3A_563 : i32
        %parallel_loop3A_565 = arith.index_cast %parallel_loop3A_564 : i32 to index
        %parallel_loop3A_566 = tpu.vector_load %arg7[%parallel_loop3A_565] {strides = array<i32>} : memref<66625xf32, #tpu.memory_space<vmem>>, vector<16xf32>,
        %parallel_loop3A_567 = arith.addf %parallel_loop3A_562, %parallel_loop3A_566 : vector<16xf32>
        %parallel_loop3A_568 = vector.broadcast %parallel_loop3A_524 : f32 to vector<16xf32>
        %parallel_loop3A_569 = arith.mulf %parallel_loop3A_567, %parallel_loop3A_568 : vector<16xf32>
        %parallel_loop3A_570 = arith.index_cast %parallel_loop3A_514 : i32 to index
        %parallel_loop3A_571 = arith.constant 16 : index
        %parallel_loop3A_572 = tpu.vector_load %arg14[%parallel_loop3A_570, %parallel_loop3A_571] {strides = array<i32>} : memref<128x64xf32, #tpu.memory_space<vmem>>, vector<16xf32>,
        tpu.vector_store %arg14[%parallel_loop3A_570, %parallel_loop3A_571], %parallel_loop3A_569 {strides = array<i32>} : memref<128x64xf32, #tpu.memory_space<vmem>>, vector<16xf32>,
        %parallel_loop3A_573 = arith.constant 32 : i32
        %parallel_loop3A_574 = arith.addi %parallel_loop3A_516, %parallel_loop3A_573 : i32
        %parallel_loop3A_575 = arith.index_cast %parallel_loop3A_574 : i32 to index
        %parallel_loop3A_576 = tpu.vector_load %arg7[%parallel_loop3A_575] {strides = array<i32>} : memref<66625xf32, #tpu.memory_space<vmem>>, vector<16xf32>,
        %parallel_loop3A_577 = arith.constant 32 : i32
        %parallel_loop3A_578 = arith.addi %parallel_loop3A_518, %parallel_loop3A_577 : i32
        %parallel_loop3A_579 = arith.index_cast %parallel_loop3A_578 : i32 to index
        %parallel_loop3A_580 = tpu.vector_load %arg7[%parallel_loop3A_579] {strides = array<i32>} : memref<66625xf32, #tpu.memory_space<vmem>>, vector<16xf32>,
        %parallel_loop3A_581 = arith.addf %parallel_loop3A_576, %parallel_loop3A_580 : vector<16xf32>
        %parallel_loop3A_582 = arith.constant 32 : i32
        %parallel_loop3A_583 = arith.addi %parallel_loop3A_520, %parallel_loop3A_582 : i32
        %parallel_loop3A_584 = arith.index_cast %parallel_loop3A_583 : i32 to index
        %parallel_loop3A_585 = tpu.vector_load %arg7[%parallel_loop3A_584] {strides = array<i32>} : memref<66625xf32, #tpu.memory_space<vmem>>, vector<16xf32>,
        %parallel_loop3A_586 = arith.addf %parallel_loop3A_581, %parallel_loop3A_585 : vector<16xf32>
        %parallel_loop3A_587 = arith.constant 32 : i32
        %parallel_loop3A_588 = arith.addi %parallel_loop3A_522, %parallel_loop3A_587 : i32
        %parallel_loop3A_589 = arith.index_cast %parallel_loop3A_588 : i32 to index
        %parallel_loop3A_590 = tpu.vector_load %arg7[%parallel_loop3A_589] {strides = array<i32>} : memref<66625xf32, #tpu.memory_space<vmem>>, vector<16xf32>,
        %parallel_loop3A_591 = arith.addf %parallel_loop3A_586, %parallel_loop3A_590 : vector<16xf32>
        %parallel_loop3A_592 = vector.broadcast %parallel_loop3A_524 : f32 to vector<16xf32>
        %parallel_loop3A_593 = arith.mulf %parallel_loop3A_591, %parallel_loop3A_592 : vector<16xf32>
        %parallel_loop3A_594 = arith.index_cast %parallel_loop3A_514 : i32 to index
        %parallel_loop3A_595 = arith.constant 32 : index
        %parallel_loop3A_596 = tpu.vector_load %arg14[%parallel_loop3A_594, %parallel_loop3A_595] {strides = array<i32>} : memref<128x64xf32, #tpu.memory_space<vmem>>, vector<16xf32>,
        tpu.vector_store %arg14[%parallel_loop3A_594, %parallel_loop3A_595], %parallel_loop3A_593 {strides = array<i32>} : memref<128x64xf32, #tpu.memory_space<vmem>>, vector<16xf32>,
        %parallel_loop3A_597 = arith.constant 48 : i32
        %parallel_loop3A_598 = arith.addi %parallel_loop3A_516, %parallel_loop3A_597 : i32
        %parallel_loop3A_599 = arith.index_cast %parallel_loop3A_598 : i32 to index
        %parallel_loop3A_600 = tpu.vector_load %arg7[%parallel_loop3A_599] {strides = array<i32>} : memref<66625xf32, #tpu.memory_space<vmem>>, vector<16xf32>,
        %parallel_loop3A_601 = arith.constant 48 : i32
        %parallel_loop3A_602 = arith.addi %parallel_loop3A_518, %parallel_loop3A_601 : i32
        %parallel_loop3A_603 = arith.index_cast %parallel_loop3A_602 : i32 to index
        %parallel_loop3A_604 = tpu.vector_load %arg7[%parallel_loop3A_603] {strides = array<i32>} : memref<66625xf32, #tpu.memory_space<vmem>>, vector<16xf32>,
        %parallel_loop3A_605 = arith.addf %parallel_loop3A_600, %parallel_loop3A_604 : vector<16xf32>
        %parallel_loop3A_606 = arith.constant 48 : i32
        %parallel_loop3A_607 = arith.addi %parallel_loop3A_520, %parallel_loop3A_606 : i32
        %parallel_loop3A_608 = arith.index_cast %parallel_loop3A_607 : i32 to index
        %parallel_loop3A_609 = tpu.vector_load %arg7[%parallel_loop3A_608] {strides = array<i32>} : memref<66625xf32, #tpu.memory_space<vmem>>, vector<16xf32>,
        %parallel_loop3A_610 = arith.addf %parallel_loop3A_605, %parallel_loop3A_609 : vector<16xf32>
        %parallel_loop3A_611 = arith.constant 48 : i32
        %parallel_loop3A_612 = arith.addi %parallel_loop3A_522, %parallel_loop3A_611 : i32
        %parallel_loop3A_613 = arith.index_cast %parallel_loop3A_612 : i32 to index
        %parallel_loop3A_614 = tpu.vector_load %arg7[%parallel_loop3A_613] {strides = array<i32>} : memref<66625xf32, #tpu.memory_space<vmem>>, vector<16xf32>,
        %parallel_loop3A_615 = arith.addf %parallel_loop3A_610, %parallel_loop3A_614 : vector<16xf32>
        %parallel_loop3A_616 = vector.broadcast %parallel_loop3A_524 : f32 to vector<16xf32>
        %parallel_loop3A_617 = arith.mulf %parallel_loop3A_615, %parallel_loop3A_616 : vector<16xf32>
        %parallel_loop3A_618 = arith.index_cast %parallel_loop3A_514 : i32 to index
        %parallel_loop3A_619 = arith.constant 48 : index
        %parallel_loop3A_620 = tpu.vector_load %arg14[%parallel_loop3A_618, %parallel_loop3A_619] {strides = array<i32>} : memref<128x64xf32, #tpu.memory_space<vmem>>, vector<16xf32>,
        tpu.vector_store %arg14[%parallel_loop3A_618, %parallel_loop3A_619], %parallel_loop3A_617 {strides = array<i32>} : memref<128x64xf32, #tpu.memory_space<vmem>>, vector<16xf32>,
      } {sc.loop_unroll_factor = 2 : i64, sc.parallel_access}
      %dma_wait3A_78 = arith.constant 0 : i32
      %dma_wait3A_79 = arith.constant 0 : i32
      %dma_wait3A_80 = tpu.memref_slice %arg3[%dma_wait3A_78, %dma_wait3A_79] : memref<100000x64xf32, #tpu.memory_space<hbm>> -> memref<100000x64xf32, #tpu.memory_space<hbm>>
      tpu.wait_indirect_dma semaphore(%arg18 : memref<!tpu.dma_semaphore, #tpu.memory_space<semaphore_mem>>) src(%dma_wait3A_80 : memref<100000x64xf32, #tpu.memory_space<hbm>>) dst(%arg12 : memref<128x64xf32, #tpu.memory_space<vmem>>)
      %mul3A_81 = arith.constant 6400 : i32
      %mul3A_82 = arith.muli %add3A, %mul3A_81 : i32
      %mul3A_83 = arith.constant 128 : i32
      %mul3A_84 = arith.muli %add3A_54, %mul3A_83 : i32
      %add3A_85 = arith.addi %mul3A_82, %mul3A_84 : i32
      %dma_start3A_86 = arith.constant 0 : i32
      %dma_start3A_87 = tpu.memref_slice %arg6[%add3A_85, %dma_start3A_86] : memref<204800x128xf32, #tpu.memory_space<hbm>> -> memref<128x64xf32, #tpu.memory_space<hbm>>
      %dma_start3A_88 = arith.constant 0 : i32
      %dma_start3A_89 = tpu.memref_slice %arg6[%add3A_85, %dma_start3A_88] : memref<204800x128xf32, #tpu.memory_space<hbm>> -> memref<128x64xf32, #tpu.memory_space<hbm>>
      tpu.enqueue_dma source(%arg14 : memref<128x64xf32, #tpu.memory_space<vmem>>) target(%dma_start3A_89 : memref<128x64xf32, #tpu.memory_space<hbm>>) target_semaphore(%arg22 : memref<!tpu.dma_semaphore, #tpu.memory_space<semaphore_mem>>)
      %mul3A_90 = arith.constant 6400 : i32
      %mul3A_91 = arith.muli %add3A, %mul3A_90 : i32
      %mul3A_92 = arith.constant 128 : i32
      %mul3A_93 = arith.muli %add3A_54, %mul3A_92 : i32
      %add3A_94 = arith.addi %mul3A_91, %mul3A_93 : i32
      %dma_start3A_95 = arith.constant 64 : i32
      %dma_start3A_96 = tpu.memref_slice %arg6[%add3A_94, %dma_start3A_95] : memref<204800x128xf32, #tpu.memory_space<hbm>> -> memref<128x64xf32, #tpu.memory_space<hbm>>
      %dma_start3A_97 = arith.constant 64 : i32
      %dma_start3A_98 = tpu.memref_slice %arg6[%add3A_94, %dma_start3A_97] : memref<204800x128xf32, #tpu.memory_space<hbm>> -> memref<128x64xf32, #tpu.memory_space<hbm>>
      tpu.enqueue_dma source(%arg12 : memref<128x64xf32, #tpu.memory_space<vmem>>) target(%dma_start3A_98 : memref<128x64xf32, #tpu.memory_space<hbm>>) target_semaphore(%arg24 : memref<!tpu.dma_semaphore, #tpu.memory_space<semaphore_mem>>)
      %add3A_99 = arith.constant 2 : i32
      %add3A_100 = arith.addi %add3A_54, %add3A_99 : i32
      %mul3A_101 = arith.constant 6400 : i32
      %mul3A_102 = arith.muli %add3A, %mul3A_101 : i32
      %mul3A_103 = arith.constant 128 : i32
      %mul3A_104 = arith.muli %add3A_100, %mul3A_103 : i32
      %add3A_105 = arith.addi %mul3A_102, %mul3A_104 : i32
      %dma_start3A_106 = tpu.memref_slice %arg2[%add3A_105] : memref<205056xi32, #tpu.memory_space<hbm>> -> memref<128xi32, #tpu.memory_space<hbm>>
      %dma_start3A_107 = tpu.memref_slice %arg2[%add3A_105] : memref<205056xi32, #tpu.memory_space<hbm>> -> memref<128xi32, #tpu.memory_space<hbm>>
      tpu.enqueue_dma source(%dma_start3A_107 : memref<128xi32, #tpu.memory_space<hbm>>) target(%arg8 : memref<128xi32, #tpu.memory_space<vmem>>) target_semaphore(%arg26 : memref<!tpu.dma_semaphore, #tpu.memory_space<semaphore_mem>>)
      %mul3A_108 = arith.constant 2 : i32
      %mul3A_109 = arith.muli %scan3A_50, %mul3A_108 : i32
      %add3A_110 = arith.constant 1 : i32
      %add3A_111 = arith.addi %mul3A_109, %add3A_110 : i32
      %mul3A_112 = arith.constant 6400 : i32
      %mul3A_113 = arith.muli %add3A, %mul3A_112 : i32
      %add3A_114 = arith.constant 0 : i32
      %add3A_115 = arith.addi %mul3A_113, %add3A_114 : i32
      %dma_wait3A_116 = arith.constant 64 : i32
      %dma_wait3A_117 = tpu.memref_slice %arg6[%add3A_115, %dma_wait3A_116] : memref<204800x128xf32, #tpu.memory_space<hbm>> -> memref<128x64xf32, #tpu.memory_space<hbm>>
      %dma_wait3A_118 = arith.constant 64 : i32
      %dma_wait3A_119 = tpu.memref_slice %arg6[%add3A_115, %dma_wait3A_118] : memref<204800x128xf32, #tpu.memory_space<hbm>> -> memref<128x64xf32, #tpu.memory_space<hbm>>
      tpu.wait_dma2 semaphore(%arg24 : memref<!tpu.dma_semaphore, #tpu.memory_space<semaphore_mem>>) src(%arg12 : memref<128x64xf32, #tpu.memory_space<vmem>>) dst(%dma_wait3A_119 : memref<128x64xf32, #tpu.memory_space<hbm>>)
      %dma_wait3A_120 = tpu.memref_slice %arg2[%mul3A_2] : memref<205056xi32, #tpu.memory_space<hbm>> -> memref<128xi32, #tpu.memory_space<hbm>>
      %dma_wait3A_121 = tpu.memref_slice %arg2[%mul3A_2] : memref<205056xi32, #tpu.memory_space<hbm>> -> memref<128xi32, #tpu.memory_space<hbm>>
      tpu.wait_dma2 semaphore(%arg26 : memref<!tpu.dma_semaphore, #tpu.memory_space<semaphore_mem>>) src(%dma_wait3A_121 : memref<128xi32, #tpu.memory_space<hbm>>) dst(%arg8 : memref<128xi32, #tpu.memory_space<vmem>>)
      %dma_start3A_122 = arith.constant 0 : i32
      %dma_start3A_123 = arith.constant 0 : i32
      %dma_start3A_124 = tpu.memref_slice %arg5[%dma_start3A_122, %dma_start3A_123] : memref<100000x16xi32, #tpu.memory_space<hbm>> -> memref<100000x16xi32, #tpu.memory_space<hbm>>
      tpu.enqueue_indirect_dma source(%dma_start3A_124 : memref<100000x16xi32, #tpu.memory_space<hbm>>) target(%arg10 : memref<128x16xi32, #tpu.memory_space<vmem>>) offsets(%arg8 : memref<128xi32, #tpu.memory_space<vmem>>) semaphore(%arg20 : memref<!tpu.dma_semaphore, #tpu.memory_space<semaphore_mem>>)
      %dma_start3A_125 = arith.constant 0 : i32
      %dma_start3A_126 = arith.constant 0 : i32
      %dma_start3A_127 = tpu.memref_slice %arg3[%dma_start3A_125, %dma_start3A_126] : memref<100000x64xf32, #tpu.memory_space<hbm>> -> memref<100000x64xf32, #tpu.memory_space<hbm>>
      tpu.enqueue_indirect_dma source(%dma_start3A_127 : memref<100000x64xf32, #tpu.memory_space<hbm>>) target(%arg12 : memref<128x64xf32, #tpu.memory_space<vmem>>) offsets(%arg8 : memref<128xi32, #tpu.memory_space<vmem>>) semaphore(%arg18 : memref<!tpu.dma_semaphore, #tpu.memory_space<semaphore_mem>>)
      %dma_wait3A_128 = arith.constant 0 : i32
      %dma_wait3A_129 = arith.constant 0 : i32
      %dma_wait3A_130 = tpu.memref_slice %arg5[%dma_wait3A_128, %dma_wait3A_129] : memref<100000x16xi32, #tpu.memory_space<hbm>> -> memref<100000x16xi32, #tpu.memory_space<hbm>>
      tpu.wait_indirect_dma semaphore(%arg21 : memref<!tpu.dma_semaphore, #tpu.memory_space<semaphore_mem>>) src(%dma_wait3A_130 : memref<100000x16xi32, #tpu.memory_space<hbm>>) dst(%arg11 : memref<128x16xi32, #tpu.memory_space<vmem>>)
      %parallel_loop3A_131 = arith.constant 0 : i32
      %parallel_loop3A_132 = arith.constant 8 : i32
      %parallel_loop3A_133 = arith.constant 1 : i32
      scf.for %parallel_loop3A_172 = %parallel_loop3A_131 to %parallel_loop3A_132 step %parallel_loop3A_133  : i32 {
        %parallel_loop3A_173 = arith.constant 16 : i32
        %parallel_loop3A_174 = arith.muli %parallel_loop3A_172, %parallel_loop3A_173 : i32
        %parallel_loop3A_175 = vector.broadcast %parallel_loop3A_174 : i32 to vector<16xi32>
        %parallel_loop3A_176 = arith.addi %iota3A, %parallel_loop3A_175 : vector<16xi32>
        %parallel_loop3A_177 = arith.constant 0 : i32
        %parallel_loop3A_178 = vector.broadcast %parallel_loop3A_177 : i32 to vector<16xi32>
        %parallel_loop3A_179 = tpu.vector_load_idx %arg11[%parallel_loop3A_176, %parallel_loop3A_178] : memref<128x16xi32, #tpu.memory_space<vmem>>[vector<16xi32>, vector<16xi32>], vector<16xi32>,
        %parallel_loop3A_180 = arith.constant 1 : i32
        %parallel_loop3A_181 = vector.broadcast %parallel_loop3A_180 : i32 to vector<16xi32>
        %parallel_loop3A_182 = tpu.vector_load_idx %arg11[%parallel_loop3A_176, %parallel_loop3A_181] : memref<128x16xi32, #tpu.memory_space<vmem>>[vector<16xi32>, vector<16xi32>], vector<16xi32>,
        %parallel_loop3A_183 = arith.constant 65535 : i32
        %parallel_loop3A_184 = vector.broadcast %parallel_loop3A_183 : i32 to vector<16xi32>
        %parallel_loop3A_185 = arith.constant 16 : i32
        %parallel_loop3A_186 = vector.broadcast %parallel_loop3A_185 : i32 to vector<16xi32>
        %parallel_loop3A_187 = arith.andi %parallel_loop3A_179, %parallel_loop3A_184 : vector<16xi32>
        %parallel_loop3A_188 = arith.shrui %parallel_loop3A_179, %parallel_loop3A_186 : vector<16xi32>
        %parallel_loop3A_189 = arith.andi %parallel_loop3A_182, %parallel_loop3A_184 : vector<16xi32>
        %parallel_loop3A_190 = arith.shrui %parallel_loop3A_182, %parallel_loop3A_186 : vector<16xi32>
        %parallel_loop3A_191 = arith.constant 1.000000e+00 : f32
        %parallel_loop3A_192 = vector.broadcast %parallel_loop3A_191 : f32 to vector<16xf32>
        %parallel_loop3A_193 = arith.constant 0.000000e+00 : f32
        %parallel_loop3A_194 = vector.broadcast %parallel_loop3A_193 : f32 to vector<16xf32>
        %parallel_loop3A_195 = arith.constant 1024 : i32
        %parallel_loop3A_196 = vector.broadcast %parallel_loop3A_195 : i32 to vector<16xi32>
        %parallel_loop3A_197 = arith.cmpi ne, %parallel_loop3A_187, %parallel_loop3A_196 : vector<16xi32>
        %parallel_loop3A_198 = arith.select %parallel_loop3A_197, %parallel_loop3A_192, %parallel_loop3A_194 : vector<16xi1>, vector<16xf32>
        %parallel_loop3A_199 = arith.constant 1024 : i32
        %parallel_loop3A_200 = vector.broadcast %parallel_loop3A_199 : i32 to vector<16xi32>
        %parallel_loop3A_201 = arith.cmpi ne, %parallel_loop3A_188, %parallel_loop3A_200 : vector<16xi32>
        %parallel_loop3A_202 = arith.select %parallel_loop3A_201, %parallel_loop3A_192, %parallel_loop3A_194 : vector<16xi1>, vector<16xf32>
        %parallel_loop3A_203 = arith.addf %parallel_loop3A_198, %parallel_loop3A_202 : vector<16xf32>
        %parallel_loop3A_204 = arith.constant 1024 : i32
        %parallel_loop3A_205 = vector.broadcast %parallel_loop3A_204 : i32 to vector<16xi32>
        %parallel_loop3A_206 = arith.cmpi ne, %parallel_loop3A_189, %parallel_loop3A_205 : vector<16xi32>
        %parallel_loop3A_207 = arith.select %parallel_loop3A_206, %parallel_loop3A_192, %parallel_loop3A_194 : vector<16xi1>, vector<16xf32>
        %parallel_loop3A_208 = arith.addf %parallel_loop3A_203, %parallel_loop3A_207 : vector<16xf32>
        %parallel_loop3A_209 = arith.constant 1024 : i32
        %parallel_loop3A_210 = vector.broadcast %parallel_loop3A_209 : i32 to vector<16xi32>
        %parallel_loop3A_211 = arith.cmpi ne, %parallel_loop3A_190, %parallel_loop3A_210 : vector<16xi32>
        %parallel_loop3A_212 = arith.select %parallel_loop3A_211, %parallel_loop3A_192, %parallel_loop3A_194 : vector<16xi1>, vector<16xf32>
        %parallel_loop3A_213 = arith.addf %parallel_loop3A_208, %parallel_loop3A_212 : vector<16xf32>
        %parallel_loop3A_214 = arith.constant 4 : i32
        %parallel_loop3A_215 = vector.broadcast %parallel_loop3A_214 : i32 to vector<16xi32>
        %parallel_loop3A_216 = arith.muli %parallel_loop3A_176, %parallel_loop3A_215 : vector<16xi32>
        %parallel_loop3A_217 = arith.divf %parallel_loop3A_192, %parallel_loop3A_213 : vector<16xf32>
        tpu.vector_store_idx %arg17[%parallel_loop3A_216], %parallel_loop3A_217 : memref<512xf32, #tpu.memory_space<vmem>>[vector<16xi32>], vector<16xf32>,
        %parallel_loop3A_218 = arith.constant 0 : i32
        %parallel_loop3A_219 = vector.broadcast %parallel_loop3A_218 : i32 to vector<16xi32>
        %parallel_loop3A_220 = arith.addi %parallel_loop3A_216, %parallel_loop3A_219 : vector<16xi32>
        %parallel_loop3A_221 = arith.constant 65 : i32
        %parallel_loop3A_222 = vector.broadcast %parallel_loop3A_221 : i32 to vector<16xi32>
        %parallel_loop3A_223 = arith.muli %parallel_loop3A_187, %parallel_loop3A_222 : vector<16xi32>
        tpu.vector_store_idx %arg16[%parallel_loop3A_220], %parallel_loop3A_223 : memref<512xi32, #tpu.memory_space<vmem>>[vector<16xi32>], vector<16xi32>,
        %parallel_loop3A_224 = arith.constant 1 : i32
        %parallel_loop3A_225 = vector.broadcast %parallel_loop3A_224 : i32 to vector<16xi32>
        %parallel_loop3A_226 = arith.addi %parallel_loop3A_216, %parallel_loop3A_225 : vector<16xi32>
        %parallel_loop3A_227 = arith.constant 65 : i32
        %parallel_loop3A_228 = vector.broadcast %parallel_loop3A_227 : i32 to vector<16xi32>
        %parallel_loop3A_229 = arith.muli %parallel_loop3A_188, %parallel_loop3A_228 : vector<16xi32>
        tpu.vector_store_idx %arg16[%parallel_loop3A_226], %parallel_loop3A_229 : memref<512xi32, #tpu.memory_space<vmem>>[vector<16xi32>], vector<16xi32>,
        %parallel_loop3A_230 = arith.constant 2 : i32
        %parallel_loop3A_231 = vector.broadcast %parallel_loop3A_230 : i32 to vector<16xi32>
        %parallel_loop3A_232 = arith.addi %parallel_loop3A_216, %parallel_loop3A_231 : vector<16xi32>
        %parallel_loop3A_233 = arith.constant 65 : i32
        %parallel_loop3A_234 = vector.broadcast %parallel_loop3A_233 : i32 to vector<16xi32>
        %parallel_loop3A_235 = arith.muli %parallel_loop3A_189, %parallel_loop3A_234 : vector<16xi32>
        tpu.vector_store_idx %arg16[%parallel_loop3A_232], %parallel_loop3A_235 : memref<512xi32, #tpu.memory_space<vmem>>[vector<16xi32>], vector<16xi32>,
        %parallel_loop3A_236 = arith.constant 3 : i32
        %parallel_loop3A_237 = vector.broadcast %parallel_loop3A_236 : i32 to vector<16xi32>
        %parallel_loop3A_238 = arith.addi %parallel_loop3A_216, %parallel_loop3A_237 : vector<16xi32>
        %parallel_loop3A_239 = arith.constant 65 : i32
        %parallel_loop3A_240 = vector.broadcast %parallel_loop3A_239 : i32 to vector<16xi32>
        %parallel_loop3A_241 = arith.muli %parallel_loop3A_190, %parallel_loop3A_240 : vector<16xi32>
        tpu.vector_store_idx %arg16[%parallel_loop3A_238], %parallel_loop3A_241 : memref<512xi32, #tpu.memory_space<vmem>>[vector<16xi32>], vector<16xi32>,
      } {sc.loop_unroll_factor = 2 : i64, sc.parallel_access}
      %ge3A_134 = arith.constant 1 : i32
      %ge3A_135 = arith.cmpi sge, %scan3A_50, %ge3A_134 : i32
      %convert_element_type3A_136 = arith.extui %ge3A_135 : i1 to i32
      %cond3A_137 = arith.constant 0 : i32
      %cond3A_138 = arith.cmpi ne, %convert_element_type3A_136, %cond3A_137 : i32
      scf.if %cond3A_138 {
        %mul3A_172 = arith.constant 6400 : i32
        %mul3A_173 = arith.muli %add3A, %mul3A_172 : i32
        %add3A_174 = arith.constant 0 : i32
        %add3A_175 = arith.addi %mul3A_173, %add3A_174 : i32
        %dma_wait3A_176 = arith.constant 0 : i32
        %dma_wait3A_177 = tpu.memref_slice %arg6[%add3A_175, %dma_wait3A_176] : memref<204800x128xf32, #tpu.memory_space<hbm>> -> memref<128x64xf32, #tpu.memory_space<hbm>>
        %dma_wait3A_178 = arith.constant 0 : i32
        %dma_wait3A_179 = tpu.memref_slice %arg6[%add3A_175, %dma_wait3A_178] : memref<204800x128xf32, #tpu.memory_space<hbm>> -> memref<128x64xf32, #tpu.memory_space<hbm>>
        tpu.wait_dma2 semaphore(%arg23 : memref<!tpu.dma_semaphore, #tpu.memory_space<semaphore_mem>>) src(%arg15 : memref<128x64xf32, #tpu.memory_space<vmem>>) dst(%dma_wait3A_179 : memref<128x64xf32, #tpu.memory_space<hbm>>)
      } else {
      }
      %parallel_loop3A_139 = arith.constant 0 : i32
      %parallel_loop3A_140 = arith.constant 32 : i32
      %parallel_loop3A_141 = arith.constant 1 : i32
      scf.for %parallel_loop3A_172 = %parallel_loop3A_139 to %parallel_loop3A_140 step %parallel_loop3A_141  : i32 {
        %parallel_loop3A_173 = arith.constant 16 : i32
        %parallel_loop3A_174 = arith.muli %parallel_loop3A_172, %parallel_loop3A_173 : i32
        %parallel_loop3A_175 = arith.index_cast %parallel_loop3A_174 : i32 to index
        %parallel_loop3A_176 = tpu.vector_load %arg16[%parallel_loop3A_175] {strides = array<i32>} : memref<512xi32, #tpu.memory_space<vmem>>, vector<16xi32>,
        %parallel_loop3A_177 = arith.constant 16 : i32
        %parallel_loop3A_178 = arith.muli %parallel_loop3A_172, %parallel_loop3A_177 : i32
        %parallel_loop3A_179 = arith.index_cast %parallel_loop3A_178 : i32 to index
        %parallel_loop3A_180 = tpu.vector_load %arg17[%parallel_loop3A_179] {strides = array<i32>} : memref<512xf32, #tpu.memory_space<vmem>>, vector<16xf32>,
        %parallel_loop3A_181 = arith.constant 4 : i32
        %parallel_loop3A_182 = arith.muli %parallel_loop3A_172, %parallel_loop3A_181 : i32
        %parallel_loop3A_183 = arith.constant 0 : i32
        %parallel_loop3A_184 = arith.addi %parallel_loop3A_182, %parallel_loop3A_183 : i32
        %parallel_loop3A_185 = vector.extract_strided_slice %parallel_loop3A_176 {offsets = [0], sizes = [1], strides = [1]} : vector<16xi32> to vector<1xi32>
        %parallel_loop3A_186 = vector.extract %parallel_loop3A_185[0] : i32 from vector<1xi32>
        %parallel_loop3A_187 = vector.extract_strided_slice %parallel_loop3A_176 {offsets = [1], sizes = [1], strides = [1]} : vector<16xi32> to vector<1xi32>
        %parallel_loop3A_188 = vector.extract %parallel_loop3A_187[0] : i32 from vector<1xi32>
        %parallel_loop3A_189 = vector.extract_strided_slice %parallel_loop3A_176 {offsets = [2], sizes = [1], strides = [1]} : vector<16xi32> to vector<1xi32>
        %parallel_loop3A_190 = vector.extract %parallel_loop3A_189[0] : i32 from vector<1xi32>
        %parallel_loop3A_191 = vector.extract_strided_slice %parallel_loop3A_176 {offsets = [3], sizes = [1], strides = [1]} : vector<16xi32> to vector<1xi32>
        %parallel_loop3A_192 = vector.extract %parallel_loop3A_191[0] : i32 from vector<1xi32>
        %parallel_loop3A_193 = vector.extract_strided_slice %parallel_loop3A_180 {offsets = [0], sizes = [1], strides = [1]} : vector<16xf32> to vector<1xf32>
        %parallel_loop3A_194 = vector.extract %parallel_loop3A_193[0] : f32 from vector<1xf32>
        %parallel_loop3A_195 = arith.constant 0 : i32
        %parallel_loop3A_196 = arith.addi %parallel_loop3A_186, %parallel_loop3A_195 : i32
        %parallel_loop3A_197 = arith.index_cast %parallel_loop3A_196 : i32 to index
        %parallel_loop3A_198 = tpu.vector_load %arg7[%parallel_loop3A_197] {strides = array<i32>} : memref<66625xf32, #tpu.memory_space<vmem>>, vector<16xf32>,
        %parallel_loop3A_199 = arith.constant 0 : i32
        %parallel_loop3A_200 = arith.addi %parallel_loop3A_188, %parallel_loop3A_199 : i32
        %parallel_loop3A_201 = arith.index_cast %parallel_loop3A_200 : i32 to index
        %parallel_loop3A_202 = tpu.vector_load %arg7[%parallel_loop3A_201] {strides = array<i32>} : memref<66625xf32, #tpu.memory_space<vmem>>, vector<16xf32>,
        %parallel_loop3A_203 = arith.addf %parallel_loop3A_198, %parallel_loop3A_202 : vector<16xf32>
        %parallel_loop3A_204 = arith.constant 0 : i32
        %parallel_loop3A_205 = arith.addi %parallel_loop3A_190, %parallel_loop3A_204 : i32
        %parallel_loop3A_206 = arith.index_cast %parallel_loop3A_205 : i32 to index
        %parallel_loop3A_207 = tpu.vector_load %arg7[%parallel_loop3A_206] {strides = array<i32>} : memref<66625xf32, #tpu.memory_space<vmem>>, vector<16xf32>,
        %parallel_loop3A_208 = arith.addf %parallel_loop3A_203, %parallel_loop3A_207 : vector<16xf32>
        %parallel_loop3A_209 = arith.constant 0 : i32
        %parallel_loop3A_210 = arith.addi %parallel_loop3A_192, %parallel_loop3A_209 : i32
        %parallel_loop3A_211 = arith.index_cast %parallel_loop3A_210 : i32 to index
        %parallel_loop3A_212 = tpu.vector_load %arg7[%parallel_loop3A_211] {strides = array<i32>} : memref<66625xf32, #tpu.memory_space<vmem>>, vector<16xf32>,
        %parallel_loop3A_213 = arith.addf %parallel_loop3A_208, %parallel_loop3A_212 : vector<16xf32>
        %parallel_loop3A_214 = vector.broadcast %parallel_loop3A_194 : f32 to vector<16xf32>
        %parallel_loop3A_215 = arith.mulf %parallel_loop3A_213, %parallel_loop3A_214 : vector<16xf32>
        %parallel_loop3A_216 = arith.index_cast %parallel_loop3A_184 : i32 to index
        %parallel_loop3A_217 = arith.constant 0 : index
        %parallel_loop3A_218 = tpu.vector_load %arg15[%parallel_loop3A_216, %parallel_loop3A_217] {strides = array<i32>} : memref<128x64xf32, #tpu.memory_space<vmem>>, vector<16xf32>,
        tpu.vector_store %arg15[%parallel_loop3A_216, %parallel_loop3A_217], %parallel_loop3A_215 {strides = array<i32>} : memref<128x64xf32, #tpu.memory_space<vmem>>, vector<16xf32>,
        %parallel_loop3A_219 = arith.constant 16 : i32
        %parallel_loop3A_220 = arith.addi %parallel_loop3A_186, %parallel_loop3A_219 : i32
        %parallel_loop3A_221 = arith.index_cast %parallel_loop3A_220 : i32 to index
        %parallel_loop3A_222 = tpu.vector_load %arg7[%parallel_loop3A_221] {strides = array<i32>} : memref<66625xf32, #tpu.memory_space<vmem>>, vector<16xf32>,
        %parallel_loop3A_223 = arith.constant 16 : i32
        %parallel_loop3A_224 = arith.addi %parallel_loop3A_188, %parallel_loop3A_223 : i32
        %parallel_loop3A_225 = arith.index_cast %parallel_loop3A_224 : i32 to index
        %parallel_loop3A_226 = tpu.vector_load %arg7[%parallel_loop3A_225] {strides = array<i32>} : memref<66625xf32, #tpu.memory_space<vmem>>, vector<16xf32>,
        %parallel_loop3A_227 = arith.addf %parallel_loop3A_222, %parallel_loop3A_226 : vector<16xf32>
        %parallel_loop3A_228 = arith.constant 16 : i32
        %parallel_loop3A_229 = arith.addi %parallel_loop3A_190, %parallel_loop3A_228 : i32
        %parallel_loop3A_230 = arith.index_cast %parallel_loop3A_229 : i32 to index
        %parallel_loop3A_231 = tpu.vector_load %arg7[%parallel_loop3A_230] {strides = array<i32>} : memref<66625xf32, #tpu.memory_space<vmem>>, vector<16xf32>,
        %parallel_loop3A_232 = arith.addf %parallel_loop3A_227, %parallel_loop3A_231 : vector<16xf32>
        %parallel_loop3A_233 = arith.constant 16 : i32
        %parallel_loop3A_234 = arith.addi %parallel_loop3A_192, %parallel_loop3A_233 : i32
        %parallel_loop3A_235 = arith.index_cast %parallel_loop3A_234 : i32 to index
        %parallel_loop3A_236 = tpu.vector_load %arg7[%parallel_loop3A_235] {strides = array<i32>} : memref<66625xf32, #tpu.memory_space<vmem>>, vector<16xf32>,
        %parallel_loop3A_237 = arith.addf %parallel_loop3A_232, %parallel_loop3A_236 : vector<16xf32>
        %parallel_loop3A_238 = vector.broadcast %parallel_loop3A_194 : f32 to vector<16xf32>
        %parallel_loop3A_239 = arith.mulf %parallel_loop3A_237, %parallel_loop3A_238 : vector<16xf32>
        %parallel_loop3A_240 = arith.index_cast %parallel_loop3A_184 : i32 to index
        %parallel_loop3A_241 = arith.constant 16 : index
        %parallel_loop3A_242 = tpu.vector_load %arg15[%parallel_loop3A_240, %parallel_loop3A_241] {strides = array<i32>} : memref<128x64xf32, #tpu.memory_space<vmem>>, vector<16xf32>,
        tpu.vector_store %arg15[%parallel_loop3A_240, %parallel_loop3A_241], %parallel_loop3A_239 {strides = array<i32>} : memref<128x64xf32, #tpu.memory_space<vmem>>, vector<16xf32>,
        %parallel_loop3A_243 = arith.constant 32 : i32
        %parallel_loop3A_244 = arith.addi %parallel_loop3A_186, %parallel_loop3A_243 : i32
        %parallel_loop3A_245 = arith.index_cast %parallel_loop3A_244 : i32 to index
        %parallel_loop3A_246 = tpu.vector_load %arg7[%parallel_loop3A_245] {strides = array<i32>} : memref<66625xf32, #tpu.memory_space<vmem>>, vector<16xf32>,
        %parallel_loop3A_247 = arith.constant 32 : i32
        %parallel_loop3A_248 = arith.addi %parallel_loop3A_188, %parallel_loop3A_247 : i32
        %parallel_loop3A_249 = arith.index_cast %parallel_loop3A_248 : i32 to index
        %parallel_loop3A_250 = tpu.vector_load %arg7[%parallel_loop3A_249] {strides = array<i32>} : memref<66625xf32, #tpu.memory_space<vmem>>, vector<16xf32>,
        %parallel_loop3A_251 = arith.addf %parallel_loop3A_246, %parallel_loop3A_250 : vector<16xf32>
        %parallel_loop3A_252 = arith.constant 32 : i32
        %parallel_loop3A_253 = arith.addi %parallel_loop3A_190, %parallel_loop3A_252 : i32
        %parallel_loop3A_254 = arith.index_cast %parallel_loop3A_253 : i32 to index
        %parallel_loop3A_255 = tpu.vector_load %arg7[%parallel_loop3A_254] {strides = array<i32>} : memref<66625xf32, #tpu.memory_space<vmem>>, vector<16xf32>,
        %parallel_loop3A_256 = arith.addf %parallel_loop3A_251, %parallel_loop3A_255 : vector<16xf32>
        %parallel_loop3A_257 = arith.constant 32 : i32
        %parallel_loop3A_258 = arith.addi %parallel_loop3A_192, %parallel_loop3A_257 : i32
        %parallel_loop3A_259 = arith.index_cast %parallel_loop3A_258 : i32 to index
        %parallel_loop3A_260 = tpu.vector_load %arg7[%parallel_loop3A_259] {strides = array<i32>} : memref<66625xf32, #tpu.memory_space<vmem>>, vector<16xf32>,
        %parallel_loop3A_261 = arith.addf %parallel_loop3A_256, %parallel_loop3A_260 : vector<16xf32>
        %parallel_loop3A_262 = vector.broadcast %parallel_loop3A_194 : f32 to vector<16xf32>
        %parallel_loop3A_263 = arith.mulf %parallel_loop3A_261, %parallel_loop3A_262 : vector<16xf32>
        %parallel_loop3A_264 = arith.index_cast %parallel_loop3A_184 : i32 to index
        %parallel_loop3A_265 = arith.constant 32 : index
        %parallel_loop3A_266 = tpu.vector_load %arg15[%parallel_loop3A_264, %parallel_loop3A_265] {strides = array<i32>} : memref<128x64xf32, #tpu.memory_space<vmem>>, vector<16xf32>,
        tpu.vector_store %arg15[%parallel_loop3A_264, %parallel_loop3A_265], %parallel_loop3A_263 {strides = array<i32>} : memref<128x64xf32, #tpu.memory_space<vmem>>, vector<16xf32>,
        %parallel_loop3A_267 = arith.constant 48 : i32
        %parallel_loop3A_268 = arith.addi %parallel_loop3A_186, %parallel_loop3A_267 : i32
        %parallel_loop3A_269 = arith.index_cast %parallel_loop3A_268 : i32 to index
        %parallel_loop3A_270 = tpu.vector_load %arg7[%parallel_loop3A_269] {strides = array<i32>} : memref<66625xf32, #tpu.memory_space<vmem>>, vector<16xf32>,
        %parallel_loop3A_271 = arith.constant 48 : i32
        %parallel_loop3A_272 = arith.addi %parallel_loop3A_188, %parallel_loop3A_271 : i32
        %parallel_loop3A_273 = arith.index_cast %parallel_loop3A_272 : i32 to index
        %parallel_loop3A_274 = tpu.vector_load %arg7[%parallel_loop3A_273] {strides = array<i32>} : memref<66625xf32, #tpu.memory_space<vmem>>, vector<16xf32>,
        %parallel_loop3A_275 = arith.addf %parallel_loop3A_270, %parallel_loop3A_274 : vector<16xf32>
        %parallel_loop3A_276 = arith.constant 48 : i32
        %parallel_loop3A_277 = arith.addi %parallel_loop3A_190, %parallel_loop3A_276 : i32
        %parallel_loop3A_278 = arith.index_cast %parallel_loop3A_277 : i32 to index
        %parallel_loop3A_279 = tpu.vector_load %arg7[%parallel_loop3A_278] {strides = array<i32>} : memref<66625xf32, #tpu.memory_space<vmem>>, vector<16xf32>,
        %parallel_loop3A_280 = arith.addf %parallel_loop3A_275, %parallel_loop3A_279 : vector<16xf32>
        %parallel_loop3A_281 = arith.constant 48 : i32
        %parallel_loop3A_282 = arith.addi %parallel_loop3A_192, %parallel_loop3A_281 : i32
        %parallel_loop3A_283 = arith.index_cast %parallel_loop3A_282 : i32 to index
        %parallel_loop3A_284 = tpu.vector_load %arg7[%parallel_loop3A_283] {strides = array<i32>} : memref<66625xf32, #tpu.memory_space<vmem>>, vector<16xf32>,
        %parallel_loop3A_285 = arith.addf %parallel_loop3A_280, %parallel_loop3A_284 : vector<16xf32>
        %parallel_loop3A_286 = vector.broadcast %parallel_loop3A_194 : f32 to vector<16xf32>
        %parallel_loop3A_287 = arith.mulf %parallel_loop3A_285, %parallel_loop3A_286 : vector<16xf32>
        %parallel_loop3A_288 = arith.index_cast %parallel_loop3A_184 : i32 to index
        %parallel_loop3A_289 = arith.constant 48 : index
        %parallel_loop3A_290 = tpu.vector_load %arg15[%parallel_loop3A_288, %parallel_loop3A_289] {strides = array<i32>} : memref<128x64xf32, #tpu.memory_space<vmem>>, vector<16xf32>,
        tpu.vector_store %arg15[%parallel_loop3A_288, %parallel_loop3A_289], %parallel_loop3A_287 {strides = array<i32>} : memref<128x64xf32, #tpu.memory_space<vmem>>, vector<16xf32>,
        %parallel_loop3A_291 = arith.constant 4 : i32
        %parallel_loop3A_292 = arith.muli %parallel_loop3A_172, %parallel_loop3A_291 : i32
        %parallel_loop3A_293 = arith.constant 1 : i32
        %parallel_loop3A_294 = arith.addi %parallel_loop3A_292, %parallel_loop3A_293 : i32
        %parallel_loop3A_295 = vector.extract_strided_slice %parallel_loop3A_176 {offsets = [4], sizes = [1], strides = [1]} : vector<16xi32> to vector<1xi32>
        %parallel_loop3A_296 = vector.extract %parallel_loop3A_295[0] : i32 from vector<1xi32>
        %parallel_loop3A_297 = vector.extract_strided_slice %parallel_loop3A_176 {offsets = [5], sizes = [1], strides = [1]} : vector<16xi32> to vector<1xi32>
        %parallel_loop3A_298 = vector.extract %parallel_loop3A_297[0] : i32 from vector<1xi32>
        %parallel_loop3A_299 = vector.extract_strided_slice %parallel_loop3A_176 {offsets = [6], sizes = [1], strides = [1]} : vector<16xi32> to vector<1xi32>
        %parallel_loop3A_300 = vector.extract %parallel_loop3A_299[0] : i32 from vector<1xi32>
        %parallel_loop3A_301 = vector.extract_strided_slice %parallel_loop3A_176 {offsets = [7], sizes = [1], strides = [1]} : vector<16xi32> to vector<1xi32>
        %parallel_loop3A_302 = vector.extract %parallel_loop3A_301[0] : i32 from vector<1xi32>
        %parallel_loop3A_303 = vector.extract_strided_slice %parallel_loop3A_180 {offsets = [4], sizes = [1], strides = [1]} : vector<16xf32> to vector<1xf32>
        %parallel_loop3A_304 = vector.extract %parallel_loop3A_303[0] : f32 from vector<1xf32>
        %parallel_loop3A_305 = arith.constant 0 : i32
        %parallel_loop3A_306 = arith.addi %parallel_loop3A_296, %parallel_loop3A_305 : i32
        %parallel_loop3A_307 = arith.index_cast %parallel_loop3A_306 : i32 to index
        %parallel_loop3A_308 = tpu.vector_load %arg7[%parallel_loop3A_307] {strides = array<i32>} : memref<66625xf32, #tpu.memory_space<vmem>>, vector<16xf32>,
        %parallel_loop3A_309 = arith.constant 0 : i32
        %parallel_loop3A_310 = arith.addi %parallel_loop3A_298, %parallel_loop3A_309 : i32
        %parallel_loop3A_311 = arith.index_cast %parallel_loop3A_310 : i32 to index
        %parallel_loop3A_312 = tpu.vector_load %arg7[%parallel_loop3A_311] {strides = array<i32>} : memref<66625xf32, #tpu.memory_space<vmem>>, vector<16xf32>,
        %parallel_loop3A_313 = arith.addf %parallel_loop3A_308, %parallel_loop3A_312 : vector<16xf32>
        %parallel_loop3A_314 = arith.constant 0 : i32
        %parallel_loop3A_315 = arith.addi %parallel_loop3A_300, %parallel_loop3A_314 : i32
        %parallel_loop3A_316 = arith.index_cast %parallel_loop3A_315 : i32 to index
        %parallel_loop3A_317 = tpu.vector_load %arg7[%parallel_loop3A_316] {strides = array<i32>} : memref<66625xf32, #tpu.memory_space<vmem>>, vector<16xf32>,
        %parallel_loop3A_318 = arith.addf %parallel_loop3A_313, %parallel_loop3A_317 : vector<16xf32>
        %parallel_loop3A_319 = arith.constant 0 : i32
        %parallel_loop3A_320 = arith.addi %parallel_loop3A_302, %parallel_loop3A_319 : i32
        %parallel_loop3A_321 = arith.index_cast %parallel_loop3A_320 : i32 to index
        %parallel_loop3A_322 = tpu.vector_load %arg7[%parallel_loop3A_321] {strides = array<i32>} : memref<66625xf32, #tpu.memory_space<vmem>>, vector<16xf32>,
        %parallel_loop3A_323 = arith.addf %parallel_loop3A_318, %parallel_loop3A_322 : vector<16xf32>
        %parallel_loop3A_324 = vector.broadcast %parallel_loop3A_304 : f32 to vector<16xf32>
        %parallel_loop3A_325 = arith.mulf %parallel_loop3A_323, %parallel_loop3A_324 : vector<16xf32>
        %parallel_loop3A_326 = arith.index_cast %parallel_loop3A_294 : i32 to index
        %parallel_loop3A_327 = arith.constant 0 : index
        %parallel_loop3A_328 = tpu.vector_load %arg15[%parallel_loop3A_326, %parallel_loop3A_327] {strides = array<i32>} : memref<128x64xf32, #tpu.memory_space<vmem>>, vector<16xf32>,
        tpu.vector_store %arg15[%parallel_loop3A_326, %parallel_loop3A_327], %parallel_loop3A_325 {strides = array<i32>} : memref<128x64xf32, #tpu.memory_space<vmem>>, vector<16xf32>,
        %parallel_loop3A_329 = arith.constant 16 : i32
        %parallel_loop3A_330 = arith.addi %parallel_loop3A_296, %parallel_loop3A_329 : i32
        %parallel_loop3A_331 = arith.index_cast %parallel_loop3A_330 : i32 to index
        %parallel_loop3A_332 = tpu.vector_load %arg7[%parallel_loop3A_331] {strides = array<i32>} : memref<66625xf32, #tpu.memory_space<vmem>>, vector<16xf32>,
        %parallel_loop3A_333 = arith.constant 16 : i32
        %parallel_loop3A_334 = arith.addi %parallel_loop3A_298, %parallel_loop3A_333 : i32
        %parallel_loop3A_335 = arith.index_cast %parallel_loop3A_334 : i32 to index
        %parallel_loop3A_336 = tpu.vector_load %arg7[%parallel_loop3A_335] {strides = array<i32>} : memref<66625xf32, #tpu.memory_space<vmem>>, vector<16xf32>,
        %parallel_loop3A_337 = arith.addf %parallel_loop3A_332, %parallel_loop3A_336 : vector<16xf32>
        %parallel_loop3A_338 = arith.constant 16 : i32
        %parallel_loop3A_339 = arith.addi %parallel_loop3A_300, %parallel_loop3A_338 : i32
        %parallel_loop3A_340 = arith.index_cast %parallel_loop3A_339 : i32 to index
        %parallel_loop3A_341 = tpu.vector_load %arg7[%parallel_loop3A_340] {strides = array<i32>} : memref<66625xf32, #tpu.memory_space<vmem>>, vector<16xf32>,
        %parallel_loop3A_342 = arith.addf %parallel_loop3A_337, %parallel_loop3A_341 : vector<16xf32>
        %parallel_loop3A_343 = arith.constant 16 : i32
        %parallel_loop3A_344 = arith.addi %parallel_loop3A_302, %parallel_loop3A_343 : i32
        %parallel_loop3A_345 = arith.index_cast %parallel_loop3A_344 : i32 to index
        %parallel_loop3A_346 = tpu.vector_load %arg7[%parallel_loop3A_345] {strides = array<i32>} : memref<66625xf32, #tpu.memory_space<vmem>>, vector<16xf32>,
        %parallel_loop3A_347 = arith.addf %parallel_loop3A_342, %parallel_loop3A_346 : vector<16xf32>
        %parallel_loop3A_348 = vector.broadcast %parallel_loop3A_304 : f32 to vector<16xf32>
        %parallel_loop3A_349 = arith.mulf %parallel_loop3A_347, %parallel_loop3A_348 : vector<16xf32>
        %parallel_loop3A_350 = arith.index_cast %parallel_loop3A_294 : i32 to index
        %parallel_loop3A_351 = arith.constant 16 : index
        %parallel_loop3A_352 = tpu.vector_load %arg15[%parallel_loop3A_350, %parallel_loop3A_351] {strides = array<i32>} : memref<128x64xf32, #tpu.memory_space<vmem>>, vector<16xf32>,
        tpu.vector_store %arg15[%parallel_loop3A_350, %parallel_loop3A_351], %parallel_loop3A_349 {strides = array<i32>} : memref<128x64xf32, #tpu.memory_space<vmem>>, vector<16xf32>,
        %parallel_loop3A_353 = arith.constant 32 : i32
        %parallel_loop3A_354 = arith.addi %parallel_loop3A_296, %parallel_loop3A_353 : i32
        %parallel_loop3A_355 = arith.index_cast %parallel_loop3A_354 : i32 to index
        %parallel_loop3A_356 = tpu.vector_load %arg7[%parallel_loop3A_355] {strides = array<i32>} : memref<66625xf32, #tpu.memory_space<vmem>>, vector<16xf32>,
        %parallel_loop3A_357 = arith.constant 32 : i32
        %parallel_loop3A_358 = arith.addi %parallel_loop3A_298, %parallel_loop3A_357 : i32
        %parallel_loop3A_359 = arith.index_cast %parallel_loop3A_358 : i32 to index
        %parallel_loop3A_360 = tpu.vector_load %arg7[%parallel_loop3A_359] {strides = array<i32>} : memref<66625xf32, #tpu.memory_space<vmem>>, vector<16xf32>,
        %parallel_loop3A_361 = arith.addf %parallel_loop3A_356, %parallel_loop3A_360 : vector<16xf32>
        %parallel_loop3A_362 = arith.constant 32 : i32
        %parallel_loop3A_363 = arith.addi %parallel_loop3A_300, %parallel_loop3A_362 : i32
        %parallel_loop3A_364 = arith.index_cast %parallel_loop3A_363 : i32 to index
        %parallel_loop3A_365 = tpu.vector_load %arg7[%parallel_loop3A_364] {strides = array<i32>} : memref<66625xf32, #tpu.memory_space<vmem>>, vector<16xf32>,
        %parallel_loop3A_366 = arith.addf %parallel_loop3A_361, %parallel_loop3A_365 : vector<16xf32>
        %parallel_loop3A_367 = arith.constant 32 : i32
        %parallel_loop3A_368 = arith.addi %parallel_loop3A_302, %parallel_loop3A_367 : i32
        %parallel_loop3A_369 = arith.index_cast %parallel_loop3A_368 : i32 to index
        %parallel_loop3A_370 = tpu.vector_load %arg7[%parallel_loop3A_369] {strides = array<i32>} : memref<66625xf32, #tpu.memory_space<vmem>>, vector<16xf32>,
        %parallel_loop3A_371 = arith.addf %parallel_loop3A_366, %parallel_loop3A_370 : vector<16xf32>
        %parallel_loop3A_372 = vector.broadcast %parallel_loop3A_304 : f32 to vector<16xf32>
        %parallel_loop3A_373 = arith.mulf %parallel_loop3A_371, %parallel_loop3A_372 : vector<16xf32>
        %parallel_loop3A_374 = arith.index_cast %parallel_loop3A_294 : i32 to index
        %parallel_loop3A_375 = arith.constant 32 : index
        %parallel_loop3A_376 = tpu.vector_load %arg15[%parallel_loop3A_374, %parallel_loop3A_375] {strides = array<i32>} : memref<128x64xf32, #tpu.memory_space<vmem>>, vector<16xf32>,
        tpu.vector_store %arg15[%parallel_loop3A_374, %parallel_loop3A_375], %parallel_loop3A_373 {strides = array<i32>} : memref<128x64xf32, #tpu.memory_space<vmem>>, vector<16xf32>,
        %parallel_loop3A_377 = arith.constant 48 : i32
        %parallel_loop3A_378 = arith.addi %parallel_loop3A_296, %parallel_loop3A_377 : i32
        %parallel_loop3A_379 = arith.index_cast %parallel_loop3A_378 : i32 to index
        %parallel_loop3A_380 = tpu.vector_load %arg7[%parallel_loop3A_379] {strides = array<i32>} : memref<66625xf32, #tpu.memory_space<vmem>>, vector<16xf32>,
        %parallel_loop3A_381 = arith.constant 48 : i32
        %parallel_loop3A_382 = arith.addi %parallel_loop3A_298, %parallel_loop3A_381 : i32
        %parallel_loop3A_383 = arith.index_cast %parallel_loop3A_382 : i32 to index
        %parallel_loop3A_384 = tpu.vector_load %arg7[%parallel_loop3A_383] {strides = array<i32>} : memref<66625xf32, #tpu.memory_space<vmem>>, vector<16xf32>,
        %parallel_loop3A_385 = arith.addf %parallel_loop3A_380, %parallel_loop3A_384 : vector<16xf32>
        %parallel_loop3A_386 = arith.constant 48 : i32
        %parallel_loop3A_387 = arith.addi %parallel_loop3A_300, %parallel_loop3A_386 : i32
        %parallel_loop3A_388 = arith.index_cast %parallel_loop3A_387 : i32 to index
        %parallel_loop3A_389 = tpu.vector_load %arg7[%parallel_loop3A_388] {strides = array<i32>} : memref<66625xf32, #tpu.memory_space<vmem>>, vector<16xf32>,
        %parallel_loop3A_390 = arith.addf %parallel_loop3A_385, %parallel_loop3A_389 : vector<16xf32>
        %parallel_loop3A_391 = arith.constant 48 : i32
        %parallel_loop3A_392 = arith.addi %parallel_loop3A_302, %parallel_loop3A_391 : i32
        %parallel_loop3A_393 = arith.index_cast %parallel_loop3A_392 : i32 to index
        %parallel_loop3A_394 = tpu.vector_load %arg7[%parallel_loop3A_393] {strides = array<i32>} : memref<66625xf32, #tpu.memory_space<vmem>>, vector<16xf32>,
        %parallel_loop3A_395 = arith.addf %parallel_loop3A_390, %parallel_loop3A_394 : vector<16xf32>
        %parallel_loop3A_396 = vector.broadcast %parallel_loop3A_304 : f32 to vector<16xf32>
        %parallel_loop3A_397 = arith.mulf %parallel_loop3A_395, %parallel_loop3A_396 : vector<16xf32>
        %parallel_loop3A_398 = arith.index_cast %parallel_loop3A_294 : i32 to index
        %parallel_loop3A_399 = arith.constant 48 : index
        %parallel_loop3A_400 = tpu.vector_load %arg15[%parallel_loop3A_398, %parallel_loop3A_399] {strides = array<i32>} : memref<128x64xf32, #tpu.memory_space<vmem>>, vector<16xf32>,
        tpu.vector_store %arg15[%parallel_loop3A_398, %parallel_loop3A_399], %parallel_loop3A_397 {strides = array<i32>} : memref<128x64xf32, #tpu.memory_space<vmem>>, vector<16xf32>,
        %parallel_loop3A_401 = arith.constant 4 : i32
        %parallel_loop3A_402 = arith.muli %parallel_loop3A_172, %parallel_loop3A_401 : i32
        %parallel_loop3A_403 = arith.constant 2 : i32
        %parallel_loop3A_404 = arith.addi %parallel_loop3A_402, %parallel_loop3A_403 : i32
        %parallel_loop3A_405 = vector.extract_strided_slice %parallel_loop3A_176 {offsets = [8], sizes = [1], strides = [1]} : vector<16xi32> to vector<1xi32>
        %parallel_loop3A_406 = vector.extract %parallel_loop3A_405[0] : i32 from vector<1xi32>
        %parallel_loop3A_407 = vector.extract_strided_slice %parallel_loop3A_176 {offsets = [9], sizes = [1], strides = [1]} : vector<16xi32> to vector<1xi32>
        %parallel_loop3A_408 = vector.extract %parallel_loop3A_407[0] : i32 from vector<1xi32>
        %parallel_loop3A_409 = vector.extract_strided_slice %parallel_loop3A_176 {offsets = [10], sizes = [1], strides = [1]} : vector<16xi32> to vector<1xi32>
        %parallel_loop3A_410 = vector.extract %parallel_loop3A_409[0] : i32 from vector<1xi32>
        %parallel_loop3A_411 = vector.extract_strided_slice %parallel_loop3A_176 {offsets = [11], sizes = [1], strides = [1]} : vector<16xi32> to vector<1xi32>
        %parallel_loop3A_412 = vector.extract %parallel_loop3A_411[0] : i32 from vector<1xi32>
        %parallel_loop3A_413 = vector.extract_strided_slice %parallel_loop3A_180 {offsets = [8], sizes = [1], strides = [1]} : vector<16xf32> to vector<1xf32>
        %parallel_loop3A_414 = vector.extract %parallel_loop3A_413[0] : f32 from vector<1xf32>
        %parallel_loop3A_415 = arith.constant 0 : i32
        %parallel_loop3A_416 = arith.addi %parallel_loop3A_406, %parallel_loop3A_415 : i32
        %parallel_loop3A_417 = arith.index_cast %parallel_loop3A_416 : i32 to index
        %parallel_loop3A_418 = tpu.vector_load %arg7[%parallel_loop3A_417] {strides = array<i32>} : memref<66625xf32, #tpu.memory_space<vmem>>, vector<16xf32>,
        %parallel_loop3A_419 = arith.constant 0 : i32
        %parallel_loop3A_420 = arith.addi %parallel_loop3A_408, %parallel_loop3A_419 : i32
        %parallel_loop3A_421 = arith.index_cast %parallel_loop3A_420 : i32 to index
        %parallel_loop3A_422 = tpu.vector_load %arg7[%parallel_loop3A_421] {strides = array<i32>} : memref<66625xf32, #tpu.memory_space<vmem>>, vector<16xf32>,
        %parallel_loop3A_423 = arith.addf %parallel_loop3A_418, %parallel_loop3A_422 : vector<16xf32>
        %parallel_loop3A_424 = arith.constant 0 : i32
        %parallel_loop3A_425 = arith.addi %parallel_loop3A_410, %parallel_loop3A_424 : i32
        %parallel_loop3A_426 = arith.index_cast %parallel_loop3A_425 : i32 to index
        %parallel_loop3A_427 = tpu.vector_load %arg7[%parallel_loop3A_426] {strides = array<i32>} : memref<66625xf32, #tpu.memory_space<vmem>>, vector<16xf32>,
        %parallel_loop3A_428 = arith.addf %parallel_loop3A_423, %parallel_loop3A_427 : vector<16xf32>
        %parallel_loop3A_429 = arith.constant 0 : i32
        %parallel_loop3A_430 = arith.addi %parallel_loop3A_412, %parallel_loop3A_429 : i32
        %parallel_loop3A_431 = arith.index_cast %parallel_loop3A_430 : i32 to index
        %parallel_loop3A_432 = tpu.vector_load %arg7[%parallel_loop3A_431] {strides = array<i32>} : memref<66625xf32, #tpu.memory_space<vmem>>, vector<16xf32>,
        %parallel_loop3A_433 = arith.addf %parallel_loop3A_428, %parallel_loop3A_432 : vector<16xf32>
        %parallel_loop3A_434 = vector.broadcast %parallel_loop3A_414 : f32 to vector<16xf32>
        %parallel_loop3A_435 = arith.mulf %parallel_loop3A_433, %parallel_loop3A_434 : vector<16xf32>
        %parallel_loop3A_436 = arith.index_cast %parallel_loop3A_404 : i32 to index
        %parallel_loop3A_437 = arith.constant 0 : index
        %parallel_loop3A_438 = tpu.vector_load %arg15[%parallel_loop3A_436, %parallel_loop3A_437] {strides = array<i32>} : memref<128x64xf32, #tpu.memory_space<vmem>>, vector<16xf32>,
        tpu.vector_store %arg15[%parallel_loop3A_436, %parallel_loop3A_437], %parallel_loop3A_435 {strides = array<i32>} : memref<128x64xf32, #tpu.memory_space<vmem>>, vector<16xf32>,
        %parallel_loop3A_439 = arith.constant 16 : i32
        %parallel_loop3A_440 = arith.addi %parallel_loop3A_406, %parallel_loop3A_439 : i32
        %parallel_loop3A_441 = arith.index_cast %parallel_loop3A_440 : i32 to index
        %parallel_loop3A_442 = tpu.vector_load %arg7[%parallel_loop3A_441] {strides = array<i32>} : memref<66625xf32, #tpu.memory_space<vmem>>, vector<16xf32>,
        %parallel_loop3A_443 = arith.constant 16 : i32
        %parallel_loop3A_444 = arith.addi %parallel_loop3A_408, %parallel_loop3A_443 : i32
        %parallel_loop3A_445 = arith.index_cast %parallel_loop3A_444 : i32 to index
        %parallel_loop3A_446 = tpu.vector_load %arg7[%parallel_loop3A_445] {strides = array<i32>} : memref<66625xf32, #tpu.memory_space<vmem>>, vector<16xf32>,
        %parallel_loop3A_447 = arith.addf %parallel_loop3A_442, %parallel_loop3A_446 : vector<16xf32>
        %parallel_loop3A_448 = arith.constant 16 : i32
        %parallel_loop3A_449 = arith.addi %parallel_loop3A_410, %parallel_loop3A_448 : i32
        %parallel_loop3A_450 = arith.index_cast %parallel_loop3A_449 : i32 to index
        %parallel_loop3A_451 = tpu.vector_load %arg7[%parallel_loop3A_450] {strides = array<i32>} : memref<66625xf32, #tpu.memory_space<vmem>>, vector<16xf32>,
        %parallel_loop3A_452 = arith.addf %parallel_loop3A_447, %parallel_loop3A_451 : vector<16xf32>
        %parallel_loop3A_453 = arith.constant 16 : i32
        %parallel_loop3A_454 = arith.addi %parallel_loop3A_412, %parallel_loop3A_453 : i32
        %parallel_loop3A_455 = arith.index_cast %parallel_loop3A_454 : i32 to index
        %parallel_loop3A_456 = tpu.vector_load %arg7[%parallel_loop3A_455] {strides = array<i32>} : memref<66625xf32, #tpu.memory_space<vmem>>, vector<16xf32>,
        %parallel_loop3A_457 = arith.addf %parallel_loop3A_452, %parallel_loop3A_456 : vector<16xf32>
        %parallel_loop3A_458 = vector.broadcast %parallel_loop3A_414 : f32 to vector<16xf32>
        %parallel_loop3A_459 = arith.mulf %parallel_loop3A_457, %parallel_loop3A_458 : vector<16xf32>
        %parallel_loop3A_460 = arith.index_cast %parallel_loop3A_404 : i32 to index
        %parallel_loop3A_461 = arith.constant 16 : index
        %parallel_loop3A_462 = tpu.vector_load %arg15[%parallel_loop3A_460, %parallel_loop3A_461] {strides = array<i32>} : memref<128x64xf32, #tpu.memory_space<vmem>>, vector<16xf32>,
        tpu.vector_store %arg15[%parallel_loop3A_460, %parallel_loop3A_461], %parallel_loop3A_459 {strides = array<i32>} : memref<128x64xf32, #tpu.memory_space<vmem>>, vector<16xf32>,
        %parallel_loop3A_463 = arith.constant 32 : i32
        %parallel_loop3A_464 = arith.addi %parallel_loop3A_406, %parallel_loop3A_463 : i32
        %parallel_loop3A_465 = arith.index_cast %parallel_loop3A_464 : i32 to index
        %parallel_loop3A_466 = tpu.vector_load %arg7[%parallel_loop3A_465] {strides = array<i32>} : memref<66625xf32, #tpu.memory_space<vmem>>, vector<16xf32>,
        %parallel_loop3A_467 = arith.constant 32 : i32
        %parallel_loop3A_468 = arith.addi %parallel_loop3A_408, %parallel_loop3A_467 : i32
        %parallel_loop3A_469 = arith.index_cast %parallel_loop3A_468 : i32 to index
        %parallel_loop3A_470 = tpu.vector_load %arg7[%parallel_loop3A_469] {strides = array<i32>} : memref<66625xf32, #tpu.memory_space<vmem>>, vector<16xf32>,
        %parallel_loop3A_471 = arith.addf %parallel_loop3A_466, %parallel_loop3A_470 : vector<16xf32>
        %parallel_loop3A_472 = arith.constant 32 : i32
        %parallel_loop3A_473 = arith.addi %parallel_loop3A_410, %parallel_loop3A_472 : i32
        %parallel_loop3A_474 = arith.index_cast %parallel_loop3A_473 : i32 to index
        %parallel_loop3A_475 = tpu.vector_load %arg7[%parallel_loop3A_474] {strides = array<i32>} : memref<66625xf32, #tpu.memory_space<vmem>>, vector<16xf32>,
        %parallel_loop3A_476 = arith.addf %parallel_loop3A_471, %parallel_loop3A_475 : vector<16xf32>
        %parallel_loop3A_477 = arith.constant 32 : i32
        %parallel_loop3A_478 = arith.addi %parallel_loop3A_412, %parallel_loop3A_477 : i32
        %parallel_loop3A_479 = arith.index_cast %parallel_loop3A_478 : i32 to index
        %parallel_loop3A_480 = tpu.vector_load %arg7[%parallel_loop3A_479] {strides = array<i32>} : memref<66625xf32, #tpu.memory_space<vmem>>, vector<16xf32>,
        %parallel_loop3A_481 = arith.addf %parallel_loop3A_476, %parallel_loop3A_480 : vector<16xf32>
        %parallel_loop3A_482 = vector.broadcast %parallel_loop3A_414 : f32 to vector<16xf32>
        %parallel_loop3A_483 = arith.mulf %parallel_loop3A_481, %parallel_loop3A_482 : vector<16xf32>
        %parallel_loop3A_484 = arith.index_cast %parallel_loop3A_404 : i32 to index
        %parallel_loop3A_485 = arith.constant 32 : index
        %parallel_loop3A_486 = tpu.vector_load %arg15[%parallel_loop3A_484, %parallel_loop3A_485] {strides = array<i32>} : memref<128x64xf32, #tpu.memory_space<vmem>>, vector<16xf32>,
        tpu.vector_store %arg15[%parallel_loop3A_484, %parallel_loop3A_485], %parallel_loop3A_483 {strides = array<i32>} : memref<128x64xf32, #tpu.memory_space<vmem>>, vector<16xf32>,
        %parallel_loop3A_487 = arith.constant 48 : i32
        %parallel_loop3A_488 = arith.addi %parallel_loop3A_406, %parallel_loop3A_487 : i32
        %parallel_loop3A_489 = arith.index_cast %parallel_loop3A_488 : i32 to index
        %parallel_loop3A_490 = tpu.vector_load %arg7[%parallel_loop3A_489] {strides = array<i32>} : memref<66625xf32, #tpu.memory_space<vmem>>, vector<16xf32>,
        %parallel_loop3A_491 = arith.constant 48 : i32
        %parallel_loop3A_492 = arith.addi %parallel_loop3A_408, %parallel_loop3A_491 : i32
        %parallel_loop3A_493 = arith.index_cast %parallel_loop3A_492 : i32 to index
        %parallel_loop3A_494 = tpu.vector_load %arg7[%parallel_loop3A_493] {strides = array<i32>} : memref<66625xf32, #tpu.memory_space<vmem>>, vector<16xf32>,
        %parallel_loop3A_495 = arith.addf %parallel_loop3A_490, %parallel_loop3A_494 : vector<16xf32>
        %parallel_loop3A_496 = arith.constant 48 : i32
        %parallel_loop3A_497 = arith.addi %parallel_loop3A_410, %parallel_loop3A_496 : i32
        %parallel_loop3A_498 = arith.index_cast %parallel_loop3A_497 : i32 to index
        %parallel_loop3A_499 = tpu.vector_load %arg7[%parallel_loop3A_498] {strides = array<i32>} : memref<66625xf32, #tpu.memory_space<vmem>>, vector<16xf32>,
        %parallel_loop3A_500 = arith.addf %parallel_loop3A_495, %parallel_loop3A_499 : vector<16xf32>
        %parallel_loop3A_501 = arith.constant 48 : i32
        %parallel_loop3A_502 = arith.addi %parallel_loop3A_412, %parallel_loop3A_501 : i32
        %parallel_loop3A_503 = arith.index_cast %parallel_loop3A_502 : i32 to index
        %parallel_loop3A_504 = tpu.vector_load %arg7[%parallel_loop3A_503] {strides = array<i32>} : memref<66625xf32, #tpu.memory_space<vmem>>, vector<16xf32>,
        %parallel_loop3A_505 = arith.addf %parallel_loop3A_500, %parallel_loop3A_504 : vector<16xf32>
        %parallel_loop3A_506 = vector.broadcast %parallel_loop3A_414 : f32 to vector<16xf32>
        %parallel_loop3A_507 = arith.mulf %parallel_loop3A_505, %parallel_loop3A_506 : vector<16xf32>
        %parallel_loop3A_508 = arith.index_cast %parallel_loop3A_404 : i32 to index
        %parallel_loop3A_509 = arith.constant 48 : index
        %parallel_loop3A_510 = tpu.vector_load %arg15[%parallel_loop3A_508, %parallel_loop3A_509] {strides = array<i32>} : memref<128x64xf32, #tpu.memory_space<vmem>>, vector<16xf32>,
        tpu.vector_store %arg15[%parallel_loop3A_508, %parallel_loop3A_509], %parallel_loop3A_507 {strides = array<i32>} : memref<128x64xf32, #tpu.memory_space<vmem>>, vector<16xf32>,
        %parallel_loop3A_511 = arith.constant 4 : i32
        %parallel_loop3A_512 = arith.muli %parallel_loop3A_172, %parallel_loop3A_511 : i32
        %parallel_loop3A_513 = arith.constant 3 : i32
        %parallel_loop3A_514 = arith.addi %parallel_loop3A_512, %parallel_loop3A_513 : i32
        %parallel_loop3A_515 = vector.extract_strided_slice %parallel_loop3A_176 {offsets = [12], sizes = [1], strides = [1]} : vector<16xi32> to vector<1xi32>
        %parallel_loop3A_516 = vector.extract %parallel_loop3A_515[0] : i32 from vector<1xi32>
        %parallel_loop3A_517 = vector.extract_strided_slice %parallel_loop3A_176 {offsets = [13], sizes = [1], strides = [1]} : vector<16xi32> to vector<1xi32>
        %parallel_loop3A_518 = vector.extract %parallel_loop3A_517[0] : i32 from vector<1xi32>
        %parallel_loop3A_519 = vector.extract_strided_slice %parallel_loop3A_176 {offsets = [14], sizes = [1], strides = [1]} : vector<16xi32> to vector<1xi32>
        %parallel_loop3A_520 = vector.extract %parallel_loop3A_519[0] : i32 from vector<1xi32>
        %parallel_loop3A_521 = vector.extract_strided_slice %parallel_loop3A_176 {offsets = [15], sizes = [1], strides = [1]} : vector<16xi32> to vector<1xi32>
        %parallel_loop3A_522 = vector.extract %parallel_loop3A_521[0] : i32 from vector<1xi32>
        %parallel_loop3A_523 = vector.extract_strided_slice %parallel_loop3A_180 {offsets = [12], sizes = [1], strides = [1]} : vector<16xf32> to vector<1xf32>
        %parallel_loop3A_524 = vector.extract %parallel_loop3A_523[0] : f32 from vector<1xf32>
        %parallel_loop3A_525 = arith.constant 0 : i32
        %parallel_loop3A_526 = arith.addi %parallel_loop3A_516, %parallel_loop3A_525 : i32
        %parallel_loop3A_527 = arith.index_cast %parallel_loop3A_526 : i32 to index
        %parallel_loop3A_528 = tpu.vector_load %arg7[%parallel_loop3A_527] {strides = array<i32>} : memref<66625xf32, #tpu.memory_space<vmem>>, vector<16xf32>,
        %parallel_loop3A_529 = arith.constant 0 : i32
        %parallel_loop3A_530 = arith.addi %parallel_loop3A_518, %parallel_loop3A_529 : i32
        %parallel_loop3A_531 = arith.index_cast %parallel_loop3A_530 : i32 to index
        %parallel_loop3A_532 = tpu.vector_load %arg7[%parallel_loop3A_531] {strides = array<i32>} : memref<66625xf32, #tpu.memory_space<vmem>>, vector<16xf32>,
        %parallel_loop3A_533 = arith.addf %parallel_loop3A_528, %parallel_loop3A_532 : vector<16xf32>
        %parallel_loop3A_534 = arith.constant 0 : i32
        %parallel_loop3A_535 = arith.addi %parallel_loop3A_520, %parallel_loop3A_534 : i32
        %parallel_loop3A_536 = arith.index_cast %parallel_loop3A_535 : i32 to index
        %parallel_loop3A_537 = tpu.vector_load %arg7[%parallel_loop3A_536] {strides = array<i32>} : memref<66625xf32, #tpu.memory_space<vmem>>, vector<16xf32>,
        %parallel_loop3A_538 = arith.addf %parallel_loop3A_533, %parallel_loop3A_537 : vector<16xf32>
        %parallel_loop3A_539 = arith.constant 0 : i32
        %parallel_loop3A_540 = arith.addi %parallel_loop3A_522, %parallel_loop3A_539 : i32
        %parallel_loop3A_541 = arith.index_cast %parallel_loop3A_540 : i32 to index
        %parallel_loop3A_542 = tpu.vector_load %arg7[%parallel_loop3A_541] {strides = array<i32>} : memref<66625xf32, #tpu.memory_space<vmem>>, vector<16xf32>,
        %parallel_loop3A_543 = arith.addf %parallel_loop3A_538, %parallel_loop3A_542 : vector<16xf32>
        %parallel_loop3A_544 = vector.broadcast %parallel_loop3A_524 : f32 to vector<16xf32>
        %parallel_loop3A_545 = arith.mulf %parallel_loop3A_543, %parallel_loop3A_544 : vector<16xf32>
        %parallel_loop3A_546 = arith.index_cast %parallel_loop3A_514 : i32 to index
        %parallel_loop3A_547 = arith.constant 0 : index
        %parallel_loop3A_548 = tpu.vector_load %arg15[%parallel_loop3A_546, %parallel_loop3A_547] {strides = array<i32>} : memref<128x64xf32, #tpu.memory_space<vmem>>, vector<16xf32>,
        tpu.vector_store %arg15[%parallel_loop3A_546, %parallel_loop3A_547], %parallel_loop3A_545 {strides = array<i32>} : memref<128x64xf32, #tpu.memory_space<vmem>>, vector<16xf32>,
        %parallel_loop3A_549 = arith.constant 16 : i32
        %parallel_loop3A_550 = arith.addi %parallel_loop3A_516, %parallel_loop3A_549 : i32
        %parallel_loop3A_551 = arith.index_cast %parallel_loop3A_550 : i32 to index
        %parallel_loop3A_552 = tpu.vector_load %arg7[%parallel_loop3A_551] {strides = array<i32>} : memref<66625xf32, #tpu.memory_space<vmem>>, vector<16xf32>,
        %parallel_loop3A_553 = arith.constant 16 : i32
        %parallel_loop3A_554 = arith.addi %parallel_loop3A_518, %parallel_loop3A_553 : i32
        %parallel_loop3A_555 = arith.index_cast %parallel_loop3A_554 : i32 to index
        %parallel_loop3A_556 = tpu.vector_load %arg7[%parallel_loop3A_555] {strides = array<i32>} : memref<66625xf32, #tpu.memory_space<vmem>>, vector<16xf32>,
        %parallel_loop3A_557 = arith.addf %parallel_loop3A_552, %parallel_loop3A_556 : vector<16xf32>
        %parallel_loop3A_558 = arith.constant 16 : i32
        %parallel_loop3A_559 = arith.addi %parallel_loop3A_520, %parallel_loop3A_558 : i32
        %parallel_loop3A_560 = arith.index_cast %parallel_loop3A_559 : i32 to index
        %parallel_loop3A_561 = tpu.vector_load %arg7[%parallel_loop3A_560] {strides = array<i32>} : memref<66625xf32, #tpu.memory_space<vmem>>, vector<16xf32>,
        %parallel_loop3A_562 = arith.addf %parallel_loop3A_557, %parallel_loop3A_561 : vector<16xf32>
        %parallel_loop3A_563 = arith.constant 16 : i32
        %parallel_loop3A_564 = arith.addi %parallel_loop3A_522, %parallel_loop3A_563 : i32
        %parallel_loop3A_565 = arith.index_cast %parallel_loop3A_564 : i32 to index
        %parallel_loop3A_566 = tpu.vector_load %arg7[%parallel_loop3A_565] {strides = array<i32>} : memref<66625xf32, #tpu.memory_space<vmem>>, vector<16xf32>,
        %parallel_loop3A_567 = arith.addf %parallel_loop3A_562, %parallel_loop3A_566 : vector<16xf32>
        %parallel_loop3A_568 = vector.broadcast %parallel_loop3A_524 : f32 to vector<16xf32>
        %parallel_loop3A_569 = arith.mulf %parallel_loop3A_567, %parallel_loop3A_568 : vector<16xf32>
        %parallel_loop3A_570 = arith.index_cast %parallel_loop3A_514 : i32 to index
        %parallel_loop3A_571 = arith.constant 16 : index
        %parallel_loop3A_572 = tpu.vector_load %arg15[%parallel_loop3A_570, %parallel_loop3A_571] {strides = array<i32>} : memref<128x64xf32, #tpu.memory_space<vmem>>, vector<16xf32>,
        tpu.vector_store %arg15[%parallel_loop3A_570, %parallel_loop3A_571], %parallel_loop3A_569 {strides = array<i32>} : memref<128x64xf32, #tpu.memory_space<vmem>>, vector<16xf32>,
        %parallel_loop3A_573 = arith.constant 32 : i32
        %parallel_loop3A_574 = arith.addi %parallel_loop3A_516, %parallel_loop3A_573 : i32
        %parallel_loop3A_575 = arith.index_cast %parallel_loop3A_574 : i32 to index
        %parallel_loop3A_576 = tpu.vector_load %arg7[%parallel_loop3A_575] {strides = array<i32>} : memref<66625xf32, #tpu.memory_space<vmem>>, vector<16xf32>,
        %parallel_loop3A_577 = arith.constant 32 : i32
        %parallel_loop3A_578 = arith.addi %parallel_loop3A_518, %parallel_loop3A_577 : i32
        %parallel_loop3A_579 = arith.index_cast %parallel_loop3A_578 : i32 to index
        %parallel_loop3A_580 = tpu.vector_load %arg7[%parallel_loop3A_579] {strides = array<i32>} : memref<66625xf32, #tpu.memory_space<vmem>>, vector<16xf32>,
        %parallel_loop3A_581 = arith.addf %parallel_loop3A_576, %parallel_loop3A_580 : vector<16xf32>
        %parallel_loop3A_582 = arith.constant 32 : i32
        %parallel_loop3A_583 = arith.addi %parallel_loop3A_520, %parallel_loop3A_582 : i32
        %parallel_loop3A_584 = arith.index_cast %parallel_loop3A_583 : i32 to index
        %parallel_loop3A_585 = tpu.vector_load %arg7[%parallel_loop3A_584] {strides = array<i32>} : memref<66625xf32, #tpu.memory_space<vmem>>, vector<16xf32>,
        %parallel_loop3A_586 = arith.addf %parallel_loop3A_581, %parallel_loop3A_585 : vector<16xf32>
        %parallel_loop3A_587 = arith.constant 32 : i32
        %parallel_loop3A_588 = arith.addi %parallel_loop3A_522, %parallel_loop3A_587 : i32
        %parallel_loop3A_589 = arith.index_cast %parallel_loop3A_588 : i32 to index
        %parallel_loop3A_590 = tpu.vector_load %arg7[%parallel_loop3A_589] {strides = array<i32>} : memref<66625xf32, #tpu.memory_space<vmem>>, vector<16xf32>,
        %parallel_loop3A_591 = arith.addf %parallel_loop3A_586, %parallel_loop3A_590 : vector<16xf32>
        %parallel_loop3A_592 = vector.broadcast %parallel_loop3A_524 : f32 to vector<16xf32>
        %parallel_loop3A_593 = arith.mulf %parallel_loop3A_591, %parallel_loop3A_592 : vector<16xf32>
        %parallel_loop3A_594 = arith.index_cast %parallel_loop3A_514 : i32 to index
        %parallel_loop3A_595 = arith.constant 32 : index
        %parallel_loop3A_596 = tpu.vector_load %arg15[%parallel_loop3A_594, %parallel_loop3A_595] {strides = array<i32>} : memref<128x64xf32, #tpu.memory_space<vmem>>, vector<16xf32>,
        tpu.vector_store %arg15[%parallel_loop3A_594, %parallel_loop3A_595], %parallel_loop3A_593 {strides = array<i32>} : memref<128x64xf32, #tpu.memory_space<vmem>>, vector<16xf32>,
        %parallel_loop3A_597 = arith.constant 48 : i32
        %parallel_loop3A_598 = arith.addi %parallel_loop3A_516, %parallel_loop3A_597 : i32
        %parallel_loop3A_599 = arith.index_cast %parallel_loop3A_598 : i32 to index
        %parallel_loop3A_600 = tpu.vector_load %arg7[%parallel_loop3A_599] {strides = array<i32>} : memref<66625xf32, #tpu.memory_space<vmem>>, vector<16xf32>,
        %parallel_loop3A_601 = arith.constant 48 : i32
        %parallel_loop3A_602 = arith.addi %parallel_loop3A_518, %parallel_loop3A_601 : i32
        %parallel_loop3A_603 = arith.index_cast %parallel_loop3A_602 : i32 to index
        %parallel_loop3A_604 = tpu.vector_load %arg7[%parallel_loop3A_603] {strides = array<i32>} : memref<66625xf32, #tpu.memory_space<vmem>>, vector<16xf32>,
        %parallel_loop3A_605 = arith.addf %parallel_loop3A_600, %parallel_loop3A_604 : vector<16xf32>
        %parallel_loop3A_606 = arith.constant 48 : i32
        %parallel_loop3A_607 = arith.addi %parallel_loop3A_520, %parallel_loop3A_606 : i32
        %parallel_loop3A_608 = arith.index_cast %parallel_loop3A_607 : i32 to index
        %parallel_loop3A_609 = tpu.vector_load %arg7[%parallel_loop3A_608] {strides = array<i32>} : memref<66625xf32, #tpu.memory_space<vmem>>, vector<16xf32>,
        %parallel_loop3A_610 = arith.addf %parallel_loop3A_605, %parallel_loop3A_609 : vector<16xf32>
        %parallel_loop3A_611 = arith.constant 48 : i32
        %parallel_loop3A_612 = arith.addi %parallel_loop3A_522, %parallel_loop3A_611 : i32
        %parallel_loop3A_613 = arith.index_cast %parallel_loop3A_612 : i32 to index
        %parallel_loop3A_614 = tpu.vector_load %arg7[%parallel_loop3A_613] {strides = array<i32>} : memref<66625xf32, #tpu.memory_space<vmem>>, vector<16xf32>,
        %parallel_loop3A_615 = arith.addf %parallel_loop3A_610, %parallel_loop3A_614 : vector<16xf32>
        %parallel_loop3A_616 = vector.broadcast %parallel_loop3A_524 : f32 to vector<16xf32>
        %parallel_loop3A_617 = arith.mulf %parallel_loop3A_615, %parallel_loop3A_616 : vector<16xf32>
        %parallel_loop3A_618 = arith.index_cast %parallel_loop3A_514 : i32 to index
        %parallel_loop3A_619 = arith.constant 48 : index
        %parallel_loop3A_620 = tpu.vector_load %arg15[%parallel_loop3A_618, %parallel_loop3A_619] {strides = array<i32>} : memref<128x64xf32, #tpu.memory_space<vmem>>, vector<16xf32>,
        tpu.vector_store %arg15[%parallel_loop3A_618, %parallel_loop3A_619], %parallel_loop3A_617 {strides = array<i32>} : memref<128x64xf32, #tpu.memory_space<vmem>>, vector<16xf32>,
      } {sc.loop_unroll_factor = 2 : i64, sc.parallel_access}
      %dma_wait3A_142 = arith.constant 0 : i32
      %dma_wait3A_143 = arith.constant 0 : i32
      %dma_wait3A_144 = tpu.memref_slice %arg3[%dma_wait3A_142, %dma_wait3A_143] : memref<100000x64xf32, #tpu.memory_space<hbm>> -> memref<100000x64xf32, #tpu.memory_space<hbm>>
      tpu.wait_indirect_dma semaphore(%arg19 : memref<!tpu.dma_semaphore, #tpu.memory_space<semaphore_mem>>) src(%dma_wait3A_144 : memref<100000x64xf32, #tpu.memory_space<hbm>>) dst(%arg13 : memref<128x64xf32, #tpu.memory_space<vmem>>)
      %mul3A_145 = arith.constant 6400 : i32
      %mul3A_146 = arith.muli %add3A, %mul3A_145 : i32
      %mul3A_147 = arith.constant 128 : i32
      %mul3A_148 = arith.muli %add3A_111, %mul3A_147 : i32
      %add3A_149 = arith.addi %mul3A_146, %mul3A_148 : i32
      %dma_start3A_150 = arith.constant 0 : i32
      %dma_start3A_151 = tpu.memref_slice %arg6[%add3A_149, %dma_start3A_150] : memref<204800x128xf32, #tpu.memory_space<hbm>> -> memref<128x64xf32, #tpu.memory_space<hbm>>
      %dma_start3A_152 = arith.constant 0 : i32
      %dma_start3A_153 = tpu.memref_slice %arg6[%add3A_149, %dma_start3A_152] : memref<204800x128xf32, #tpu.memory_space<hbm>> -> memref<128x64xf32, #tpu.memory_space<hbm>>
      tpu.enqueue_dma source(%arg15 : memref<128x64xf32, #tpu.memory_space<vmem>>) target(%dma_start3A_153 : memref<128x64xf32, #tpu.memory_space<hbm>>) target_semaphore(%arg23 : memref<!tpu.dma_semaphore, #tpu.memory_space<semaphore_mem>>)
      %mul3A_154 = arith.constant 6400 : i32
      %mul3A_155 = arith.muli %add3A, %mul3A_154 : i32
      %mul3A_156 = arith.constant 128 : i32
      %mul3A_157 = arith.muli %add3A_111, %mul3A_156 : i32
      %add3A_158 = arith.addi %mul3A_155, %mul3A_157 : i32
      %dma_start3A_159 = arith.constant 64 : i32
      %dma_start3A_160 = tpu.memref_slice %arg6[%add3A_158, %dma_start3A_159] : memref<204800x128xf32, #tpu.memory_space<hbm>> -> memref<128x64xf32, #tpu.memory_space<hbm>>
      %dma_start3A_161 = arith.constant 64 : i32
      %dma_start3A_162 = tpu.memref_slice %arg6[%add3A_158, %dma_start3A_161] : memref<204800x128xf32, #tpu.memory_space<hbm>> -> memref<128x64xf32, #tpu.memory_space<hbm>>
      tpu.enqueue_dma source(%arg13 : memref<128x64xf32, #tpu.memory_space<vmem>>) target(%dma_start3A_162 : memref<128x64xf32, #tpu.memory_space<hbm>>) target_semaphore(%arg25 : memref<!tpu.dma_semaphore, #tpu.memory_space<semaphore_mem>>)
      %add3A_163 = arith.constant 2 : i32
      %add3A_164 = arith.addi %add3A_111, %add3A_163 : i32
      %mul3A_165 = arith.constant 6400 : i32
      %mul3A_166 = arith.muli %add3A, %mul3A_165 : i32
      %mul3A_167 = arith.constant 128 : i32
      %mul3A_168 = arith.muli %add3A_164, %mul3A_167 : i32
      %add3A_169 = arith.addi %mul3A_166, %mul3A_168 : i32
      %dma_start3A_170 = tpu.memref_slice %arg2[%add3A_169] : memref<205056xi32, #tpu.memory_space<hbm>> -> memref<128xi32, #tpu.memory_space<hbm>>
      %dma_start3A_171 = tpu.memref_slice %arg2[%add3A_169] : memref<205056xi32, #tpu.memory_space<hbm>> -> memref<128xi32, #tpu.memory_space<hbm>>
      tpu.enqueue_dma source(%dma_start3A_171 : memref<128xi32, #tpu.memory_space<hbm>>) target(%arg9 : memref<128xi32, #tpu.memory_space<vmem>>) target_semaphore(%arg27 : memref<!tpu.dma_semaphore, #tpu.memory_space<semaphore_mem>>)
    }
    %scan3A_18 = arith.constant 25 : i32
    %dma_wait3A = arith.constant 0 : i32
    %dma_wait3A_19 = arith.constant 0 : i32
    %dma_wait3A_20 = tpu.memref_slice %arg5[%dma_wait3A, %dma_wait3A_19] : memref<100000x16xi32, #tpu.memory_space<hbm>> -> memref<100000x16xi32, #tpu.memory_space<hbm>>
    tpu.wait_indirect_dma semaphore(%arg20 : memref<!tpu.dma_semaphore, #tpu.memory_space<semaphore_mem>>) src(%dma_wait3A_20 : memref<100000x16xi32, #tpu.memory_space<hbm>>) dst(%arg10 : memref<128x16xi32, #tpu.memory_space<vmem>>)
    %dma_wait3A_21 = arith.constant 0 : i32
    %dma_wait3A_22 = arith.constant 0 : i32
    %dma_wait3A_23 = tpu.memref_slice %arg3[%dma_wait3A_21, %dma_wait3A_22] : memref<100000x64xf32, #tpu.memory_space<hbm>> -> memref<100000x64xf32, #tpu.memory_space<hbm>>
    tpu.wait_indirect_dma semaphore(%arg18 : memref<!tpu.dma_semaphore, #tpu.memory_space<semaphore_mem>>) src(%dma_wait3A_23 : memref<100000x64xf32, #tpu.memory_space<hbm>>) dst(%arg12 : memref<128x64xf32, #tpu.memory_space<vmem>>)
    %dma_wait3A_24 = tpu.memref_slice %arg2[%mul3A_2] : memref<205056xi32, #tpu.memory_space<hbm>> -> memref<128xi32, #tpu.memory_space<hbm>>
    %dma_wait3A_25 = tpu.memref_slice %arg2[%mul3A_2] : memref<205056xi32, #tpu.memory_space<hbm>> -> memref<128xi32, #tpu.memory_space<hbm>>
    tpu.wait_dma2 semaphore(%arg27 : memref<!tpu.dma_semaphore, #tpu.memory_space<semaphore_mem>>) src(%dma_wait3A_25 : memref<128xi32, #tpu.memory_space<hbm>>) dst(%arg9 : memref<128xi32, #tpu.memory_space<vmem>>)
    %mul3A_26 = arith.constant 6400 : i32
    %mul3A_27 = arith.muli %add3A, %mul3A_26 : i32
    %add3A_28 = arith.constant 0 : i32
    %add3A_29 = arith.addi %mul3A_27, %add3A_28 : i32
    %dma_wait3A_30 = arith.constant 0 : i32
    %dma_wait3A_31 = tpu.memref_slice %arg6[%add3A_29, %dma_wait3A_30] : memref<204800x128xf32, #tpu.memory_space<hbm>> -> memref<128x64xf32, #tpu.memory_space<hbm>>
    %dma_wait3A_32 = arith.constant 0 : i32
    %dma_wait3A_33 = tpu.memref_slice %arg6[%add3A_29, %dma_wait3A_32] : memref<204800x128xf32, #tpu.memory_space<hbm>> -> memref<128x64xf32, #tpu.memory_space<hbm>>
    tpu.wait_dma2 semaphore(%arg22 : memref<!tpu.dma_semaphore, #tpu.memory_space<semaphore_mem>>) src(%arg14 : memref<128x64xf32, #tpu.memory_space<vmem>>) dst(%dma_wait3A_33 : memref<128x64xf32, #tpu.memory_space<hbm>>)
    %mul3A_34 = arith.constant 6400 : i32
    %mul3A_35 = arith.muli %add3A, %mul3A_34 : i32
    %add3A_36 = arith.constant 0 : i32
    %add3A_37 = arith.addi %mul3A_35, %add3A_36 : i32
    %dma_wait3A_38 = arith.constant 0 : i32
    %dma_wait3A_39 = tpu.memref_slice %arg6[%add3A_37, %dma_wait3A_38] : memref<204800x128xf32, #tpu.memory_space<hbm>> -> memref<128x64xf32, #tpu.memory_space<hbm>>
    %dma_wait3A_40 = arith.constant 0 : i32
    %dma_wait3A_41 = tpu.memref_slice %arg6[%add3A_37, %dma_wait3A_40] : memref<204800x128xf32, #tpu.memory_space<hbm>> -> memref<128x64xf32, #tpu.memory_space<hbm>>
    tpu.wait_dma2 semaphore(%arg23 : memref<!tpu.dma_semaphore, #tpu.memory_space<semaphore_mem>>) src(%arg15 : memref<128x64xf32, #tpu.memory_space<vmem>>) dst(%dma_wait3A_41 : memref<128x64xf32, #tpu.memory_space<hbm>>)
    %mul3A_42 = arith.constant 6400 : i32
    %mul3A_43 = arith.muli %add3A, %mul3A_42 : i32
    %add3A_44 = arith.constant 0 : i32
    %add3A_45 = arith.addi %mul3A_43, %add3A_44 : i32
    %dma_wait3A_46 = arith.constant 64 : i32
    %dma_wait3A_47 = tpu.memref_slice %arg6[%add3A_45, %dma_wait3A_46] : memref<204800x128xf32, #tpu.memory_space<hbm>> -> memref<128x64xf32, #tpu.memory_space<hbm>>
    %dma_wait3A_48 = arith.constant 64 : i32
    %dma_wait3A_49 = tpu.memref_slice %arg6[%add3A_45, %dma_wait3A_48] : memref<204800x128xf32, #tpu.memory_space<hbm>> -> memref<128x64xf32, #tpu.memory_space<hbm>>
    tpu.wait_dma2 semaphore(%arg25 : memref<!tpu.dma_semaphore, #tpu.memory_space<semaphore_mem>>) src(%arg13 : memref<128x64xf32, #tpu.memory_space<vmem>>) dst(%dma_wait3A_49 : memref<128x64xf32, #tpu.memory_space<hbm>>)
    return
  }
}

</mosaic_0001>

<sc_bundles>
// kernel: _run.3.cloned.1.call-start
scs
__scs_entry_jumppad:
0x0: {  	(pc) =	sbr.rel $0x88, $3  }
0x1: {  	(tag) =	ssettag $0x0;
	lr =	simm.s32 $0x1  }
0x2: {  	[smem:$0x3F9D] =	sst lr;
	_ =	strace $0xD0000000  }
0x3: {  	_ = 	snop  }
0x4: {  	_ = 	snop  }
0x5: {  	_ = 	snop  }
0x6: {  	_ = 	snop  }
0x7: {  	_ = 	snop  }
__scs_overlays_trampoline_lowered:
0x8: {  	[smem:$0x3FAC] =	sst s0  }
0x9: {  	[smem:$0x3FAD] =	sst s1  }
0xa: {  	[smem:$0x3FAE] =	sst s2  }
0xb: {  	[smem:$0x3FAF] =	sst s3  }
0xc: {  	[smem:$0x3FB0] =	sst s4  }
0xd: {  	[smem:$0x3FB1] =	sst s5  }
0xe: {  	[smem:$0x3FB2] =	sst s6  }
0xf: {  	[smem:$0x3FB3] =	sst s7  }
0x10: {  	[smem:$0x3FB4] =	sst s8  }
0x11: {  	[smem:$0x3FB5] =	sst s9;
	s0 =	simm.s32 @!p0 $0x0  }
0x12: {  	s1 =	sld [smem:$0x3F9B];
	s0 =	simm.s32 @p0 $0x1  }
0x13: {  	[smem:$0x3FB6] =	sst s0;
	s0 =	simm.s32 @!p1 $0x0  }
0x14: {  	s2 =	sld [smem:$0x3F9A];
	s0 =	simm.s32 @p1 $0x1  }
0x15: {  	[smem:$0x3FB7] =	sst s0;
	s0 =	simm.s32 @!p2 $0x0  }
0x16: {  	s3 =	sld [smem:$0x3FDB];
	s0 =	simm.s32 @p2 $0x1  }
0x17: {  	s4 =	simm.s32 $0x1BF5;
	[smem:$0x3FB9] =	sst s0  }
0x18: {  	s0 =	sld [smem:$0x3F9C];
	_ =	swait.ge [sflag:s4], $0x0  }
0x19: {  	s7 =	sld [smem:$0x3F9D]  }
0x1a: {  	s8 =	sadd.s32 $0xFFFFE003, lr  }
0x1b: {  	s9 =	sadd.s32 $0xFFFFFEF7, lr;
	s5 =	simm.s32 $0xFFFFFFFF;
	p2 =	slt.u32 s8, $0xFFFFF086  }
0x1c: {  	p1 =	slt.u32 s9, $0xF7A;
	s5 =	simm.s32 @!p2 $0x0  }
0x1d: {  	s5 =	simm.s32 @p1 $0x1;
	p0 =	seq.s32 s7, s2  }
0x1e: {  	s7 =	smul.u32 @!p0 $0xF7A, s2;
	p2 =	seq.s32 @!p0 s5, $0x0  }
0x1f: {  	s9 =	smul.u32 $0xF7A, s1;
	s8 =	simm.s32 @!p0 $0x1BF5;
	p2 =	por !p2, p0  }
0x20: {  	[sflag:s8] =	ssyncset.s32 @!p0 $0xFFFFF086;
	s6 =	sadd.s32 @!p0 s3, s7;
	s7 =	simm.s32 @!p0 $0x108  }
0x21: {  	s3 =	sadd.s32 s3, s9;
	s6 =	sadd.s32 @!p0 $0x88, s6;
	s7 =	simm.s32 @p2 $0x1082  }
0x22: {  	[simem:s7], [sflag:s8] =	dma.local @!p0 [hbm:s6], $0xF7A  }
0x23: {  	s9 =	sor.u32 $0xD0000000, s2;
	s6 =	simm.s32 $0x108;
	_ =	swait.ge @!p0 [sflag:s8], $0x0  }
0x24: {  	s3 =	sadd.s32 $0x88, s3;
	s6 =	simm.s32 @!p1 $0x1082;
	[sflag:s4] =	ssyncset.s32 $0xFFFFF086  }
0x25: {  	[simem:s6], [sflag:s4] =	dma.local [hbm:s3], $0xF7A  }
0x26: {  	[smem:$0x3F9D] =	sst s1;
	(tag) =	ssettag s2;
	_ =	strace s9  }
0x27: {  	s1 =	sld [smem:$0x3FAD]  }
0x28: {  	s2 =	sld [smem:$0x3FAE]  }
0x29: {  	s4 =	sld [smem:$0x3FB0]  }
0x2a: {  	p0 =	seq.s32 s5, $0x0;
	s5 =	sld [smem:$0x3FB1]  }
0x2b: {  	s6 =	sld [smem:$0x3FB2]  }
0x2c: {  	s7 =	sld [smem:$0x3FB3]  }
0x2d: {  	s3 =	simm.s32 $0x108;
	s8 =	sld [smem:$0x3FB4]  }
0x2e: {  	s3 =	simm.s32 @!p0 $0x1082;
	s9 =	sld [smem:$0x3FB5]  }
0x2f: {  	lr =	sadd.s32 s0, s3;
	s0 =	sld [smem:$0x3FAC]  }
0x30: {  	s3 =	sld [smem:$0x3FAF]  }
0x31: {  	[smem:$0x3FB8] =	sst s10  }
0x32: {  	s10 =	sld [smem:$0x3FB6];
	_ =	sdelay $0x3  }
0x33: {  	p0 =	seq.s32 s10, $0x1;
	s10 =	sld [smem:$0x3FB8];
	_ =	sdelay $0x3  }
0x34: {  	[smem:$0x3FB8] =	sst s10  }
0x35: {  	s10 =	sld [smem:$0x3FB7];
	_ =	sdelay $0x3  }
0x36: {  	p1 =	seq.s32 s10, $0x1;
	s10 =	sld [smem:$0x3FB8];
	_ =	sdelay $0x3  }
0x37: {  	[smem:$0x3FB8] =	sst s10  }
0x38: {  	s10 =	sld [smem:$0x3FB9]  }
0x39: {  	_ = 	snop;
	(pc) =	sbr.ind lr, $3  }
0x3a: {  	_ = 	snop  }
0x3b: {  	_ = 	snop  }
0x3c: {  	p2 =	seq.s32 s10, $0x1;
	s10 =	sld [smem:$0x3FB8]  }
0x3d: {  	_ =	shalt  }
0x3e: {  	_ =	shalt  }
0x3f: {  	_ =	shalt  }
0x40: {  	_ =	shalt  }
0x41: {  	_ =	shalt  }
0x42: {  	_ =	shalt  }
0x43: {  	_ =	shalt  }
0x44: {  	_ =	shalt  }
0x45: {  	_ =	shalt  }
0x46: {  	_ =	shalt  }
0x47: {  	_ =	shalt  }
0x48: {  	_ =	shalt  }
0x49: {  	_ =	shalt  }
0x4a: {  	_ =	shalt  }
0x4b: {  	_ =	shalt  }
0x4c: {  	_ =	shalt  }
0x4d: {  	_ =	shalt  }
0x4e: {  	_ =	shalt  }
0x4f: {  	_ =	shalt  }
0x50: {  	_ =	shalt  }
0x51: {  	_ =	shalt  }
0x52: {  	_ =	shalt  }
0x53: {  	_ =	shalt  }
0x54: {  	_ =	shalt  }
0x55: {  	_ =	shalt  }
0x56: {  	_ =	shalt  }
0x57: {  	_ =	shalt  }
0x58: {  	_ =	shalt  }
0x59: {  	_ =	shalt  }
0x5a: {  	_ =	shalt  }
0x5b: {  	_ =	shalt  }
0x5c: {  	_ =	shalt  }
0x5d: {  	_ =	shalt  }
0x5e: {  	_ =	shalt  }
0x5f: {  	_ =	shalt  }
0x60: {  	_ =	shalt  }
0x61: {  	_ =	shalt  }
0x62: {  	_ =	shalt  }
0x63: {  	_ =	shalt  }
0x64: {  	_ =	shalt  }
0x65: {  	_ =	shalt  }
0x66: {  	_ =	shalt  }
0x67: {  	_ =	shalt  }
0x68: {  	_ =	shalt  }
0x69: {  	_ =	shalt  }
0x6a: {  	_ =	shalt  }
0x6b: {  	_ =	shalt  }
0x6c: {  	_ =	shalt  }
0x6d: {  	_ =	shalt  }
0x6e: {  	_ =	shalt  }
0x6f: {  	_ =	shalt  }
0x70: {  	_ =	shalt  }
0x71: {  	_ =	shalt  }
0x72: {  	_ =	shalt  }
0x73: {  	_ =	shalt  }
0x74: {  	_ =	shalt  }
0x75: {  	_ =	shalt  }
0x76: {  	_ =	shalt  }
0x77: {  	_ =	shalt  }
0x78: {  	_ =	shalt  }
0x79: {  	_ =	shalt  }
0x7a: {  	_ =	shalt  }
0x7b: {  	_ =	shalt  }
0x7c: {  	_ =	shalt  }
0x7d: {  	_ =	shalt  }
0x7e: {  	_ =	shalt  }
0x7f: {  	_ =	shalt  }
0x80: {  	_ =	shalt  }
0x81: {  	_ =	shalt  }
0x82: {  	_ =	shalt  }
0x83: {  	_ =	shalt  }
0x84: {  	_ =	shalt  }
0x85: {  	_ =	shalt  }
0x86: {  	_ =	shalt  }
0x87: {  	_ =	shalt  }
.Lfunc_end0:
.L_simem_size_0:
called_computation_lowered:
.L_overlay_start_0:
0x88: {  	s2 =	sld [smem:$0x3FD9]  }
0x89: {  	s3 =	sld [smem:$0x3FFE];
	_ =	sdelay $0x1  }
0x8a: {  	s1 =	srdreg.scid  }
0x8b: {  	s0 =	sand.u32 $0x1, s1  }
0x8c: {  	s17 =	sshll.u32 s0, $0xA;
	s2 =	sadd.s32 s3, s2  }
0x8d: {  	s2 =	sadd.s32 s2, s17  }
0x8e: {  	[smem:$0x3FC4] =	sst s2  }
0x8f: {  	_ = 	snop  }
0x90: {  	s2 =	sld [smem:$0x3FC9]  }
0x91: {  	s18 =	sld [smem:$0x3FC7]  }
0x92: {  	s4 =	sld [smem:$0x3FD0];
	(tm) =	ssettm $0x1  }
0x93: {  	s5 =	sld [smem:$0x3FFB];
	_ =	sdelay $0x3  }
0x94: {  	_ =	strace s5  }
0x95: {  	s5 =	sld [smem:$0x3FFC];
	_ =	sdelay $0x3  }
0x96: {  	_ =	strace s5  }
0x97: {  	s5 =	sld [smem:$0x3FFD];
	_ =	sdelay $0x3  }
0x98: {  	_ =	strace s5  }
0x99: {  	_ =	strace $0x8FFFFFFF  }
0x9a: {  	s19 =	sld [smem:$0x3FDB];
	_ =	sdelay $0x1  }
0x9b: {  	s6 =	simm.s32 $_scs_section_size  }
0x9c: {  	s7 =	simm.s32 $_size__tile_overlayer_lowered;
	s8 =	simm.s32 $_tile_overlayer_lowered  }
0x9d: {  	s22 =	simm.s32 $0x1BFF;
	s21 =	sshll.u32 s8, $0x1;
	s5 =	sadd.s32 s6, s19  }
0x9e: {  	s9 =	simm.s32 $0x0;
	s20 =	sshll.u32 s7, $0x1;
	s7 =	sadd.s32 s21, s5  }
0x9f: {  	[timem:s9], [sflag:s22] =	dma.local [hbm:s7], s20  }
0xa0: {  	_ =	swait.ge [sflag:s22], s20  }
0xa1: {  	s6 =	ssub.s32 $0x0, s20;
	[sflag:s22] =	ssyncset.done $0x0  }
0xa2: {  	[sflag:s22] =	ssyncadd.s32 s6;
	_ =	sdelay $0x1  }
0xa3: {  	s23 =	simm.s32 $0x1B8B  }
0xa4: {  	_ =	swait.ge [sflag:s23], $0x1  }
0xa5: {  	[sflag:s23] =	ssyncset.done $0x0  }
0xa6: {  	s25 =	simm.s32 $0x1B8E;
	s24 =	sld [smem:$0x3FFE];
	[sflag:s23] =	ssyncadd.s32 $0xFFFFFFFF  }
0xa7: {  	s26 =	simm.s32 $execute0_lowered;
	[smem:$0x3FD2] =	sst s25  }
0xa8: {  	s7 =	sshll.u32 s26, $0x1;
	_ =	strace $0x80000046;
	[dreg:$0x1] =	wrdreg $0xFFFFFFFF  }
0xa9: {  	s28 =	simm.s32 $_size_execute0_lowered;
	s5 =	sadd.s32 s5, s7;
	[dreg:$0x0] =	wrdreg $0x0  }
0xaa: {  	s7 =	sshll.u32 s28, $0x1;
	[dreg:$0x2] =	wrdreg s5  }
0xab: {  	[dreg:$0x3] =	wrdreg s7  }
0xac: {  	[dreg:$0x4] =	wrdreg $0xC0  }
0xad: {  	_ =	task [dreg:s9], $0x5FFFF  }
0xae: {  	[dreg:$0x1] =	wrdreg $0xFFFFFFFF  }
0xaf: {  	[dreg:$0x0] =	wrdreg $0x60  }
0xb0: {  	[dreg:$0x2] =	wrdreg s2  }
0xb1: {  	[dreg:$0x3] =	wrdreg s24  }
0xb2: {  	[dreg:$0x4] =	wrdreg s18  }
0xb3: {  	[dreg:$0x5] =	wrdreg s4  }
0xb4: {  	[dreg:$0x6] =	wrdreg $0x9  }
0xb5: {  	_ =	task.clear_ibuf [dreg:s9], $0x7FFFF;
	_ =	strace $0x90000046  }
0xb6: {  	s29 =	simm.s32 $0x9;
	_ =	strace $0x80000048  }
0xb7: {  	_ =	swait.ge [sflag:s29], $0x1  }
0xb8: {  	[sflag:s29] =	ssyncadd.s32 $0xFFFFFFFF  }
0xb9: {  	_ =	strace $0x90000048  }
0xba: {  	_ =	sfence  }
0xbb: {  	s30 =	sld [smem:$0x0];
	_ =	sdelay $0x2  }
0xbc: {  	s31 =	sshll.u32 s1, $0xD;
	s1 =	sshrl.u32 s1, $0x2  }
0xbd: {  	s3 =	sand.u32 $0x4000, s31;
	s1 =	sadd.s32 s1, s30  }
0xbe: {  	s0 =	sor.u32 s3, s0;
	s1 =	sshll.u32 s1, $0x11  }
0xbf: {  	s0 =	sor.u32 s1, s0  }
0xc0: {  	s0 =	sadd.s32 $0x8F2B, s0  }
0xc1: {  	[sflag:s0] =	ssyncadd.remote.s32 $0x1  }
0xc2: {  	_ =	sfence.sel $0xFFFF  }
0xc3: {  	[dreg:$0x0] =	wrdreg $0xFFFFFFFF;
	(pc) =	sbr.abs _section_cstart, $3  }
0xc4: {  	[dreg:$0x1] =	wrdreg $0xFFFFFFFF  }
0xc5: {  	_ =	task.clear_ibuf [dreg:s9], $0x2FFFF;
	_ =	strace $0x9FFFFFFF  }
0xc6: {  	(tm) =	ssettm $0x7FFFFFFF  }
0xc7: {  	_ =	shalt  }
tec
execute0_lowered:
.L_overlay_start_1:
0x0: {  	(tag) =	ssettag $0x1  }
0x1: {  	s6 =	rddreg [dreg:$0x0]  }
0x2: {  	s0 =	rddreg [dreg:$0x1];
	s1 =	srdreg.scid  }
0x3: {  	s2 =	stileid.u32;
	s7 =	rddreg [dreg:$0x3]  }
0x4: {  	s4 =	simm.s32 $0x0;
	s8 =	simm.s32 $0x13548;
	s9 =	simm.s32 $0x19748  }
0x5: {  	s1 =	sand.u32 $0x1, s1;
	s2 =	sshll.u32 s2, $0x1;
	[smem:$0x7FF] =	sst s4  }
0x6: {  	s5 =	sadd.s32 $0x600, s0;
	s0 =	sadd.s32 $0xC3C00, s0;
	s2 =	sor.u32 s1, s2  }
0x7: {  	_ =	strace $0x80000047;
	[smem:$0x7F4] =	sst s5;
	s3 =	smul.u32 $0x1900, s2  }
0x8: {  	s28 =	sadd.s32 $0x8, s7;
	[smem:$0x7F5] =	sst s0;
	s26 =	smul.u32 $0xC8000, s2  }
0x9: {  	s10 =	simm.s32 $0x19548;
	s7 =	simm.s32 $0x10D48;
	[smem:$0x7F9] =	sst s28  }
0xa: {  	s1 =	ssub.s32 $0x2, s1;
	[smem:$0x7F8] =	sst s26;
	s29 =	sadd.s32 $0x100, s3  }
0xb: {  	s23 =	sshrl.u32 s1, $0x1;
	s30 =	sor.u32 $0x80, s3;
	[smem:$0x7FA] =	sst s29  }
0xc: {  	s24 =	ssub.s32 s1, s23;
	s31 =	sadd.s32 $0x180, s3;
	[smem:$0x7FB] =	sst s30  }
0xd: {  	s22 =	sshrl.u32 s3, $0x3;
	s0 =	smax.u32 s24, $0x1;
	[smem:$0x7FC] =	sst s31  }
0xe: {  	s5 =	simm.s32 $0x10548;
	s4 =	sadd.s32 s6, s22;
	[smem:$0x7FD] =	sst s0  }
0xf: {  	s2 =	simm.s32 $0x0;
	[smem:$0x7F6] =	sst s4;
	s25 =	sadd.s32 $0x10, s4  }
0x10: {  	v0 =	vlaneseq.u32;
	v1 =	vimm.f32 $1.000000000e+00;
	s6 =	simm.s32 $0x104C8;
	s4 =	simm.s32 $0x80;
	[smem:$0x7F7] =	sst s25  }
.LBB2_1:
0x11: {  	[smem:$0x7F3] =	sst s2  }
0x12: {  	s0 =	rddreg [dreg:$0x2];
	s1 =	simm.s32 $0x0;
	s25 =	simm.s32 $0xB  }
0x13: {  	[tilespmem:s1], [sflag:$0xB] =	stream.linear.gather [hbm4b:s0+s1], $0x10448, $0x38;
	[tilespmem:$0x19948] =	vst v63  }
0x14: {  	_ =	swait.ge [sflag:s25], $0x10448  }
0x15: {  	s26 =	sld [smem:$0x7F6]  }
0x16: {  	[sflag:s25] =	ssyncset.done $0x0  }
0x17: {  	s3 =	simm.s32 $0x10448;
	[sflag:s25] =	ssyncadd.s32 $0xFFFEFBB8  }
0x18: {  	[tilespmem:s3], [sflag:$0xB] =	stream.linear.gather [hbm4b:s26+s1], $0x80, $0x38;
	[tilespmem:$0x19948] =	vst v63  }
0x19: {  	_ =	swait.ge [sflag:s25], $0x80  }
0x1a: {  	s28 =	sld [smem:$0x7F5]  }
0x1b: {  	[sflag:s25] =	ssyncset.done $0x0  }
0x1c: {  	s29 =	sld [smem:$0x7F4];
	[sflag:s25] =	ssyncadd.s32 $0xFFFFFF80  }
0x1d: {  	[tilespmem:s5], [sflag:$0x3] =	stream.indirect.gather [hbm4b:s28+s4], $0x10, s3, s4, $0xb8;
	[tilespmem:$0x19948] =	vst v63  }
0x1e: {  	s30 =	simm.s32 $0x11548;
	s31 =	sld [smem:$0x7F7]  }
0x1f: {  	[tilespmem:s30], [sflag:$0x1] =	stream.indirect.gather [hbm4b:s29+s4], $0x40, s3, s4, $0xb8;
	[tilespmem:$0x19948] =	vst v63  }
0x20: {  	s2 =	simm.s32 $0x0  }
0x21: {  	[tilespmem:s6], [sflag:$0xA] =	stream.linear.gather [hbm4b:s31+s1], $0x80, $0x38;
	[tilespmem:$0x19948] =	vst v63  }
.LBB2_2:
0x22: {  	p0 =	seq.s32 s2, $0x0  }
0x23: {  	s0 =	simm.s32 @!p0 $0x8  }
0x24: {  	_ =	swait.ge @!p0 [sflag:s0], $0x2000  }
0x25: {  	[sflag:s0] =	ssyncset.done @!p0 $0x0  }
0x26: {  	s21 =	simm.s32 $0xA;
	[sflag:s0] =	ssyncadd.s32 @!p0 $0xFFFFE000  }
0x27: {  	_ =	swait.ge [sflag:s21], $0x80  }
0x28: {  	s1 =	sld [smem:$0x7F5]  }
0x29: {  	[sflag:s21] =	ssyncset.done $0x0  }
0x2a: {  	s22 =	simm.s32 $0x0;
	s23 =	sld [smem:$0x7F4];
	[sflag:s21] =	ssyncadd.s32 $0xFFFFFF80  }
0x2b: {  	v3 =	vor.u32 s22, v0;
	[tilespmem:s7], [sflag:$0x4] =	stream.indirect.gather [hbm4b:s1+s4], $0x10, s6, s4, $0xb8;
	[tilespmem:$0x19948] =	vst v63  }
0x2c: {  	s24 =	simm.s32 $0x3;
	v2 =	vshll.u32 v3, $0x4  }
0x2d: {  	[tilespmem:s8], [sflag:$0x2] =	stream.indirect.gather [hbm4b:s23+s4], $0x40, s6, s4, $0xb8;
	[tilespmem:$0x19948] =	vst v63  }
0x2e: {  	s25 =	simm.s32 $0x10;
	v4 =	vor.u32 $0x1, v2;
	_ =	swait.ge [sflag:s24], $0x800  }
0x2f: {  	v5 =	vor.u32 s25, v0;
	[sflag:s24] =	ssyncset.done $0x0  }
0x30: {  	v6 =	vshll.u32 v5, $0x4;
	[sflag:s24] =	ssyncadd.s32 $0xFFFFF800  }
0x31: {  	v2 =	vld.idx.msk [tilespmem:v2+s5+$0x0], $0xffff;
	_ =	sdelay $0x1  }
0x32: {  	v4 =	vld.idx.msk [tilespmem:v4+s5+$0x0], $0xffff  }
0x33: {  	s26 =	simm.s32 $0x30;
	s28 =	simm.s32 $0x20  }
0x34: {  	v10 =	vor.u32 s26, v0;
	v18 =	vor.u32 s28, v0;
	v7 =	vor.u32 $0x1, v6;
	v8 =	vld.idx.msk [tilespmem:v6+s5+$0x0], $0xffff  }
0x35: {  	v17 =	vshll.u32 v10, $0x4;
	v13 =	vand.u32 $0xFFFF, v2;
	v14 =	vshrl.u32 v2, $0x10  }
0x36: {  	v42 =	vshll.u32 v18, $0x2;
	vm0 =	veq.s32 v13, $0x400;
	vm1 =	veq.s32 v14, $0x400  }
0x37: {  	v15 =	vand.u32 $0xFFFF, v4;
	v6 =	vsel vm0, $0x0, v1;
	v9 =	vsel vm1, $0x0, v1  }
0x38: {  	v19 =	vor.u32 $0x1, v17;
	vm0 =	veq.s32 v15, $0x400;
	v9 =	vadd.f32 v9, v6  }
0x39: {  	v7 =	vld.idx.msk [tilespmem:v7+s5+$0x0], $0xffff;
	v16 =	vshrl.u32 v4, $0x10;
	v12 =	vand.u32 $0xFFFF, v8;
	v11 =	vsel vm0, $0x0, v1  }
0x3a: {  	vm0 =	veq.s32 v16, $0x400;
	v4 =	vadd.f32 v11, v9;
	v9 =	vshll.u32 v18, $0x4  }
0x3b: {  	v61 =	vor.u32 $0x1, v42;
	v11 =	vsel vm0, $0x0, v1;
	vm0 =	veq.s32 v12, $0x400  }
0x3c: {  	v20 =	vor.u32 $0x1, v9;
	v4 =	vadd.f32 v4, v11;
	v11 =	vshrl.u32 v8, $0x10  }
0x3d: {  	v2 =	vshll.u32 v5, $0x2;
	v8 =	vsel vm0, $0x0, v1;
	vm0 =	veq.s32 v11, $0x400  }
0x3e: {  	v21 =	vand.u32 $0xFFFF, v7;
	v30 =	vmul.u32 $0x41, v14;
	v14 =	vld.idx.msk [tilespmem:v17+s5+$0x0], $0xffff;
	v22 =	vsel vm0, $0x0, v1  }
0x3f: {  	s29 =	simm.s32 $0x50;
	v7 =	vshrl.u32 v7, $0x10;
	v5 =	vor.u32 $0x1, v2;
	v8 =	vadd.f32 v22, v8;
	v22 =	vld.idx.msk [tilespmem:v9+s5+$0x0], $0xffff  }
0x40: {  	v34 =	vmul.u32 $0x41, v15;
	v35 =	vmul.u32 $0x41, v16;
	v16 =	vld.idx.msk [tilespmem:v19+s5+$0x0], $0xffff;
	v19 =	vor.u32 s29, v0  }
0x41: {  	vm1 =	veq.s32 v7, $0x400;
	v6 =	vor.u32 $0x2, v2;
	v37 =	vshll.u32 v19, $0x4;
	v20 =	vld.idx.msk [tilespmem:v20+s5+$0x0], $0xffff  }
0x42: {  	v23 =	vsel vm1, $0x0, v1;
	v12 =	vmul.u32 $0x41, v12;
	v38 =	vor.u32 $0x1, v37  }
0x43: {  	v24 =	vand.u32 $0xFFFF, v14;
	vm0 =	veq.s32 v21, $0x400;
	(erf) = vrcp.f32 v4  }
0x44: {  	v4 =	vsel vm0, $0x0, v1;
	v27 =	vand.u32 $0xFFFF, v22;
	v32 =	vshrl.u32 v22, $0x10  }
0x45: {  	v22 =	vmul.u32 $0x41, v13;
	vm0 =	veq.s32 v27, $0x400;
	vm1 =	veq.s32 v32, $0x400  }
0x46: {  	v33 =	vand.u32 $0xFFFF, v20;
	v13 =	vsel vm0, $0x0, v1;
	v17 =	vsel vm1, $0x0, v1  }
0x47: {  	v11 =	vmul.u32 $0x41, v11;
	vm0 =	veq.s32 v33, $0x400;
	v15 =	vadd.f32 v17, v13  }
0x48: {  	v9 =	vmul.u32 $0x41, v21;
	v36 =	vshrl.u32 v20, $0x10;
	v17 =	vsel vm0, $0x0, v1  }
0x49: {  	v21 =	vshll.u32 v3, $0x2;
	vm0 =	veq.s32 v36, $0x400;
	v15 =	vadd.f32 v17, v15  }
0x4a: {  	v26 =	vor.u32 $0x1, v21;
	v29 =	vor.u32 $0x2, v21;
	v20 =	vsel vm0, $0x0, v1  }
0x4b: {  	v31 =	vor.u32 $0x3, v21;
	v4 =	vadd.f32 v4, v8;
	v15 =	vadd.f32 v15, v20  }
0x4c: {  	s30 =	simm.s32 $0x40;
	v8 =	vmul.u32 $0x41, v7;
	v7 =	vshll.u32 v10, $0x2;
	v10 =	vor.u32 $0x3, v2  }
0x4d: {  	v23 =	vadd.f32 v4, v23;
	v13 =	vor.u32 s30, v0;
	(erf) = vrcp.f32 v15  }
0x4e: {  	v3 =	vor.u32 $0x1, v7;
	v4 =	vor.u32 $0x2, v7;
	v17 =	vshll.u32 v13, $0x4  }
0x4f: {  	vm0 =	veq.s32 v24, $0x400;
	v24 =	vmul.u32 $0x41, v24;
	v20 =	vshrl.u32 v14, $0x10  }
0x50: {  	v25 =	vor.u32 $0x1, v17;
	v14 =	vsel vm0, $0x0, v1;
	vm0 =	veq.s32 v20, $0x400  }
0x51: {  	v15 =	vand.u32 $0xFFFF, v16;
	v28 =	vsel vm0, $0x0, v1;
	(erf) = vrcp.f32 v23;
	v23 =	vpop (erf)  }
0x52: {  	v16 =	vshrl.u32 v16, $0x10;
	v14 =	vadd.f32 v28, v14;
	vm0 =	veq.s32 v15, $0x400;
	[tilespmem:v21+s9+$0x0] =	vst.idx.msk $0xffff, v23  }
0x53: {  	v39 =	vld.idx.msk [tilespmem:v17+s5+$0x0], $0xffff;
	v17 =	vmul.u32 $0x41, v15;
	v28 =	vsel vm0, $0x0, v1;
	vm0 =	veq.s32 v16, $0x400;
	[tilespmem:v21+s10+$0x0] =	vst.idx.msk $0xffff, v22  }
0x54: {  	v23 =	vmul.u32 $0x41, v20;
	v20 =	vshll.u32 v19, $0x2;
	v40 =	vadd.f32 v28, v14;
	[tilespmem:v26+s10+$0x0] =	vst.idx.msk $0xffff, v30  }
0x55: {  	v41 =	vsel vm0, $0x0, v1;
	v14 =	vmul.u32 $0x41, v16;
	v28 =	vld.idx.msk [tilespmem:v25+s5+$0x0], $0xffff;
	v21 =	vor.u32 $0x3, v7;
	[tilespmem:v29+s10+$0x0] =	vst.idx.msk $0xffff, v34  }
0x56: {  	v16 =	vor.u32 $0x1, v20;
	v15 =	vor.u32 $0x2, v20;
	v26 =	vmul.u32 $0x41, v27;
	[tilespmem:v31+s10+$0x0] =	vst.idx.msk $0xffff, v35;
	v27 =	vpop (erf)  }
0x57: {  	v30 =	vor.u32 $0x2, v42;
	v25 =	vadd.f32 v40, v41;
	v31 =	vmul.u32 $0x41, v32;
	[tilespmem:v42+s9+$0x0] =	vst.idx.msk $0xffff, v27  }
0x58: {  	v29 =	vor.u32 $0x3, v42;
	v22 =	vand.u32 $0xFFFF, v39;
	v19 =	vshrl.u32 v39, $0x10;
	[tilespmem:v42+s10+$0x0] =	vst.idx.msk $0xffff, v26  }
0x59: {  	s31 =	sshll.u32 s2, $0x8;
	v32 =	vmul.u32 $0x41, v33;
	vm0 =	veq.s32 v22, $0x400;
	vm1 =	veq.s32 v19, $0x400;
	v27 =	vld.idx.msk [tilespmem:v37+s5+$0x0], $0xffff;
	[smem:$0x7F1] =	sst s2  }
0x5a: {  	v18 =	vand.u32 $0xFFFF, v28;
	v62 =	vsel vm0, $0x0, v1;
	v63 =	vsel vm1, $0x0, v1;
	[smem:$0x7F2] =	sst s31  }
0x5b: {  	s0 =	simm.s32 $0x4;
	s1 =	simm.s32 $0x70;
	v33 =	vmul.u32 $0x41, v36;
	v34 =	vadd.f32 v63, v62;
	vm0 =	veq.s32 v18, $0x400;
	v26 =	vld.idx.msk [tilespmem:v38+s5+$0x0], $0xffff;
	[tilespmem:v61+s10+$0x0] =	vst.idx.msk $0xffff, v31;
	v31 =	vpop (erf)  }
.LBB2_3:
0x5c: {  	s2 =	sadd.s32 $0xFFFFFFF0, s1;
	v35 =	vor.u32 s1, v0;
	v36 =	vshrl.u32 v28, $0x10;
	v28 =	vsel vm0, $0x0, v1;
	[tilespmem:v30+s10+$0x0] =	vst.idx.msk $0xffff, v32  }
0x5d: {  	v30 =	vor.u32 s2, v0;
	v28 =	vadd.f32 v28, v34;
	vm0 =	veq.s32 v36, $0x400;
	[tilespmem:v29+s10+$0x0] =	vst.idx.msk $0xffff, v33  }
0x5e: {  	v32 =	vshll.u32 v35, $0x4;
	v29 =	vshll.u32 v30, $0x4;
	v33 =	vsel vm0, $0x0, v1;
	[tilespmem:v2+s9+$0x0] =	vst.idx.msk $0xffff, v31  }
0x5f: {  	v31 =	vor.u32 $0x1, v32;
	v28 =	vadd.f32 v28, v33;
	v33 =	vand.u32 $0xFFFF, v27;
	[tilespmem:v2+s10+$0x0] =	vst.idx.msk $0xffff, v12;
	v12 =	vmovc v24  }
0x60: {  	v34 =	vshrl.u32 v27, $0x10;
	v24 =	vor.u32 $0x1, v29;
	v2 =	vmovc v7;
	vm0 =	veq.s32 v33, $0x400;
	[tilespmem:v5+s10+$0x0] =	vst.idx.msk $0xffff, v11;
	v11 =	vmovc v23  }
0x61: {  	s0 =	sadd.s32 $0x2, s0;
	v7 =	vmovc v20;
	v23 =	vsel vm0, $0x0, v1;
	vm0 =	veq.s32 v34, $0x400;
	(erf) = vrcp.f32 v28;
	[tilespmem:v6+s10+$0x0] =	vst.idx.msk $0xffff, v9;
	v9 =	vmovc v17  }
0x62: {  	p1 =	slt.u32 s0, $0x6;
	v20 =	vshrl.u32 v26, $0x10;
	v17 =	vand.u32 $0xFFFF, v26;
	v26 =	vsel vm0, $0x0, v1;
	[tilespmem:v10+s10+$0x0] =	vst.idx.msk $0xffff, v8;
	v8 =	vmovc v14;
	v10 =	vmovc v21  }
0x63: {  	vm1 =	veq.s32 v20, $0x400;
	v5 =	vmovc v3;
	v3 =	vmovc v16;
	vm0 =	veq.s32 v17, $0x400;
	v37 =	vld.idx.msk [tilespmem:v29+s5+$0x0], $0xffff;
	v14 =	vadd.f32 v26, v23  }
0x64: {  	v6 =	vmovc v4;
	v4 =	vmovc v15;
	v21 =	vsel vm1, $0x0, v1;
	v16 =	vsel vm0, $0x0, v1;
	v27 =	vld.idx.msk [tilespmem:v32+s5+$0x0], $0xffff;
	(erf) = vrcp.f32 v25  }
0x65: {  	v17 =	vmul.u32 $0x41, v17;
	v28 =	vld.idx.msk [tilespmem:v24+s5+$0x0], $0xffff;
	v15 =	vadd.f32 v16, v14;
	v14 =	vmul.u32 $0x41, v20  }
0x66: {  	v23 =	vmul.u32 $0x41, v34;
	v24 =	vmul.u32 $0x41, v33;
	v26 =	vld.idx.msk [tilespmem:v31+s5+$0x0], $0xffff;
	v31 =	vshll.u32 v13, $0x2;
	v13 =	vmovc v30  }
0x67: {  	v20 =	vshll.u32 v35, $0x2;
	v25 =	vadd.f32 v15, v21;
	v21 =	vor.u32 $0x3, v7  }
0x68: {  	v16 =	vor.u32 $0x1, v20;
	v15 =	vor.u32 $0x2, v20;
	v33 =	vor.u32 $0x1, v31  }
.Ltmp0:
0x69: {  	v30 =	vor.u32 $0x2, v31;
	v29 =	vor.u32 $0x3, v31;
	v32 =	vand.u32 $0xFFFF, v37;
	(pc) =	sbr.rel @p1 .LBB2_3-.Ltmp0, $4  }
0x6a: {  	v34 =	vmul.u32 $0x41, v22;
	v35 =	vmul.u32 $0x41, v19;
	v19 =	vshrl.u32 v37, $0x10;
	v22 =	vpop (erf)  }
0x6b: {  	vm0 =	veq.s32 v32, $0x400;
	vm1 =	veq.s32 v19, $0x400;
	v37 =	vand.u32 $0xFFFF, v28;
	[tilespmem:v31+s9+$0x0] =	vst.idx.msk $0xffff, v22;
	v22 =	vmovc v32  }
0x6c: {  	v38 =	vsel vm0, $0x0, v1;
	v39 =	vsel vm1, $0x0, v1;
	v32 =	vmul.u32 $0x41, v18;
	v18 =	vmovc v37;
	[tilespmem:v31+s10+$0x0] =	vst.idx.msk $0xffff, v34  }
0x6d: {  	s1 =	sadd.s32 $0x20, s1;
	v34 =	vadd.f32 v39, v38;
	vm0 =	veq.s32 v18, $0x400;
	[tilespmem:v33+s10+$0x0] =	vst.idx.msk $0xffff, v35;
	v33 =	vmul.u32 $0x41, v36;
	v31 =	vpop (erf)  }
0x6e: {  	v28 =	vshrl.u32 v28, $0x10;
	v35 =	vsel vm0, $0x0, v1  }
0x6f: {  	v34 =	vadd.f32 v35, v34;
	vm12 =	veq.s32 v28, $0x400  }
0x70: {  	v38 =	vsel vm12, $0x0, v1  }
0x71: {  	v34 =	vadd.f32 v34, v38;
	_ =	sdelay $0x1  }
0x72: {  	(erf) = vrcp.f32 v34  }
0x73: {  	v39 =	vand.u32 $0xFFFF, v27;
	v40 =	vshrl.u32 v27, $0x10  }
0x74: {  	vm13 =	veq.s32 v39, $0x400;
	vm1 =	veq.s32 v40, $0x400  }
0x75: {  	[tilespmem:v30+s10+$0x0] =	vst.idx.msk $0xffff, v32;
	v42 =	vand.u32 $0xFFFF, v26;
	v41 =	vsel vm13, $0x0, v1;
	v43 =	vsel vm1, $0x0, v1  }
0x76: {  	v44 =	vshrl.u32 v26, $0x10;
	[tilespmem:v2+s9+$0x0] =	vst.idx.msk $0xffff, v31;
	vm14 =	veq.s32 v42, $0x400;
	v45 =	vadd.f32 v43, v41  }
0x77: {  	v13 =	vshll.u32 v13, $0x2;
	[tilespmem:v29+s10+$0x0] =	vst.idx.msk $0xffff, v33;
	v46 =	vsel vm14, $0x0, v1;
	(erf) = vrcp.f32 v25  }
0x78: {  	[tilespmem:v2+s10+$0x0] =	vst.idx.msk $0xffff, v12;
	vm15 =	veq.s32 v44, $0x400;
	v2 =	vadd.f32 v46, v45  }
0x79: {  	[tilespmem:v5+s10+$0x0] =	vst.idx.msk $0xffff, v11;
	v5 =	vsel vm15, $0x0, v1;
	v11 =	vor.u32 $0x1, v13  }
0x7a: {  	[tilespmem:v6+s10+$0x0] =	vst.idx.msk $0xffff, v9;
	v2 =	vadd.f32 v2, v5;
	v5 =	vor.u32 $0x2, v13  }
0x7b: {  	v6 =	vor.u32 $0x3, v13;
	[tilespmem:v10+s10+$0x0] =	vst.idx.msk $0xffff, v8;
	v8 =	vmul.u32 $0x41, v22;
	v9 =	vpop (erf)  }
0x7c: {  	v10 =	vmul.u32 $0x41, v19;
	(erf) = vrcp.f32 v2;
	v2 =	vmul.u32 $0x41, v18;
	[tilespmem:v13+s9+$0x0] =	vst.idx.msk $0xffff, v9  }
0x7d: {  	[tilespmem:v13+s10+$0x0] =	vst.idx.msk $0xffff, v8  }
0x7e: {  	v8 =	vmul.u32 $0x41, v28;
	[tilespmem:v11+s10+$0x0] =	vst.idx.msk $0xffff, v10  }
0x7f: {  	[tilespmem:v5+s10+$0x0] =	vst.idx.msk $0xffff, v2  }
0x80: {  	v2 =	vpop (erf);
	[tilespmem:v6+s10+$0x0] =	vst.idx.msk $0xffff, v8  }
0x81: {  	[tilespmem:v7+s9+$0x0] =	vst.idx.msk $0xffff, v2  }
0x82: {  	[tilespmem:v7+s10+$0x0] =	vst.idx.msk $0xffff, v24  }
0x83: {  	[tilespmem:v3+s10+$0x0] =	vst.idx.msk $0xffff, v23  }
0x84: {  	[tilespmem:v4+s10+$0x0] =	vst.idx.msk $0xffff, v17  }
0x85: {  	v2 =	vmul.u32 $0x41, v39;
	v3 =	vor.u32 $0x3, v20;
	[tilespmem:v21+s10+$0x0] =	vst.idx.msk $0xffff, v14;
	v4 =	vpop (erf)  }
0x86: {  	v5 =	vmul.u32 $0x41, v40;
	[tilespmem:v20+s9+$0x0] =	vst.idx.msk $0xffff, v4  }
0x87: {  	v4 =	vmul.u32 $0x41, v42;
	[tilespmem:v20+s10+$0x0] =	vst.idx.msk $0xffff, v2  }
0x88: {  	v2 =	vmul.u32 $0x41, v44;
	[tilespmem:v16+s10+$0x0] =	vst.idx.msk $0xffff, v5  }
0x89: {  	[tilespmem:v15+s10+$0x0] =	vst.idx.msk $0xffff, v4  }
0x8a: {  	s0 =	simm.s32 @!p0 $0x5;
	[tilespmem:v3+s10+$0x0] =	vst.idx.msk $0xffff, v2  }
0x8b: {  	_ =	swait.ge @!p0 [sflag:s0], $0x2000  }
0x8c: {  	[sflag:s0] =	ssyncset.done @!p0 $0x0  }
0x8d: {  	s19 =	simm.s32 $0x19558;
	[sflag:s0] =	ssyncadd.s32 @!p0 $0xFFFFE000  }
0x8e: {  	v7 =	vld [tilespmem:s19+$0x0];
	_ =	sdelay $0x2  }
0x8f: {  	v2 =	vld [tilespmem:s19+$0xFFFFFFF0];
	_ =	sdelay $0x1  }
0x90: {  	(v2sf) =	vpush v7, $0x0  }
0x91: {  	(v2sf) =	vpush v7, $0x1  }
0x92: {  	(v2sf) =	vpush v7, $0x2  }
0x93: {  	(v2sf) =	vpush v2, $0x0  }
0x94: {  	(v2sf) =	vpush v2, $0x1  }
0x95: {  	(v2sf) =	vpush v7, $0x3;
	_ =	sdelay $0x4  }
0x96: {  	(v2sf) =	vpush v2, $0x2;
	_ =	sdelay $0x2  }
0x97: {  	(v2sf) =	vpush v2, $0x3;
	_ =	sdelay $0x1  }
0x98: {  	s1 =	spop (v2sf)  }
0x99: {  	v3 =	vld [tilespmem:s1+$0x0];
	s3 =	spop (v2sf)  }
0x9a: {  	v4 =	vld [tilespmem:s3+$0x0];
	s20 =	spop (v2sf)  }
0x9b: {  	s8 =	spop (v2sf)  }
0x9c: {  	s4 =	simm.s32 $0x19758;
	v5 =	vld [tilespmem:s20+$0x0];
	s21 =	spop (v2sf)  }
0x9d: {  	v6 =	vld [tilespmem:s4+$0x0];
	s2 =	spop (v2sf)  }
0x9e: {  	v8 =	vld [tilespmem:s2+$0x0]  }
0x9f: {  	v3 =	vadd.f32 v4, v3;
	_ =	sdelay $0x1  }
0xa0: {  	v3 =	vadd.f32 v5, v3  }
0xa1: {  	s11 =	spop (v2sf)  }
0xa2: {  	v4 =	vbroadcast v6, $0x0;
	v9 =	vld [tilespmem:s11+$0x0];
	v3 =	vadd.f32 v8, v3  }
0xa3: {  	v5 =	vld [tilespmem:s8+$0x0]  }
0xa4: {  	s23 =	spop (v2sf);
	v8 =	vld [tilespmem:s21+$0x0];
	v3 =	vmul.f32 v3, v4  }
0xa5: {  	s5 =	simm.s32 $0x15648;
	v10 =	vld [tilespmem:s23+$0x0]  }
0xa6: {  	[tilespmem:s5+$0x0] =	vst v3;
	v3 =	vld [tilespmem:s4+$0xFFFFFFF0]  }
0xa7: {  	v11 =	vld [tilespmem:s1+$0x10]  }
0xa8: {  	v12 =	vld [tilespmem:s3+$0x10]  }
0xa9: {  	v5 =	vadd.f32 v8, v5  }
0xaa: {  	v8 =	vld [tilespmem:s20+$0x10]  }
0xab: {  	v5 =	vadd.f32 v9, v5  }
0xac: {  	v9 =	vld [tilespmem:s2+$0x10]  }
0xad: {  	v5 =	vadd.f32 v10, v5;
	v11 =	vadd.f32 v12, v11;
	v12 =	vbroadcast v3, $0x0;
	_ =	sdelay $0x1  }
0xae: {  	v8 =	vadd.f32 v8, v11;
	v5 =	vmul.f32 v5, v12;
	_ =	sdelay $0x1  }
0xaf: {  	v8 =	vadd.f32 v9, v8;
	[tilespmem:s5+$0xFFFFFF00] =	vst v5  }
0xb0: {  	v5 =	vld [tilespmem:s8+$0x10]  }
0xb1: {  	v9 =	vld [tilespmem:s21+$0x10];
	v8 =	vmul.f32 v8, v4  }
0xb2: {  	(v2sf) =	vpush v2, $0x4;
	v10 =	vld [tilespmem:s11+$0x10]  }
0xb3: {  	(v2sf) =	vpush v2, $0x5;
	v13 =	vld [tilespmem:s23+$0x10];
	[tilespmem:s5+$0x10] =	vst v8  }
0xb4: {  	(v2sf) =	vpush v2, $0x6;
	v8 =	vld [tilespmem:s1+$0x20]  }
0xb5: {  	(v2sf) =	vpush v2, $0x7;
	v11 =	vld [tilespmem:s3+$0x20]  }
0xb6: {  	(v2sf) =	vpush v2, $0x8;
	v5 =	vadd.f32 v9, v5  }
0xb7: {  	(v2sf) =	vpush v2, $0x9;
	v9 =	vld [tilespmem:s20+$0x20]  }
0xb8: {  	(v2sf) =	vpush v2, $0xA;
	v5 =	vadd.f32 v10, v5  }
0xb9: {  	(v2sf) =	vpush v2, $0xB;
	v10 =	vld [tilespmem:s2+$0x20]  }
0xba: {  	v8 =	vadd.f32 v11, v8;
	v5 =	vadd.f32 v13, v5  }
0xbb: {  	(v2sf) =	vpush v2, $0xC  }
0xbc: {  	(v2sf) =	vpush v2, $0xD;
	v8 =	vadd.f32 v9, v8;
	v5 =	vmul.f32 v5, v12  }
0xbd: {  	s12 =	simm.s32 $0x15648  }
0xbe: {  	(v2sf) =	vpush v2, $0xE;
	v8 =	vadd.f32 v10, v8;
	[tilespmem:s12+$0xFFFFFF10] =	vst v5  }
0xbf: {  	(v2sf) =	vpush v2, $0xF;
	v5 =	vld [tilespmem:s8+$0x20]  }
0xc0: {  	v2 =	vld [tilespmem:s21+$0x20];
	v8 =	vmul.f32 v8, v4  }
0xc1: {  	v9 =	vld [tilespmem:s11+$0x20]  }
0xc2: {  	(v2sf) =	vpush v7, $0x4;
	s24 =	spop (v2sf);
	v11 =	vld [tilespmem:s23+$0x20];
	[tilespmem:s12+$0x20] =	vst v8  }
0xc3: {  	(v2sf) =	vpush v7, $0x5;
	v10 =	vld [tilespmem:s3+$0x30];
	s3 =	spop (v2sf)  }
0xc4: {  	v8 =	vld [tilespmem:s1+$0x30];
	s4 =	spop (v2sf)  }
0xc5: {  	(v2sf) =	vpush v7, $0x6;
	v2 =	vadd.f32 v2, v5;
	s1 =	spop (v2sf)  }
0xc6: {  	v5 =	vld [tilespmem:s20+$0x30];
	s22 =	spop (v2sf)  }
0xc7: {  	(v2sf) =	vpush v7, $0x7;
	v2 =	vadd.f32 v9, v2;
	s0 =	spop (v2sf)  }
0xc8: {  	v9 =	vld [tilespmem:s2+$0x30];
	s7 =	spop (v2sf)  }
0xc9: {  	v8 =	vadd.f32 v10, v8;
	v2 =	vadd.f32 v11, v2;
	s6 =	spop (v2sf)  }
0xca: {  	s25 =	spop (v2sf)  }
0xcb: {  	v5 =	vadd.f32 v5, v8;
	v2 =	vmul.f32 v2, v12;
	[smem:$0x7EC] =	sst s25;
	s26 =	spop (v2sf)  }
0xcc: {  	[dreg:$0x17] =	wrdreg s26  }
0xcd: {  	v5 =	vadd.f32 v9, v5;
	s13 =	spop (v2sf);
	[tilespmem:s12+$0xFFFFFF20] =	vst v2  }
0xce: {  	s14 =	spop (v2sf);
	[dreg:$0x14] =	wrdreg s13  }
0xcf: {  	v4 =	vmul.f32 v5, v4;
	v2 =	vld [tilespmem:s8+$0x30];
	[dreg:$0x12] =	wrdreg s14  }
0xd0: {  	s15 =	simm.s32 $0x15648;
	v5 =	vld [tilespmem:s21+$0x30]  }
0xd1: {  	s16 =	spop (v2sf);
	v8 =	vld [tilespmem:s11+$0x30];
	[tilespmem:s15+$0x30] =	vst v4  }
0xd2: {  	s17 =	spop (v2sf);
	v4 =	vld [tilespmem:s16+$0x0]  }
0xd3: {  	v9 =	vld [tilespmem:s17+$0x0]  }
0xd4: {  	v10 =	vld [tilespmem:s23+$0x30];
	s18 =	spop (v2sf)  }
0xd5: {  	v2 =	vadd.f32 v5, v2;
	v5 =	vld [tilespmem:s18+$0x0]  }
0xd6: {  	s19 =	spop (v2sf)  }
0xd7: {  	v2 =	vadd.f32 v8, v2;
	v8 =	vld [tilespmem:s19+$0x0]  }
0xd8: {  	v4 =	vadd.f32 v9, v4  }
0xd9: {  	v2 =	vadd.f32 v10, v2  }
0xda: {  	v4 =	vadd.f32 v5, v4  }
0xdb: {  	v2 =	vmul.f32 v2, v12  }
0xdc: {  	v5 =	vbroadcast v6, $0x4;
	v4 =	vadd.f32 v8, v4  }
0xdd: {  	[tilespmem:s15+$0xFFFFFF30] =	vst v2  }
0xde: {  	v2 =	vld [tilespmem:s24+$0x0];
	v4 =	vmul.f32 v4, v5  }
0xdf: {  	v8 =	vld [tilespmem:s3+$0x0]  }
0xe0: {  	v9 =	vld [tilespmem:s4+$0x0];
	[tilespmem:s15+$0x40] =	vst v4  }
0xe1: {  	v4 =	vld [tilespmem:s16+$0x10]  }
0xe2: {  	v10 =	vld [tilespmem:s17+$0x10]  }
0xe3: {  	v11 =	vld [tilespmem:s1+$0x0]  }
0xe4: {  	v2 =	vadd.f32 v8, v2;
	v8 =	vld [tilespmem:s18+$0x10];
	_ =	sdelay $0x1  }
0xe5: {  	v2 =	vadd.f32 v9, v2;
	v9 =	vld [tilespmem:s19+$0x10]  }
0xe6: {  	v4 =	vadd.f32 v10, v4  }
0xe7: {  	v12 =	vbroadcast v3, $0x4;
	v2 =	vadd.f32 v11, v2  }
0xe8: {  	v4 =	vadd.f32 v8, v4  }
0xe9: {  	v2 =	vmul.f32 v2, v12  }
0xea: {  	v4 =	vadd.f32 v9, v4  }
0xeb: {  	[tilespmem:s15+$0xFFFFFF40] =	vst v2  }
0xec: {  	v2 =	vld [tilespmem:s24+$0x10];
	v4 =	vmul.f32 v4, v5  }
0xed: {  	v8 =	vld [tilespmem:s3+$0x10]  }
0xee: {  	v9 =	vld [tilespmem:s4+$0x10];
	[tilespmem:s15+$0x50] =	vst v4  }
0xef: {  	v4 =	vld [tilespmem:s16+$0x20]  }
0xf0: {  	v10 =	vld [tilespmem:s17+$0x20]  }
0xf1: {  	v11 =	vld [tilespmem:s1+$0x10]  }
0xf2: {  	v2 =	vadd.f32 v8, v2;
	v8 =	vld [tilespmem:s18+$0x20];
	_ =	sdelay $0x1  }
0xf3: {  	v2 =	vadd.f32 v9, v2;
	v9 =	vld [tilespmem:s19+$0x20]  }
0xf4: {  	v4 =	vadd.f32 v10, v4  }
0xf5: {  	v2 =	vadd.f32 v11, v2  }
0xf6: {  	v4 =	vadd.f32 v8, v4  }
0xf7: {  	v2 =	vmul.f32 v2, v12  }
0xf8: {  	v4 =	vadd.f32 v9, v4  }
0xf9: {  	[tilespmem:s15+$0xFFFFFF50] =	vst v2  }
0xfa: {  	v2 =	vld [tilespmem:s24+$0x20];
	v4 =	vmul.f32 v4, v5  }
0xfb: {  	v8 =	vld [tilespmem:s3+$0x20]  }
0xfc: {  	(v2sf) =	vpush v7, $0x8;
	v9 =	vld [tilespmem:s4+$0x20];
	[tilespmem:s15+$0x60] =	vst v4  }
0xfd: {  	(v2sf) =	vpush v7, $0x9;
	v10 =	vld [tilespmem:s16+$0x30]  }
0xfe: {  	s20 =	simm.s32 $0x19578;
	v11 =	vld [tilespmem:s17+$0x30]  }
0xff: {  	(v2sf) =	vpush v7, $0xA;
	v4 =	vld [tilespmem:s20+$0x0]  }
0x100: {  	v13 =	vld [tilespmem:s18+$0x30]  }
0x101: {  	(v2sf) =	vpush v7, $0xB;
	v14 =	vld [tilespmem:s1+$0x20]  }
0x102: {  	v2 =	vadd.f32 v8, v2;
	v8 =	vld [tilespmem:s19+$0x30]  }
0x103: {  	v15 =	vld [tilespmem:s20+$0xFFFFFFF0];
	v10 =	vadd.f32 v11, v10  }
0x104: {  	v2 =	vadd.f32 v9, v2  }
0x105: {  	(v2sf) =	vpush v4, $0x0;
	v9 =	vadd.f32 v13, v10  }
0x106: {  	(v2sf) =	vpush v4, $0x1;
	v2 =	vadd.f32 v14, v2  }
0x107: {  	(v2sf) =	vpush v4, $0x2;
	v8 =	vadd.f32 v8, v9  }
0x108: {  	(v2sf) =	vpush v15, $0x0;
	v2 =	vmul.f32 v2, v12  }
0x109: {  	s21 =	simm.s32 $0x15648;
	(v2sf) =	vpush v15, $0x1;
	v5 =	vmul.f32 v8, v5  }
0x10a: {  	(v2sf) =	vpush v4, $0x3;
	[tilespmem:s21+$0xFFFFFF60] =	vst v2  }
0x10b: {  	s15 =	spop (v2sf);
	v2 =	vld [tilespmem:s24+$0x30];
	[tilespmem:s21+$0x70] =	vst v5  }
0x10c: {  	s24 =	spop (v2sf);
	v5 =	vld [tilespmem:s15+$0x0]  }
0x10d: {  	v8 =	vld [tilespmem:s24+$0x0]  }
0x10e: {  	v9 =	vld [tilespmem:s3+$0x30];
	s25 =	spop (v2sf)  }
0x10f: {  	v10 =	vld [tilespmem:s25+$0x0]  }
0x110: {  	(v2sf) =	vpush v15, $0x2;
	v11 =	vld [tilespmem:s4+$0x30];
	s26 =	spop (v2sf)  }
0x111: {  	(v2sf) =	vpush v15, $0x3;
	v13 =	vld [tilespmem:s26+$0x0]  }
0x112: {  	v5 =	vadd.f32 v8, v5  }
0x113: {  	v8 =	vld [tilespmem:s1+$0x30]  }
0x114: {  	v2 =	vadd.f32 v9, v2;
	s1 =	spop (v2sf);
	v5 =	vadd.f32 v10, v5  }
0x115: {  	v9 =	vld [tilespmem:s1+$0x0];
	s5 =	spop (v2sf)  }
0x116: {  	v2 =	vadd.f32 v11, v2;
	v10 =	vbroadcast v6, $0x8;
	v11 =	vld [tilespmem:s5+$0x0];
	s14 =	spop (v2sf);
	v5 =	vadd.f32 v13, v5  }
0x117: {  	s4 =	spop (v2sf)  }
0x118: {  	s16 =	simm.s32 $0x19778;
	v13 =	vld [tilespmem:s14+$0x0];
	s10 =	spop (v2sf);
	v8 =	vadd.f32 v8, v2;
	v5 =	vmul.f32 v5, v10  }
0x119: {  	s23 =	simm.s32 $0x15648;
	v2 =	vld [tilespmem:s16+$0x0];
	s12 =	spop (v2sf)  }
0x11a: {  	v8 =	vmul.f32 v8, v12;
	[tilespmem:s23+$0x80] =	vst v5;
	v5 =	vld [tilespmem:s12+$0x0]  }
0x11b: {  	v9 =	vadd.f32 v11, v9;
	v12 =	vld [tilespmem:s15+$0x10]  }
0x11c: {  	[tilespmem:s23+$0xFFFFFF70] =	vst v8;
	v8 =	vld [tilespmem:s24+$0x10]  }
0x11d: {  	v14 =	vld [tilespmem:s4+$0x0];
	v9 =	vadd.f32 v13, v9  }
0x11e: {  	v13 =	vld [tilespmem:s25+$0x10]  }
0x11f: {  	v17 =	vld [tilespmem:s10+$0x0];
	s20 =	spop (v2sf);
	v5 =	vadd.f32 v5, v9;
	v9 =	vbroadcast v2, $0x0  }
0x120: {  	s13 =	spop (v2sf);
	v16 =	vld [tilespmem:s26+$0x10]  }
0x121: {  	v18 =	vld [tilespmem:s13+$0x0];
	v8 =	vadd.f32 v8, v12;
	v5 =	vmul.f32 v5, v9  }
0x122: {  	s2 =	simm.s32 $0x15848;
	v11 =	vld [tilespmem:s22+$0x0]  }
0x123: {  	v12 =	vld [tilespmem:s20+$0x0];
	v8 =	vadd.f32 v13, v8;
	[tilespmem:s2+$0x0] =	vst v5  }
0x124: {  	v13 =	vld [tilespmem:s1+$0x10]  }
0x125: {  	v8 =	vadd.f32 v16, v8;
	v16 =	vld [tilespmem:s5+$0x10]  }
0x126: {  	v5 =	vld [tilespmem:s16+$0xFFFFFFF0]  }
0x127: {  	v14 =	vadd.f32 v17, v14;
	v17 =	vld [tilespmem:s14+$0x10];
	v8 =	vmul.f32 v8, v10  }
0x128: {  	s17 =	simm.s32 $0x15648;
	v19 =	vld [tilespmem:s0+$0x0]  }
0x129: {  	(v2sf) =	vpush v15, $0x4;
	v12 =	vadd.f32 v12, v14;
	v14 =	vld [tilespmem:s12+$0x10];
	[tilespmem:s17+$0x90] =	vst v8  }
0x12a: {  	(v2sf) =	vpush v15, $0x5;
	v20 =	vld [tilespmem:s15+$0x20];
	v13 =	vadd.f32 v16, v13  }
0x12b: {  	(v2sf) =	vpush v15, $0x6;
	v12 =	vadd.f32 v18, v12;
	v8 =	vbroadcast v5, $0x0;
	v16 =	vld [tilespmem:s24+$0x20]  }
0x12c: {  	(v2sf) =	vpush v15, $0x7;
	v21 =	vld [tilespmem:s6+$0x0];
	v13 =	vadd.f32 v17, v13  }
0x12d: {  	(v2sf) =	vpush v15, $0x8;
	v12 =	vmul.f32 v12, v8;
	v17 =	vld [tilespmem:s25+$0x20]  }
0x12e: {  	(v2sf) =	vpush v15, $0x9;
	v18 =	vld [tilespmem:s7+$0x0];
	v13 =	vadd.f32 v14, v13  }
0x12f: {  	(v2sf) =	vpush v15, $0xA;
	[tilespmem:s2+$0xFFFFFF00] =	vst v12;
	v12 =	vld [tilespmem:s26+$0x20]  }
0x130: {  	(v2sf) =	vpush v15, $0xB;
	v14 =	vld [tilespmem:s4+$0x10];
	v16 =	vadd.f32 v16, v20;
	v13 =	vmul.f32 v13, v9  }
0x131: {  	(v2sf) =	vpush v15, $0xC;
	v20 =	vld [tilespmem:s10+$0x10]  }
0x132: {  	v11 =	vadd.f32 v19, v11;
	v19 =	vld [tilespmem:s20+$0x10];
	v16 =	vadd.f32 v17, v16;
	[tilespmem:s2+$0x10] =	vst v13  }
0x133: {  	(v2sf) =	vpush v15, $0xD;
	v13 =	vld [tilespmem:s1+$0x20]  }
0x134: {  	v17 =	vadd.f32 v18, v11;
	v12 =	vadd.f32 v12, v16;
	v16 =	vld [tilespmem:s5+$0x20]  }
0x135: {  	(v2sf) =	vpush v15, $0xE;
	v11 =	vbroadcast v3, $0x8;
	v18 =	vld [tilespmem:s13+$0x10]  }
0x136: {  	v17 =	vadd.f32 v21, v17;
	v14 =	vadd.f32 v20, v14;
	v20 =	vld [tilespmem:s14+$0x20];
	v12 =	vmul.f32 v12, v10;
	_ =	sdelay $0x1  }
0x137: {  	(v2sf) =	vpush v15, $0xF;
	v15 =	vmul.f32 v17, v11;
	v14 =	vadd.f32 v19, v14;
	[tilespmem:s17+$0xA0] =	vst v12;
	v12 =	vld [tilespmem:s12+$0x20]  }
0x138: {  	s30 =	spop (v2sf);
	v17 =	vld [tilespmem:s15+$0x30];
	v13 =	vadd.f32 v16, v13  }
0x139: {  	(v2sf) =	vpush v7, $0xC;
	s21 =	spop (v2sf);
	[tilespmem:s17+$0xFFFFFF80] =	vst v15;
	v14 =	vadd.f32 v18, v14;
	v15 =	vld [tilespmem:s24+$0x30]  }
0x13a: {  	(v2sf) =	vpush v7, $0xD;
	s19 =	spop (v2sf);
	v16 =	vld [tilespmem:s22+$0x10];
	v13 =	vadd.f32 v20, v13  }
0x13b: {  	(v2sf) =	vpush v7, $0xE;
	s18 =	spop (v2sf);
	v18 =	vld [tilespmem:s25+$0x30];
	v14 =	vmul.f32 v14, v8  }
0x13c: {  	(v2sf) =	vpush v7, $0xF;
	s16 =	spop (v2sf);
	v19 =	vld [tilespmem:s0+$0x10];
	v7 =	vadd.f32 v12, v13  }
0x13d: {  	s11 =	spop (v2sf);
	[tilespmem:s2+$0xFFFFFF10] =	vst v14;
	v12 =	vld [tilespmem:s26+$0x30]  }
0x13e: {  	s9 =	spop (v2sf);
	v13 =	vld [tilespmem:s4+$0x20];
	v14 =	vadd.f32 v15, v17;
	v7 =	vmul.f32 v7, v9  }
0x13f: {  	s8 =	spop (v2sf);
	v15 =	vld [tilespmem:s10+$0x20]  }
0x140: {  	s23 =	spop (v2sf);
	v17 =	vld [tilespmem:s20+$0x20];
	v14 =	vadd.f32 v18, v14;
	[tilespmem:s2+$0x20] =	vst v7  }
0x141: {  	s24 =	spop (v2sf);
	v7 =	vld [tilespmem:s1+$0x30];
	[dreg:$0x19] =	wrdreg s23  }
0x142: {  	v12 =	vadd.f32 v12, v14;
	v14 =	vld [tilespmem:s5+$0x30];
	[smem:$0x7F0] =	sst s24  }
0x143: {  	s25 =	spop (v2sf);
	v18 =	vld [tilespmem:s13+$0x20]  }
0x144: {  	(v2sf) =	vpush v4, $0x4;
	v20 =	vld [tilespmem:s14+$0x30];
	[dreg:$0x16] =	wrdreg s25  }
0x145: {  	(v2sf) =	vpush v4, $0x5;
	[smem:$0x7E9] =	sst s7  }
0x146: {  	s26 =	smov.u32 s7;
	v13 =	vadd.f32 v15, v13;
	v10 =	vmul.f32 v12, v10;
	v12 =	vld [tilespmem:s7+$0x10];
	s7 =	spop (v2sf);
	[smem:$0x7EA] =	sst s6  }
0x147: {  	(v2sf) =	vpush v4, $0x6;
	[smem:$0x7EF] =	sst s7  }
0x148: {  	v13 =	vadd.f32 v17, v13;
	s1 =	spop (v2sf);
	v15 =	vld [tilespmem:s6+$0x10];
	[tilespmem:s17+$0xB0] =	vst v10  }
0x149: {  	v10 =	vadd.f32 v19, v16;
	s3 =	spop (v2sf);
	(v2sf) =	vpush v4, $0x7;
	v16 =	vld [tilespmem:s1+$0x0]  }
0x14a: {  	v13 =	vadd.f32 v18, v13;
	v18 =	vld [tilespmem:s12+$0x30]  }
0x14b: {  	v17 =	vld [tilespmem:s3+$0x0];
	v7 =	vadd.f32 v14, v7  }
0x14c: {  	s5 =	spop (v2sf)  }
0x14d: {  	v10 =	vadd.f32 v12, v10;
	v7 =	vadd.f32 v20, v7;
	v12 =	vmul.f32 v13, v8;
	v13 =	vld [tilespmem:s5+$0x0]  }
0x14e: {  	s7 =	spop (v2sf)  }
0x14f: {  	[tilespmem:s2+$0xFFFFFF20] =	vst v12;
	v12 =	vld [tilespmem:s7+$0x0];
	v7 =	vadd.f32 v18, v7  }
0x150: {  	v10 =	vadd.f32 v15, v10;
	v15 =	vadd.f32 v17, v16  }
0x151: {  	v7 =	vmul.f32 v7, v9  }
0x152: {  	v10 =	vmul.f32 v10, v11;
	v18 =	vld [tilespmem:s20+$0x30];
	v13 =	vadd.f32 v13, v15  }
0x153: {  	v15 =	vld [tilespmem:s13+$0x30];
	s13 =	spop (v2sf);
	[tilespmem:s2+$0x30] =	vst v7  }
0x154: {  	[tilespmem:s17+$0xFFFFFF90] =	vst v10;
	s20 =	spop (v2sf);
	v10 =	vadd.f32 v12, v13;
	v12 =	vld [tilespmem:s13+$0x0]  }
0x155: {  	v13 =	vld [tilespmem:s20+$0x0]  }
0x156: {  	s15 =	spop (v2sf)  }
0x157: {  	v17 =	vld [tilespmem:s15+$0x0]  }
0x158: {  	s25 =	spop (v2sf)  }
0x159: {  	v20 =	vld [tilespmem:s25+$0x0]  }
0x15a: {  	v12 =	vadd.f32 v13, v12;
	_ =	sdelay $0x1  }
0x15b: {  	v12 =	vadd.f32 v17, v12;
	_ =	sdelay $0x1  }
0x15c: {  	v12 =	vadd.f32 v20, v12;
	v20 =	vbroadcast v2, $0x4  }
0x15d: {  	v16 =	vld [tilespmem:s10+$0x30]  }
0x15e: {  	v9 =	vld [tilespmem:s22+$0x20];
	v12 =	vmul.f32 v12, v20  }
0x15f: {  	v21 =	vld [tilespmem:s26+$0x20]  }
0x160: {  	v7 =	vld [tilespmem:s0+$0x20];
	[tilespmem:s2+$0x40] =	vst v12  }
0x161: {  	v12 =	vld [tilespmem:s13+$0x10]  }
0x162: {  	s10 =	simm.s32 $0x19598;
	v22 =	vld [tilespmem:s20+$0x10]  }
0x163: {  	v13 =	vld [tilespmem:s10+$0x0]  }
0x164: {  	v23 =	vld [tilespmem:s15+$0x10]  }
0x165: {  	(v2sf) =	vpush v4, $0x8;
	v47 =	vld [tilespmem:s6+$0x20]  }
0x166: {  	(v2sf) =	vpush v4, $0x9;
	v7 =	vadd.f32 v7, v9;
	v9 =	vld [tilespmem:s25+$0x10]  }
0x167: {  	(v2sf) =	vpush v4, $0xA;
	v17 =	vld [tilespmem:s10+$0xFFFFFFF0];
	v12 =	vadd.f32 v22, v12  }
0x168: {  	v6 =	vbroadcast v6, $0xC;
	(v2sf) =	vpush v4, $0xB;
	v14 =	vld [tilespmem:s4+$0x30];
	v7 =	vadd.f32 v21, v7  }
0x169: {  	(v2sf) =	vpush v13, $0x0;
	v12 =	vadd.f32 v23, v12  }
0x16a: {  	v10 =	vmul.f32 v10, v6;
	v7 =	vadd.f32 v47, v7;
	(v2sf) =	vpush v13, $0x1  }
0x16b: {  	(v2sf) =	vpush v13, $0x2;
	v9 =	vadd.f32 v9, v12  }
0x16c: {  	[tilespmem:s17+$0xC0] =	vst v10;
	v7 =	vmul.f32 v7, v11;
	(v2sf) =	vpush v17, $0x0  }
0x16d: {  	v10 =	vld [tilespmem:s1+$0x10];
	(v2sf) =	vpush v17, $0x1;
	v12 =	vadd.f32 v16, v14;
	v9 =	vmul.f32 v9, v20  }
0x16e: {  	v19 =	vld [tilespmem:s3+$0x10];
	[tilespmem:s17+$0xFFFFFFA0] =	vst v7;
	(v2sf) =	vpush v13, $0x3  }
0x16f: {  	v16 =	vld [tilespmem:s22+$0x30];
	v7 =	vadd.f32 v18, v12;
	[tilespmem:s2+$0x50] =	vst v9  }
0x170: {  	v9 =	vld [tilespmem:s13+$0x20]  }
0x171: {  	v7 =	vadd.f32 v15, v7;
	v12 =	vld [tilespmem:s20+$0x20]  }
0x172: {  	v14 =	vld [tilespmem:s5+$0x10]  }
0x173: {  	v7 =	vmul.f32 v7, v8;
	v8 =	vld [tilespmem:s15+$0x20]  }
0x174: {  	v15 =	vld [tilespmem:s7+$0x10];
	s4 =	spop (v2sf)  }
0x175: {  	s10 =	spop (v2sf);
	[tilespmem:s2+$0xFFFFFF30] =	vst v7;
	v7 =	vld [tilespmem:s25+$0x20]  }
0x176: {  	s22 =	spop (v2sf);
	v18 =	vld [tilespmem:s30+$0x0];
	v9 =	vadd.f32 v12, v9  }
0x177: {  	s31 =	spop (v2sf);
	v21 =	vld [tilespmem:s21+$0x0]  }
0x178: {  	v22 =	vld [tilespmem:s19+$0x0];
	s14 =	spop (v2sf);
	v8 =	vadd.f32 v8, v9  }
0x179: {  	s23 =	spop (v2sf);
	v9 =	vld [tilespmem:s14+$0x0]  }
0x17a: {  	v10 =	vadd.f32 v19, v10;
	s17 =	spop (v2sf);
	v7 =	vadd.f32 v7, v8;
	v8 =	vld [tilespmem:s23+$0x0]  }
0x17b: {  	v19 =	vld [tilespmem:s18+$0x0];
	s29 =	spop (v2sf)  }
0x17c: {  	s26 =	simm.s32 $0x19798;
	v10 =	vadd.f32 v14, v10;
	v14 =	vld [tilespmem:s17+$0x0];
	s6 =	spop (v2sf);
	v7 =	vmul.f32 v7, v20  }
0x17d: {  	v12 =	vld [tilespmem:s26+$0x0];
	s24 =	spop (v2sf)  }
0x17e: {  	v10 =	vadd.f32 v15, v10;
	v15 =	vadd.f32 v21, v18;
	[tilespmem:s2+$0x60] =	vst v7;
	v7 =	vld [tilespmem:s24+$0x0]  }
0x17f: {  	v21 =	vld [tilespmem:s13+$0x30];
	v8 =	vadd.f32 v8, v9  }
0x180: {  	v10 =	vmul.f32 v10, v6;
	v15 =	vadd.f32 v22, v15;
	v9 =	vld [tilespmem:s20+$0x30]  }
0x181: {  	v22 =	vld [tilespmem:s15+$0x30];
	s13 =	simm.s32 $0x15648;
	v8 =	vadd.f32 v14, v8  }
0x182: {  	v23 =	vld [tilespmem:s25+$0x30];
	[tilespmem:s13+$0xD0] =	vst v10;
	v10 =	vadd.f32 v19, v15;
	v14 =	vbroadcast v5, $0x4  }
0x183: {  	v18 =	vbroadcast v12, $0x0;
	v15 =	vld [tilespmem:s1+$0x20];
	v7 =	vadd.f32 v7, v8  }
0x184: {  	(v2sf) =	vpush v17, $0x2;
	v19 =	vld [tilespmem:s5+$0x20];
	v10 =	vmul.f32 v10, v14  }
0x185: {  	(v2sf) =	vpush v17, $0x3;
	v8 =	vld [tilespmem:s3+$0x20];
	v9 =	vadd.f32 v9, v21;
	v7 =	vmul.f32 v7, v18  }
0x186: {  	(v2sf) =	vpush v17, $0x4;
	s20 =	simm.s32 $0x15A48;
	[tilespmem:s2+$0xFFFFFF40] =	vst v10;
	v10 =	vld [tilespmem:s7+$0x20]  }
0x187: {  	(v2sf) =	vpush v17, $0x5;
	v21 =	vld [tilespmem:s30+$0x10];
	v9 =	vadd.f32 v22, v9;
	[tilespmem:s20+$0x0] =	vst v7  }
0x188: {  	(v2sf) =	vpush v17, $0x6;
	v7 =	vld [tilespmem:s14+$0x10]  }
0x189: {  	(v2sf) =	vpush v17, $0x7;
	v9 =	vadd.f32 v23, v9;
	v22 =	vld [tilespmem:s23+$0x10]  }
0x18a: {  	(v2sf) =	vpush v17, $0x8;
	v23 =	vld [tilespmem:s21+$0x10]  }
0x18b: {  	(v2sf) =	vpush v17, $0x9;
	v8 =	vadd.f32 v8, v15;
	v15 =	vld [tilespmem:s17+$0x10];
	v9 =	vmul.f32 v9, v20  }
0x18c: {  	(v2sf) =	vpush v17, $0xA;
	v20 =	vld [tilespmem:s19+$0x10]  }
0x18d: {  	(v2sf) =	vpush v17, $0xB;
	v8 =	vadd.f32 v19, v8;
	[tilespmem:s2+$0x70] =	vst v9;
	v9 =	vld [tilespmem:s24+$0x10]  }
0x18e: {  	(v2sf) =	vpush v17, $0xC;
	v19 =	vld [tilespmem:s4+$0x0]  }
0x18f: {  	v8 =	vadd.f32 v10, v8;
	v7 =	vadd.f32 v22, v7;
	v10 =	vld [tilespmem:s10+$0x0]  }
0x190: {  	(v2sf) =	vpush v17, $0xD  }
0x191: {  	v7 =	vadd.f32 v15, v7;
	v15 =	vadd.f32 v23, v21;
	v23 =	vld [tilespmem:s22+$0x0]  }
0x192: {  	(v2sf) =	vpush v17, $0xE;
	v22 =	vld [tilespmem:s18+$0x10]  }
0x193: {  	v8 =	vmul.f32 v8, v6;
	v7 =	vadd.f32 v9, v7;
	v9 =	vadd.f32 v20, v15;
	v15 =	vld [tilespmem:s31+$0x0]  }
0x194: {  	(v2sf) =	vpush v17, $0xF;
	v17 =	vld [tilespmem:s6+$0x0];
	v19 =	vadd.f32 v10, v19  }
0x195: {  	v21 =	vld [tilespmem:s0+$0x30];
	[tilespmem:s13+$0xE0] =	vst v8;
	v7 =	vmul.f32 v7, v18  }
0x196: {  	s13 =	spop (v2sf);
	v8 =	vld [tilespmem:s1+$0x30];
	v19 =	vadd.f32 v23, v19  }
0x197: {  	v51 =	vld [tilespmem:s13+$0x0];
	v20 =	vadd.f32 v22, v9;
	[tilespmem:s20+$0x10] =	vst v7  }
0x198: {  	v22 =	vld [tilespmem:s14+$0x20];
	v19 =	vadd.f32 v15, v19;
	v15 =	vbroadcast v2, $0x8  }
0x199: {  	v20 =	vmul.f32 v20, v14;
	v23 =	vld [tilespmem:s23+$0x20]  }
0x19a: {  	v10 =	vld [tilespmem:s3+$0x30];
	v19 =	vmul.f32 v19, v15  }
0x19b: {  	[tilespmem:s2+$0xFFFFFF50] =	vst v20;
	v20 =	vld [tilespmem:s17+$0x20]  }
0x19c: {  	[tilespmem:s2+$0x80] =	vst v19;
	v19 =	vld [tilespmem:s24+$0x20]  }
0x19d: {  	v49 =	vld [tilespmem:s4+$0x10]  }
0x19e: {  	s12 =	spop (v2sf);
	v22 =	vadd.f32 v23, v22;
	v23 =	vld [tilespmem:s10+$0x10]  }
0x19f: {  	v53 =	vld [tilespmem:s12+$0x0]  }
0x1a0: {  	v50 =	vld [tilespmem:s22+$0x10];
	v20 =	vadd.f32 v20, v22  }
0x1a1: {  	v22 =	vld [tilespmem:s29+$0x0]  }
0x1a2: {  	v19 =	vadd.f32 v19, v20;
	v20 =	vld [tilespmem:s31+$0x10]  }
0x1a3: {  	(v2sf) =	vpush v4, $0xC;
	v9 =	vld [tilespmem:s5+$0x30];
	v23 =	vadd.f32 v23, v49  }
0x1a4: {  	(v2sf) =	vpush v4, $0xD;
	v7 =	vld [tilespmem:s26+$0xFFFFFFF0]  }
0x1a5: {  	(v2sf) =	vpush v4, $0xE;
	s1 =	spop (v2sf);
	v48 =	vld [tilespmem:s30+$0x20];
	v23 =	vadd.f32 v50, v23  }
0x1a6: {  	(v2sf) =	vpush v4, $0xF;
	s15 =	spop (v2sf);
	v52 =	vld [tilespmem:s21+$0x20];
	v19 =	vmul.f32 v19, v18  }
0x1a7: {  	s25 =	spop (v2sf);
	v54 =	vld [tilespmem:s18+$0x20];
	v4 =	vadd.f32 v17, v22;
	v20 =	vadd.f32 v20, v23  }
0x1a8: {  	(v2sf) =	vpush v13, $0x4;
	s28 =	spop (v2sf);
	v17 =	vld [tilespmem:s19+$0x20];
	[tilespmem:s20+$0x20] =	vst v19  }
0x1a9: {  	s26 =	spop (v2sf);
	v19 =	vld [tilespmem:s14+$0x30];
	v23 =	vadd.f32 v51, v4;
	v20 =	vmul.f32 v20, v15  }
0x1aa: {  	(v2sf) =	vpush v13, $0x5;
	v22 =	vld [tilespmem:s23+$0x30];
	s23 =	spop (v2sf)  }
0x1ab: {  	v55 =	vld [tilespmem:s17+$0x30];
	v4 =	vbroadcast v7, $0x0;
	s17 =	spop (v2sf);
	v23 =	vadd.f32 v53, v23;
	[tilespmem:s2+$0x90] =	vst v20  }
0x1ac: {  	(v2sf) =	vpush v13, $0x6;
	v24 =	vadd.f32 v52, v48;
	v56 =	vld [tilespmem:s24+$0x30];
	s24 =	spop (v2sf);
	[smem:$0x7ED] =	sst s17  }
0x1ad: {  	(v2sf) =	vpush v13, $0x7;
	s3 =	spop (v2sf);
	v23 =	vmul.f32 v23, v4;
	v20 =	vld [tilespmem:s4+$0x20];
	[smem:$0x7EE] =	sst s24  }
0x1ae: {  	v17 =	vadd.f32 v17, v24;
	v57 =	vld [tilespmem:s10+$0x20];
	[smem:$0x7EB] =	sst s3  }
0x1af: {  	s5 =	spop (v2sf);
	v19 =	vadd.f32 v22, v19;
	[tilespmem:s20+$0xFFFFFF00] =	vst v23  }
0x1b0: {  	v17 =	vadd.f32 v54, v17;
	s14 =	spop (v2sf);
	v22 =	vld [tilespmem:s22+$0x20];
	[dreg:$0x7] =	wrdreg s5  }
0x1b1: {  	s17 =	spop (v2sf);
	v19 =	vadd.f32 v55, v19;
	v23 =	vld [tilespmem:s29+$0x10];
	[dreg:$0x9] =	wrdreg s14  }
0x1b2: {  	v17 =	vmul.f32 v17, v14;
	v58 =	vld [tilespmem:s6+$0x10];
	[dreg:$0x5] =	wrdreg s17  }
0x1b3: {  	v19 =	vadd.f32 v56, v19;
	s5 =	spop (v2sf);
	v59 =	vld [tilespmem:s31+$0x20]  }
0x1b4: {  	s0 =	spop (v2sf);
	[tilespmem:s2+$0xFFFFFF60] =	vst v17;
	v17 =	vld [tilespmem:s13+$0x10]  }
0x1b5: {  	v18 =	vmul.f32 v19, v18;
	s3 =	spop (v2sf);
	v20 =	vadd.f32 v57, v20;
	v19 =	vld [tilespmem:s12+$0x10]  }
0x1b6: {  	v60 =	vld [tilespmem:s30+$0x30];
	s30 =	spop (v2sf)  }
0x1b7: {  	v61 =	vld [tilespmem:s21+$0x30];
	[tilespmem:s20+$0x30] =	vst v18;
	v20 =	vadd.f32 v22, v20;
	s24 =	spop (v2sf);
	v22 =	vadd.f32 v58, v23  }
0x1b8: {  	v18 =	vld [tilespmem:s24+$0x0]  }
0x1b9: {  	s14 =	spop (v2sf);
	v23 =	vld [tilespmem:s19+$0x30];
	v20 =	vadd.f32 v59, v20;
	v17 =	vadd.f32 v17, v22  }
0x1ba: {  	v22 =	vld [tilespmem:s14+$0x0]  }
0x1bb: {  	v62 =	vld [tilespmem:s18+$0x30];
	s17 =	spop (v2sf);
	v20 =	vmul.f32 v20, v15;
	v17 =	vadd.f32 v19, v17  }
0x1bc: {  	s19 =	spop (v2sf);
	v19 =	vld [tilespmem:s17+$0x0]  }
0x1bd: {  	v24 =	vadd.f32 v61, v60;
	[tilespmem:s2+$0xA0] =	vst v20;
	v20 =	vld [tilespmem:s19+$0x0];
	v17 =	vmul.f32 v17, v4  }
0x1be: {  	v63 =	vld [tilespmem:s4+$0x30]  }
0x1bf: {  	v23 =	vadd.f32 v23, v24;
	v31 =	vld [tilespmem:s31+$0x30];
	v18 =	vadd.f32 v22, v18;
	[tilespmem:s20+$0xFFFFFF10] =	vst v17  }
0x1c0: {  	v30 =	vld [tilespmem:s29+$0x20]  }
0x1c1: {  	v17 =	vadd.f32 v19, v18;
	v18 =	vadd.f32 v62, v23;
	v19 =	vld [tilespmem:s6+$0x20]  }
0x1c2: {  	v22 =	vld [tilespmem:s10+$0x30]  }
0x1c3: {  	v20 =	vadd.f32 v20, v17;
	v17 =	vbroadcast v12, $0x4;
	v14 =	vmul.f32 v18, v14;
	v18 =	vld [tilespmem:s13+$0x20]  }
0x1c4: {  	v23 =	vld [tilespmem:s22+$0x30]  }
0x1c5: {  	v20 =	vmul.f32 v20, v17;
	[tilespmem:s2+$0xFFFFFF70] =	vst v14;
	v14 =	vld [tilespmem:s12+$0x20]  }
0x1c6: {  	v32 =	vld [tilespmem:s16+$0x0];
	v19 =	vadd.f32 v19, v30  }
0x1c7: {  	v33 =	vld [tilespmem:s11+$0x0];
	[tilespmem:s20+$0x40] =	vst v20  }
0x1c8: {  	v20 =	vadd.f32 v22, v63;
	v22 =	vld [tilespmem:s24+$0x10];
	v18 =	vadd.f32 v18, v19  }
0x1c9: {  	v19 =	vld [tilespmem:s14+$0x10]  }
0x1ca: {  	v34 =	vld [tilespmem:s19+$0x10];
	s10 =	sld [smem:$0x7E9];
	v20 =	vadd.f32 v23, v20;
	v14 =	vadd.f32 v14, v18  }
0x1cb: {  	v18 =	vld [tilespmem:s17+$0x10]  }
0x1cc: {  	v23 =	vld [tilespmem:s9+$0x0];
	v20 =	vadd.f32 v31, v20;
	v14 =	vmul.f32 v14, v4  }
0x1cd: {  	v26 =	vld [tilespmem:s10+$0x30]  }
0x1ce: {  	v15 =	vmul.f32 v20, v15;
	v19 =	vadd.f32 v19, v22;
	v20 =	vld [tilespmem:s8+$0x0];
	[tilespmem:s20+$0xFFFFFF20] =	vst v14  }
0x1cf: {  	v22 =	vld [tilespmem:s29+$0x30]  }
0x1d0: {  	v14 =	vadd.f32 v33, v32;
	[tilespmem:s2+$0xB0] =	vst v15;
	v15 =	vadd.f32 v18, v19;
	v35 =	vld [tilespmem:s6+$0x30]  }
0x1d1: {  	v19 =	vld [tilespmem:s5+$0x0]  }
0x1d2: {  	v14 =	vadd.f32 v23, v14;
	v23 =	vld [tilespmem:s0+$0x0];
	v15 =	vadd.f32 v34, v15  }
0x1d3: {  	v36 =	vld [tilespmem:s13+$0x30]  }
0x1d4: {  	v18 =	vbroadcast v5, $0x8;
	v14 =	vadd.f32 v20, v14;
	v20 =	vld [tilespmem:s3+$0x0];
	v15 =	vmul.f32 v15, v17  }
0x1d5: {  	v39 =	vld [tilespmem:s12+$0x30]  }
0x1d6: {  	v37 =	vld [tilespmem:s30+$0x0];
	v14 =	vmul.f32 v14, v18;
	[tilespmem:s20+$0x50] =	vst v15  }
0x1d7: {  	v15 =	vadd.f32 v23, v19;
	v19 =	vld [tilespmem:s24+$0x20]  }
0x1d8: {  	[tilespmem:s2+$0xFFFFFF80] =	vst v14;
	v23 =	vld [tilespmem:s14+$0x20]  }
0x1d9: {  	v38 =	vld [tilespmem:s16+$0x10];
	v14 =	vadd.f32 v20, v15  }
0x1da: {  	v15 =	vld [tilespmem:s17+$0x20]  }
0x1db: {  	s13 =	simm.s32 $0x195B8;
	v22 =	vadd.f32 v35, v22;
	v20 =	vld [tilespmem:s11+$0x10];
	v27 =	vadd.f32 v37, v14;
	v14 =	vbroadcast v2, $0xC  }
0x1dc: {  	v30 =	vld [tilespmem:s13+$0xFFFFFFF0]  }
0x1dd: {  	v22 =	vadd.f32 v36, v22;
	v2 =	vld [tilespmem:s19+$0x20];
	v27 =	vmul.f32 v27, v14  }
0x1de: {  	v19 =	vadd.f32 v23, v19;
	v23 =	vld [tilespmem:s9+$0x10]  }
0x1df: {  	v40 =	vld [tilespmem:s8+$0x10];
	v22 =	vadd.f32 v39, v22;
	[tilespmem:s2+$0xC0] =	vst v27  }
0x1e0: {  	v15 =	vadd.f32 v15, v19;
	v19 =	vadd.f32 v20, v38;
	v20 =	vld [tilespmem:s5+$0x10]  }
0x1e1: {  	v41 =	vld [tilespmem:s0+$0x10]  }
0x1e2: {  	v4 =	vmul.f32 v22, v4;
	v22 =	vld [tilespmem:s30+$0x10];
	v2 =	vadd.f32 v2, v15  }
0x1e3: {  	v19 =	vadd.f32 v23, v19;
	v23 =	vld [tilespmem:s3+$0x10]  }
0x1e4: {  	s12 =	sld [smem:$0x7EA];
	[tilespmem:s20+$0xFFFFFF30] =	vst v4;
	v15 =	vld [tilespmem:s7+$0x30];
	v2 =	vmul.f32 v2, v17  }
0x1e5: {  	v4 =	vld [tilespmem:s1+$0x0];
	v19 =	vadd.f32 v40, v19  }
0x1e6: {  	v45 =	vld [tilespmem:s28+$0x0];
	[tilespmem:s20+$0x60] =	vst v2;
	v2 =	vadd.f32 v41, v20  }
0x1e7: {  	v42 =	vld [tilespmem:s12+$0x30];
	v19 =	vmul.f32 v19, v18  }
0x1e8: {  	v43 =	vld [tilespmem:s24+$0x30];
	v2 =	vadd.f32 v23, v2  }
0x1e9: {  	[tilespmem:s2+$0xFFFFFF90] =	vst v19;
	v19 =	vld [tilespmem:s15+$0x0]  }
0x1ea: {  	v23 =	vld [tilespmem:s16+$0x20];
	v2 =	vadd.f32 v22, v2  }
0x1eb: {  	v22 =	vld [tilespmem:s25+$0x0]  }
0x1ec: {  	v44 =	vld [tilespmem:s11+$0x20];
	v2 =	vmul.f32 v2, v14  }
0x1ed: {  	v20 =	vld [tilespmem:s14+$0x30]  }
0x1ee: {  	v46 =	vld [tilespmem:s9+$0x20];
	v4 =	vadd.f32 v19, v4;
	[tilespmem:s2+$0xD0] =	vst v2  }
0x1ef: {  	(v2sf) =	vpush v13, $0x8;
	v2 =	vld [tilespmem:s5+$0x20]  }
0x1f0: {  	(v2sf) =	vpush v13, $0x9;
	v19 =	vld [tilespmem:s0+$0x20];
	v4 =	vadd.f32 v22, v4  }
0x1f1: {  	v22 =	vadd.f32 v44, v23;
	v23 =	vld [tilespmem:s8+$0x20]  }
0x1f2: {  	v25 =	vbroadcast v7, $0x4;
	(v2sf) =	vpush v13, $0xA;
	v48 =	vld [tilespmem:s17+$0x30];
	v4 =	vadd.f32 v45, v4  }
0x1f3: {  	v50 =	vld [tilespmem:s19+$0x30]  }
0x1f4: {  	(v2sf) =	vpush v13, $0xB;
	v47 =	vld [tilespmem:s3+$0x20];
	v22 =	vadd.f32 v46, v22;
	v4 =	vmul.f32 v4, v25  }
0x1f5: {  	v19 =	vadd.f32 v19, v2;
	v2 =	vld [tilespmem:s13+$0x0]  }
0x1f6: {  	s14 =	rddreg [dreg:$0x19];
	v49 =	vld [tilespmem:s30+$0x20];
	v22 =	vadd.f32 v23, v22;
	[tilespmem:s20+$0xFFFFFF40] =	vst v4;
	v4 =	vadd.f32 v20, v43  }
0x1f7: {  	v20 =	vld [tilespmem:s1+$0x10]  }
0x1f8: {  	v22 =	vmul.f32 v22, v18;
	v51 =	vld [tilespmem:s15+$0x10];
	v4 =	vadd.f32 v48, v4  }
0x1f9: {  	v16 =	vadd.f32 v21, v16;
	s18 =	simm.s32 $0x15848;
	v19 =	vadd.f32 v47, v19;
	v52 =	vld [tilespmem:s25+$0x10]  }
0x1fa: {  	v53 =	vld [tilespmem:s28+$0x10];
	[tilespmem:s18+$0xFFFFFFA0] =	vst v22;
	(v2sf) =	vpush v2, $0x0;
	v4 =	vadd.f32 v50, v4  }
0x1fb: {  	v26 =	vadd.f32 v26, v16;
	v22 =	vld [tilespmem:s16+$0x30];
	(v2sf) =	vpush v2, $0x1  }
0x1fc: {  	v19 =	vadd.f32 v49, v19;
	v23 =	vld [tilespmem:s11+$0x30];
	(v2sf) =	vpush v2, $0x2;
	v4 =	vmul.f32 v4, v17  }
0x1fd: {  	v24 =	vld [tilespmem:s9+$0x30];
	v20 =	vadd.f32 v51, v20;
	(v2sf) =	vpush v30, $0x0  }
0x1fe: {  	v41 =	vadd.f32 v42, v26;
	s13 =	spop (v2sf);
	v19 =	vmul.f32 v19, v14;
	v26 =	vld [tilespmem:s8+$0x30];
	(v2sf) =	vpush v30, $0x1;
	[tilespmem:s20+$0x70] =	vst v4  }
0x1ff: {  	s12 =	spop (v2sf);
	v4 =	vadd.f32 v52, v20;
	(v2sf) =	vpush v2, $0x3;
	v54 =	vld [tilespmem:s13+$0x0]  }
0x200: {  	[tilespmem:s18+$0xE0] =	vst v19;
	v55 =	vld [tilespmem:s12+$0x0]  }
0x201: {  	s11 =	spop (v2sf);
	v17 =	vld [tilespmem:s5+$0x30];
	v4 =	vadd.f32 v53, v4  }
0x202: {  	v56 =	vld [tilespmem:s11+$0x0]  }
0x203: {  	s7 =	spop (v2sf);
	v19 =	vld [tilespmem:s3+$0x30];
	v4 =	vmul.f32 v4, v25  }
0x204: {  	v57 =	vld [tilespmem:s7+$0x0];
	(v2sf) =	vpush v30, $0x2  }
0x205: {  	v16 =	vld [tilespmem:s30+$0x30];
	[tilespmem:s20+$0xFFFFFF50] =	vst v4;
	v4 =	vadd.f32 v55, v54  }
0x206: {  	v58 =	vld [tilespmem:s1+$0x20]  }
0x207: {  	v59 =	vld [tilespmem:s15+$0x20];
	v4 =	vadd.f32 v56, v4  }
0x208: {  	v60 =	vld [tilespmem:s25+$0x20]  }
0x209: {  	v29 =	vbroadcast v12, $0x8;
	v61 =	vld [tilespmem:s28+$0x20];
	v32 =	vadd.f32 v57, v4;
	s10 =	spop (v2sf)  }
0x20a: {  	v62 =	vld [tilespmem:s10+$0x0];
	s5 =	spop (v2sf)  }
0x20b: {  	s22 =	simm.s32 $0x197B8;
	v32 =	vmul.f32 v32, v29;
	v63 =	vld [tilespmem:s5+$0x0];
	s4 =	spop (v2sf)  }
0x20c: {  	v4 =	vld [tilespmem:s22+$0x0];
	v28 =	vadd.f32 v59, v58;
	s17 =	spop (v2sf)  }
0x20d: {  	v36 =	vld [tilespmem:s4+$0x0];
	[tilespmem:s20+$0x80] =	vst v32;
	s2 =	spop (v2sf)  }
0x20e: {  	v28 =	vadd.f32 v60, v28;
	v32 =	vld [tilespmem:s13+$0x10];
	s6 =	spop (v2sf)  }
0x20f: {  	v39 =	vld [tilespmem:s6+$0x0]  }
0x210: {  	v21 =	vld [tilespmem:s12+$0x10];
	v28 =	vadd.f32 v61, v28;
	v31 =	vadd.f32 v63, v62  }
0x211: {  	v20 =	vld [tilespmem:s0+$0x30]  }
0x212: {  	(v2sf) =	vpush v30, $0x3;
	v40 =	vld [tilespmem:s11+$0x10];
	v28 =	vmul.f32 v28, v25;
	v42 =	vadd.f32 v36, v31  }
0x213: {  	v43 =	vld [tilespmem:s7+$0x10];
	s3 =	spop (v2sf)  }
0x214: {  	v11 =	vmul.f32 v41, v11;
	v27 =	vbroadcast v4, $0x0;
	v41 =	vld [tilespmem:s3+$0x0];
	[tilespmem:s20+$0xFFFFFF60] =	vst v28;
	v44 =	vadd.f32 v39, v42  }
0x215: {  	v21 =	vadd.f32 v21, v32;
	v32 =	vld [tilespmem:s1+$0x30]  }
0x216: {  	v33 =	vld [tilespmem:s15+$0x30];
	s24 =	rddreg [dreg:$0x17];
	s15 =	simm.s32 $0x15648;
	v28 =	vmul.f32 v44, v27  }
0x217: {  	s9 =	simm.s32 $0x15C48;
	v34 =	vld [tilespmem:s25+$0x30];
	s25 =	sld [smem:$0x7EB];
	v21 =	vadd.f32 v40, v21;
	[tilespmem:s15+$0xFFFFFFB0] =	vst v11  }
0x218: {  	v35 =	vld [tilespmem:s28+$0x30];
	s16 =	sld [smem:$0x7EC];
	[tilespmem:s9+$0x0] =	vst v28  }
0x219: {  	v11 =	vadd.f32 v43, v21;
	v21 =	vld [tilespmem:s10+$0x10]  }
0x21a: {  	v28 =	vld [tilespmem:s5+$0x10]  }
0x21b: {  	v39 =	vld [tilespmem:s17+$0x0];
	v11 =	vmul.f32 v11, v29  }
0x21c: {  	v46 =	vld [tilespmem:s4+$0x10]  }
0x21d: {  	v38 =	vld [tilespmem:s6+$0x10];
	[tilespmem:s20+$0x90] =	vst v11  }
0x21e: {  	v11 =	vld [tilespmem:s13+$0x20]  }
0x21f: {  	v37 =	vld [tilespmem:s12+$0x20];
	v21 =	vadd.f32 v28, v21  }
0x220: {  	v40 =	vld [tilespmem:s2+$0x0]  }
0x221: {  	s1 =	spop (v2sf);
	v47 =	vld [tilespmem:s11+$0x20];
	v21 =	vadd.f32 v46, v21  }
0x222: {  	v50 =	vld [tilespmem:s1+$0x0]  }
0x223: {  	v48 =	vld [tilespmem:s7+$0x20];
	v49 =	vadd.f32 v38, v21  }
0x224: {  	v52 =	vld [tilespmem:s24+$0x0];
	v11 =	vadd.f32 v37, v11  }
0x225: {  	v45 =	vld [tilespmem:s16+$0x0];
	v51 =	vmul.f32 v49, v27  }
0x226: {  	s19 =	rddreg [dreg:$0x14];
	v21 =	vld [tilespmem:s22+$0xFFFFFFF0];
	v11 =	vadd.f32 v47, v11  }
0x227: {  	v39 =	vadd.f32 v40, v39;
	v53 =	vld [tilespmem:s19+$0x0];
	[tilespmem:s9+$0x10] =	vst v51  }
0x228: {  	v11 =	vadd.f32 v48, v11;
	v55 =	vld [tilespmem:s10+$0x20]  }
0x229: {  	(v2sf) =	vpush v30, $0x4;
	v54 =	vadd.f32 v41, v39;
	v56 =	vld [tilespmem:s5+$0x20]  }
0x22a: {  	(v2sf) =	vpush v30, $0x5;
	v11 =	vmul.f32 v11, v29;
	s21 =	rddreg [dreg:$0x12];
	v57 =	vld [tilespmem:s4+$0x20]  }
0x22b: {  	(v2sf) =	vpush v30, $0x6;
	v36 =	vadd.f32 v50, v54;
	v28 =	vbroadcast v21, $0x0;
	v42 =	vld [tilespmem:s21+$0x0]  }
0x22c: {  	(v2sf) =	vpush v30, $0x7;
	v31 =	vadd.f32 v52, v45;
	v58 =	vld [tilespmem:s6+$0x20];
	[tilespmem:s20+$0xA0] =	vst v11  }
0x22d: {  	(v2sf) =	vpush v30, $0x8;
	v36 =	vmul.f32 v36, v28;
	v11 =	vld [tilespmem:s13+$0x30]  }
0x22e: {  	(v2sf) =	vpush v30, $0x9;
	v31 =	vadd.f32 v53, v31;
	v40 =	vld [tilespmem:s12+$0x30]  }
0x22f: {  	(v2sf) =	vpush v30, $0xA;
	v62 =	vld [tilespmem:s11+$0x30];
	[tilespmem:s9+$0xFFFFFF00] =	vst v36  }
0x230: {  	v3 =	vbroadcast v3, $0xC;
	v59 =	vadd.f32 v56, v55;
	v60 =	vld [tilespmem:s17+$0x10];
	v31 =	vadd.f32 v42, v31  }
0x231: {  	(v2sf) =	vpush v30, $0xB;
	v61 =	vld [tilespmem:s2+$0x10]  }
0x232: {  	(v2sf) =	vpush v30, $0xC;
	v45 =	vld [tilespmem:s7+$0x30];
	v36 =	vadd.f32 v57, v59;
	v31 =	vmul.f32 v31, v3  }
0x233: {  	s8 =	simm.s32 $0x15648;
	(v2sf) =	vpush v30, $0xD;
	v63 =	vld [tilespmem:s3+$0x10]  }
0x234: {  	v46 =	vadd.f32 v33, v32;
	v47 =	vld [tilespmem:s1+$0x10];
	v36 =	vadd.f32 v58, v36;
	[tilespmem:s8+$0xFFFFFFC0] =	vst v31  }
0x235: {  	(v2sf) =	vpush v30, $0xE;
	v50 =	vld [tilespmem:s16+$0x10]  }
0x236: {  	v49 =	vadd.f32 v61, v60;
	v31 =	vadd.f32 v34, v46;
	v48 =	vmul.f32 v36, v27;
	v51 =	vld [tilespmem:s24+$0x10]  }
0x237: {  	(v2sf) =	vpush v30, $0xF;
	s12 =	smov.u32 s21;
	v53 =	vld [tilespmem:s19+$0x10]  }
0x238: {  	v55 =	vld [tilespmem:s12+$0x10];
	v52 =	vadd.f32 v63, v49;
	v31 =	vadd.f32 v35, v31;
	[tilespmem:s9+$0x20] =	vst v48  }
0x239: {  	(v2sf) =	vpush v13, $0xC;
	s7 =	spop (v2sf);
	v33 =	vld [tilespmem:s10+$0x30]  }
0x23a: {  	(v2sf) =	vpush v13, $0xD;
	s11 =	smov.u32 s16;
	s16 =	spop (v2sf);
	v54 =	vld [tilespmem:s5+$0x30];
	v32 =	vadd.f32 v47, v52;
	v25 =	vmul.f32 v31, v25  }
0x23b: {  	s21 =	spop (v2sf);
	v56 =	vld [tilespmem:s4+$0x30];
	v30 =	vadd.f32 v51, v50  }
0x23c: {  	(v2sf) =	vpush v13, $0xE;
	s13 =	smov.u32 s19;
	s19 =	spop (v2sf);
	v57 =	vld [tilespmem:s6+$0x30];
	v32 =	vmul.f32 v32, v28;
	[tilespmem:s20+$0xFFFFFF70] =	vst v25  }
0x23d: {  	(v2sf) =	vpush v13, $0xF;
	s29 =	spop (v2sf);
	v25 =	vld [tilespmem:s26+$0x0];
	v13 =	vadd.f32 v53, v30  }
0x23e: {  	s31 =	spop (v2sf);
	v59 =	vld [tilespmem:s23+$0x0];
	[tilespmem:s9+$0xFFFFFF10] =	vst v32  }
0x23f: {  	s30 =	spop (v2sf);
	v58 =	vld [tilespmem:s17+$0x20];
	s15 =	sld [smem:$0x7ED];
	v13 =	vadd.f32 v55, v13  }
0x240: {  	v11 =	vadd.f32 v40, v11;
	s6 =	spop (v2sf);
	v32 =	vld [tilespmem:s2+$0x20]  }
0x241: {  	s0 =	smov.u32 s23;
	s23 =	spop (v2sf);
	v60 =	vld [tilespmem:s3+$0x20];
	v13 =	vmul.f32 v13, v3  }
0x242: {  	v11 =	vadd.f32 v62, v11;
	v61 =	vld [tilespmem:s15+$0x0];
	[dreg:$0xb] =	wrdreg s23  }
0x243: {  	[tilespmem:s8+$0xFFFFFFD0] =	vst v13  }
0x244: {  	v11 =	vadd.f32 v45, v11;
	s5 =	spop (v2sf);
	s23 =	sld [smem:$0x7EE]  }
0x245: {  	v13 =	vld [tilespmem:s1+$0x20];
	s8 =	spop (v2sf);
	[dreg:$0x10] =	wrdreg s5  }
0x246: {  	v11 =	vmul.f32 v11, v29;
	v30 =	vadd.f32 v32, v58;
	s10 =	spop (v2sf);
	v62 =	vld [tilespmem:s11+$0x20];
	[dreg:$0x1b] =	wrdreg s8  }
0x247: {  	v63 =	vld [tilespmem:s23+$0x0];
	[dreg:$0xd] =	wrdreg s10  }
0x248: {  	v30 =	vadd.f32 v60, v30;
	s8 =	spop (v2sf);
	v40 =	vld [tilespmem:s24+$0x20];
	[tilespmem:s20+$0xB0] =	vst v11  }
0x249: {  	v25 =	vadd.f32 v59, v25;
	s10 =	spop (v2sf);
	v41 =	vld [tilespmem:s8+$0x0]  }
0x24a: {  	v13 =	vadd.f32 v13, v30;
	v42 =	vld [tilespmem:s10+$0x0]  }
0x24b: {  	v11 =	vadd.f32 v61, v25;
	v43 =	vld [tilespmem:s13+$0x20];
	s5 =	spop (v2sf)  }
0x24c: {  	v44 =	vld [tilespmem:s5+$0x0];
	v13 =	vmul.f32 v13, v28  }
0x24d: {  	(v2sf) =	vpush v2, $0x4;
	v25 =	vbroadcast v7, $0x8;
	v45 =	vld [tilespmem:s12+$0x20];
	s4 =	spop (v2sf);
	v11 =	vadd.f32 v63, v11  }
0x24e: {  	(v2sf) =	vpush v2, $0x5;
	[tilespmem:s9+$0xFFFFFF20] =	vst v13;
	v13 =	vld [tilespmem:s4+$0x0];
	v32 =	vadd.f32 v40, v62  }
0x24f: {  	v46 =	vld [tilespmem:s17+$0x30];
	v11 =	vmul.f32 v11, v25;
	v30 =	vadd.f32 v42, v41  }
0x250: {  	(v2sf) =	vpush v2, $0x6;
	v47 =	vld [tilespmem:s2+$0x30];
	v32 =	vadd.f32 v43, v32  }
0x251: {  	(v2sf) =	vpush v2, $0x7;
	v51 =	vld [tilespmem:s3+$0x30];
	[tilespmem:s20+$0xFFFFFF80] =	vst v11;
	v29 =	vadd.f32 v44, v30  }
0x252: {  	v11 =	vadd.f32 v54, v33;
	v48 =	vld [tilespmem:s26+$0x10];
	v49 =	vadd.f32 v45, v32  }
0x253: {  	v22 =	vadd.f32 v23, v22;
	v50 =	vld [tilespmem:s0+$0x10];
	v13 =	vadd.f32 v13, v29;
	v29 =	vbroadcast v12, $0xC  }
0x254: {  	v53 =	vld [tilespmem:s1+$0x30];
	v11 =	vadd.f32 v56, v11;
	v12 =	vmul.f32 v49, v3  }
0x255: {  	v22 =	vadd.f32 v24, v22;
	s17 =	simm.s32 $0x15648;
	v52 =	vld [tilespmem:s15+$0x10];
	v13 =	vmul.f32 v13, v29  }
0x256: {  	v23 =	vadd.f32 v57, v11;
	[tilespmem:s17+$0xFFFFFFE0] =	vst v12;
	v12 =	vld [tilespmem:s23+$0x10]  }
0x257: {  	v22 =	vadd.f32 v26, v22;
	s17 =	sld [smem:$0x7EF];
	v11 =	vld [tilespmem:s11+$0x30];
	[tilespmem:s20+$0xC0] =	vst v13  }
0x258: {  	v54 =	vadd.f32 v50, v48;
	v23 =	vmul.f32 v23, v27;
	v13 =	vld [tilespmem:s8+$0x10]  }
0x259: {  	v18 =	vmul.f32 v22, v18;
	v22 =	vadd.f32 v47, v46;
	v56 =	vld [tilespmem:s5+$0x10]  }
0x25a: {  	v24 =	vadd.f32 v52, v54;
	[tilespmem:s9+$0x30] =	vst v23;
	v23 =	vld [tilespmem:s10+$0x10]  }
0x25b: {  	[tilespmem:s18+$0xFFFFFFB0] =	vst v18;
	v18 =	vadd.f32 v51, v22;
	v22 =	vld [tilespmem:s4+$0x10]  }
0x25c: {  	s28 =	smov.u32 s0;
	s0 =	spop (v2sf);
	v58 =	vld [tilespmem:s14+$0x0];
	v12 =	vadd.f32 v12, v24  }
0x25d: {  	s1 =	spop (v2sf);
	v18 =	vadd.f32 v53, v18;
	v55 =	vld [tilespmem:s0+$0x0]  }
0x25e: {  	v57 =	vld [tilespmem:s1+$0x0];
	v12 =	vmul.f32 v12, v25  }
0x25f: {  	s2 =	spop (v2sf);
	v48 =	vld [tilespmem:s17+$0x0];
	v18 =	vmul.f32 v18, v28;
	v13 =	vadd.f32 v23, v13  }
0x260: {  	s3 =	spop (v2sf);
	[tilespmem:s20+$0xFFFFFF90] =	vst v12;
	v12 =	vld [tilespmem:s2+$0x0]  }
0x261: {  	v59 =	vld [tilespmem:s3+$0x0];
	[tilespmem:s9+$0xFFFFFF30] =	vst v18;
	v13 =	vadd.f32 v56, v13  }
0x262: {  	v18 =	vld [tilespmem:s7+$0x0]  }
0x263: {  	v62 =	vld [tilespmem:s16+$0x0];
	v26 =	vadd.f32 v57, v55;
	v13 =	vadd.f32 v22, v13  }
0x264: {  	v23 =	vld [tilespmem:s26+$0x20]  }
0x265: {  	v60 =	vld [tilespmem:s28+$0x20];
	v12 =	vadd.f32 v12, v26;
	v61 =	vmul.f32 v13, v29  }
0x266: {  	v63 =	vld [tilespmem:s23+$0x20]  }
0x267: {  	v22 =	vld [tilespmem:s15+$0x20];
	v13 =	vbroadcast v4, $0x4;
	v12 =	vadd.f32 v59, v12;
	[tilespmem:s20+$0xD0] =	vst v61  }
0x268: {  	v26 =	vld [tilespmem:s8+$0x20]  }
0x269: {  	v36 =	vld [tilespmem:s10+$0x20];
	v12 =	vmul.f32 v12, v13  }
0x26a: {  	v37 =	vld [tilespmem:s21+$0x0];
	v23 =	vadd.f32 v60, v23  }
0x26b: {  	[tilespmem:s9+$0x40] =	vst v12;
	v12 =	vld [tilespmem:s5+$0x20]  }
0x26c: {  	v22 =	vadd.f32 v22, v23;
	v38 =	vld [tilespmem:s4+$0x20]  }
0x26d: {  	v23 =	vld [tilespmem:s0+$0x10]  }
0x26e: {  	v22 =	vadd.f32 v63, v22;
	v39 =	vld [tilespmem:s1+$0x10];
	v40 =	vadd.f32 v36, v26  }
0x26f: {  	v41 =	vld [tilespmem:s19+$0x0];
	s11 =	sld [smem:$0x7F0]  }
0x270: {  	v18 =	vadd.f32 v62, v18;
	v42 =	vld [tilespmem:s2+$0x10];
	v22 =	vmul.f32 v22, v25;
	v12 =	vadd.f32 v12, v40  }
0x271: {  	v44 =	vld [tilespmem:s3+$0x10]  }
0x272: {  	v18 =	vadd.f32 v37, v18;
	[tilespmem:s20+$0xFFFFFFA0] =	vst v22;
	v43 =	vld [tilespmem:s11+$0x0];
	v22 =	vadd.f32 v38, v12  }
0x273: {  	v45 =	vld [tilespmem:s26+$0x30];
	s26 =	rddreg [dreg:$0x16];
	v23 =	vadd.f32 v39, v23  }
0x274: {  	v18 =	vadd.f32 v41, v18;
	v46 =	vld [tilespmem:s26+$0x0];
	v12 =	vbroadcast v21, $0x4;
	v22 =	vmul.f32 v22, v29  }
0x275: {  	v47 =	vld [tilespmem:s28+$0x30];
	v23 =	vadd.f32 v42, v23  }
0x276: {  	v62 =	vld [tilespmem:s23+$0x30];
	v18 =	vmul.f32 v18, v12;
	[tilespmem:s20+$0xE0] =	vst v22  }
0x277: {  	v24 =	vadd.f32 v43, v58;
	v23 =	vadd.f32 v44, v23;
	v22 =	vld [tilespmem:s8+$0x30]  }
0x278: {  	[tilespmem:s9+$0xFFFFFF40] =	vst v18;
	v49 =	vld [tilespmem:s10+$0x30]  }
0x279: {  	v18 =	vadd.f32 v46, v24;
	v50 =	vld [tilespmem:s7+$0x10];
	v23 =	vmul.f32 v23, v13  }
0x27a: {  	v51 =	vld [tilespmem:s16+$0x10]  }
0x27b: {  	v5 =	vbroadcast v5, $0xC;
	v52 =	vld [tilespmem:s21+$0x10];
	v18 =	vadd.f32 v48, v18;
	[tilespmem:s9+$0x50] =	vst v23  }
0x27c: {  	v23 =	vld [tilespmem:s0+$0x20]  }
0x27d: {  	v18 =	vmul.f32 v18, v5;
	v53 =	vld [tilespmem:s1+$0x20]  }
0x27e: {  	v54 =	vld [tilespmem:s19+$0x10]  }
0x27f: {  	[tilespmem:s18+$0xFFFFFFC0] =	vst v18;
	v18 =	vld [tilespmem:s2+$0x20];
	v24 =	vadd.f32 v51, v50  }
0x280: {  	v56 =	vld [tilespmem:s3+$0x20]  }
0x281: {  	v55 =	vld [tilespmem:s14+$0x10];
	v24 =	vadd.f32 v52, v24  }
0x282: {  	v57 =	vld [tilespmem:s11+$0x10];
	v23 =	vadd.f32 v53, v23  }
0x283: {  	v58 =	vld [tilespmem:s5+$0x30];
	v24 =	vadd.f32 v54, v24  }
0x284: {  	v8 =	vadd.f32 v10, v8;
	v59 =	vld [tilespmem:s26+$0x10];
	v18 =	vadd.f32 v18, v23  }
0x285: {  	v61 =	vld [tilespmem:s4+$0x30];
	v24 =	vmul.f32 v24, v12  }
0x286: {  	v8 =	vadd.f32 v9, v8;
	v60 =	vld [tilespmem:s17+$0x10];
	v18 =	vadd.f32 v56, v18  }
0x287: {  	v23 =	vld [tilespmem:s15+$0x30];
	v34 =	vadd.f32 v57, v55;
	[tilespmem:s9+$0xFFFFFF50] =	vst v24  }
0x288: {  	v8 =	vadd.f32 v15, v8;
	v9 =	vadd.f32 v49, v22;
	v10 =	vmul.f32 v18, v13;
	v24 =	vld [tilespmem:s7+$0x20]  }
0x289: {  	v17 =	vadd.f32 v20, v17;
	v20 =	vadd.f32 v59, v34;
	v22 =	vld [tilespmem:s16+$0x20]  }
0x28a: {  	(v2sf) =	vpush v2, $0x8;
	v9 =	vadd.f32 v58, v9;
	v63 =	vld [tilespmem:s21+$0x20];
	[tilespmem:s9+$0x60] =	vst v10  }
0x28b: {  	v10 =	vadd.f32 v19, v17;
	v17 =	vadd.f32 v60, v20;
	v18 =	vld [tilespmem:s0+$0x30]  }
0x28c: {  	(v2sf) =	vpush v2, $0x9;
	v20 =	vadd.f32 v47, v45;
	v19 =	vld [tilespmem:s1+$0x30]  }
0x28d: {  	v9 =	vadd.f32 v61, v9;
	v10 =	vadd.f32 v16, v10;
	v15 =	vmul.f32 v17, v5;
	v16 =	vld [tilespmem:s19+$0x20]  }
0x28e: {  	v8 =	vmul.f32 v8, v6;
	v17 =	vadd.f32 v23, v20;
	v20 =	vld [tilespmem:s2+$0x30];
	v23 =	vadd.f32 v22, v24  }
0x28f: {  	v6 =	vbroadcast v7, $0xC;
	(v2sf) =	vpush v2, $0xA;
	s28 =	simm.s32 $0x15648;
	v9 =	vmul.f32 v9, v29;
	v22 =	vld [tilespmem:s3+$0x30];
	[tilespmem:s18+$0xFFFFFFD0] =	vst v15  }
0x290: {  	[tilespmem:s28+$0xF0] =	vst v8;
	v7 =	vmul.f32 v10, v14;
	v17 =	vadd.f32 v62, v17;
	v14 =	vld [tilespmem:s14+$0x20];
	v10 =	vadd.f32 v63, v23  }
0x291: {  	(v2sf) =	vpush v2, $0xB;
	s23 =	simm.s32 $0x6;
	v8 =	vbroadcast v21, $0x8;
	[tilespmem:s20+$0xF0] =	vst v9;
	v15 =	vld [tilespmem:s11+$0x20]  }
0x292: {  	s8 =	smov.u32 s26;
	s5 =	smov.u32 s11;
	[tilespmem:s18+$0xF0] =	vst v7;
	v7 =	vbroadcast v21, $0xC;
	v17 =	vmul.f32 v17, v25;
	v21 =	vadd.f32 v16, v10;
	v16 =	vld [tilespmem:s26+$0x20];
	s26 =	simm.s32 $0x195D8  }
.LBB2_5:
0x293: {  	_ =	sdelay $0x1  }
0x294: {  	v10 =	vld [tilespmem:s26+$0x0];
	v9 =	vmul.f32 v21, v12  }
0x295: {  	v18 =	vadd.f32 v19, v18;
	v19 =	vld [tilespmem:s26+$0xFFFFFFF0];
	[tilespmem:s20+$0xFFFFFFB0] =	vst v17  }
0x296: {  	[tilespmem:s9+$0xFFFFFF60] =	vst v9;
	v14 =	vadd.f32 v15, v14  }
0x297: {  	v9 =	vadd.f32 v20, v18;
	v17 =	vld [tilespmem:s7+$0x30]  }
0x298: {  	v14 =	vadd.f32 v16, v14;
	v16 =	vld [tilespmem:s16+$0x30]  }
0x299: {  	v15 =	vld [tilespmem:s25+$0x0];
	v9 =	vadd.f32 v22, v9  }
0x29a: {  	v18 =	vld [tilespmem:s21+$0x30];
	(v2sf) =	vpush v10, $0x0  }
0x29b: {  	s1 =	rddreg [dreg:$0x7];
	v20 =	vld [tilespmem:s19+$0x30];
	(v2sf) =	vpush v10, $0x1;
	v9 =	vmul.f32 v9, v13  }
0x29c: {  	s4 =	rddreg [dreg:$0x9];
	(v2sf) =	vpush v10, $0x2;
	v13 =	vld [tilespmem:s1+$0x0]  }
0x29d: {  	[dreg:$0x19] =	wrdreg s14;
	(v2sf) =	vpush v19, $0x0;
	[tilespmem:s9+$0x70] =	vst v9;
	v9 =	vld [tilespmem:s4+$0x0];
	s14 =	spop (v2sf);
	v16 =	vadd.f32 v16, v17  }
0x29e: {  	(v2sf) =	vpush v19, $0x1;
	v17 =	vld [tilespmem:s14+$0x0];
	s10 =	spop (v2sf)  }
0x29f: {  	s3 =	rddreg [dreg:$0x5];
	(v2sf) =	vpush v10, $0x3;
	v21 =	vld [tilespmem:s10+$0x0];
	v16 =	vadd.f32 v18, v16  }
0x2a0: {  	(v2sf) =	vpush v19, $0x2;
	s2 =	spop (v2sf);
	v18 =	vld [tilespmem:s3+$0x0]  }
0x2a1: {  	v13 =	vadd.f32 v13, v15;
	v22 =	vld [tilespmem:s2+$0x0];
	v15 =	vadd.f32 v20, v16  }
0x2a2: {  	(v2sf) =	vpush v19, $0x3;
	s0 =	spop (v2sf);
	v16 =	vld [tilespmem:s17+$0x20]  }
0x2a3: {  	(v2sf) =	vpush v19, $0x4;
	v20 =	vld [tilespmem:s0+$0x0];
	v9 =	vadd.f32 v9, v13;
	v12 =	vmul.f32 v15, v12  }
0x2a4: {  	(v2sf) =	vpush v19, $0x5;
	v15 =	vld [tilespmem:s24+$0x30];
	v13 =	vadd.f32 v21, v17  }
0x2a5: {  	(v2sf) =	vpush v19, $0x6;
	v9 =	vadd.f32 v18, v9;
	v17 =	vld [tilespmem:s13+$0x30];
	[tilespmem:s9+$0xFFFFFF70] =	vst v12  }
0x2a6: {  	(v2sf) =	vpush v19, $0x7;
	v12 =	vadd.f32 v22, v13;
	v18 =	vld [tilespmem:s12+$0x30]  }
0x2a7: {  	s22 =	sadd.s32 $0x20, s22;
	(v2sf) =	vpush v19, $0x8;
	v21 =	vld [tilespmem:s29+$0x0];
	v9 =	vmul.f32 v9, v6;
	v16 =	vadd.f32 v16, v14  }
0x2a8: {  	s19 =	smov.u32 s5;
	s16 =	smov.u32 s17;
	s17 =	rddreg [dreg:$0xd];
	(v2sf) =	vpush v19, $0x9;
	v22 =	vld [tilespmem:s31+$0x0];
	v14 =	vbroadcast v4, $0x8;
	v12 =	vadd.f32 v20, v12  }
0x2a9: {  	[dreg:$0x17] =	wrdreg s19;
	s19 =	smov.u32 s17;
	v13 =	vld [tilespmem:s22+$0x0];
	s17 =	spop (v2sf);
	(v2sf) =	vpush v19, $0xA;
	[tilespmem:s20+$0xFFFFFFC0] =	vst v9;
	v9 =	vmul.f32 v16, v5  }
0x2aa: {  	s11 =	smov.u32 s4;
	s5 =	spop (v2sf);
	(v2sf) =	vpush v19, $0xB;
	v11 =	vadd.f32 v15, v11;
	v15 =	vld [tilespmem:s17+$0x0];
	v12 =	vmul.f32 v12, v14  }
0x2ab: {  	s4 =	smov.u32 s25;
	s12 =	rddreg [dreg:$0x1b];
	v16 =	vld [tilespmem:s5+$0x0];
	s25 =	spop (v2sf);
	(v2sf) =	vpush v19, $0xC;
	[tilespmem:s18+$0xFFFFFFE0] =	vst v9  }
0x2ac: {  	s13 =	smov.u32 s12;
	s12 =	spop (v2sf);
	(v2sf) =	vpush v19, $0xD;
	v9 =	vadd.f32 v17, v11;
	v11 =	vld [tilespmem:s25+$0x0];
	[tilespmem:s9+$0x80] =	vst v12  }
0x2ad: {  	[dreg:$0x9] =	wrdreg s13;
	(v2sf) =	vpush v19, $0xE;
	s13 =	spop (v2sf);
	v12 =	vld [tilespmem:s14+$0x10]  }
0x2ae: {  	s7 =	smov.u32 s8;
	(v2sf) =	vpush v19, $0xF;
	v9 =	vadd.f32 v18, v9;
	s8 =	spop (v2sf);
	v19 =	vld [tilespmem:s10+$0x10]  }
0x2af: {  	v18 =	vld [tilespmem:s8+$0x0]  }
0x2b0: {  	v15 =	vadd.f32 v16, v15;
	v16 =	vld [tilespmem:s2+$0x10];
	v9 =	vmul.f32 v9, v3  }
0x2b1: {  	v20 =	vld [tilespmem:s0+$0x10]  }
0x2b2: {  	v3 =	vmovc v5;
	v5 =	vmov v6;
	v6 =	vmov v7;
	v7 =	vld [tilespmem:s12+$0x0];
	v11 =	vadd.f32 v11, v15;
	[tilespmem:s28+$0xFFFFFFF0] =	vst v9  }
0x2b3: {  	s15 =	smov.u32 s1;
	s21 =	rddreg [dreg:$0x10];
	v9 =	vld [tilespmem:s13+$0x0];
	v12 =	vadd.f32 v19, v12  }
0x2b4: {  	s1 =	smov.u32 s3;
	s24 =	smov.u32 s21;
	v17 =	vadd.f32 v22, v21;
	s3 =	spop (v2sf);
	v15 =	vbroadcast v13, $0x0;
	v21 =	vld [tilespmem:s30+$0x0];
	v11 =	vadd.f32 v18, v11  }
0x2b5: {  	[dreg:$0x7] =	wrdreg s24;
	s24 =	spop (v2sf);
	v19 =	vld [tilespmem:s3+$0x0];
	v12 =	vadd.f32 v16, v12  }
0x2b6: {  	v18 =	vld [tilespmem:s24+$0x0];
	v11 =	vmul.f32 v11, v15  }
0x2b7: {  	s21 =	smov.u32 s20;
	s20 =	smov.u32 s9;
	s9 =	sadd.s32 $0x200, s9;
	v16 =	vld [tilespmem:s22+$0xFFFFFFF0];
	v12 =	vadd.f32 v20, v12  }
0x2b8: {  	v7 =	vadd.f32 v9, v7;
	v20 =	vld [tilespmem:s6+$0x0];
	[tilespmem:s9+$0x0] =	vst v11  }
0x2b9: {  	v22 =	vld [tilespmem:s17+$0x10];
	v9 =	vmul.f32 v12, v14  }
0x2ba: {  	v7 =	vadd.f32 v19, v7;
	v19 =	vld [tilespmem:s5+$0x10]  }
0x2bb: {  	v17 =	vadd.f32 v21, v17;
	v23 =	vld [tilespmem:s25+$0x10];
	[tilespmem:s20+$0x90] =	vst v9  }
0x2bc: {  	v11 =	vbroadcast v16, $0x0;
	v12 =	vbroadcast v16, $0x4;
	v18 =	vadd.f32 v18, v7;
	v21 =	vld [tilespmem:s14+$0x20]  }
0x2bd: {  	v9 =	vbroadcast v16, $0x8;
	v7 =	vbroadcast v16, $0xC;
	v16 =	vld [tilespmem:s10+$0x20]  }
0x2be: {  	v24 =	vld [tilespmem:s8+$0x10];
	v17 =	vadd.f32 v20, v17;
	v18 =	vmul.f32 v18, v11  }
0x2bf: {  	[dreg:$0x14] =	wrdreg s7;
	s7 =	spop (v2sf);
	v20 =	vld [tilespmem:s2+$0x20];
	v19 =	vadd.f32 v19, v22  }
0x2c0: {  	[dreg:$0x12] =	wrdreg s16;
	s16 =	spop (v2sf);
	v17 =	vmul.f32 v17, v8;
	v22 =	vld [tilespmem:s0+$0x20];
	[tilespmem:s9+$0xFFFFFF00] =	vst v18  }
0x2c1: {  	[smem:$0x7E6] =	sst s21;
	s21 =	spop (v2sf);
	v18 =	vld [tilespmem:s4+$0x10];
	v19 =	vadd.f32 v23, v19  }
0x2c2: {  	[dreg:$0x5] =	wrdreg s19;
	s19 =	spop (v2sf);
	v23 =	vld [tilespmem:s12+$0x10];
	[tilespmem:s20+$0xFFFFFF80] =	vst v17;
	v16 =	vadd.f32 v16, v21  }
0x2c3: {  	[dreg:$0x16] =	wrdreg s11;
	s11 =	smov.u32 s18;
	s18 =	spop (v2sf);
	v17 =	vld [tilespmem:s13+$0x10];
	v19 =	vadd.f32 v24, v19  }
0x2c4: {  	[smem:$0x7E7] =	sst s18;
	s18 =	spop (v2sf);
	v21 =	vld [tilespmem:s3+$0x10];
	v16 =	vadd.f32 v20, v16  }
0x2c5: {  	[smem:$0x7E8] =	sst s18;
	s18 =	spop (v2sf);
	v60 =	vld [tilespmem:s29+$0x10];
	v19 =	vmul.f32 v19, v15  }
0x2c6: {  	[dreg:$0x1e] =	wrdreg s18;
	s18 =	spop (v2sf);
	v25 =	vld [tilespmem:s30+$0x10];
	v16 =	vadd.f32 v22, v16  }
0x2c7: {  	[dreg:$0x1c] =	wrdreg s18;
	s18 =	spop (v2sf);
	v20 =	vld [tilespmem:s24+$0x10];
	[tilespmem:s9+$0x10] =	vst v19  }
0x2c8: {  	[smem:$0x7E5] =	sst s11;
	s11 =	spop (v2sf);
	v17 =	vadd.f32 v17, v23;
	v22 =	vld [tilespmem:s17+$0x20];
	v16 =	vmul.f32 v16, v14  }
0x2c9: {  	[dreg:$0x10] =	wrdreg s11;
	s11 =	spop (v2sf);
	v23 =	vld [tilespmem:s5+$0x20]  }
0x2ca: {  	s28 =	spop (v2sf);
	(v2sf) =	vpush v2, $0xC;
	v17 =	vadd.f32 v21, v17;
	v21 =	vld [tilespmem:s25+$0x20];
	[tilespmem:s20+$0xA0] =	vst v16  }
0x2cb: {  	(v2sf) =	vpush v2, $0xD;
	v16 =	vld [tilespmem:s14+$0x30]  }
0x2cc: {  	v17 =	vadd.f32 v20, v17;
	v20 =	vld [tilespmem:s10+$0x30]  }
0x2cd: {  	(v2sf) =	vpush v2, $0xE;
	v61 =	vld [tilespmem:s8+$0x20]  }
0x2ce: {  	v17 =	vmul.f32 v17, v11;
	v22 =	vadd.f32 v23, v22;
	v23 =	vld [tilespmem:s2+$0x30]  }
0x2cf: {  	(v2sf) =	vpush v2, $0xF;
	v19 =	vld [tilespmem:s31+$0x10]  }
0x2d0: {  	v2 =	vmov v10;
	[tilespmem:s9+$0xFFFFFF10] =	vst v17;
	v10 =	vadd.f32 v21, v22;
	v17 =	vld [tilespmem:s0+$0x30]  }
0x2d1: {  	v21 =	vld [tilespmem:s12+$0x20];
	v16 =	vadd.f32 v20, v16  }
0x2d2: {  	v20 =	vld [tilespmem:s13+$0x20];
	v10 =	vadd.f32 v61, v10  }
0x2d3: {  	v22 =	vld [tilespmem:s3+$0x20];
	v16 =	vadd.f32 v23, v16  }
0x2d4: {  	(v2sf) =	vpush v2, $0x4;
	v62 =	vld [tilespmem:s6+$0x10];
	v10 =	vmul.f32 v10, v15  }
0x2d5: {  	v19 =	vadd.f32 v19, v60;
	v23 =	vld [tilespmem:s24+$0x20];
	v16 =	vadd.f32 v17, v16  }
0x2d6: {  	(v2sf) =	vpush v2, $0x5;
	[tilespmem:s9+$0x20] =	vst v10;
	v10 =	vld [tilespmem:s15+$0x10]  }
0x2d7: {  	v19 =	vadd.f32 v25, v19;
	v17 =	vadd.f32 v20, v21;
	v20 =	vld [tilespmem:s17+$0x30];
	v14 =	vmul.f32 v16, v14  }
0x2d8: {  	(v2sf) =	vpush v2, $0x6;
	v16 =	vld [tilespmem:s5+$0x30]  }
0x2d9: {  	s0 =	spop (v2sf);
	v21 =	vld [tilespmem:s25+$0x30];
	v17 =	vadd.f32 v22, v17;
	[tilespmem:s20+$0xB0] =	vst v14;
	v14 =	vadd.f32 v62, v19  }
0x2da: {  	s2 =	spop (v2sf);
	v19 =	vld [tilespmem:s0+$0x0]  }
0x2db: {  	(v2sf) =	vpush v2, $0x7;
	v17 =	vadd.f32 v23, v17;
	v22 =	vld [tilespmem:s2+$0x0];
	v14 =	vmul.f32 v14, v8  }
0x2dc: {  	[dreg:$0x1b] =	wrdreg s11;
	s5 =	spop (v2sf);
	v23 =	vld [tilespmem:s8+$0x30]  }
0x2dd: {  	s11 =	smov.u32 s15;
	s15 =	rddreg [dreg:$0x16];
	v10 =	vadd.f32 v10, v18;
	v18 =	vld [tilespmem:s5+$0x0];
	v17 =	vmul.f32 v17, v11;
	v16 =	vadd.f32 v16, v20;
	[tilespmem:s20+$0xFFFFFF90] =	vst v14  }
0x2de: {  	s8 =	spop (v2sf);
	v14 =	vld [tilespmem:s15+$0x10]  }
0x2df: {  	[tilespmem:s9+$0xFFFFFF20] =	vst v17;
	v16 =	vadd.f32 v21, v16;
	v17 =	vld [tilespmem:s8+$0x0]  }
0x2e0: {  	v20 =	vld [tilespmem:s12+$0x30];
	v19 =	vadd.f32 v22, v19  }
0x2e1: {  	v21 =	vld [tilespmem:s13+$0x30];
	v16 =	vadd.f32 v23, v16  }
0x2e2: {  	v22 =	vld [tilespmem:s3+$0x30];
	v18 =	vadd.f32 v18, v19  }
0x2e3: {  	v19 =	vld [tilespmem:s24+$0x30];
	v15 =	vmul.f32 v16, v15  }
0x2e4: {  	v16 =	vld [tilespmem:s29+$0x20];
	v14 =	vadd.f32 v14, v10;
	v17 =	vadd.f32 v17, v18;
	v10 =	vbroadcast v4, $0xC  }
0x2e5: {  	s10 =	spop (v2sf);
	v4 =	vmov v13;
	v13 =	vld [tilespmem:s31+$0x20];
	[tilespmem:s9+$0x30] =	vst v15  }
0x2e6: {  	s13 =	spop (v2sf);
	v15 =	vadd.f32 v21, v20;
	v18 =	vld [tilespmem:s10+$0x0];
	v17 =	vmul.f32 v17, v10  }
0x2e7: {  	s3 =	spop (v2sf);
	v20 =	vld [tilespmem:s13+$0x0]  }
0x2e8: {  	v21 =	vld [tilespmem:s3+$0x0];
	v15 =	vadd.f32 v22, v15;
	[tilespmem:s20+$0xC0] =	vst v17  }
0x2e9: {  	v17 =	vld [tilespmem:s0+$0x10]  }
0x2ea: {  	s12 =	spop (v2sf);
	v15 =	vadd.f32 v19, v15;
	v16 =	vadd.f32 v13, v16;
	v13 =	vld [tilespmem:s2+$0x10]  }
0x2eb: {  	v19 =	vld [tilespmem:s12+$0x0]  }
0x2ec: {  	v11 =	vmul.f32 v15, v11;
	v15 =	vadd.f32 v20, v18;
	v18 =	vld [tilespmem:s5+$0x10]  }
0x2ed: {  	v20 =	vld [tilespmem:s30+$0x20]  }
0x2ee: {  	[tilespmem:s9+$0xFFFFFF30] =	vst v11;
	v11 =	vadd.f32 v21, v15;
	v15 =	vld [tilespmem:s8+$0x10]  }
0x2ef: {  	v21 =	vld [tilespmem:s7+$0x0];
	v17 =	vadd.f32 v13, v17  }
0x2f0: {  	v22 =	vld [tilespmem:s16+$0x0];
	v13 =	vbroadcast v4, $0x4;
	v11 =	vadd.f32 v19, v11  }
0x2f1: {  	v19 =	vld [tilespmem:s21+$0x0];
	v17 =	vadd.f32 v18, v17  }
0x2f2: {  	v16 =	vadd.f32 v20, v16;
	v20 =	vld [tilespmem:s6+$0x20];
	v11 =	vmul.f32 v11, v13  }
0x2f3: {  	v18 =	vld [tilespmem:s19+$0x0];
	v15 =	vadd.f32 v15, v17  }
0x2f4: {  	[tilespmem:s9+$0x40] =	vst v11;
	v11 =	vld [tilespmem:s1+$0x10]  }
0x2f5: {  	v17 =	vadd.f32 v22, v21;
	v21 =	vld [tilespmem:s10+$0x10];
	v15 =	vmul.f32 v15, v10  }
0x2f6: {  	v22 =	vld [tilespmem:s13+$0x10]  }
0x2f7: {  	v17 =	vadd.f32 v19, v17;
	v19 =	vld [tilespmem:s3+$0x10];
	[tilespmem:s20+$0xD0] =	vst v15;
	v15 =	vadd.f32 v20, v16  }
0x2f8: {  	v16 =	vld [tilespmem:s0+$0x20]  }
0x2f9: {  	v17 =	vadd.f32 v18, v17;
	v18 =	vld [tilespmem:s2+$0x20];
	v15 =	vmul.f32 v15, v8  }
0x2fa: {  	v11 =	vadd.f32 v11, v14;
	v14 =	vld [tilespmem:s12+$0x10]  }
0x2fb: {  	s14 =	rddreg [dreg:$0x19];
	v20 =	vadd.f32 v22, v21;
	v21 =	vld [tilespmem:s5+$0x20];
	[tilespmem:s20+$0xFFFFFFA0] =	vst v15  }
0x2fc: {  	v17 =	vmul.f32 v17, v12;
	v22 =	vmul.f32 v11, v5;
	v11 =	vld [tilespmem:s14+$0x30];
	s14 =	smov.u32 s4;
	s4 =	smov.u32 s18;
	s18 =	sld [smem:$0x7E6]  }
0x2fd: {  	_ = 	snop  }
0x2fe: {  	[tilespmem:s9+$0xFFFFFF40] =	vst v17;
	v15 =	vadd.f32 v19, v20;
	v17 =	vld [tilespmem:s8+$0x20]  }
0x2ff: {  	v19 =	vld [tilespmem:s7+$0x10];
	v16 =	vadd.f32 v18, v16;
	[tilespmem:s18+$0xFFFFFFD0] =	vst v22  }
0x300: {  	v14 =	vadd.f32 v14, v15;
	v18 =	vld [tilespmem:s16+$0x10]  }
0x301: {  	v16 =	vadd.f32 v21, v16;
	v15 =	vld [tilespmem:s21+$0x10]  }
0x302: {  	v20 =	vld [tilespmem:s19+$0x10];
	v14 =	vmul.f32 v14, v13  }
0x303: {  	v21 =	vld [tilespmem:s29+$0x30];
	v16 =	vadd.f32 v17, v16  }
0x304: {  	[tilespmem:s9+$0x50] =	vst v14;
	v14 =	vld [tilespmem:s31+$0x30]  }
0x305: {  	v16 =	vmul.f32 v16, v10;
	v17 =	vadd.f32 v18, v19;
	v18 =	vld [tilespmem:s10+$0x20]  }
0x306: {  	v19 =	vld [tilespmem:s13+$0x20]  }
0x307: {  	v15 =	vadd.f32 v15, v17;
	v17 =	vld [tilespmem:s3+$0x20];
	[tilespmem:s20+$0xE0] =	vst v16  }
0x308: {  	v16 =	vld [tilespmem:s0+$0x30]  }
0x309: {  	v15 =	vadd.f32 v20, v15;
	v20 =	vld [tilespmem:s2+$0x30]  }
0x30a: {  	v14 =	vadd.f32 v14, v21;
	v21 =	vld [tilespmem:s12+$0x20]  }
0x30b: {  	v18 =	vadd.f32 v19, v18;
	v19 =	vld [tilespmem:s5+$0x30];
	v15 =	vmul.f32 v15, v12  }
0x30c: {  	v22 =	vld [tilespmem:s30+$0x30]  }
0x30d: {  	[tilespmem:s9+$0xFFFFFF50] =	vst v15;
	v15 =	vadd.f32 v17, v18;
	v17 =	vld [tilespmem:s8+$0x30]  }
0x30e: {  	v18 =	vld [tilespmem:s7+$0x20];
	v16 =	vadd.f32 v20, v16  }
0x30f: {  	[dreg:$0xd] =	wrdreg s28;
	v20 =	vld [tilespmem:s16+$0x20];
	v15 =	vadd.f32 v21, v15  }
0x310: {  	s24 =	rddreg [dreg:$0xb];
	v23 =	vld [tilespmem:s19+$0x20];
	v16 =	vadd.f32 v19, v16  }
0x311: {  	s25 =	smov.u32 s24;
	s24 =	sld [smem:$0x7E7];
	v21 =	vld [tilespmem:s21+$0x20];
	v15 =	vmul.f32 v15, v13  }
0x312: {  	[dreg:$0xb] =	wrdreg s4;
	v63 =	vld [tilespmem:s6+$0x30];
	v16 =	vadd.f32 v17, v16  }
0x313: {  	s23 =	sadd.s32 $0x2, s23;
	s4 =	sld [smem:$0x7E8];
	v22 =	vadd.f32 v22, v14;
	v14 =	vld [tilespmem:s14+$0x20];
	[tilespmem:s9+$0x60] =	vst v15  }
0x314: {  	p1 =	slt.u32 s23, $0x1E;
	s28 =	sld [smem:$0x7E5];
	v15 =	vadd.f32 v20, v18;
	v18 =	vld [tilespmem:s10+$0x30];
	v10 =	vmul.f32 v16, v10  }
.Ltmp1:
0x315: {  	s29 =	smov.u32 s24;
	s24 =	rddreg [dreg:$0x17];
	v19 =	vld [tilespmem:s13+$0x30];
	(pc) =	sbr.rel @p1 .LBB2_5-.Ltmp1, $4  }
0x316: {  	(v2sf) =	vpush v2, $0x8;
	s31 =	smov.u32 s4;
	s4 =	rddreg [dreg:$0x1c];
	v16 =	vadd.f32 v21, v15;
	v15 =	vld [tilespmem:s11+$0x20];
	[tilespmem:s20+$0xF0] =	vst v10  }
0x317: {  	s26 =	sadd.s32 $0x20, s26;
	s17 =	smov.u32 s1;
	(v2sf) =	vpush v2, $0x9;
	s2 =	rddreg [dreg:$0x1e];
	v10 =	vadd.f32 v63, v22;
	v20 =	vld [tilespmem:s3+$0x30]  }
0x318: {  	(v2sf) =	vpush v2, $0xA;
	s5 =	smov.u32 s11;
	s30 =	smov.u32 s2;
	s13 =	rddreg [dreg:$0x14];
	v21 =	vadd.f32 v23, v16;
	v16 =	vld [tilespmem:s15+$0x20]  }
0x319: {  	(v2sf) =	vpush v2, $0xB;
	s8 =	smov.u32 s15;
	s6 =	smov.u32 s4;
	v22 =	vld [tilespmem:s12+$0x30];
	s12 =	rddreg [dreg:$0x12];
	v17 =	vmul.f32 v10, v8;
	v8 =	vmov v9  }
0x31a: {  	_ =	sdelay $0x2  }
0x31b: {  	v9 =	vmul.f32 v21, v12;
	v10 =	vadd.f32 v19, v18;
	_ =	sdelay $0x1  }
0x31c: {  	[tilespmem:s9+$0xFFFFFF60] =	vst v9;
	v9 =	vadd.f32 v20, v10  }
0x31d: {  	v10 =	vld [tilespmem:s7+$0x30]  }
0x31e: {  	v18 =	vld [tilespmem:s16+$0x30];
	v9 =	vadd.f32 v22, v9;
	_ =	sdelay $0x1  }
0x31f: {  	v19 =	vld [tilespmem:s21+$0x30];
	v9 =	vmul.f32 v9, v13;
	_ =	sdelay $0x1  }
0x320: {  	v13 =	vld [tilespmem:s19+$0x30];
	[tilespmem:s9+$0x70] =	vst v9;
	s0 =	spop (v2sf)  }
0x321: {  	v9 =	vadd.f32 v18, v10;
	v10 =	vld [tilespmem:s0+$0x0];
	s1 =	spop (v2sf)  }
0x322: {  	v18 =	vld [tilespmem:s1+$0x0]  }
0x323: {  	v9 =	vadd.f32 v19, v9;
	s2 =	spop (v2sf)  }
0x324: {  	v19 =	vld [tilespmem:s2+$0x0]  }
0x325: {  	v9 =	vadd.f32 v13, v9;
	s3 =	spop (v2sf)  }
0x326: {  	v13 =	vld [tilespmem:s3+$0x0]  }
0x327: {  	v9 =	vmul.f32 v9, v12;
	v10 =	vadd.f32 v18, v10;
	_ =	sdelay $0x1  }
0x328: {  	[tilespmem:s9+$0xFFFFFF70] =	vst v9;
	v9 =	vadd.f32 v19, v10  }
0x329: {  	v12 =	vld [tilespmem:s31+$0x0]  }
0x32a: {  	v10 =	vld [tilespmem:s29+$0x0];
	v9 =	vadd.f32 v13, v9;
	v13 =	vbroadcast v4, $0x8;
	_ =	sdelay $0x1  }
0x32b: {  	v9 =	vmul.f32 v9, v13  }
0x32c: {  	v18 =	vld [tilespmem:s30+$0x0]  }
0x32d: {  	[tilespmem:s9+$0x80] =	vst v9;
	v9 =	vld [tilespmem:s6+$0x0]  }
0x32e: {  	v10 =	vadd.f32 v12, v10;
	v12 =	vld [tilespmem:s0+$0x10]  }
0x32f: {  	v19 =	vld [tilespmem:s1+$0x10];
	_ =	sdelay $0x1  }
0x330: {  	v10 =	vadd.f32 v18, v10;
	v18 =	vld [tilespmem:s2+$0x10];
	_ =	sdelay $0x1  }
0x331: {  	v9 =	vadd.f32 v9, v10;
	v10 =	vld [tilespmem:s3+$0x10]  }
0x332: {  	v12 =	vadd.f32 v19, v12  }
0x333: {  	v9 =	vmul.f32 v9, v8  }
0x334: {  	v12 =	vadd.f32 v18, v12  }
0x335: {  	[tilespmem:s9+$0xFFFFFF80] =	vst v9  }
0x336: {  	v9 =	vld [tilespmem:s29+$0x10];
	v10 =	vadd.f32 v10, v12  }
0x337: {  	v12 =	vld [tilespmem:s31+$0x10]  }
0x338: {  	v10 =	vmul.f32 v10, v13  }
0x339: {  	v18 =	vld [tilespmem:s30+$0x10]  }
0x33a: {  	[tilespmem:s9+$0x90] =	vst v10;
	v10 =	vld [tilespmem:s6+$0x10]  }
0x33b: {  	v19 =	vld [tilespmem:s0+$0x20]  }
0x33c: {  	v9 =	vadd.f32 v12, v9;
	v12 =	vld [tilespmem:s1+$0x20];
	_ =	sdelay $0x1  }
0x33d: {  	v9 =	vadd.f32 v18, v9;
	v18 =	vld [tilespmem:s2+$0x20];
	_ =	sdelay $0x1  }
0x33e: {  	v9 =	vadd.f32 v10, v9;
	v10 =	vld [tilespmem:s3+$0x20]  }
0x33f: {  	v12 =	vadd.f32 v12, v19  }
0x340: {  	v9 =	vmul.f32 v9, v8  }
0x341: {  	v12 =	vadd.f32 v18, v12  }
0x342: {  	[tilespmem:s9+$0xFFFFFF90] =	vst v9  }
0x343: {  	v9 =	vld [tilespmem:s29+$0x20];
	v10 =	vadd.f32 v10, v12  }
0x344: {  	v12 =	vld [tilespmem:s31+$0x20]  }
0x345: {  	v10 =	vmul.f32 v10, v13  }
0x346: {  	v18 =	vld [tilespmem:s30+$0x20]  }
0x347: {  	(v2sf) =	vpush v2, $0xC;
	[tilespmem:s9+$0xA0] =	vst v10;
	v10 =	vld [tilespmem:s6+$0x20]  }
0x348: {  	(v2sf) =	vpush v2, $0xD;
	v19 =	vld [tilespmem:s0+$0x30]  }
0x349: {  	v9 =	vadd.f32 v12, v9;
	v12 =	vld [tilespmem:s1+$0x30]  }
0x34a: {  	(v2sf) =	vpush v2, $0xE  }
0x34b: {  	v9 =	vadd.f32 v18, v9;
	v18 =	vld [tilespmem:s2+$0x30]  }
0x34c: {  	(v2sf) =	vpush v2, $0xF  }
0x34d: {  	v2 =	vadd.f32 v10, v9;
	v9 =	vld [tilespmem:s3+$0x30]  }
0x34e: {  	v10 =	vadd.f32 v12, v19  }
0x34f: {  	v2 =	vmul.f32 v2, v8  }
0x350: {  	v10 =	vadd.f32 v18, v10  }
0x351: {  	[tilespmem:s9+$0xFFFFFFA0] =	vst v2  }
0x352: {  	v2 =	vld [tilespmem:s29+$0x30];
	v9 =	vadd.f32 v9, v10  }
0x353: {  	v10 =	vld [tilespmem:s31+$0x30]  }
0x354: {  	v9 =	vmul.f32 v9, v13  }
0x355: {  	v12 =	vld [tilespmem:s30+$0x30]  }
0x356: {  	s21 =	spop (v2sf);
	[tilespmem:s9+$0xB0] =	vst v9;
	v9 =	vld [tilespmem:s6+$0x30]  }
0x357: {  	s22 =	spop (v2sf);
	v13 =	vld [tilespmem:s21+$0x0]  }
0x358: {  	v2 =	vadd.f32 v10, v2;
	v10 =	vld [tilespmem:s22+$0x0]  }
0x359: {  	s23 =	spop (v2sf)  }
0x35a: {  	v2 =	vadd.f32 v12, v2;
	v12 =	vld [tilespmem:s23+$0x0]  }
0x35b: {  	s26 =	spop (v2sf)  }
0x35c: {  	v2 =	vadd.f32 v9, v2;
	v9 =	vld [tilespmem:s26+$0x0]  }
0x35d: {  	v10 =	vadd.f32 v10, v13  }
0x35e: {  	[tilespmem:s20+$0xFFFFFFB0] =	vst v17;
	v2 =	vmul.f32 v2, v8  }
0x35f: {  	v17 =	vld [tilespmem:s25+$0x0];
	s29 =	rddreg [dreg:$0x7];
	v10 =	vadd.f32 v12, v10  }
0x360: {  	s30 =	rddreg [dreg:$0x9];
	v8 =	vld [tilespmem:s29+$0x0];
	[tilespmem:s9+$0xFFFFFFB0] =	vst v2  }
0x361: {  	v4 =	vbroadcast v4, $0xC;
	v13 =	vld [tilespmem:s30+$0x0];
	s10 =	rddreg [dreg:$0xb];
	v9 =	vadd.f32 v9, v10  }
0x362: {  	s15 =	rddreg [dreg:$0x10];
	v2 =	vld [tilespmem:s10+$0x0]  }
0x363: {  	s4 =	rddreg [dreg:$0x5];
	v10 =	vld [tilespmem:s15+$0x0];
	v9 =	vmul.f32 v9, v4  }
0x364: {  	s31 =	rddreg [dreg:$0x1b];
	v12 =	vld [tilespmem:s4+$0x0]  }
0x365: {  	v8 =	vadd.f32 v8, v17;
	v17 =	vld [tilespmem:s31+$0x0];
	[tilespmem:s9+$0xC0] =	vst v9  }
0x366: {  	s11 =	rddreg [dreg:$0xd]  }
0x367: {  	v8 =	vadd.f32 v13, v8;
	v9 =	vld [tilespmem:s11+$0x0]  }
0x368: {  	v13 =	vld [tilespmem:s21+$0x10];
	v2 =	vadd.f32 v10, v2  }
0x369: {  	v8 =	vadd.f32 v12, v8;
	v10 =	vld [tilespmem:s22+$0x10]  }
0x36a: {  	v2 =	vadd.f32 v17, v2  }
0x36b: {  	v12 =	vld [tilespmem:s23+$0x10];
	v8 =	vmul.f32 v8, v6  }
0x36c: {  	v20 =	vld [tilespmem:s12+$0x30];
	v2 =	vadd.f32 v9, v2  }
0x36d: {  	[tilespmem:s20+$0xFFFFFFC0] =	vst v8;
	v8 =	vld [tilespmem:s26+$0x10]  }
0x36e: {  	v9 =	vld [tilespmem:s25+$0x10];
	v10 =	vadd.f32 v10, v13;
	v2 =	vmul.f32 v2, v7  }
0x36f: {  	v13 =	vld [tilespmem:s29+$0x10]  }
0x370: {  	v18 =	vld [tilespmem:s30+$0x10];
	v10 =	vadd.f32 v12, v10;
	[tilespmem:s9+$0xFFFFFFC0] =	vst v2  }
0x371: {  	v2 =	vld [tilespmem:s10+$0x10]  }
0x372: {  	v8 =	vadd.f32 v8, v10;
	v10 =	vld [tilespmem:s15+$0x10]  }
0x373: {  	v12 =	vld [tilespmem:s4+$0x10]  }
0x374: {  	v9 =	vadd.f32 v13, v9;
	v13 =	vld [tilespmem:s31+$0x10];
	v8 =	vmul.f32 v8, v4  }
0x375: {  	v19 =	vld [tilespmem:s13+$0x30]  }
0x376: {  	v9 =	vadd.f32 v18, v9;
	[tilespmem:s9+$0xD0] =	vst v8;
	v8 =	vld [tilespmem:s11+$0x10]  }
0x377: {  	v18 =	vld [tilespmem:s21+$0x20];
	v2 =	vadd.f32 v10, v2  }
0x378: {  	v9 =	vadd.f32 v12, v9;
	v10 =	vld [tilespmem:s22+$0x20]  }
0x379: {  	v12 =	vld [tilespmem:s17+$0x20];
	v2 =	vadd.f32 v13, v2  }
0x37a: {  	v9 =	vmul.f32 v9, v6;
	v13 =	vld [tilespmem:s23+$0x20]  }
0x37b: {  	v14 =	vadd.f32 v15, v14;
	v17 =	vld [tilespmem:s24+$0x30];
	v2 =	vadd.f32 v8, v2  }
0x37c: {  	[tilespmem:s20+$0xFFFFFFD0] =	vst v9;
	v8 =	vld [tilespmem:s26+$0x20]  }
0x37d: {  	v9 =	vadd.f32 v16, v14;
	v14 =	vld [tilespmem:s25+$0x20];
	v10 =	vadd.f32 v10, v18;
	v2 =	vmul.f32 v2, v7  }
0x37e: {  	v15 =	vld [tilespmem:s29+$0x20]  }
0x37f: {  	v9 =	vadd.f32 v12, v9;
	v12 =	vld [tilespmem:s30+$0x20];
	v10 =	vadd.f32 v13, v10;
	[tilespmem:s9+$0xFFFFFFD0] =	vst v2  }
0x380: {  	v2 =	vld [tilespmem:s10+$0x20]  }
0x381: {  	v9 =	vmul.f32 v9, v5;
	v8 =	vadd.f32 v8, v10;
	v10 =	vld [tilespmem:s15+$0x20]  }
0x382: {  	v13 =	vld [tilespmem:s4+$0x20]  }
0x383: {  	[tilespmem:s18+$0xFFFFFFE0] =	vst v9;
	v9 =	vld [tilespmem:s31+$0x20];
	v14 =	vadd.f32 v15, v14;
	v8 =	vmul.f32 v8, v4  }
0x384: {  	v16 =	vld [tilespmem:s14+$0x30]  }
0x385: {  	v12 =	vadd.f32 v12, v14;
	[tilespmem:s9+$0xE0] =	vst v8;
	v8 =	vld [tilespmem:s11+$0x20]  }
0x386: {  	v18 =	vld [tilespmem:s17+$0x30];
	v2 =	vadd.f32 v10, v2  }
0x387: {  	v12 =	vadd.f32 v13, v12;
	v13 =	vld [tilespmem:s5+$0x30]  }
0x388: {  	v15 =	vld [tilespmem:s21+$0x30];
	v2 =	vadd.f32 v9, v2  }
0x389: {  	v10 =	vld [tilespmem:s22+$0x30]  }
0x38a: {  	v14 =	vld [tilespmem:s23+$0x30];
	v12 =	vmul.f32 v12, v6;
	v2 =	vadd.f32 v8, v2  }
0x38b: {  	v9 =	vld [tilespmem:s26+$0x30]  }
0x38c: {  	[tilespmem:s20+$0xFFFFFFE0] =	vst v12;
	v8 =	vld [tilespmem:s8+$0x30];
	v2 =	vmul.f32 v2, v7  }
0x38d: {  	v12 =	vld [tilespmem:s25+$0x30]  }
0x38e: {  	v21 =	vld [tilespmem:s29+$0x30];
	[tilespmem:s9+$0xFFFFFFE0] =	vst v2  }
0x38f: {  	v11 =	vadd.f32 v17, v11;
	v2 =	vld [tilespmem:s10+$0x30]  }
0x390: {  	v17 =	vld [tilespmem:s15+$0x30]  }
0x391: {  	v11 =	vadd.f32 v19, v11;
	v22 =	vld [tilespmem:s30+$0x30];
	v10 =	vadd.f32 v10, v15  }
0x392: {  	v13 =	vadd.f32 v13, v16;
	v19 =	vld [tilespmem:s31+$0x30]  }
0x393: {  	v11 =	vadd.f32 v20, v11;
	v16 =	vld [tilespmem:s4+$0x30];
	v10 =	vadd.f32 v14, v10  }
0x394: {  	v15 =	vld [tilespmem:s11+$0x30];
	v8 =	vadd.f32 v8, v13;
	v12 =	vadd.f32 v21, v12  }
0x395: {  	v9 =	vadd.f32 v9, v10;
	v2 =	vadd.f32 v17, v2  }
0x396: {  	v3 =	vmul.f32 v11, v3;
	v8 =	vadd.f32 v18, v8;
	v12 =	vadd.f32 v22, v12  }
0x397: {  	v2 =	vadd.f32 v19, v2  }
0x398: {  	[tilespmem:s28+$0xFFFFFFF0] =	vst v3;
	v3 =	vmul.f32 v9, v4;
	v5 =	vmul.f32 v8, v5;
	v8 =	vadd.f32 v16, v12  }
0x399: {  	v2 =	vadd.f32 v15, v2  }
0x39a: {  	[tilespmem:s9+$0xF0] =	vst v3;
	v4 =	vmul.f32 v8, v6  }
0x39b: {  	[tilespmem:s18+$0xFFFFFFF0] =	vst v5;
	v2 =	vmul.f32 v2, v7  }
0x39c: {  	[tilespmem:s20+$0xFFFFFFF0] =	vst v4  }
0x39d: {  	s6 =	simm.s32 $0x1;
	[tilespmem:s9+$0xFFFFFFF0] =	vst v2  }
0x39e: {  	s5 =	sld [smem:$0x7F1];
	_ =	swait.ge [sflag:s6], $0x2000  }
0x39f: {  	s7 =	sld [smem:$0x7F8]  }
0x3a0: {  	s10 =	simm.s32 $0x40  }
0x3a1: {  	[sflag:s6] =	ssyncset.done $0x0;
	s12 =	sld [smem:$0x7F9];
	s0 =	sshll.u32 s5, $0xF  }
0x3a2: {  	s14 =	sld [smem:$0x7FA];
	[sflag:s6] =	ssyncadd.s32 $0xFFFFE000;
	s0 =	sadd.s32 s7, s0  }
0x3a3: {  	s11 =	simm.s32 $0x15548;
	s8 =	rddreg [dreg:$0x3];
	s0 =	sshrl.u32 s0, $0x3  }
0x3a4: {  	s9 =	simm.s32 $0x80;
	s15 =	sld [smem:$0x7F2];
	s1 =	sadd.s32 s8, s0  }
0x3a5: {  	[hbm4b:s1+s10] =	stream.strided.scatter [tilespmem:s11], [sflag:$0x5], $0x2000, s9, s10, $0x38;
	[tilespmem:$0x19948] =	vst v63  }
0x3a6: {  	s13 =	simm.s32 $0x11548;
	s0 =	sadd.s32 s0, s12  }
0x3a7: {  	[hbm4b:s0+s10] =	stream.strided.scatter [tilespmem:s13], [sflag:$0x7], $0x2000, s9, s10, $0x38;
	[tilespmem:$0x19948] =	vst v63  }
0x3a8: {  	s0 =	sadd.s32 s15, s14  }
0x3a9: {  	s19 =	simm.s32 $0x7;
	s16 =	rddreg [dreg:$0x0];
	s0 =	sshrl.u32 s0, $0x3  }
0x3aa: {  	s17 =	simm.s32 $0x0;
	s18 =	simm.s32 $0x10448;
	s0 =	sadd.s32 s16, s0  }
0x3ab: {  	[tilespmem:s18], [sflag:$0x9] =	stream.linear.gather [hbm4b:s0+s17], $0x80, $0x38;
	[tilespmem:$0x19948] =	vst v63  }
0x3ac: {  	_ =	swait.ge [sflag:s19], $0x2000  }
0x3ad: {  	[sflag:s19] =	ssyncset.done $0x0  }
0x3ae: {  	s20 =	simm.s32 $0x9;
	[sflag:s19] =	ssyncadd.s32 $0xFFFFE000  }
0x3af: {  	_ =	swait.ge [sflag:s20], $0x80  }
0x3b0: {  	s22 =	sld [smem:$0x7F5]  }
0x3b1: {  	s21 =	simm.s32 $0x0;
	[sflag:s20] =	ssyncset.done $0x0  }
0x3b2: {  	s23 =	simm.s32 $0x10548;
	s24 =	sld [smem:$0x7F4];
	[sflag:s20] =	ssyncadd.s32 $0xFFFFFF80  }
0x3b3: {  	v3 =	vor.u32 s21, v0;
	[tilespmem:s23], [sflag:$0x3] =	stream.indirect.gather [hbm4b:s22+s9], $0x10, s18, s9, $0xb8;
	[tilespmem:$0x19948] =	vst v63  }
0x3b4: {  	s26 =	simm.s32 $0x10;
	s25 =	simm.s32 $0x4;
	v2 =	vshll.u32 v3, $0x4  }
0x3b5: {  	v5 =	vor.u32 s26, v0;
	v4 =	vor.u32 $0x1, v2;
	[tilespmem:s13], [sflag:$0x1] =	stream.indirect.gather [hbm4b:s24+s9], $0x40, s18, s9, $0xb8;
	[tilespmem:$0x19948] =	vst v63  }
0x3b6: {  	v6 =	vshll.u32 v5, $0x4;
	_ =	swait.ge [sflag:s25], $0x800  }
0x3b7: {  	v7 =	vor.u32 $0x1, v6;
	[sflag:s25] =	ssyncset.done $0x0  }
0x3b8: {  	s3 =	simm.s32 $0x10D48;
	[sflag:s25] =	ssyncadd.s32 $0xFFFFF800  }
0x3b9: {  	v2 =	vld.idx.msk [tilespmem:v2+s3+$0x0], $0xffff  }
0x3ba: {  	s29 =	simm.s32 $0x20;
	v4 =	vld.idx.msk [tilespmem:v4+s3+$0x0], $0xffff  }
0x3bb: {  	s28 =	simm.s32 $0x30;
	v18 =	vor.u32 s29, v0;
	v8 =	vld.idx.msk [tilespmem:v6+s3+$0x0], $0xffff  }
0x3bc: {  	v10 =	vor.u32 s28, v0;
	v42 =	vshll.u32 v18, $0x2;
	v7 =	vld.idx.msk [tilespmem:v7+s3+$0x0], $0xffff  }
0x3bd: {  	v61 =	vor.u32 $0x1, v42;
	v17 =	vshll.u32 v10, $0x4  }
0x3be: {  	v19 =	vor.u32 $0x1, v17;
	v13 =	vand.u32 $0xFFFF, v2;
	v14 =	vshrl.u32 v2, $0x10  }
0x3bf: {  	v2 =	vshll.u32 v5, $0x2;
	v15 =	vand.u32 $0xFFFF, v4;
	v16 =	vshrl.u32 v4, $0x10  }
0x3c0: {  	v12 =	vand.u32 $0xFFFF, v8;
	vm0 =	veq.s32 v13, $0x400;
	vm1 =	veq.s32 v14, $0x400  }
0x3c1: {  	v21 =	vand.u32 $0xFFFF, v7;
	v6 =	vsel vm0, $0x0, v1;
	v9 =	vsel vm1, $0x0, v1  }
0x3c2: {  	v7 =	vshrl.u32 v7, $0x10;
	vm0 =	veq.s32 v15, $0x400;
	v9 =	vadd.f32 v9, v6  }
0x3c3: {  	v5 =	vor.u32 $0x1, v2;
	v30 =	vmul.u32 $0x41, v14;
	v11 =	vsel vm0, $0x0, v1  }
0x3c4: {  	vm0 =	veq.s32 v16, $0x400;
	v4 =	vadd.f32 v11, v9;
	v9 =	vshll.u32 v18, $0x4  }
0x3c5: {  	v34 =	vmul.u32 $0x41, v15;
	v11 =	vsel vm0, $0x0, v1;
	vm0 =	veq.s32 v12, $0x400  }
0x3c6: {  	v14 =	vld.idx.msk [tilespmem:v17+s3+$0x0], $0xffff;
	v20 =	vor.u32 $0x1, v9;
	v4 =	vadd.f32 v4, v11;
	v11 =	vshrl.u32 v8, $0x10  }
0x3c7: {  	s30 =	simm.s32 $0x50;
	v35 =	vmul.u32 $0x41, v16;
	v8 =	vsel vm0, $0x0, v1;
	vm0 =	veq.s32 v11, $0x400  }
0x3c8: {  	vm1 =	veq.s32 v7, $0x400;
	v16 =	vld.idx.msk [tilespmem:v19+s3+$0x0], $0xffff;
	v19 =	vor.u32 s30, v0;
	v22 =	vsel vm0, $0x0, v1  }
0x3c9: {  	v6 =	vor.u32 $0x2, v2;
	v37 =	vshll.u32 v19, $0x4;
	v8 =	vadd.f32 v22, v8;
	v22 =	vld.idx.msk [tilespmem:v9+s3+$0x0], $0xffff  }
0x3ca: {  	v23 =	vsel vm1, $0x0, v1;
	v12 =	vmul.u32 $0x41, v12;
	v38 =	vor.u32 $0x1, v37  }
0x3cb: {  	v24 =	vand.u32 $0xFFFF, v14;
	v11 =	vmul.u32 $0x41, v11;
	vm0 =	veq.s32 v21, $0x400;
	v20 =	vld.idx.msk [tilespmem:v20+s3+$0x0], $0xffff  }
0x3cc: {  	(erf) = vrcp.f32 v4;
	v9 =	vmul.u32 $0x41, v21;
	v21 =	vshll.u32 v3, $0x2  }
0x3cd: {  	v4 =	vsel vm0, $0x0, v1;
	v26 =	vor.u32 $0x1, v21;
	v29 =	vor.u32 $0x2, v21  }
0x3ce: {  	v31 =	vor.u32 $0x3, v21;
	v27 =	vand.u32 $0xFFFF, v22;
	v32 =	vshrl.u32 v22, $0x10  }
0x3cf: {  	v22 =	vmul.u32 $0x41, v13;
	vm0 =	veq.s32 v27, $0x400;
	vm1 =	veq.s32 v32, $0x400  }
0x3d0: {  	v33 =	vand.u32 $0xFFFF, v20;
	v13 =	vsel vm0, $0x0, v1;
	v17 =	vsel vm1, $0x0, v1  }
0x3d1: {  	v4 =	vadd.f32 v4, v8;
	vm0 =	veq.s32 v33, $0x400;
	v15 =	vadd.f32 v17, v13  }
0x3d2: {  	v8 =	vmul.u32 $0x41, v7;
	v36 =	vshrl.u32 v20, $0x10;
	v17 =	vsel vm0, $0x0, v1  }
0x3d3: {  	v7 =	vshll.u32 v10, $0x2;
	vm0 =	veq.s32 v36, $0x400;
	v15 =	vadd.f32 v17, v15  }
0x3d4: {  	s31 =	simm.s32 $0x40;
	v10 =	vor.u32 $0x3, v2;
	v3 =	vor.u32 $0x1, v7;
	v20 =	vsel vm0, $0x0, v1  }
0x3d5: {  	v23 =	vadd.f32 v4, v23;
	v13 =	vor.u32 s31, v0;
	v15 =	vadd.f32 v15, v20  }
0x3d6: {  	v4 =	vor.u32 $0x2, v7;
	vm0 =	veq.s32 v24, $0x400;
	v17 =	vshll.u32 v13, $0x4  }
0x3d7: {  	v24 =	vmul.u32 $0x41, v24;
	v20 =	vshrl.u32 v14, $0x10;
	(erf) = vrcp.f32 v15  }
0x3d8: {  	v25 =	vor.u32 $0x1, v17;
	v14 =	vsel vm0, $0x0, v1;
	vm0 =	veq.s32 v20, $0x400  }
0x3d9: {  	v15 =	vand.u32 $0xFFFF, v16;
	v28 =	vsel vm0, $0x0, v1;
	v16 =	vshrl.u32 v16, $0x10  }
0x3da: {  	s4 =	simm.s32 $0x19748;
	v14 =	vadd.f32 v28, v14;
	vm0 =	veq.s32 v15, $0x400;
	(erf) = vrcp.f32 v23;
	v23 =	vpop (erf)  }
0x3db: {  	s5 =	simm.s32 $0x19548;
	v39 =	vld.idx.msk [tilespmem:v17+s3+$0x0], $0xffff;
	v17 =	vmul.u32 $0x41, v15;
	v28 =	vsel vm0, $0x0, v1;
	vm0 =	veq.s32 v16, $0x400;
	[tilespmem:v21+s4+$0x0] =	vst.idx.msk $0xffff, v23  }
0x3dc: {  	v23 =	vmul.u32 $0x41, v20;
	v20 =	vshll.u32 v19, $0x2;
	v40 =	vadd.f32 v28, v14;
	[tilespmem:v21+s5+$0x0] =	vst.idx.msk $0xffff, v22  }
0x3dd: {  	v41 =	vsel vm0, $0x0, v1;
	v14 =	vmul.u32 $0x41, v16;
	v28 =	vld.idx.msk [tilespmem:v25+s3+$0x0], $0xffff;
	v21 =	vor.u32 $0x3, v7;
	[tilespmem:v26+s5+$0x0] =	vst.idx.msk $0xffff, v30  }
0x3de: {  	v16 =	vor.u32 $0x1, v20;
	v15 =	vor.u32 $0x2, v20;
	v30 =	vor.u32 $0x2, v42;
	[tilespmem:v29+s5+$0x0] =	vst.idx.msk $0xffff, v34  }
0x3df: {  	v26 =	vmul.u32 $0x41, v27;
	v25 =	vadd.f32 v40, v41;
	[tilespmem:v31+s5+$0x0] =	vst.idx.msk $0xffff, v35;
	v31 =	vmul.u32 $0x41, v32  }
0x3e0: {  	v29 =	vor.u32 $0x3, v42;
	v22 =	vand.u32 $0xFFFF, v39;
	v19 =	vshrl.u32 v39, $0x10;
	v27 =	vpop (erf)  }
0x3e1: {  	v32 =	vmul.u32 $0x41, v33;
	vm0 =	veq.s32 v22, $0x400;
	vm1 =	veq.s32 v19, $0x400;
	[tilespmem:v42+s4+$0x0] =	vst.idx.msk $0xffff, v27  }
0x3e2: {  	v18 =	vand.u32 $0xFFFF, v28;
	v62 =	vsel vm0, $0x0, v1;
	v63 =	vsel vm1, $0x0, v1;
	v27 =	vld.idx.msk [tilespmem:v37+s3+$0x0], $0xffff;
	[tilespmem:v42+s5+$0x0] =	vst.idx.msk $0xffff, v26  }
0x3e3: {  	s1 =	simm.s32 $0x70;
	s0 =	simm.s32 $0x4;
	v33 =	vmul.u32 $0x41, v36;
	v34 =	vadd.f32 v63, v62;
	vm0 =	veq.s32 v18, $0x400;
	v26 =	vld.idx.msk [tilespmem:v38+s3+$0x0], $0xffff;
	[tilespmem:v61+s5+$0x0] =	vst.idx.msk $0xffff, v31;
	v31 =	vpop (erf)  }
.LBB2_7:
0x3e4: {  	s2 =	sadd.s32 $0xFFFFFFF0, s1;
	v35 =	vor.u32 s1, v0;
	v36 =	vshrl.u32 v28, $0x10;
	v28 =	vsel vm0, $0x0, v1;
	[tilespmem:v30+s5+$0x0] =	vst.idx.msk $0xffff, v32  }
0x3e5: {  	v30 =	vor.u32 s2, v0;
	v28 =	vadd.f32 v28, v34;
	vm0 =	veq.s32 v36, $0x400;
	[tilespmem:v29+s5+$0x0] =	vst.idx.msk $0xffff, v33  }
0x3e6: {  	v32 =	vshll.u32 v35, $0x4;
	v29 =	vshll.u32 v30, $0x4;
	v33 =	vsel vm0, $0x0, v1;
	[tilespmem:v2+s4+$0x0] =	vst.idx.msk $0xffff, v31  }
0x3e7: {  	v31 =	vor.u32 $0x1, v32;
	v28 =	vadd.f32 v28, v33;
	v33 =	vand.u32 $0xFFFF, v27;
	[tilespmem:v2+s5+$0x0] =	vst.idx.msk $0xffff, v12;
	v12 =	vmovc v24  }
0x3e8: {  	v34 =	vshrl.u32 v27, $0x10;
	v24 =	vor.u32 $0x1, v29;
	v2 =	vmovc v7;
	vm0 =	veq.s32 v33, $0x400;
	[tilespmem:v5+s5+$0x0] =	vst.idx.msk $0xffff, v11;
	v11 =	vmovc v23  }
0x3e9: {  	s0 =	sadd.s32 $0x2, s0;
	v7 =	vmovc v20;
	v23 =	vsel vm0, $0x0, v1;
	vm0 =	veq.s32 v34, $0x400;
	(erf) = vrcp.f32 v28;
	[tilespmem:v6+s5+$0x0] =	vst.idx.msk $0xffff, v9;
	v9 =	vmovc v17  }
0x3ea: {  	p1 =	slt.u32 s0, $0x6;
	v20 =	vshrl.u32 v26, $0x10;
	v17 =	vand.u32 $0xFFFF, v26;
	v26 =	vsel vm0, $0x0, v1;
	[tilespmem:v10+s5+$0x0] =	vst.idx.msk $0xffff, v8;
	v8 =	vmovc v14;
	v10 =	vmovc v21  }
0x3eb: {  	vm1 =	veq.s32 v20, $0x400;
	v5 =	vmovc v3;
	v3 =	vmovc v16;
	vm0 =	veq.s32 v17, $0x400;
	v37 =	vld.idx.msk [tilespmem:v29+s3+$0x0], $0xffff;
	v14 =	vadd.f32 v26, v23  }
0x3ec: {  	v6 =	vmovc v4;
	v4 =	vmovc v15;
	v21 =	vsel vm1, $0x0, v1;
	v16 =	vsel vm0, $0x0, v1;
	v27 =	vld.idx.msk [tilespmem:v32+s3+$0x0], $0xffff;
	(erf) = vrcp.f32 v25  }
0x3ed: {  	v17 =	vmul.u32 $0x41, v17;
	v28 =	vld.idx.msk [tilespmem:v24+s3+$0x0], $0xffff;
	v15 =	vadd.f32 v16, v14;
	v14 =	vmul.u32 $0x41, v20  }
0x3ee: {  	v23 =	vmul.u32 $0x41, v34;
	v24 =	vmul.u32 $0x41, v33;
	v26 =	vld.idx.msk [tilespmem:v31+s3+$0x0], $0xffff;
	v31 =	vshll.u32 v13, $0x2;
	v13 =	vmovc v30  }
0x3ef: {  	v20 =	vshll.u32 v35, $0x2;
	v25 =	vadd.f32 v15, v21;
	v21 =	vor.u32 $0x3, v7  }
0x3f0: {  	v16 =	vor.u32 $0x1, v20;
	v15 =	vor.u32 $0x2, v20;
	v33 =	vor.u32 $0x1, v31  }
.Ltmp2:
0x3f1: {  	v30 =	vor.u32 $0x2, v31;
	v29 =	vor.u32 $0x3, v31;
	v32 =	vand.u32 $0xFFFF, v37;
	(pc) =	sbr.rel @p1 .LBB2_7-.Ltmp2, $4  }
0x3f2: {  	v34 =	vmul.u32 $0x41, v22;
	v35 =	vmul.u32 $0x41, v19;
	v19 =	vshrl.u32 v37, $0x10;
	v22 =	vpop (erf)  }
0x3f3: {  	vm0 =	veq.s32 v32, $0x400;
	vm1 =	veq.s32 v19, $0x400;
	v37 =	vand.u32 $0xFFFF, v28;
	[tilespmem:v31+s4+$0x0] =	vst.idx.msk $0xffff, v22;
	v22 =	vmovc v32  }
0x3f4: {  	v38 =	vsel vm0, $0x0, v1;
	v39 =	vsel vm1, $0x0, v1;
	v32 =	vmul.u32 $0x41, v18;
	v18 =	vmovc v37;
	[tilespmem:v31+s5+$0x0] =	vst.idx.msk $0xffff, v34  }
0x3f5: {  	s1 =	sadd.s32 $0x20, s1;
	v34 =	vadd.f32 v39, v38;
	vm0 =	veq.s32 v18, $0x400;
	[tilespmem:v33+s5+$0x0] =	vst.idx.msk $0xffff, v35;
	v33 =	vmul.u32 $0x41, v36;
	v31 =	vpop (erf)  }
0x3f6: {  	v28 =	vshrl.u32 v28, $0x10;
	v35 =	vsel vm0, $0x0, v1  }
0x3f7: {  	v34 =	vadd.f32 v35, v34;
	vm12 =	veq.s32 v28, $0x400  }
0x3f8: {  	v38 =	vsel vm12, $0x0, v1  }
0x3f9: {  	v34 =	vadd.f32 v34, v38;
	_ =	sdelay $0x1  }
0x3fa: {  	(erf) = vrcp.f32 v34  }
0x3fb: {  	v39 =	vand.u32 $0xFFFF, v27;
	v40 =	vshrl.u32 v27, $0x10  }
0x3fc: {  	vm13 =	veq.s32 v39, $0x400;
	vm1 =	veq.s32 v40, $0x400  }
0x3fd: {  	[tilespmem:v30+s5+$0x0] =	vst.idx.msk $0xffff, v32;
	v42 =	vand.u32 $0xFFFF, v26;
	v41 =	vsel vm13, $0x0, v1;
	v43 =	vsel vm1, $0x0, v1  }
0x3fe: {  	v44 =	vshrl.u32 v26, $0x10;
	[tilespmem:v2+s4+$0x0] =	vst.idx.msk $0xffff, v31;
	vm14 =	veq.s32 v42, $0x400;
	v45 =	vadd.f32 v43, v41  }
0x3ff: {  	v13 =	vshll.u32 v13, $0x2;
	[tilespmem:v29+s5+$0x0] =	vst.idx.msk $0xffff, v33;
	v46 =	vsel vm14, $0x0, v1;
	(erf) = vrcp.f32 v25  }
0x400: {  	[tilespmem:v2+s5+$0x0] =	vst.idx.msk $0xffff, v12;
	vm15 =	veq.s32 v44, $0x400;
	v2 =	vadd.f32 v46, v45  }
0x401: {  	[tilespmem:v5+s5+$0x0] =	vst.idx.msk $0xffff, v11;
	v5 =	vsel vm15, $0x0, v1;
	v11 =	vor.u32 $0x1, v13  }
0x402: {  	[tilespmem:v6+s5+$0x0] =	vst.idx.msk $0xffff, v9;
	v2 =	vadd.f32 v2, v5;
	v5 =	vor.u32 $0x2, v13  }
0x403: {  	v6 =	vor.u32 $0x3, v13;
	[tilespmem:v10+s5+$0x0] =	vst.idx.msk $0xffff, v8;
	v8 =	vmul.u32 $0x41, v22;
	v9 =	vpop (erf)  }
0x404: {  	v10 =	vmul.u32 $0x41, v19;
	(erf) = vrcp.f32 v2;
	v2 =	vmul.u32 $0x41, v18;
	[tilespmem:v13+s4+$0x0] =	vst.idx.msk $0xffff, v9  }
0x405: {  	[tilespmem:v13+s5+$0x0] =	vst.idx.msk $0xffff, v8  }
0x406: {  	v8 =	vmul.u32 $0x41, v28;
	[tilespmem:v11+s5+$0x0] =	vst.idx.msk $0xffff, v10  }
0x407: {  	[tilespmem:v5+s5+$0x0] =	vst.idx.msk $0xffff, v2  }
0x408: {  	v2 =	vpop (erf);
	[tilespmem:v6+s5+$0x0] =	vst.idx.msk $0xffff, v8  }
0x409: {  	[tilespmem:v7+s4+$0x0] =	vst.idx.msk $0xffff, v2  }
0x40a: {  	[tilespmem:v7+s5+$0x0] =	vst.idx.msk $0xffff, v24  }
0x40b: {  	[tilespmem:v3+s5+$0x0] =	vst.idx.msk $0xffff, v23  }
0x40c: {  	[tilespmem:v4+s5+$0x0] =	vst.idx.msk $0xffff, v17  }
0x40d: {  	v2 =	vmul.u32 $0x41, v39;
	v3 =	vor.u32 $0x3, v20;
	[tilespmem:v21+s5+$0x0] =	vst.idx.msk $0xffff, v14;
	v4 =	vpop (erf)  }
0x40e: {  	v5 =	vmul.u32 $0x41, v40;
	[tilespmem:v20+s4+$0x0] =	vst.idx.msk $0xffff, v4  }
0x40f: {  	v4 =	vmul.u32 $0x41, v42;
	[tilespmem:v20+s5+$0x0] =	vst.idx.msk $0xffff, v2  }
0x410: {  	v2 =	vmul.u32 $0x41, v44;
	[tilespmem:v16+s5+$0x0] =	vst.idx.msk $0xffff, v5  }
0x411: {  	[tilespmem:v15+s5+$0x0] =	vst.idx.msk $0xffff, v4  }
0x412: {  	s0 =	simm.s32 @!p0 $0x6;
	[tilespmem:v3+s5+$0x0] =	vst.idx.msk $0xffff, v2  }
0x413: {  	_ =	swait.ge @!p0 [sflag:s0], $0x2000  }
0x414: {  	[sflag:s0] =	ssyncset.done @!p0 $0x0  }
0x415: {  	s18 =	simm.s32 $0x19558;
	[sflag:s0] =	ssyncadd.s32 @!p0 $0xFFFFE000  }
0x416: {  	v7 =	vld [tilespmem:s18+$0x0];
	_ =	sdelay $0x2  }
0x417: {  	v2 =	vld [tilespmem:s18+$0xFFFFFFF0];
	_ =	sdelay $0x1  }
0x418: {  	(v2sf) =	vpush v7, $0x0  }
0x419: {  	(v2sf) =	vpush v7, $0x1  }
0x41a: {  	(v2sf) =	vpush v7, $0x2  }
0x41b: {  	(v2sf) =	vpush v2, $0x0  }
0x41c: {  	(v2sf) =	vpush v2, $0x1  }
0x41d: {  	(v2sf) =	vpush v7, $0x3;
	_ =	sdelay $0x4  }
0x41e: {  	(v2sf) =	vpush v2, $0x2;
	_ =	sdelay $0x2  }
0x41f: {  	(v2sf) =	vpush v2, $0x3;
	_ =	sdelay $0x1  }
0x420: {  	s1 =	spop (v2sf)  }
0x421: {  	v3 =	vld [tilespmem:s1+$0x0];
	s3 =	spop (v2sf)  }
0x422: {  	v4 =	vld [tilespmem:s3+$0x0];
	s19 =	spop (v2sf)  }
0x423: {  	s8 =	spop (v2sf)  }
0x424: {  	s20 =	simm.s32 $0x19758;
	v5 =	vld [tilespmem:s19+$0x0];
	s9 =	spop (v2sf)  }
0x425: {  	v6 =	vld [tilespmem:s20+$0x0];
	s2 =	spop (v2sf)  }
0x426: {  	v8 =	vld [tilespmem:s2+$0x0]  }
0x427: {  	v3 =	vadd.f32 v4, v3;
	_ =	sdelay $0x1  }
0x428: {  	v3 =	vadd.f32 v5, v3  }
0x429: {  	s11 =	spop (v2sf)  }
0x42a: {  	v4 =	vbroadcast v6, $0x0;
	v9 =	vld [tilespmem:s11+$0x0];
	v3 =	vadd.f32 v8, v3  }
0x42b: {  	v5 =	vld [tilespmem:s8+$0x0]  }
0x42c: {  	s10 =	spop (v2sf);
	v8 =	vld [tilespmem:s9+$0x0];
	v3 =	vmul.f32 v3, v4  }
0x42d: {  	s21 =	simm.s32 $0x17648;
	v10 =	vld [tilespmem:s10+$0x0]  }
0x42e: {  	[tilespmem:s21+$0x0] =	vst v3;
	v3 =	vld [tilespmem:s20+$0xFFFFFFF0]  }
0x42f: {  	v11 =	vld [tilespmem:s1+$0x10]  }
0x430: {  	v12 =	vld [tilespmem:s3+$0x10]  }
0x431: {  	v5 =	vadd.f32 v8, v5;
	_ =	sdelay $0x1  }
0x432: {  	v8 =	vld [tilespmem:s19+$0x10];
	v5 =	vadd.f32 v9, v5;
	_ =	sdelay $0x1  }
0x433: {  	v9 =	vld [tilespmem:s2+$0x10];
	v5 =	vadd.f32 v10, v5;
	v11 =	vadd.f32 v12, v11;
	v12 =	vbroadcast v3, $0x0;
	_ =	sdelay $0x1  }
0x434: {  	v5 =	vmul.f32 v5, v12  }
0x435: {  	v8 =	vadd.f32 v8, v11  }
0x436: {  	[tilespmem:s21+$0xFFFFFF00] =	vst v5  }
0x437: {  	v8 =	vadd.f32 v9, v8;
	v5 =	vld [tilespmem:s8+$0x10]  }
0x438: {  	v9 =	vld [tilespmem:s9+$0x10]  }
0x439: {  	v8 =	vmul.f32 v8, v4  }
0x43a: {  	v10 =	vld [tilespmem:s11+$0x10]  }
0x43b: {  	(v2sf) =	vpush v2, $0x4;
	v13 =	vld [tilespmem:s10+$0x10];
	[tilespmem:s21+$0x10] =	vst v8  }
0x43c: {  	(v2sf) =	vpush v2, $0x5;
	v8 =	vld [tilespmem:s1+$0x20]  }
0x43d: {  	(v2sf) =	vpush v2, $0x6;
	v11 =	vld [tilespmem:s3+$0x20];
	v5 =	vadd.f32 v9, v5  }
0x43e: {  	(v2sf) =	vpush v2, $0x7  }
0x43f: {  	(v2sf) =	vpush v2, $0x8;
	v9 =	vld [tilespmem:s19+$0x20];
	v5 =	vadd.f32 v10, v5  }
0x440: {  	(v2sf) =	vpush v2, $0x9  }
0x441: {  	(v2sf) =	vpush v2, $0xA;
	v10 =	vld [tilespmem:s2+$0x20];
	v5 =	vadd.f32 v13, v5  }
0x442: {  	(v2sf) =	vpush v2, $0xB;
	v8 =	vadd.f32 v11, v8  }
0x443: {  	(v2sf) =	vpush v2, $0xC;
	v5 =	vmul.f32 v5, v12  }
0x444: {  	s12 =	simm.s32 $0x17648;
	(v2sf) =	vpush v2, $0xD;
	v8 =	vadd.f32 v9, v8  }
0x445: {  	[tilespmem:s12+$0xFFFFFF10] =	vst v5  }
0x446: {  	(v2sf) =	vpush v2, $0xE;
	v8 =	vadd.f32 v10, v8;
	v5 =	vld [tilespmem:s8+$0x20]  }
0x447: {  	(v2sf) =	vpush v2, $0xF;
	v2 =	vld [tilespmem:s9+$0x20]  }
0x448: {  	v8 =	vmul.f32 v8, v4  }
0x449: {  	v9 =	vld [tilespmem:s11+$0x20]  }
0x44a: {  	(v2sf) =	vpush v7, $0x4;
	s22 =	spop (v2sf);
	v11 =	vld [tilespmem:s10+$0x20];
	[tilespmem:s12+$0x20] =	vst v8  }
0x44b: {  	(v2sf) =	vpush v7, $0x5;
	s23 =	spop (v2sf);
	v8 =	vld [tilespmem:s1+$0x30]  }
0x44c: {  	s24 =	spop (v2sf);
	v10 =	vld [tilespmem:s3+$0x30];
	v2 =	vadd.f32 v2, v5  }
0x44d: {  	(v2sf) =	vpush v7, $0x6;
	s25 =	spop (v2sf);
	v5 =	vld [tilespmem:s19+$0x30]  }
0x44e: {  	v2 =	vadd.f32 v9, v2;
	v9 =	vld [tilespmem:s2+$0x30];
	s2 =	spop (v2sf)  }
0x44f: {  	(v2sf) =	vpush v7, $0x7;
	s0 =	spop (v2sf)  }
0x450: {  	s20 =	spop (v2sf)  }
0x451: {  	v8 =	vadd.f32 v10, v8;
	v2 =	vadd.f32 v11, v2;
	s7 =	spop (v2sf)  }
0x452: {  	s6 =	spop (v2sf)  }
0x453: {  	v5 =	vadd.f32 v5, v8;
	v2 =	vmul.f32 v2, v12;
	[smem:$0x7E0] =	sst s6;
	s26 =	spop (v2sf)  }
0x454: {  	[dreg:$0x18] =	wrdreg s26  }
0x455: {  	v5 =	vadd.f32 v9, v5;
	s28 =	spop (v2sf);
	[tilespmem:s12+$0xFFFFFF20] =	vst v2  }
0x456: {  	s12 =	spop (v2sf);
	[dreg:$0x15] =	wrdreg s28  }
0x457: {  	v4 =	vmul.f32 v5, v4;
	v2 =	vld [tilespmem:s8+$0x30];
	[dreg:$0x13] =	wrdreg s12  }
0x458: {  	s13 =	simm.s32 $0x17648;
	v5 =	vld [tilespmem:s9+$0x30]  }
0x459: {  	s14 =	spop (v2sf);
	v8 =	vld [tilespmem:s11+$0x30];
	[tilespmem:s13+$0x30] =	vst v4  }
0x45a: {  	s15 =	spop (v2sf);
	v4 =	vld [tilespmem:s14+$0x0]  }
0x45b: {  	v9 =	vld [tilespmem:s15+$0x0]  }
0x45c: {  	v10 =	vld [tilespmem:s10+$0x30];
	s16 =	spop (v2sf)  }
0x45d: {  	v2 =	vadd.f32 v5, v2;
	v5 =	vld [tilespmem:s16+$0x0]  }
0x45e: {  	s17 =	spop (v2sf)  }
0x45f: {  	v2 =	vadd.f32 v8, v2;
	v8 =	vld [tilespmem:s17+$0x0]  }
0x460: {  	v4 =	vadd.f32 v9, v4  }
0x461: {  	v2 =	vadd.f32 v10, v2  }
0x462: {  	v4 =	vadd.f32 v5, v4  }
0x463: {  	v2 =	vmul.f32 v2, v12  }
0x464: {  	v5 =	vbroadcast v6, $0x4;
	v4 =	vadd.f32 v8, v4  }
0x465: {  	[tilespmem:s13+$0xFFFFFF30] =	vst v2  }
0x466: {  	v2 =	vld [tilespmem:s22+$0x0];
	v4 =	vmul.f32 v4, v5  }
0x467: {  	v8 =	vld [tilespmem:s23+$0x0]  }
0x468: {  	v9 =	vld [tilespmem:s24+$0x0];
	[tilespmem:s13+$0x40] =	vst v4  }
0x469: {  	v4 =	vld [tilespmem:s14+$0x10]  }
0x46a: {  	v10 =	vld [tilespmem:s15+$0x10]  }
0x46b: {  	v11 =	vld [tilespmem:s25+$0x0]  }
0x46c: {  	v2 =	vadd.f32 v8, v2;
	v8 =	vld [tilespmem:s16+$0x10];
	_ =	sdelay $0x1  }
0x46d: {  	v2 =	vadd.f32 v9, v2;
	v9 =	vld [tilespmem:s17+$0x10]  }
0x46e: {  	v4 =	vadd.f32 v10, v4  }
0x46f: {  	v12 =	vbroadcast v3, $0x4;
	v2 =	vadd.f32 v11, v2  }
0x470: {  	v4 =	vadd.f32 v8, v4  }
0x471: {  	v2 =	vmul.f32 v2, v12  }
0x472: {  	v4 =	vadd.f32 v9, v4  }
0x473: {  	[tilespmem:s13+$0xFFFFFF40] =	vst v2  }
0x474: {  	v2 =	vld [tilespmem:s22+$0x10];
	v4 =	vmul.f32 v4, v5  }
0x475: {  	v8 =	vld [tilespmem:s23+$0x10]  }
0x476: {  	v9 =	vld [tilespmem:s24+$0x10];
	[tilespmem:s13+$0x50] =	vst v4  }
0x477: {  	v4 =	vld [tilespmem:s14+$0x20]  }
0x478: {  	v10 =	vld [tilespmem:s15+$0x20]  }
0x479: {  	v11 =	vld [tilespmem:s25+$0x10]  }
0x47a: {  	v2 =	vadd.f32 v8, v2;
	v8 =	vld [tilespmem:s16+$0x20];
	_ =	sdelay $0x1  }
0x47b: {  	v2 =	vadd.f32 v9, v2;
	v9 =	vld [tilespmem:s17+$0x20]  }
0x47c: {  	v4 =	vadd.f32 v10, v4  }
0x47d: {  	v2 =	vadd.f32 v11, v2  }
0x47e: {  	v4 =	vadd.f32 v8, v4  }
0x47f: {  	v2 =	vmul.f32 v2, v12  }
0x480: {  	v4 =	vadd.f32 v9, v4  }
0x481: {  	[tilespmem:s13+$0xFFFFFF50] =	vst v2  }
0x482: {  	v2 =	vld [tilespmem:s22+$0x20];
	v4 =	vmul.f32 v4, v5  }
0x483: {  	v8 =	vld [tilespmem:s23+$0x20]  }
0x484: {  	(v2sf) =	vpush v7, $0x8;
	v9 =	vld [tilespmem:s24+$0x20];
	[tilespmem:s13+$0x60] =	vst v4  }
0x485: {  	(v2sf) =	vpush v7, $0x9;
	v10 =	vld [tilespmem:s14+$0x30]  }
0x486: {  	s18 =	simm.s32 $0x19578;
	v11 =	vld [tilespmem:s15+$0x30]  }
0x487: {  	(v2sf) =	vpush v7, $0xA;
	v4 =	vld [tilespmem:s18+$0x0]  }
0x488: {  	v13 =	vld [tilespmem:s16+$0x30]  }
0x489: {  	(v2sf) =	vpush v7, $0xB;
	v14 =	vld [tilespmem:s25+$0x20]  }
0x48a: {  	v2 =	vadd.f32 v8, v2;
	v8 =	vld [tilespmem:s17+$0x30]  }
0x48b: {  	v15 =	vld [tilespmem:s18+$0xFFFFFFF0];
	v10 =	vadd.f32 v11, v10  }
0x48c: {  	v2 =	vadd.f32 v9, v2  }
0x48d: {  	(v2sf) =	vpush v4, $0x0;
	v9 =	vadd.f32 v13, v10  }
0x48e: {  	(v2sf) =	vpush v4, $0x1;
	v2 =	vadd.f32 v14, v2  }
0x48f: {  	(v2sf) =	vpush v4, $0x2;
	v8 =	vadd.f32 v8, v9  }
0x490: {  	(v2sf) =	vpush v15, $0x0;
	v2 =	vmul.f32 v2, v12  }
0x491: {  	s19 =	simm.s32 $0x17648;
	(v2sf) =	vpush v15, $0x1;
	v5 =	vmul.f32 v8, v5  }
0x492: {  	(v2sf) =	vpush v4, $0x3;
	[tilespmem:s19+$0xFFFFFF60] =	vst v2  }
0x493: {  	s15 =	spop (v2sf);
	v2 =	vld [tilespmem:s22+$0x30];
	[tilespmem:s19+$0x70] =	vst v5  }
0x494: {  	s22 =	spop (v2sf);
	v5 =	vld [tilespmem:s15+$0x0]  }
0x495: {  	v8 =	vld [tilespmem:s22+$0x0]  }
0x496: {  	v9 =	vld [tilespmem:s23+$0x30];
	s23 =	spop (v2sf)  }
0x497: {  	v10 =	vld [tilespmem:s23+$0x0]  }
0x498: {  	(v2sf) =	vpush v15, $0x2;
	v11 =	vld [tilespmem:s24+$0x30];
	s24 =	spop (v2sf)  }
0x499: {  	(v2sf) =	vpush v15, $0x3;
	v13 =	vld [tilespmem:s24+$0x0]  }
0x49a: {  	v5 =	vadd.f32 v8, v5  }
0x49b: {  	v8 =	vld [tilespmem:s25+$0x30]  }
0x49c: {  	v2 =	vadd.f32 v9, v2;
	s25 =	spop (v2sf);
	v5 =	vadd.f32 v10, v5  }
0x49d: {  	v9 =	vld [tilespmem:s25+$0x0];
	s26 =	spop (v2sf)  }
0x49e: {  	v2 =	vadd.f32 v11, v2;
	v10 =	vbroadcast v6, $0x8;
	v11 =	vld [tilespmem:s26+$0x0];
	s14 =	spop (v2sf);
	v5 =	vadd.f32 v13, v5  }
0x49f: {  	s4 =	spop (v2sf)  }
0x4a0: {  	s16 =	simm.s32 $0x19778;
	v13 =	vld [tilespmem:s14+$0x0];
	s5 =	spop (v2sf);
	v8 =	vadd.f32 v8, v2;
	v5 =	vmul.f32 v5, v10  }
0x4a1: {  	s21 =	simm.s32 $0x17648;
	v2 =	vld [tilespmem:s16+$0x0];
	s10 =	spop (v2sf)  }
0x4a2: {  	v8 =	vmul.f32 v8, v12;
	[tilespmem:s21+$0x80] =	vst v5;
	v5 =	vld [tilespmem:s10+$0x0]  }
0x4a3: {  	v9 =	vadd.f32 v11, v9;
	v12 =	vld [tilespmem:s15+$0x10]  }
0x4a4: {  	[tilespmem:s21+$0xFFFFFF70] =	vst v8;
	v8 =	vld [tilespmem:s22+$0x10]  }
0x4a5: {  	v14 =	vld [tilespmem:s4+$0x0];
	v9 =	vadd.f32 v13, v9  }
0x4a6: {  	v13 =	vld [tilespmem:s23+$0x10]  }
0x4a7: {  	v17 =	vld [tilespmem:s5+$0x0];
	s28 =	spop (v2sf);
	v5 =	vadd.f32 v5, v9;
	v9 =	vbroadcast v2, $0x0  }
0x4a8: {  	s13 =	spop (v2sf);
	v16 =	vld [tilespmem:s24+$0x10]  }
0x4a9: {  	v18 =	vld [tilespmem:s13+$0x0];
	v8 =	vadd.f32 v8, v12;
	v5 =	vmul.f32 v5, v9  }
0x4aa: {  	s6 =	simm.s32 $0x17848;
	v11 =	vld [tilespmem:s2+$0x0]  }
0x4ab: {  	v12 =	vld [tilespmem:s28+$0x0];
	v8 =	vadd.f32 v13, v8;
	[tilespmem:s6+$0x0] =	vst v5  }
0x4ac: {  	v13 =	vld [tilespmem:s25+$0x10]  }
0x4ad: {  	v8 =	vadd.f32 v16, v8;
	v16 =	vld [tilespmem:s26+$0x10]  }
0x4ae: {  	v5 =	vld [tilespmem:s16+$0xFFFFFFF0]  }
0x4af: {  	v14 =	vadd.f32 v17, v14;
	v17 =	vld [tilespmem:s14+$0x10];
	v8 =	vmul.f32 v8, v10  }
0x4b0: {  	s17 =	simm.s32 $0x17648;
	v19 =	vld [tilespmem:s0+$0x0]  }
0x4b1: {  	(v2sf) =	vpush v15, $0x4;
	v12 =	vadd.f32 v12, v14;
	v14 =	vld [tilespmem:s10+$0x10];
	[tilespmem:s17+$0x90] =	vst v8  }
0x4b2: {  	(v2sf) =	vpush v15, $0x5;
	v20 =	vld [tilespmem:s15+$0x20];
	v13 =	vadd.f32 v16, v13  }
0x4b3: {  	(v2sf) =	vpush v15, $0x6;
	v12 =	vadd.f32 v18, v12;
	v8 =	vbroadcast v5, $0x0;
	v16 =	vld [tilespmem:s22+$0x20]  }
0x4b4: {  	(v2sf) =	vpush v15, $0x7;
	v21 =	vld [tilespmem:s7+$0x0];
	v13 =	vadd.f32 v17, v13  }
0x4b5: {  	(v2sf) =	vpush v15, $0x8;
	v12 =	vmul.f32 v12, v8;
	v17 =	vld [tilespmem:s23+$0x20]  }
0x4b6: {  	(v2sf) =	vpush v15, $0x9;
	v18 =	vld [tilespmem:s20+$0x0];
	v13 =	vadd.f32 v14, v13  }
0x4b7: {  	(v2sf) =	vpush v15, $0xA;
	[tilespmem:s6+$0xFFFFFF00] =	vst v12;
	v12 =	vld [tilespmem:s24+$0x20]  }
0x4b8: {  	(v2sf) =	vpush v15, $0xB;
	v14 =	vld [tilespmem:s4+$0x10];
	v16 =	vadd.f32 v16, v20;
	v13 =	vmul.f32 v13, v9  }
0x4b9: {  	(v2sf) =	vpush v15, $0xC;
	v20 =	vld [tilespmem:s5+$0x10]  }
0x4ba: {  	v11 =	vadd.f32 v19, v11;
	v19 =	vld [tilespmem:s28+$0x10];
	v16 =	vadd.f32 v17, v16;
	[tilespmem:s6+$0x10] =	vst v13  }
0x4bb: {  	(v2sf) =	vpush v15, $0xD;
	v13 =	vld [tilespmem:s25+$0x20]  }
0x4bc: {  	v17 =	vadd.f32 v18, v11;
	v12 =	vadd.f32 v12, v16;
	v16 =	vld [tilespmem:s26+$0x20]  }
0x4bd: {  	(v2sf) =	vpush v15, $0xE;
	v11 =	vbroadcast v3, $0x8;
	v18 =	vld [tilespmem:s13+$0x10]  }
0x4be: {  	v17 =	vadd.f32 v21, v17;
	v14 =	vadd.f32 v20, v14;
	v20 =	vld [tilespmem:s14+$0x20];
	v12 =	vmul.f32 v12, v10  }
0x4bf: {  	(v2sf) =	vpush v15, $0xF  }
0x4c0: {  	v15 =	vmul.f32 v17, v11;
	v14 =	vadd.f32 v19, v14;
	[tilespmem:s17+$0xA0] =	vst v12;
	v12 =	vld [tilespmem:s10+$0x20]  }
0x4c1: {  	s30 =	spop (v2sf);
	v17 =	vld [tilespmem:s15+$0x30];
	v13 =	vadd.f32 v16, v13  }
0x4c2: {  	(v2sf) =	vpush v7, $0xC;
	s21 =	spop (v2sf);
	[tilespmem:s17+$0xFFFFFF80] =	vst v15;
	v14 =	vadd.f32 v18, v14;
	v15 =	vld [tilespmem:s22+$0x30]  }
0x4c3: {  	(v2sf) =	vpush v7, $0xD;
	s19 =	spop (v2sf);
	v16 =	vld [tilespmem:s2+$0x10];
	v13 =	vadd.f32 v20, v13  }
0x4c4: {  	(v2sf) =	vpush v7, $0xE;
	s18 =	spop (v2sf);
	v18 =	vld [tilespmem:s23+$0x30];
	v14 =	vmul.f32 v14, v8  }
0x4c5: {  	(v2sf) =	vpush v7, $0xF;
	s16 =	spop (v2sf);
	v19 =	vld [tilespmem:s0+$0x10];
	v7 =	vadd.f32 v12, v13  }
0x4c6: {  	s11 =	spop (v2sf);
	[tilespmem:s6+$0xFFFFFF10] =	vst v14;
	v12 =	vld [tilespmem:s24+$0x30]  }
0x4c7: {  	s9 =	spop (v2sf);
	v13 =	vld [tilespmem:s4+$0x20];
	v14 =	vadd.f32 v15, v17;
	v7 =	vmul.f32 v7, v9  }
0x4c8: {  	s8 =	spop (v2sf);
	v15 =	vld [tilespmem:s5+$0x20]  }
0x4c9: {  	s15 =	spop (v2sf);
	v17 =	vld [tilespmem:s28+$0x20];
	v14 =	vadd.f32 v18, v14;
	[tilespmem:s6+$0x20] =	vst v7  }
0x4ca: {  	s22 =	spop (v2sf);
	v7 =	vld [tilespmem:s25+$0x30];
	[dreg:$0x1a] =	wrdreg s15  }
0x4cb: {  	v12 =	vadd.f32 v12, v14;
	v14 =	vld [tilespmem:s26+$0x30];
	[smem:$0x7E4] =	sst s22  }
0x4cc: {  	s23 =	spop (v2sf);
	v18 =	vld [tilespmem:s13+$0x20]  }
0x4cd: {  	(v2sf) =	vpush v4, $0x4;
	v20 =	vld [tilespmem:s14+$0x30];
	[smem:$0x7DE] =	sst s23  }
0x4ce: {  	(v2sf) =	vpush v4, $0x5;
	s25 =	spop (v2sf);
	[smem:$0x7DC] =	sst s20  }
0x4cf: {  	v13 =	vadd.f32 v15, v13;
	v10 =	vmul.f32 v12, v10;
	v12 =	vld [tilespmem:s20+$0x10];
	[smem:$0x7E3] =	sst s25  }
0x4d0: {  	(v2sf) =	vpush v4, $0x6;
	[smem:$0x7DD] =	sst s7  }
0x4d1: {  	s1 =	spop (v2sf);
	v13 =	vadd.f32 v17, v13;
	v15 =	vld [tilespmem:s7+$0x10];
	[tilespmem:s17+$0xB0] =	vst v10  }
0x4d2: {  	s3 =	spop (v2sf);
	(v2sf) =	vpush v4, $0x7;
	v10 =	vadd.f32 v19, v16;
	v16 =	vld [tilespmem:s1+$0x0]  }
0x4d3: {  	v13 =	vadd.f32 v18, v13;
	v18 =	vld [tilespmem:s10+$0x30]  }
0x4d4: {  	v17 =	vld [tilespmem:s3+$0x0];
	v7 =	vadd.f32 v14, v7  }
0x4d5: {  	s12 =	spop (v2sf)  }
0x4d6: {  	v10 =	vadd.f32 v12, v10;
	v7 =	vadd.f32 v20, v7;
	v12 =	vmul.f32 v13, v8;
	v13 =	vld [tilespmem:s12+$0x0]  }
0x4d7: {  	s26 =	smov.u32 s7;
	s7 =	spop (v2sf)  }
0x4d8: {  	[tilespmem:s6+$0xFFFFFF20] =	vst v12;
	v12 =	vld [tilespmem:s7+$0x0];
	v7 =	vadd.f32 v18, v7  }
0x4d9: {  	v10 =	vadd.f32 v15, v10;
	v15 =	vadd.f32 v17, v16  }
0x4da: {  	v7 =	vmul.f32 v7, v9  }
0x4db: {  	v10 =	vmul.f32 v10, v11;
	v13 =	vadd.f32 v13, v15  }
0x4dc: {  	s24 =	smov.u32 s20;
	s20 =	spop (v2sf);
	[tilespmem:s6+$0x30] =	vst v7  }
0x4dd: {  	s23 =	spop (v2sf);
	[tilespmem:s17+$0xFFFFFF90] =	vst v10;
	v10 =	vadd.f32 v12, v13;
	v12 =	vld [tilespmem:s20+$0x0]  }
0x4de: {  	v13 =	vld [tilespmem:s23+$0x0]  }
0x4df: {  	v18 =	vld [tilespmem:s28+$0x30];
	s28 =	spop (v2sf)  }
0x4e0: {  	v17 =	vld [tilespmem:s28+$0x0]  }
0x4e1: {  	s25 =	spop (v2sf)  }
0x4e2: {  	v20 =	vld [tilespmem:s25+$0x0]  }
0x4e3: {  	v12 =	vadd.f32 v13, v12;
	_ =	sdelay $0x1  }
0x4e4: {  	v12 =	vadd.f32 v17, v12;
	_ =	sdelay $0x1  }
0x4e5: {  	v12 =	vadd.f32 v20, v12;
	v20 =	vbroadcast v2, $0x4  }
0x4e6: {  	v14 =	vld [tilespmem:s4+$0x30]  }
0x4e7: {  	v9 =	vld [tilespmem:s2+$0x20];
	v12 =	vmul.f32 v12, v20  }
0x4e8: {  	v21 =	vld [tilespmem:s24+$0x20]  }
0x4e9: {  	v7 =	vld [tilespmem:s0+$0x20];
	[tilespmem:s6+$0x40] =	vst v12  }
0x4ea: {  	v12 =	vld [tilespmem:s20+$0x10]  }
0x4eb: {  	s10 =	simm.s32 $0x19598;
	v22 =	vld [tilespmem:s23+$0x10]  }
0x4ec: {  	v13 =	vld [tilespmem:s10+$0x0]  }
0x4ed: {  	v23 =	vld [tilespmem:s28+$0x10]  }
0x4ee: {  	(v2sf) =	vpush v4, $0x8;
	v47 =	vld [tilespmem:s26+$0x20]  }
0x4ef: {  	(v2sf) =	vpush v4, $0x9;
	v7 =	vadd.f32 v7, v9;
	v9 =	vld [tilespmem:s25+$0x10]  }
0x4f0: {  	(v2sf) =	vpush v4, $0xA;
	v17 =	vld [tilespmem:s10+$0xFFFFFFF0];
	v12 =	vadd.f32 v22, v12  }
0x4f1: {  	v6 =	vbroadcast v6, $0xC;
	(v2sf) =	vpush v4, $0xB;
	v16 =	vld [tilespmem:s5+$0x30];
	v7 =	vadd.f32 v21, v7  }
0x4f2: {  	(v2sf) =	vpush v13, $0x0;
	v12 =	vadd.f32 v23, v12  }
0x4f3: {  	v10 =	vmul.f32 v10, v6;
	v7 =	vadd.f32 v47, v7;
	(v2sf) =	vpush v13, $0x1  }
0x4f4: {  	(v2sf) =	vpush v13, $0x2;
	v9 =	vadd.f32 v9, v12  }
0x4f5: {  	v15 =	vld [tilespmem:s13+$0x30];
	[tilespmem:s17+$0xC0] =	vst v10;
	v7 =	vmul.f32 v7, v11;
	(v2sf) =	vpush v17, $0x0  }
0x4f6: {  	v10 =	vld [tilespmem:s1+$0x10];
	(v2sf) =	vpush v17, $0x1;
	v12 =	vadd.f32 v16, v14;
	v9 =	vmul.f32 v9, v20  }
0x4f7: {  	v19 =	vld [tilespmem:s3+$0x10];
	[tilespmem:s17+$0xFFFFFFA0] =	vst v7;
	(v2sf) =	vpush v13, $0x3  }
0x4f8: {  	v16 =	vld [tilespmem:s2+$0x30];
	v7 =	vadd.f32 v18, v12;
	[tilespmem:s6+$0x50] =	vst v9  }
0x4f9: {  	v9 =	vld [tilespmem:s20+$0x20]  }
0x4fa: {  	v7 =	vadd.f32 v15, v7;
	v12 =	vld [tilespmem:s23+$0x20]  }
0x4fb: {  	v14 =	vld [tilespmem:s12+$0x10]  }
0x4fc: {  	v7 =	vmul.f32 v7, v8;
	v8 =	vld [tilespmem:s28+$0x20]  }
0x4fd: {  	v15 =	vld [tilespmem:s7+$0x10];
	s5 =	spop (v2sf)  }
0x4fe: {  	s10 =	spop (v2sf);
	[tilespmem:s6+$0xFFFFFF30] =	vst v7;
	v7 =	vld [tilespmem:s25+$0x20]  }
0x4ff: {  	s22 =	spop (v2sf);
	v18 =	vld [tilespmem:s30+$0x0];
	v9 =	vadd.f32 v12, v9  }
0x500: {  	s31 =	spop (v2sf);
	v21 =	vld [tilespmem:s21+$0x0]  }
0x501: {  	v22 =	vld [tilespmem:s19+$0x0];
	s14 =	spop (v2sf);
	v8 =	vadd.f32 v8, v9  }
0x502: {  	s2 =	spop (v2sf);
	v9 =	vld [tilespmem:s14+$0x0]  }
0x503: {  	v10 =	vadd.f32 v19, v10;
	s17 =	spop (v2sf);
	v7 =	vadd.f32 v7, v8;
	v8 =	vld [tilespmem:s2+$0x0]  }
0x504: {  	v19 =	vld [tilespmem:s18+$0x0];
	s29 =	spop (v2sf)  }
0x505: {  	s26 =	simm.s32 $0x19798;
	v10 =	vadd.f32 v14, v10;
	v14 =	vld [tilespmem:s17+$0x0];
	s4 =	spop (v2sf);
	v7 =	vmul.f32 v7, v20  }
0x506: {  	v12 =	vld [tilespmem:s26+$0x0];
	s24 =	spop (v2sf)  }
0x507: {  	v10 =	vadd.f32 v15, v10;
	v15 =	vadd.f32 v21, v18;
	[tilespmem:s6+$0x60] =	vst v7;
	v7 =	vld [tilespmem:s24+$0x0]  }
0x508: {  	v21 =	vld [tilespmem:s20+$0x30];
	v8 =	vadd.f32 v8, v9  }
0x509: {  	v10 =	vmul.f32 v10, v6;
	v15 =	vadd.f32 v22, v15;
	v9 =	vld [tilespmem:s23+$0x30]  }
0x50a: {  	v22 =	vld [tilespmem:s28+$0x30];
	s28 =	simm.s32 $0x17648;
	v8 =	vadd.f32 v14, v8  }
0x50b: {  	v23 =	vld [tilespmem:s25+$0x30];
	[tilespmem:s28+$0xD0] =	vst v10;
	v10 =	vadd.f32 v19, v15;
	v14 =	vbroadcast v5, $0x4  }
0x50c: {  	v18 =	vbroadcast v12, $0x0;
	v15 =	vld [tilespmem:s1+$0x20];
	v7 =	vadd.f32 v7, v8  }
0x50d: {  	(v2sf) =	vpush v17, $0x2;
	v19 =	vld [tilespmem:s12+$0x20];
	v10 =	vmul.f32 v10, v14  }
0x50e: {  	(v2sf) =	vpush v17, $0x3;
	v8 =	vld [tilespmem:s3+$0x20];
	v9 =	vadd.f32 v9, v21;
	v7 =	vmul.f32 v7, v18  }
0x50f: {  	(v2sf) =	vpush v17, $0x4;
	s20 =	simm.s32 $0x17A48;
	[tilespmem:s6+$0xFFFFFF40] =	vst v10;
	v10 =	vld [tilespmem:s7+$0x20]  }
0x510: {  	(v2sf) =	vpush v17, $0x5;
	v21 =	vld [tilespmem:s30+$0x10];
	v9 =	vadd.f32 v22, v9;
	[tilespmem:s20+$0x0] =	vst v7  }
0x511: {  	(v2sf) =	vpush v17, $0x6;
	v7 =	vld [tilespmem:s14+$0x10]  }
0x512: {  	(v2sf) =	vpush v17, $0x7;
	v9 =	vadd.f32 v23, v9;
	v22 =	vld [tilespmem:s2+$0x10]  }
0x513: {  	(v2sf) =	vpush v17, $0x8;
	v23 =	vld [tilespmem:s21+$0x10]  }
0x514: {  	(v2sf) =	vpush v17, $0x9;
	v8 =	vadd.f32 v8, v15;
	v15 =	vld [tilespmem:s17+$0x10];
	v9 =	vmul.f32 v9, v20  }
0x515: {  	(v2sf) =	vpush v17, $0xA;
	v20 =	vld [tilespmem:s19+$0x10]  }
0x516: {  	(v2sf) =	vpush v17, $0xB;
	v8 =	vadd.f32 v19, v8;
	[tilespmem:s6+$0x70] =	vst v9;
	v9 =	vld [tilespmem:s24+$0x10]  }
0x517: {  	(v2sf) =	vpush v17, $0xC;
	v19 =	vld [tilespmem:s5+$0x0]  }
0x518: {  	v8 =	vadd.f32 v10, v8;
	v7 =	vadd.f32 v22, v7;
	v10 =	vld [tilespmem:s10+$0x0]  }
0x519: {  	(v2sf) =	vpush v17, $0xD  }
0x51a: {  	v7 =	vadd.f32 v15, v7;
	v15 =	vadd.f32 v23, v21;
	v23 =	vld [tilespmem:s22+$0x0]  }
0x51b: {  	(v2sf) =	vpush v17, $0xE;
	v22 =	vld [tilespmem:s18+$0x10]  }
0x51c: {  	v7 =	vadd.f32 v9, v7;
	v9 =	vadd.f32 v20, v15;
	v15 =	vld [tilespmem:s31+$0x0]  }
0x51d: {  	(v2sf) =	vpush v17, $0xF;
	v17 =	vld [tilespmem:s4+$0x0];
	s13 =	spop (v2sf);
	v8 =	vmul.f32 v8, v6;
	v19 =	vadd.f32 v10, v19  }
0x51e: {  	v51 =	vld [tilespmem:s13+$0x0];
	v7 =	vmul.f32 v7, v18  }
0x51f: {  	v21 =	vld [tilespmem:s0+$0x30];
	[tilespmem:s28+$0xE0] =	vst v8;
	v19 =	vadd.f32 v23, v19  }
0x520: {  	v8 =	vld [tilespmem:s1+$0x30];
	v20 =	vadd.f32 v22, v9;
	[tilespmem:s20+$0x10] =	vst v7  }
0x521: {  	v22 =	vld [tilespmem:s14+$0x20];
	v19 =	vadd.f32 v15, v19;
	v15 =	vbroadcast v2, $0x8  }
0x522: {  	v20 =	vmul.f32 v20, v14;
	v23 =	vld [tilespmem:s2+$0x20]  }
0x523: {  	v10 =	vld [tilespmem:s3+$0x30];
	v19 =	vmul.f32 v19, v15  }
0x524: {  	[tilespmem:s6+$0xFFFFFF50] =	vst v20;
	v20 =	vld [tilespmem:s17+$0x20]  }
0x525: {  	[tilespmem:s6+$0x80] =	vst v19;
	v19 =	vld [tilespmem:s24+$0x20]  }
0x526: {  	v49 =	vld [tilespmem:s5+$0x10]  }
0x527: {  	v22 =	vadd.f32 v23, v22;
	v23 =	vld [tilespmem:s10+$0x10]  }
0x528: {  	v9 =	vld [tilespmem:s12+$0x30]  }
0x529: {  	v50 =	vld [tilespmem:s22+$0x10];
	v20 =	vadd.f32 v20, v22  }
0x52a: {  	v22 =	vld [tilespmem:s29+$0x0]  }
0x52b: {  	s12 =	spop (v2sf);
	v19 =	vadd.f32 v19, v20;
	v20 =	vld [tilespmem:s31+$0x10]  }
0x52c: {  	(v2sf) =	vpush v4, $0xC;
	v53 =	vld [tilespmem:s12+$0x0];
	v23 =	vadd.f32 v23, v49  }
0x52d: {  	(v2sf) =	vpush v4, $0xD;
	v7 =	vld [tilespmem:s26+$0xFFFFFFF0]  }
0x52e: {  	(v2sf) =	vpush v4, $0xE;
	s1 =	spop (v2sf);
	v48 =	vld [tilespmem:s30+$0x20];
	v23 =	vadd.f32 v50, v23  }
0x52f: {  	(v2sf) =	vpush v4, $0xF;
	s15 =	spop (v2sf);
	v52 =	vld [tilespmem:s21+$0x20];
	v19 =	vmul.f32 v19, v18  }
0x530: {  	s25 =	spop (v2sf);
	v54 =	vld [tilespmem:s18+$0x20];
	v4 =	vadd.f32 v17, v22;
	v20 =	vadd.f32 v20, v23  }
0x531: {  	(v2sf) =	vpush v13, $0x4;
	s28 =	spop (v2sf);
	v17 =	vld [tilespmem:s19+$0x20];
	[tilespmem:s20+$0x20] =	vst v19  }
0x532: {  	s26 =	spop (v2sf);
	v19 =	vld [tilespmem:s14+$0x30];
	v23 =	vadd.f32 v51, v4;
	v20 =	vmul.f32 v20, v15  }
0x533: {  	(v2sf) =	vpush v13, $0x5;
	s23 =	spop (v2sf);
	v22 =	vld [tilespmem:s2+$0x30]  }
0x534: {  	v55 =	vld [tilespmem:s17+$0x30];
	v4 =	vbroadcast v7, $0x0;
	s17 =	spop (v2sf);
	v23 =	vadd.f32 v53, v23;
	[tilespmem:s6+$0x90] =	vst v20  }
0x535: {  	(v2sf) =	vpush v13, $0x6;
	v24 =	vadd.f32 v52, v48;
	v56 =	vld [tilespmem:s24+$0x30];
	s24 =	spop (v2sf);
	[smem:$0x7E1] =	sst s17  }
0x536: {  	(v2sf) =	vpush v13, $0x7;
	s2 =	spop (v2sf);
	v23 =	vmul.f32 v23, v4;
	v20 =	vld [tilespmem:s5+$0x20];
	[smem:$0x7E2] =	sst s24  }
0x537: {  	v17 =	vadd.f32 v17, v24;
	v57 =	vld [tilespmem:s10+$0x20];
	[smem:$0x7DF] =	sst s2  }
0x538: {  	s3 =	spop (v2sf);
	v19 =	vadd.f32 v22, v19;
	[tilespmem:s20+$0xFFFFFF00] =	vst v23  }
0x539: {  	s14 =	spop (v2sf);
	v17 =	vadd.f32 v54, v17;
	v22 =	vld [tilespmem:s22+$0x20];
	[dreg:$0x8] =	wrdreg s3  }
0x53a: {  	s17 =	spop (v2sf);
	v19 =	vadd.f32 v55, v19;
	v23 =	vld [tilespmem:s29+$0x10];
	[dreg:$0xa] =	wrdreg s14  }
0x53b: {  	v17 =	vmul.f32 v17, v14;
	v58 =	vld [tilespmem:s4+$0x10];
	[dreg:$0x6] =	wrdreg s17  }
0x53c: {  	s2 =	spop (v2sf);
	v19 =	vadd.f32 v56, v19;
	v59 =	vld [tilespmem:s31+$0x20]  }
0x53d: {  	s0 =	spop (v2sf);
	[tilespmem:s6+$0xFFFFFF60] =	vst v17;
	v17 =	vld [tilespmem:s13+$0x10]  }
0x53e: {  	s3 =	spop (v2sf);
	v18 =	vmul.f32 v19, v18;
	v20 =	vadd.f32 v57, v20;
	v19 =	vld [tilespmem:s12+$0x10]  }
0x53f: {  	v60 =	vld [tilespmem:s30+$0x30];
	s30 =	spop (v2sf)  }
0x540: {  	v61 =	vld [tilespmem:s21+$0x30];
	[tilespmem:s20+$0x30] =	vst v18;
	v20 =	vadd.f32 v22, v20;
	s24 =	spop (v2sf);
	v22 =	vadd.f32 v58, v23  }
0x541: {  	v18 =	vld [tilespmem:s24+$0x0]  }
0x542: {  	s14 =	spop (v2sf);
	v23 =	vld [tilespmem:s19+$0x30];
	v20 =	vadd.f32 v59, v20;
	v17 =	vadd.f32 v17, v22  }
0x543: {  	v22 =	vld [tilespmem:s14+$0x0]  }
0x544: {  	v62 =	vld [tilespmem:s18+$0x30];
	s17 =	spop (v2sf);
	v20 =	vmul.f32 v20, v15;
	v17 =	vadd.f32 v19, v17  }
0x545: {  	s19 =	spop (v2sf);
	v19 =	vld [tilespmem:s17+$0x0]  }
0x546: {  	v24 =	vadd.f32 v61, v60;
	[tilespmem:s6+$0xA0] =	vst v20;
	v20 =	vld [tilespmem:s19+$0x0];
	v17 =	vmul.f32 v17, v4  }
0x547: {  	v63 =	vld [tilespmem:s5+$0x30]  }
0x548: {  	v23 =	vadd.f32 v23, v24;
	v31 =	vld [tilespmem:s31+$0x30];
	v18 =	vadd.f32 v22, v18;
	[tilespmem:s20+$0xFFFFFF10] =	vst v17  }
0x549: {  	v30 =	vld [tilespmem:s29+$0x20]  }
0x54a: {  	v17 =	vadd.f32 v19, v18;
	v18 =	vadd.f32 v62, v23;
	v19 =	vld [tilespmem:s4+$0x20]  }
0x54b: {  	v22 =	vld [tilespmem:s10+$0x30]  }
0x54c: {  	v20 =	vadd.f32 v20, v17;
	v17 =	vbroadcast v12, $0x4;
	v14 =	vmul.f32 v18, v14;
	v18 =	vld [tilespmem:s13+$0x20]  }
0x54d: {  	v23 =	vld [tilespmem:s22+$0x30]  }
0x54e: {  	v20 =	vmul.f32 v20, v17;
	[tilespmem:s6+$0xFFFFFF70] =	vst v14;
	v14 =	vld [tilespmem:s12+$0x20]  }
0x54f: {  	v32 =	vld [tilespmem:s16+$0x0];
	v19 =	vadd.f32 v19, v30  }
0x550: {  	v33 =	vld [tilespmem:s11+$0x0];
	[tilespmem:s20+$0x40] =	vst v20  }
0x551: {  	v20 =	vadd.f32 v22, v63;
	v22 =	vld [tilespmem:s24+$0x10];
	v18 =	vadd.f32 v18, v19  }
0x552: {  	s10 =	simm.s32 $0x195B8;
	v19 =	vld [tilespmem:s14+$0x10]  }
0x553: {  	v30 =	vld [tilespmem:s10+$0xFFFFFFF0];
	v20 =	vadd.f32 v23, v20;
	v14 =	vadd.f32 v14, v18  }
0x554: {  	v18 =	vld [tilespmem:s17+$0x10]  }
0x555: {  	v34 =	vld [tilespmem:s19+$0x10];
	v20 =	vadd.f32 v31, v20;
	v14 =	vmul.f32 v14, v4  }
0x556: {  	v23 =	vld [tilespmem:s9+$0x0]  }
0x557: {  	s22 =	sld [smem:$0x7DC];
	v15 =	vmul.f32 v20, v15;
	v19 =	vadd.f32 v19, v22;
	v20 =	vld [tilespmem:s8+$0x0];
	[tilespmem:s20+$0xFFFFFF20] =	vst v14  }
0x558: {  	v22 =	vld [tilespmem:s29+$0x30]  }
0x559: {  	v14 =	vadd.f32 v33, v32;
	[tilespmem:s6+$0xB0] =	vst v15;
	v15 =	vadd.f32 v18, v19;
	v35 =	vld [tilespmem:s4+$0x30]  }
0x55a: {  	v19 =	vld [tilespmem:s2+$0x0]  }
0x55b: {  	v14 =	vadd.f32 v23, v14;
	v23 =	vld [tilespmem:s0+$0x0];
	v15 =	vadd.f32 v34, v15  }
0x55c: {  	v36 =	vld [tilespmem:s13+$0x30]  }
0x55d: {  	v18 =	vbroadcast v5, $0x8;
	v14 =	vadd.f32 v20, v14;
	v20 =	vld [tilespmem:s3+$0x0];
	v15 =	vmul.f32 v15, v17  }
0x55e: {  	v39 =	vld [tilespmem:s12+$0x30]  }
0x55f: {  	v37 =	vld [tilespmem:s30+$0x0];
	v14 =	vmul.f32 v14, v18;
	[tilespmem:s20+$0x50] =	vst v15  }
0x560: {  	v15 =	vadd.f32 v23, v19;
	v19 =	vld [tilespmem:s24+$0x20]  }
0x561: {  	[tilespmem:s6+$0xFFFFFF80] =	vst v14;
	v23 =	vld [tilespmem:s14+$0x20]  }
0x562: {  	v38 =	vld [tilespmem:s16+$0x10];
	v14 =	vadd.f32 v20, v15  }
0x563: {  	v15 =	vld [tilespmem:s17+$0x20]  }
0x564: {  	v22 =	vadd.f32 v35, v22;
	v20 =	vld [tilespmem:s11+$0x10];
	v27 =	vadd.f32 v37, v14;
	v14 =	vbroadcast v2, $0xC  }
0x565: {  	v26 =	vld [tilespmem:s22+$0x30]  }
0x566: {  	v22 =	vadd.f32 v36, v22;
	v2 =	vld [tilespmem:s19+$0x20];
	v27 =	vmul.f32 v27, v14  }
0x567: {  	v19 =	vadd.f32 v23, v19;
	v23 =	vld [tilespmem:s9+$0x10]  }
0x568: {  	v40 =	vld [tilespmem:s8+$0x10];
	v22 =	vadd.f32 v39, v22;
	[tilespmem:s6+$0xC0] =	vst v27  }
0x569: {  	v15 =	vadd.f32 v15, v19;
	v19 =	vadd.f32 v20, v38;
	v20 =	vld [tilespmem:s2+$0x10]  }
0x56a: {  	v41 =	vld [tilespmem:s0+$0x10]  }
0x56b: {  	v4 =	vmul.f32 v22, v4;
	v22 =	vld [tilespmem:s30+$0x10];
	v2 =	vadd.f32 v2, v15  }
0x56c: {  	v19 =	vadd.f32 v23, v19;
	v23 =	vld [tilespmem:s3+$0x10]  }
0x56d: {  	s5 =	sld [smem:$0x7DD];
	[tilespmem:s20+$0xFFFFFF30] =	vst v4;
	v15 =	vld [tilespmem:s7+$0x30];
	v2 =	vmul.f32 v2, v17  }
0x56e: {  	v4 =	vld [tilespmem:s1+$0x0];
	v19 =	vadd.f32 v40, v19  }
0x56f: {  	v45 =	vld [tilespmem:s28+$0x0];
	[tilespmem:s20+$0x60] =	vst v2;
	v2 =	vadd.f32 v41, v20  }
0x570: {  	v42 =	vld [tilespmem:s5+$0x30];
	v19 =	vmul.f32 v19, v18  }
0x571: {  	v43 =	vld [tilespmem:s24+$0x30];
	v2 =	vadd.f32 v23, v2  }
0x572: {  	[tilespmem:s6+$0xFFFFFF90] =	vst v19;
	v19 =	vld [tilespmem:s15+$0x0]  }
0x573: {  	v23 =	vld [tilespmem:s16+$0x20];
	v2 =	vadd.f32 v22, v2  }
0x574: {  	v22 =	vld [tilespmem:s25+$0x0]  }
0x575: {  	v44 =	vld [tilespmem:s11+$0x20];
	v2 =	vmul.f32 v2, v14  }
0x576: {  	v20 =	vld [tilespmem:s14+$0x30]  }
0x577: {  	v46 =	vld [tilespmem:s9+$0x20];
	v4 =	vadd.f32 v19, v4;
	[tilespmem:s6+$0xD0] =	vst v2  }
0x578: {  	(v2sf) =	vpush v13, $0x8;
	v2 =	vld [tilespmem:s2+$0x20]  }
0x579: {  	(v2sf) =	vpush v13, $0x9;
	v19 =	vld [tilespmem:s0+$0x20];
	v4 =	vadd.f32 v22, v4  }
0x57a: {  	v22 =	vadd.f32 v44, v23;
	v23 =	vld [tilespmem:s8+$0x20]  }
0x57b: {  	v25 =	vbroadcast v7, $0x4;
	(v2sf) =	vpush v13, $0xA;
	v48 =	vld [tilespmem:s17+$0x30];
	v4 =	vadd.f32 v45, v4  }
0x57c: {  	v50 =	vld [tilespmem:s19+$0x30]  }
0x57d: {  	(v2sf) =	vpush v13, $0xB;
	v47 =	vld [tilespmem:s3+$0x20];
	v22 =	vadd.f32 v46, v22;
	v4 =	vmul.f32 v4, v25  }
0x57e: {  	v19 =	vadd.f32 v19, v2;
	v2 =	vld [tilespmem:s10+$0x0]  }
0x57f: {  	s14 =	rddreg [dreg:$0x1a];
	v49 =	vld [tilespmem:s30+$0x20];
	v22 =	vadd.f32 v23, v22;
	[tilespmem:s20+$0xFFFFFF40] =	vst v4;
	v4 =	vadd.f32 v20, v43  }
0x580: {  	v20 =	vld [tilespmem:s1+$0x10]  }
0x581: {  	v22 =	vmul.f32 v22, v18;
	v51 =	vld [tilespmem:s15+$0x10];
	v4 =	vadd.f32 v48, v4  }
0x582: {  	v16 =	vadd.f32 v21, v16;
	s7 =	simm.s32 $0x17848;
	v19 =	vadd.f32 v47, v19;
	v52 =	vld [tilespmem:s25+$0x10]  }
0x583: {  	v53 =	vld [tilespmem:s28+$0x10];
	[tilespmem:s7+$0xFFFFFFA0] =	vst v22;
	(v2sf) =	vpush v2, $0x0;
	v4 =	vadd.f32 v50, v4  }
0x584: {  	v26 =	vadd.f32 v26, v16;
	v22 =	vld [tilespmem:s16+$0x30];
	(v2sf) =	vpush v2, $0x1  }
0x585: {  	v19 =	vadd.f32 v49, v19;
	v23 =	vld [tilespmem:s11+$0x30];
	(v2sf) =	vpush v2, $0x2;
	v4 =	vmul.f32 v4, v17  }
0x586: {  	v24 =	vld [tilespmem:s9+$0x30];
	v20 =	vadd.f32 v51, v20;
	(v2sf) =	vpush v30, $0x0  }
0x587: {  	s12 =	spop (v2sf);
	v41 =	vadd.f32 v42, v26;
	v19 =	vmul.f32 v19, v14;
	v26 =	vld [tilespmem:s8+$0x30];
	(v2sf) =	vpush v30, $0x1;
	[tilespmem:s20+$0x70] =	vst v4  }
0x588: {  	s5 =	spop (v2sf);
	v4 =	vadd.f32 v52, v20;
	(v2sf) =	vpush v2, $0x3;
	v54 =	vld [tilespmem:s12+$0x0]  }
0x589: {  	[tilespmem:s7+$0xE0] =	vst v19;
	v55 =	vld [tilespmem:s5+$0x0]  }
0x58a: {  	s7 =	spop (v2sf);
	v17 =	vld [tilespmem:s2+$0x30];
	v4 =	vadd.f32 v53, v4  }
0x58b: {  	v56 =	vld [tilespmem:s7+$0x0]  }
0x58c: {  	v19 =	vld [tilespmem:s3+$0x30];
	s10 =	spop (v2sf);
	v4 =	vmul.f32 v4, v25  }
0x58d: {  	v57 =	vld [tilespmem:s10+$0x0];
	(v2sf) =	vpush v30, $0x2  }
0x58e: {  	v16 =	vld [tilespmem:s30+$0x30];
	[tilespmem:s20+$0xFFFFFF50] =	vst v4;
	v4 =	vadd.f32 v55, v54  }
0x58f: {  	v58 =	vld [tilespmem:s1+$0x20]  }
0x590: {  	v59 =	vld [tilespmem:s15+$0x20];
	v4 =	vadd.f32 v56, v4  }
0x591: {  	v60 =	vld [tilespmem:s25+$0x20]  }
0x592: {  	v29 =	vbroadcast v12, $0x8;
	v61 =	vld [tilespmem:s28+$0x20];
	v32 =	vadd.f32 v57, v4;
	s16 =	spop (v2sf)  }
0x593: {  	v62 =	vld [tilespmem:s16+$0x0];
	s4 =	spop (v2sf)  }
0x594: {  	s22 =	simm.s32 $0x197B8;
	v32 =	vmul.f32 v32, v29;
	v63 =	vld [tilespmem:s4+$0x0];
	s6 =	spop (v2sf)  }
0x595: {  	v4 =	vld [tilespmem:s22+$0x0];
	v28 =	vadd.f32 v59, v58;
	s17 =	spop (v2sf)  }
0x596: {  	v36 =	vld [tilespmem:s6+$0x0];
	[tilespmem:s20+$0x80] =	vst v32;
	s2 =	spop (v2sf)  }
0x597: {  	v28 =	vadd.f32 v60, v28;
	v32 =	vld [tilespmem:s12+$0x10];
	s24 =	spop (v2sf)  }
0x598: {  	v39 =	vld [tilespmem:s24+$0x0]  }
0x599: {  	v21 =	vld [tilespmem:s5+$0x10];
	v28 =	vadd.f32 v61, v28;
	v31 =	vadd.f32 v63, v62  }
0x59a: {  	v20 =	vld [tilespmem:s0+$0x30]  }
0x59b: {  	(v2sf) =	vpush v30, $0x3;
	v40 =	vld [tilespmem:s7+$0x10];
	v28 =	vmul.f32 v28, v25;
	v42 =	vadd.f32 v36, v31  }
0x59c: {  	v43 =	vld [tilespmem:s10+$0x10];
	s3 =	spop (v2sf)  }
0x59d: {  	v11 =	vmul.f32 v41, v11;
	v27 =	vbroadcast v4, $0x0;
	v41 =	vld [tilespmem:s3+$0x0];
	[tilespmem:s20+$0xFFFFFF60] =	vst v28;
	v44 =	vadd.f32 v39, v42  }
0x59e: {  	v21 =	vadd.f32 v21, v32;
	v32 =	vld [tilespmem:s1+$0x30];
	s31 =	sld [smem:$0x7DE]  }
0x59f: {  	s18 =	simm.s32 $0x17648;
	v33 =	vld [tilespmem:s15+$0x30];
	s11 =	rddreg [dreg:$0x18];
	v28 =	vmul.f32 v44, v27  }
0x5a0: {  	s9 =	simm.s32 $0x17C48;
	v34 =	vld [tilespmem:s25+$0x30];
	s25 =	sld [smem:$0x7DF];
	[tilespmem:s18+$0xFFFFFFB0] =	vst v11;
	v21 =	vadd.f32 v40, v21  }
0x5a1: {  	v35 =	vld [tilespmem:s28+$0x30];
	s28 =	sld [smem:$0x7E0];
	[tilespmem:s9+$0x0] =	vst v28  }
0x5a2: {  	v11 =	vadd.f32 v43, v21;
	v21 =	vld [tilespmem:s16+$0x10]  }
0x5a3: {  	v28 =	vld [tilespmem:s4+$0x10]  }
0x5a4: {  	v39 =	vld [tilespmem:s17+$0x0];
	v11 =	vmul.f32 v11, v29  }
0x5a5: {  	v46 =	vld [tilespmem:s6+$0x10]  }
0x5a6: {  	v38 =	vld [tilespmem:s24+$0x10];
	[tilespmem:s20+$0x90] =	vst v11  }
0x5a7: {  	v11 =	vld [tilespmem:s12+$0x20]  }
0x5a8: {  	v37 =	vld [tilespmem:s5+$0x20];
	v21 =	vadd.f32 v28, v21  }
0x5a9: {  	v40 =	vld [tilespmem:s2+$0x0]  }
0x5aa: {  	s1 =	spop (v2sf);
	v47 =	vld [tilespmem:s7+$0x20];
	v21 =	vadd.f32 v46, v21  }
0x5ab: {  	v50 =	vld [tilespmem:s1+$0x0]  }
0x5ac: {  	v48 =	vld [tilespmem:s10+$0x20];
	v49 =	vadd.f32 v38, v21  }
0x5ad: {  	v52 =	vld [tilespmem:s11+$0x0];
	v11 =	vadd.f32 v37, v11  }
0x5ae: {  	v45 =	vld [tilespmem:s28+$0x0];
	v51 =	vmul.f32 v49, v27  }
0x5af: {  	s19 =	rddreg [dreg:$0x15];
	v21 =	vld [tilespmem:s22+$0xFFFFFFF0];
	v11 =	vadd.f32 v47, v11  }
0x5b0: {  	v39 =	vadd.f32 v40, v39;
	v53 =	vld [tilespmem:s19+$0x0];
	[tilespmem:s9+$0x10] =	vst v51  }
0x5b1: {  	v11 =	vadd.f32 v48, v11;
	v55 =	vld [tilespmem:s16+$0x20]  }
0x5b2: {  	(v2sf) =	vpush v30, $0x4;
	v54 =	vadd.f32 v41, v39;
	v56 =	vld [tilespmem:s4+$0x20]  }
0x5b3: {  	(v2sf) =	vpush v30, $0x5;
	v11 =	vmul.f32 v11, v29;
	s21 =	rddreg [dreg:$0x13];
	v57 =	vld [tilespmem:s6+$0x20]  }
0x5b4: {  	(v2sf) =	vpush v30, $0x6;
	v36 =	vadd.f32 v50, v54;
	v28 =	vbroadcast v21, $0x0;
	v42 =	vld [tilespmem:s21+$0x0]  }
0x5b5: {  	(v2sf) =	vpush v30, $0x7;
	v31 =	vadd.f32 v52, v45;
	v58 =	vld [tilespmem:s24+$0x20];
	[tilespmem:s20+$0xA0] =	vst v11  }
0x5b6: {  	(v2sf) =	vpush v30, $0x8;
	v36 =	vmul.f32 v36, v28;
	v11 =	vld [tilespmem:s12+$0x30]  }
0x5b7: {  	(v2sf) =	vpush v30, $0x9;
	v31 =	vadd.f32 v53, v31;
	v40 =	vld [tilespmem:s5+$0x30]  }
0x5b8: {  	(v2sf) =	vpush v30, $0xA;
	v62 =	vld [tilespmem:s7+$0x30];
	[tilespmem:s9+$0xFFFFFF00] =	vst v36  }
0x5b9: {  	v3 =	vbroadcast v3, $0xC;
	v59 =	vadd.f32 v56, v55;
	v60 =	vld [tilespmem:s17+$0x10];
	v31 =	vadd.f32 v42, v31  }
0x5ba: {  	(v2sf) =	vpush v30, $0xB;
	v61 =	vld [tilespmem:s2+$0x10]  }
0x5bb: {  	(v2sf) =	vpush v30, $0xC;
	v45 =	vld [tilespmem:s10+$0x30];
	v36 =	vadd.f32 v57, v59;
	v31 =	vmul.f32 v31, v3  }
0x5bc: {  	s8 =	simm.s32 $0x17648;
	(v2sf) =	vpush v30, $0xD;
	v63 =	vld [tilespmem:s3+$0x10]  }
0x5bd: {  	v46 =	vadd.f32 v33, v32;
	v47 =	vld [tilespmem:s1+$0x10];
	v36 =	vadd.f32 v58, v36;
	[tilespmem:s8+$0xFFFFFFC0] =	vst v31  }
0x5be: {  	(v2sf) =	vpush v30, $0xE;
	v50 =	vld [tilespmem:s28+$0x10]  }
0x5bf: {  	v49 =	vadd.f32 v61, v60;
	v31 =	vadd.f32 v34, v46;
	v48 =	vmul.f32 v36, v27;
	v51 =	vld [tilespmem:s11+$0x10]  }
0x5c0: {  	(v2sf) =	vpush v30, $0xF;
	s12 =	smov.u32 s21;
	v53 =	vld [tilespmem:s19+$0x10]  }
0x5c1: {  	v55 =	vld [tilespmem:s12+$0x10];
	v52 =	vadd.f32 v63, v49;
	v31 =	vadd.f32 v35, v31;
	[tilespmem:s9+$0x20] =	vst v48  }
0x5c2: {  	(v2sf) =	vpush v13, $0xC;
	s7 =	spop (v2sf);
	v33 =	vld [tilespmem:s16+$0x30]  }
0x5c3: {  	(v2sf) =	vpush v13, $0xD;
	v54 =	vld [tilespmem:s4+$0x30];
	v32 =	vadd.f32 v47, v52;
	v25 =	vmul.f32 v31, v25;
	s16 =	spop (v2sf)  }
0x5c4: {  	v56 =	vld [tilespmem:s6+$0x30];
	s21 =	spop (v2sf);
	v30 =	vadd.f32 v51, v50  }
0x5c5: {  	(v2sf) =	vpush v13, $0xE;
	s13 =	smov.u32 s19;
	v57 =	vld [tilespmem:s24+$0x30];
	v32 =	vmul.f32 v32, v28;
	[tilespmem:s20+$0xFFFFFF70] =	vst v25;
	s19 =	spop (v2sf)  }
0x5c6: {  	(v2sf) =	vpush v13, $0xF;
	v25 =	vld [tilespmem:s26+$0x0];
	s15 =	spop (v2sf);
	v13 =	vadd.f32 v53, v30  }
0x5c7: {  	v59 =	vld [tilespmem:s23+$0x0];
	[tilespmem:s9+$0xFFFFFF10] =	vst v32;
	s29 =	spop (v2sf)  }
0x5c8: {  	v58 =	vld [tilespmem:s17+$0x20];
	s30 =	spop (v2sf);
	s18 =	sld [smem:$0x7E1];
	v13 =	vadd.f32 v55, v13  }
0x5c9: {  	v11 =	vadd.f32 v40, v11;
	v32 =	vld [tilespmem:s2+$0x20];
	s6 =	spop (v2sf)  }
0x5ca: {  	v60 =	vld [tilespmem:s3+$0x20];
	s24 =	spop (v2sf);
	v13 =	vmul.f32 v13, v3  }
0x5cb: {  	v11 =	vadd.f32 v62, v11;
	v61 =	vld [tilespmem:s18+$0x0];
	[dreg:$0xc] =	wrdreg s24  }
0x5cc: {  	s0 =	smov.u32 s26;
	[tilespmem:s8+$0xFFFFFFD0] =	vst v13  }
0x5cd: {  	v11 =	vadd.f32 v45, v11;
	s26 =	smov.u32 s23;
	s5 =	spop (v2sf);
	s23 =	sld [smem:$0x7E2]  }
0x5ce: {  	v13 =	vld [tilespmem:s1+$0x20];
	s8 =	spop (v2sf);
	[dreg:$0x11] =	wrdreg s5  }
0x5cf: {  	v11 =	vmul.f32 v11, v29;
	v30 =	vadd.f32 v32, v58;
	s10 =	spop (v2sf);
	v62 =	vld [tilespmem:s28+$0x20];
	[dreg:$0xf] =	wrdreg s8  }
0x5d0: {  	v63 =	vld [tilespmem:s23+$0x0];
	[dreg:$0xe] =	wrdreg s10  }
0x5d1: {  	v30 =	vadd.f32 v60, v30;
	s8 =	spop (v2sf);
	v40 =	vld [tilespmem:s11+$0x20];
	[tilespmem:s20+$0xB0] =	vst v11  }
0x5d2: {  	v25 =	vadd.f32 v59, v25;
	s10 =	spop (v2sf);
	v41 =	vld [tilespmem:s8+$0x0]  }
0x5d3: {  	v13 =	vadd.f32 v13, v30;
	v42 =	vld [tilespmem:s10+$0x0]  }
0x5d4: {  	v11 =	vadd.f32 v61, v25;
	v43 =	vld [tilespmem:s13+$0x20];
	s5 =	spop (v2sf)  }
0x5d5: {  	v44 =	vld [tilespmem:s5+$0x0];
	v13 =	vmul.f32 v13, v28  }
0x5d6: {  	(v2sf) =	vpush v2, $0x4;
	v25 =	vbroadcast v7, $0x8;
	v45 =	vld [tilespmem:s12+$0x20];
	s24 =	spop (v2sf);
	v11 =	vadd.f32 v63, v11  }
0x5d7: {  	(v2sf) =	vpush v2, $0x5;
	[tilespmem:s9+$0xFFFFFF20] =	vst v13;
	v13 =	vld [tilespmem:s24+$0x0];
	v32 =	vadd.f32 v40, v62  }
0x5d8: {  	v46 =	vld [tilespmem:s17+$0x30];
	v11 =	vmul.f32 v11, v25;
	v30 =	vadd.f32 v42, v41  }
0x5d9: {  	(v2sf) =	vpush v2, $0x6;
	v47 =	vld [tilespmem:s2+$0x30];
	v32 =	vadd.f32 v43, v32  }
0x5da: {  	(v2sf) =	vpush v2, $0x7;
	v51 =	vld [tilespmem:s3+$0x30];
	[tilespmem:s20+$0xFFFFFF80] =	vst v11;
	v29 =	vadd.f32 v44, v30  }
0x5db: {  	v11 =	vadd.f32 v54, v33;
	v48 =	vld [tilespmem:s0+$0x10];
	v49 =	vadd.f32 v45, v32  }
0x5dc: {  	v22 =	vadd.f32 v23, v22;
	v50 =	vld [tilespmem:s26+$0x10];
	v13 =	vadd.f32 v13, v29;
	v29 =	vbroadcast v12, $0xC  }
0x5dd: {  	v53 =	vld [tilespmem:s1+$0x30];
	v11 =	vadd.f32 v56, v11;
	v12 =	vmul.f32 v49, v3  }
0x5de: {  	v22 =	vadd.f32 v24, v22;
	s17 =	simm.s32 $0x17648;
	v52 =	vld [tilespmem:s18+$0x10];
	v13 =	vmul.f32 v13, v29  }
0x5df: {  	v23 =	vadd.f32 v57, v11;
	[tilespmem:s17+$0xFFFFFFE0] =	vst v12;
	v12 =	vld [tilespmem:s23+$0x10]  }
0x5e0: {  	v22 =	vadd.f32 v26, v22;
	s17 =	sld [smem:$0x7E3];
	v11 =	vld [tilespmem:s28+$0x30];
	[tilespmem:s20+$0xC0] =	vst v13  }
0x5e1: {  	v54 =	vadd.f32 v50, v48;
	v23 =	vmul.f32 v23, v27;
	v13 =	vld [tilespmem:s8+$0x10]  }
0x5e2: {  	v18 =	vmul.f32 v22, v18;
	v22 =	vadd.f32 v47, v46;
	v56 =	vld [tilespmem:s5+$0x10]  }
0x5e3: {  	s28 =	simm.s32 $0x17848;
	v24 =	vadd.f32 v52, v54;
	[tilespmem:s9+$0x30] =	vst v23;
	v23 =	vld [tilespmem:s10+$0x10]  }
0x5e4: {  	[tilespmem:s28+$0xFFFFFFB0] =	vst v18;
	v18 =	vadd.f32 v51, v22;
	v22 =	vld [tilespmem:s24+$0x10]  }
0x5e5: {  	s4 =	spop (v2sf);
	v58 =	vld [tilespmem:s14+$0x0];
	v12 =	vadd.f32 v12, v24  }
0x5e6: {  	s1 =	spop (v2sf);
	v55 =	vld [tilespmem:s4+$0x0];
	v18 =	vadd.f32 v53, v18  }
0x5e7: {  	v57 =	vld [tilespmem:s1+$0x0];
	v12 =	vmul.f32 v12, v25  }
0x5e8: {  	s2 =	spop (v2sf);
	v46 =	vld [tilespmem:s31+$0x0];
	v18 =	vmul.f32 v18, v28;
	v13 =	vadd.f32 v23, v13  }
0x5e9: {  	s3 =	spop (v2sf);
	[tilespmem:s20+$0xFFFFFF90] =	vst v12;
	v12 =	vld [tilespmem:s2+$0x0]  }
0x5ea: {  	v59 =	vld [tilespmem:s3+$0x0];
	[tilespmem:s9+$0xFFFFFF30] =	vst v18;
	v13 =	vadd.f32 v56, v13  }
0x5eb: {  	v18 =	vld [tilespmem:s7+$0x0]  }
0x5ec: {  	v26 =	vadd.f32 v57, v55;
	v62 =	vld [tilespmem:s16+$0x0];
	v13 =	vadd.f32 v22, v13  }
0x5ed: {  	v23 =	vld [tilespmem:s0+$0x20]  }
0x5ee: {  	v60 =	vld [tilespmem:s26+$0x20];
	v12 =	vadd.f32 v12, v26;
	v61 =	vmul.f32 v13, v29  }
0x5ef: {  	v63 =	vld [tilespmem:s23+$0x20]  }
0x5f0: {  	v22 =	vld [tilespmem:s18+$0x20];
	v13 =	vbroadcast v4, $0x4;
	v12 =	vadd.f32 v59, v12;
	[tilespmem:s20+$0xD0] =	vst v61  }
0x5f1: {  	v26 =	vld [tilespmem:s8+$0x20]  }
0x5f2: {  	v36 =	vld [tilespmem:s10+$0x20];
	v12 =	vmul.f32 v12, v13  }
0x5f3: {  	v37 =	vld [tilespmem:s21+$0x0];
	v23 =	vadd.f32 v60, v23  }
0x5f4: {  	[tilespmem:s9+$0x40] =	vst v12;
	v12 =	vld [tilespmem:s5+$0x20]  }
0x5f5: {  	v22 =	vadd.f32 v22, v23;
	v38 =	vld [tilespmem:s24+$0x20]  }
0x5f6: {  	v23 =	vld [tilespmem:s4+$0x10]  }
0x5f7: {  	v22 =	vadd.f32 v63, v22;
	v39 =	vld [tilespmem:s1+$0x10];
	v40 =	vadd.f32 v36, v26  }
0x5f8: {  	v41 =	vld [tilespmem:s19+$0x0];
	s28 =	sld [smem:$0x7E4]  }
0x5f9: {  	v18 =	vadd.f32 v62, v18;
	v42 =	vld [tilespmem:s2+$0x10];
	v22 =	vmul.f32 v22, v25;
	v12 =	vadd.f32 v12, v40  }
0x5fa: {  	v44 =	vld [tilespmem:s3+$0x10]  }
0x5fb: {  	v18 =	vadd.f32 v37, v18;
	[tilespmem:s20+$0xFFFFFFA0] =	vst v22;
	v43 =	vld [tilespmem:s28+$0x0];
	v22 =	vadd.f32 v38, v12  }
0x5fc: {  	v48 =	vld [tilespmem:s17+$0x0];
	v23 =	vadd.f32 v39, v23  }
0x5fd: {  	v18 =	vadd.f32 v41, v18;
	v45 =	vld [tilespmem:s0+$0x30];
	v12 =	vbroadcast v21, $0x4;
	v22 =	vmul.f32 v22, v29  }
0x5fe: {  	v47 =	vld [tilespmem:s26+$0x30];
	v23 =	vadd.f32 v42, v23  }
0x5ff: {  	v62 =	vld [tilespmem:s23+$0x30];
	v18 =	vmul.f32 v18, v12;
	[tilespmem:s20+$0xE0] =	vst v22  }
0x600: {  	v24 =	vadd.f32 v43, v58;
	v23 =	vadd.f32 v44, v23;
	v22 =	vld [tilespmem:s8+$0x30]  }
0x601: {  	[tilespmem:s9+$0xFFFFFF40] =	vst v18;
	v49 =	vld [tilespmem:s10+$0x30]  }
0x602: {  	v18 =	vadd.f32 v46, v24;
	v50 =	vld [tilespmem:s7+$0x10];
	v23 =	vmul.f32 v23, v13  }
0x603: {  	v51 =	vld [tilespmem:s16+$0x10]  }
0x604: {  	v5 =	vbroadcast v5, $0xC;
	v52 =	vld [tilespmem:s21+$0x10];
	v18 =	vadd.f32 v48, v18;
	[tilespmem:s9+$0x50] =	vst v23  }
0x605: {  	v23 =	vld [tilespmem:s4+$0x20]  }
0x606: {  	v18 =	vmul.f32 v18, v5;
	v53 =	vld [tilespmem:s1+$0x20]  }
0x607: {  	s0 =	simm.s32 $0x17848;
	v54 =	vld [tilespmem:s19+$0x10]  }
0x608: {  	[tilespmem:s0+$0xFFFFFFC0] =	vst v18;
	v18 =	vld [tilespmem:s2+$0x20];
	v24 =	vadd.f32 v51, v50  }
0x609: {  	v56 =	vld [tilespmem:s3+$0x20]  }
0x60a: {  	v55 =	vld [tilespmem:s14+$0x10];
	v24 =	vadd.f32 v52, v24  }
0x60b: {  	v57 =	vld [tilespmem:s28+$0x10];
	v23 =	vadd.f32 v53, v23  }
0x60c: {  	v58 =	vld [tilespmem:s5+$0x30];
	v24 =	vadd.f32 v54, v24  }
0x60d: {  	v8 =	vadd.f32 v10, v8;
	v59 =	vld [tilespmem:s31+$0x10];
	v18 =	vadd.f32 v18, v23  }
0x60e: {  	v61 =	vld [tilespmem:s24+$0x30];
	v24 =	vmul.f32 v24, v12  }
0x60f: {  	v8 =	vadd.f32 v9, v8;
	v60 =	vld [tilespmem:s17+$0x10];
	v18 =	vadd.f32 v56, v18  }
0x610: {  	v23 =	vld [tilespmem:s18+$0x30];
	v34 =	vadd.f32 v57, v55;
	[tilespmem:s9+$0xFFFFFF50] =	vst v24  }
0x611: {  	v8 =	vadd.f32 v15, v8;
	v9 =	vadd.f32 v49, v22;
	v10 =	vmul.f32 v18, v13;
	v24 =	vld [tilespmem:s7+$0x20]  }
0x612: {  	v17 =	vadd.f32 v20, v17;
	v20 =	vadd.f32 v59, v34;
	v22 =	vld [tilespmem:s16+$0x20]  }
0x613: {  	(v2sf) =	vpush v2, $0x8;
	v9 =	vadd.f32 v58, v9;
	v63 =	vld [tilespmem:s21+$0x20];
	[tilespmem:s9+$0x60] =	vst v10  }
0x614: {  	v10 =	vadd.f32 v19, v17;
	v17 =	vadd.f32 v60, v20;
	v18 =	vld [tilespmem:s4+$0x30]  }
0x615: {  	(v2sf) =	vpush v2, $0x9;
	v20 =	vadd.f32 v47, v45;
	v19 =	vld [tilespmem:s1+$0x30]  }
0x616: {  	v9 =	vadd.f32 v61, v9;
	v10 =	vadd.f32 v16, v10;
	v15 =	vmul.f32 v17, v5;
	v16 =	vld [tilespmem:s19+$0x20]  }
0x617: {  	v8 =	vmul.f32 v8, v6;
	v17 =	vadd.f32 v23, v20;
	v20 =	vld [tilespmem:s2+$0x30];
	v23 =	vadd.f32 v22, v24  }
0x618: {  	v6 =	vbroadcast v7, $0xC;
	(v2sf) =	vpush v2, $0xA;
	s18 =	simm.s32 $0x17648;
	v9 =	vmul.f32 v9, v29;
	v22 =	vld [tilespmem:s3+$0x30];
	[tilespmem:s0+$0xFFFFFFD0] =	vst v15  }
0x619: {  	[tilespmem:s18+$0xF0] =	vst v8;
	v7 =	vmul.f32 v10, v14;
	v17 =	vadd.f32 v62, v17;
	v14 =	vld [tilespmem:s14+$0x20];
	v10 =	vadd.f32 v63, v23  }
0x61a: {  	(v2sf) =	vpush v2, $0xB;
	s26 =	simm.s32 $0x17848;
	s23 =	simm.s32 $0x6;
	v8 =	vbroadcast v21, $0x8;
	[tilespmem:s20+$0xF0] =	vst v9;
	v15 =	vld [tilespmem:s28+$0x20]  }
0x61b: {  	s8 =	smov.u32 s28;
	s24 =	simm.s32 $0x17848;
	[tilespmem:s26+$0xF0] =	vst v7;
	v7 =	vbroadcast v21, $0xC;
	v17 =	vmul.f32 v17, v25;
	s26 =	simm.s32 $0x195D8;
	v21 =	vadd.f32 v16, v10;
	v16 =	vld [tilespmem:s31+$0x20]  }
.LBB2_9:
0x61c: {  	_ =	sdelay $0x1  }
0x61d: {  	v10 =	vld [tilespmem:s26+$0x0];
	v9 =	vmul.f32 v21, v12  }
0x61e: {  	v18 =	vadd.f32 v19, v18;
	v19 =	vld [tilespmem:s26+$0xFFFFFFF0];
	[tilespmem:s20+$0xFFFFFFB0] =	vst v17  }
0x61f: {  	[tilespmem:s9+$0xFFFFFF60] =	vst v9;
	v14 =	vadd.f32 v15, v14  }
0x620: {  	v9 =	vadd.f32 v20, v18;
	v17 =	vld [tilespmem:s7+$0x30]  }
0x621: {  	v14 =	vadd.f32 v16, v14;
	v16 =	vld [tilespmem:s16+$0x30]  }
0x622: {  	v15 =	vld [tilespmem:s25+$0x0];
	v9 =	vadd.f32 v22, v9  }
0x623: {  	v18 =	vld [tilespmem:s21+$0x30];
	(v2sf) =	vpush v10, $0x0  }
0x624: {  	s1 =	rddreg [dreg:$0x8];
	v20 =	vld [tilespmem:s19+$0x30];
	(v2sf) =	vpush v10, $0x1;
	v9 =	vmul.f32 v9, v13  }
0x625: {  	s3 =	rddreg [dreg:$0xa];
	(v2sf) =	vpush v10, $0x2;
	v13 =	vld [tilespmem:s1+$0x0]  }
0x626: {  	[dreg:$0x1a] =	wrdreg s14;
	(v2sf) =	vpush v19, $0x0;
	[tilespmem:s9+$0x70] =	vst v9;
	v9 =	vld [tilespmem:s3+$0x0];
	s14 =	spop (v2sf);
	v16 =	vadd.f32 v16, v17  }
0x627: {  	(v2sf) =	vpush v19, $0x1;
	v17 =	vld [tilespmem:s14+$0x0];
	s10 =	spop (v2sf)  }
0x628: {  	s2 =	rddreg [dreg:$0x6];
	(v2sf) =	vpush v10, $0x3;
	v21 =	vld [tilespmem:s10+$0x0];
	v16 =	vadd.f32 v18, v16  }
0x629: {  	(v2sf) =	vpush v19, $0x2;
	s5 =	spop (v2sf);
	v18 =	vld [tilespmem:s2+$0x0]  }
0x62a: {  	v13 =	vadd.f32 v13, v15;
	v22 =	vld [tilespmem:s5+$0x0];
	v15 =	vadd.f32 v20, v16  }
0x62b: {  	(v2sf) =	vpush v19, $0x3;
	s0 =	spop (v2sf);
	v16 =	vld [tilespmem:s17+$0x20]  }
0x62c: {  	(v2sf) =	vpush v19, $0x4;
	v20 =	vld [tilespmem:s0+$0x0];
	v9 =	vadd.f32 v9, v13;
	v12 =	vmul.f32 v15, v12  }
0x62d: {  	(v2sf) =	vpush v19, $0x5;
	v15 =	vld [tilespmem:s11+$0x30];
	v13 =	vadd.f32 v21, v17  }
0x62e: {  	(v2sf) =	vpush v19, $0x6;
	v9 =	vadd.f32 v18, v9;
	v17 =	vld [tilespmem:s13+$0x30];
	[tilespmem:s9+$0xFFFFFF70] =	vst v12  }
0x62f: {  	(v2sf) =	vpush v19, $0x7;
	v12 =	vadd.f32 v22, v13;
	v18 =	vld [tilespmem:s12+$0x30]  }
0x630: {  	s4 =	smov.u32 s8;
	s16 =	smov.u32 s17;
	s17 =	rddreg [dreg:$0xe];
	(v2sf) =	vpush v19, $0x8;
	v21 =	vld [tilespmem:s15+$0x0];
	v9 =	vmul.f32 v9, v6;
	v16 =	vadd.f32 v16, v14  }
0x631: {  	s22 =	sadd.s32 $0x20, s22;
	[dreg:$0x18] =	wrdreg s4;
	s19 =	smov.u32 s17;
	(v2sf) =	vpush v19, $0x9;
	v22 =	vld [tilespmem:s29+$0x0];
	v14 =	vbroadcast v4, $0x8;
	v12 =	vadd.f32 v20, v12  }
0x632: {  	s11 =	smov.u32 s1;
	s1 =	rddreg [dreg:$0x11];
	v13 =	vld [tilespmem:s22+$0x0];
	s17 =	spop (v2sf);
	(v2sf) =	vpush v19, $0xA;
	[tilespmem:s20+$0xFFFFFFC0] =	vst v9;
	v9 =	vmul.f32 v16, v5  }
0x633: {  	s7 =	smov.u32 s1;
	s1 =	smov.u32 s2;
	s2 =	spop (v2sf);
	(v2sf) =	vpush v19, $0xB;
	v11 =	vadd.f32 v15, v11;
	v15 =	vld [tilespmem:s17+$0x0];
	v12 =	vmul.f32 v12, v14  }
0x634: {  	s4 =	smov.u32 s25;
	s12 =	rddreg [dreg:$0xf];
	v16 =	vld [tilespmem:s2+$0x0];
	s25 =	spop (v2sf);
	(v2sf) =	vpush v19, $0xC;
	[tilespmem:s24+$0xFFFFFFE0] =	vst v9  }
0x635: {  	s13 =	smov.u32 s12;
	s12 =	spop (v2sf);
	(v2sf) =	vpush v19, $0xD;
	v9 =	vadd.f32 v17, v11;
	v11 =	vld [tilespmem:s25+$0x0];
	[tilespmem:s9+$0x80] =	vst v12  }
0x636: {  	s8 =	smov.u32 s31;
	[dreg:$0xa] =	wrdreg s13;
	(v2sf) =	vpush v19, $0xE;
	s13 =	spop (v2sf);
	v12 =	vld [tilespmem:s14+$0x10]  }
0x637: {  	[dreg:$0x15] =	wrdreg s8;
	(v2sf) =	vpush v19, $0xF;
	v9 =	vadd.f32 v18, v9;
	s8 =	spop (v2sf);
	v19 =	vld [tilespmem:s10+$0x10]  }
0x638: {  	v18 =	vld [tilespmem:s8+$0x0]  }
0x639: {  	v15 =	vadd.f32 v16, v15;
	v16 =	vld [tilespmem:s5+$0x10];
	v9 =	vmul.f32 v9, v3  }
0x63a: {  	v20 =	vld [tilespmem:s0+$0x10]  }
0x63b: {  	v3 =	vmovc v5;
	v5 =	vmov v6;
	v6 =	vmov v7;
	v7 =	vld [tilespmem:s12+$0x0];
	v11 =	vadd.f32 v11, v15;
	[tilespmem:s18+$0xFFFFFFF0] =	vst v9  }
0x63c: {  	v9 =	vld [tilespmem:s13+$0x0];
	v12 =	vadd.f32 v19, v12  }
0x63d: {  	s31 =	smov.u32 s3;
	v17 =	vadd.f32 v22, v21;
	s3 =	spop (v2sf);
	v15 =	vbroadcast v13, $0x0;
	v21 =	vld [tilespmem:s30+$0x0];
	v11 =	vadd.f32 v18, v11  }
0x63e: {  	s21 =	smov.u32 s24;
	s24 =	spop (v2sf);
	v19 =	vld [tilespmem:s3+$0x0];
	v12 =	vadd.f32 v16, v12  }
0x63f: {  	s28 =	smov.u32 s21;
	v18 =	vld [tilespmem:s24+$0x0];
	v11 =	vmul.f32 v11, v15  }
0x640: {  	s21 =	smov.u32 s20;
	s20 =	smov.u32 s9;
	s9 =	sadd.s32 $0x200, s9;
	v16 =	vld [tilespmem:s22+$0xFFFFFFF0];
	v12 =	vadd.f32 v20, v12  }
0x641: {  	v7 =	vadd.f32 v9, v7;
	v20 =	vld [tilespmem:s6+$0x0];
	[tilespmem:s9+$0x0] =	vst v11  }
0x642: {  	v22 =	vld [tilespmem:s17+$0x10];
	v9 =	vmul.f32 v12, v14  }
0x643: {  	v7 =	vadd.f32 v19, v7;
	v19 =	vld [tilespmem:s2+$0x10]  }
0x644: {  	v17 =	vadd.f32 v21, v17;
	v23 =	vld [tilespmem:s25+$0x10];
	[tilespmem:s20+$0x90] =	vst v9  }
0x645: {  	v11 =	vbroadcast v16, $0x0;
	v12 =	vbroadcast v16, $0x4;
	v18 =	vadd.f32 v18, v7;
	v21 =	vld [tilespmem:s14+$0x20]  }
0x646: {  	v9 =	vbroadcast v16, $0x8;
	v7 =	vbroadcast v16, $0xC;
	v16 =	vld [tilespmem:s10+$0x20]  }
0x647: {  	[smem:$0x7D9] =	sst s21;
	v24 =	vld [tilespmem:s8+$0x10];
	v17 =	vadd.f32 v20, v17;
	v18 =	vmul.f32 v18, v11  }
0x648: {  	[dreg:$0x8] =	wrdreg s7;
	s7 =	spop (v2sf);
	v20 =	vld [tilespmem:s5+$0x20];
	v19 =	vadd.f32 v19, v22  }
0x649: {  	[dreg:$0x13] =	wrdreg s16;
	s16 =	spop (v2sf);
	v17 =	vmul.f32 v17, v8;
	v22 =	vld [tilespmem:s0+$0x20];
	[tilespmem:s9+$0xFFFFFF00] =	vst v18  }
0x64a: {  	[dreg:$0x6] =	wrdreg s19;
	s19 =	smov.u32 s28;
	s21 =	spop (v2sf);
	v18 =	vld [tilespmem:s4+$0x10];
	v19 =	vadd.f32 v23, v19  }
0x64b: {  	[smem:$0x7D8] =	sst s19;
	s19 =	spop (v2sf);
	v23 =	vld [tilespmem:s12+$0x10];
	[tilespmem:s20+$0xFFFFFF80] =	vst v17;
	v16 =	vadd.f32 v16, v21  }
0x64c: {  	s28 =	spop (v2sf);
	v17 =	vld [tilespmem:s13+$0x10];
	v19 =	vadd.f32 v24, v19  }
0x64d: {  	[smem:$0x7DA] =	sst s28;
	s28 =	spop (v2sf);
	v21 =	vld [tilespmem:s3+$0x10];
	v16 =	vadd.f32 v20, v16  }
0x64e: {  	[smem:$0x7DB] =	sst s28;
	s28 =	spop (v2sf);
	v60 =	vld [tilespmem:s15+$0x10];
	v19 =	vmul.f32 v19, v15  }
0x64f: {  	[dreg:$0x1f] =	wrdreg s28;
	s28 =	spop (v2sf);
	v25 =	vld [tilespmem:s30+$0x10];
	v16 =	vadd.f32 v22, v16  }
0x650: {  	s18 =	spop (v2sf);
	v20 =	vld [tilespmem:s24+$0x10];
	[tilespmem:s9+$0x10] =	vst v19  }
0x651: {  	[dreg:$0x1d] =	wrdreg s28;
	s28 =	spop (v2sf);
	v17 =	vadd.f32 v17, v23;
	v22 =	vld [tilespmem:s17+$0x20];
	v16 =	vmul.f32 v16, v14  }
0x652: {  	[dreg:$0x11] =	wrdreg s28;
	s28 =	spop (v2sf);
	v23 =	vld [tilespmem:s2+$0x20]  }
0x653: {  	[dreg:$0xf] =	wrdreg s28;
	s28 =	spop (v2sf);
	(v2sf) =	vpush v2, $0xC;
	v17 =	vadd.f32 v21, v17;
	v21 =	vld [tilespmem:s25+$0x20];
	[tilespmem:s20+$0xA0] =	vst v16  }
0x654: {  	(v2sf) =	vpush v2, $0xD;
	v16 =	vld [tilespmem:s14+$0x30]  }
0x655: {  	v17 =	vadd.f32 v20, v17;
	v20 =	vld [tilespmem:s10+$0x30]  }
0x656: {  	(v2sf) =	vpush v2, $0xE;
	v61 =	vld [tilespmem:s8+$0x20]  }
0x657: {  	v17 =	vmul.f32 v17, v11;
	v22 =	vadd.f32 v23, v22;
	v23 =	vld [tilespmem:s5+$0x30]  }
0x658: {  	(v2sf) =	vpush v2, $0xF;
	v19 =	vld [tilespmem:s29+$0x10]  }
0x659: {  	v2 =	vmov v10;
	[tilespmem:s9+$0xFFFFFF10] =	vst v17;
	v10 =	vadd.f32 v21, v22;
	v17 =	vld [tilespmem:s0+$0x30]  }
0x65a: {  	v21 =	vld [tilespmem:s12+$0x20];
	v16 =	vadd.f32 v20, v16  }
0x65b: {  	v20 =	vld [tilespmem:s13+$0x20];
	v10 =	vadd.f32 v61, v10  }
0x65c: {  	v22 =	vld [tilespmem:s3+$0x20];
	v16 =	vadd.f32 v23, v16  }
0x65d: {  	(v2sf) =	vpush v2, $0x4;
	v62 =	vld [tilespmem:s6+$0x10];
	v10 =	vmul.f32 v10, v15  }
0x65e: {  	v19 =	vadd.f32 v19, v60;
	v23 =	vld [tilespmem:s24+$0x20];
	v16 =	vadd.f32 v17, v16  }
0x65f: {  	(v2sf) =	vpush v2, $0x5;
	[tilespmem:s9+$0x20] =	vst v10;
	v10 =	vld [tilespmem:s11+$0x10]  }
0x660: {  	v19 =	vadd.f32 v25, v19;
	v17 =	vadd.f32 v20, v21;
	v20 =	vld [tilespmem:s17+$0x30];
	v14 =	vmul.f32 v16, v14  }
0x661: {  	(v2sf) =	vpush v2, $0x6;
	v16 =	vld [tilespmem:s2+$0x30]  }
0x662: {  	s0 =	spop (v2sf);
	v21 =	vld [tilespmem:s25+$0x30];
	v17 =	vadd.f32 v22, v17;
	[tilespmem:s20+$0xB0] =	vst v14;
	v14 =	vadd.f32 v62, v19  }
0x663: {  	s2 =	spop (v2sf);
	v19 =	vld [tilespmem:s0+$0x0]  }
0x664: {  	(v2sf) =	vpush v2, $0x7;
	v17 =	vadd.f32 v23, v17;
	v22 =	vld [tilespmem:s2+$0x0];
	v14 =	vmul.f32 v14, v8  }
0x665: {  	s5 =	spop (v2sf);
	v23 =	vld [tilespmem:s8+$0x30]  }
0x666: {  	v10 =	vadd.f32 v10, v18;
	v18 =	vld [tilespmem:s5+$0x0];
	v17 =	vmul.f32 v17, v11;
	v16 =	vadd.f32 v16, v20;
	[tilespmem:s20+$0xFFFFFF90] =	vst v14  }
0x667: {  	s8 =	spop (v2sf);
	v14 =	vld [tilespmem:s31+$0x10]  }
0x668: {  	[tilespmem:s9+$0xFFFFFF20] =	vst v17;
	v16 =	vadd.f32 v21, v16;
	v17 =	vld [tilespmem:s8+$0x0]  }
0x669: {  	v20 =	vld [tilespmem:s12+$0x30];
	v19 =	vadd.f32 v22, v19  }
0x66a: {  	v21 =	vld [tilespmem:s13+$0x30];
	v16 =	vadd.f32 v23, v16  }
0x66b: {  	v22 =	vld [tilespmem:s3+$0x30];
	v18 =	vadd.f32 v18, v19  }
0x66c: {  	v19 =	vld [tilespmem:s24+$0x30];
	v15 =	vmul.f32 v16, v15  }
0x66d: {  	v16 =	vld [tilespmem:s15+$0x20];
	v14 =	vadd.f32 v14, v10;
	v17 =	vadd.f32 v17, v18;
	v10 =	vbroadcast v4, $0xC  }
0x66e: {  	s10 =	spop (v2sf);
	v4 =	vmov v13;
	v13 =	vld [tilespmem:s29+$0x20];
	[tilespmem:s9+$0x30] =	vst v15  }
0x66f: {  	s13 =	spop (v2sf);
	v15 =	vadd.f32 v21, v20;
	v18 =	vld [tilespmem:s10+$0x0];
	v17 =	vmul.f32 v17, v10  }
0x670: {  	s3 =	spop (v2sf);
	v20 =	vld [tilespmem:s13+$0x0]  }
0x671: {  	v21 =	vld [tilespmem:s3+$0x0];
	v15 =	vadd.f32 v22, v15;
	[tilespmem:s20+$0xC0] =	vst v17  }
0x672: {  	v17 =	vld [tilespmem:s0+$0x10]  }
0x673: {  	s12 =	spop (v2sf);
	v15 =	vadd.f32 v19, v15;
	v16 =	vadd.f32 v13, v16;
	v13 =	vld [tilespmem:s2+$0x10]  }
0x674: {  	v19 =	vld [tilespmem:s12+$0x0]  }
0x675: {  	v11 =	vmul.f32 v15, v11;
	v15 =	vadd.f32 v20, v18;
	v18 =	vld [tilespmem:s5+$0x10]  }
0x676: {  	v20 =	vld [tilespmem:s30+$0x20]  }
0x677: {  	[tilespmem:s9+$0xFFFFFF30] =	vst v11;
	v11 =	vadd.f32 v21, v15;
	v15 =	vld [tilespmem:s8+$0x10]  }
0x678: {  	v21 =	vld [tilespmem:s7+$0x0];
	v17 =	vadd.f32 v13, v17  }
0x679: {  	v22 =	vld [tilespmem:s16+$0x0];
	v13 =	vbroadcast v4, $0x4;
	v11 =	vadd.f32 v19, v11  }
0x67a: {  	v19 =	vld [tilespmem:s21+$0x0];
	v17 =	vadd.f32 v18, v17  }
0x67b: {  	v16 =	vadd.f32 v20, v16;
	v20 =	vld [tilespmem:s6+$0x20];
	v11 =	vmul.f32 v11, v13  }
0x67c: {  	v18 =	vld [tilespmem:s19+$0x0];
	v15 =	vadd.f32 v15, v17  }
0x67d: {  	[tilespmem:s9+$0x40] =	vst v11;
	v11 =	vld [tilespmem:s1+$0x10]  }
0x67e: {  	v17 =	vadd.f32 v22, v21;
	v21 =	vld [tilespmem:s10+$0x10];
	v15 =	vmul.f32 v15, v10  }
0x67f: {  	v22 =	vld [tilespmem:s13+$0x10]  }
0x680: {  	v17 =	vadd.f32 v19, v17;
	v19 =	vld [tilespmem:s3+$0x10];
	[tilespmem:s20+$0xD0] =	vst v15;
	v15 =	vadd.f32 v20, v16  }
0x681: {  	v16 =	vld [tilespmem:s0+$0x20]  }
0x682: {  	v17 =	vadd.f32 v18, v17;
	v18 =	vld [tilespmem:s2+$0x20];
	v15 =	vmul.f32 v15, v8  }
0x683: {  	s14 =	smov.u32 s4;
	s4 =	sld [smem:$0x7D9];
	v11 =	vadd.f32 v11, v14;
	v14 =	vld [tilespmem:s12+$0x10]  }
0x684: {  	s25 =	rddreg [dreg:$0x1a];
	v17 =	vmul.f32 v17, v12;
	v20 =	vadd.f32 v22, v21;
	v21 =	vld [tilespmem:s5+$0x20];
	[tilespmem:s20+$0xFFFFFFA0] =	vst v15  }
0x685: {  	v22 =	vmul.f32 v11, v5;
	v11 =	vld [tilespmem:s25+$0x30]  }
0x686: {  	[tilespmem:s9+$0xFFFFFF40] =	vst v17;
	v15 =	vadd.f32 v19, v20;
	v17 =	vld [tilespmem:s8+$0x20]  }
0x687: {  	v19 =	vld [tilespmem:s7+$0x10];
	v16 =	vadd.f32 v18, v16;
	[tilespmem:s4+$0xFFFFFFD0] =	vst v22  }
0x688: {  	v18 =	vld [tilespmem:s16+$0x10];
	v14 =	vadd.f32 v14, v15  }
0x689: {  	v15 =	vld [tilespmem:s21+$0x10];
	v16 =	vadd.f32 v21, v16  }
0x68a: {  	v20 =	vld [tilespmem:s19+$0x10];
	v14 =	vmul.f32 v14, v13  }
0x68b: {  	v21 =	vld [tilespmem:s15+$0x30];
	v16 =	vadd.f32 v17, v16  }
0x68c: {  	[tilespmem:s9+$0x50] =	vst v14;
	v14 =	vld [tilespmem:s29+$0x30]  }
0x68d: {  	v17 =	vadd.f32 v18, v19;
	v18 =	vld [tilespmem:s10+$0x20];
	v16 =	vmul.f32 v16, v10  }
0x68e: {  	v19 =	vld [tilespmem:s13+$0x20]  }
0x68f: {  	v15 =	vadd.f32 v15, v17;
	v17 =	vld [tilespmem:s3+$0x20];
	[tilespmem:s20+$0xE0] =	vst v16  }
0x690: {  	v16 =	vld [tilespmem:s0+$0x30]  }
0x691: {  	v15 =	vadd.f32 v20, v15;
	v20 =	vld [tilespmem:s2+$0x30]  }
0x692: {  	v14 =	vadd.f32 v14, v21;
	v21 =	vld [tilespmem:s12+$0x20]  }
0x693: {  	v18 =	vadd.f32 v19, v18;
	v19 =	vld [tilespmem:s5+$0x30];
	v15 =	vmul.f32 v15, v12  }
0x694: {  	v22 =	vld [tilespmem:s30+$0x30]  }
0x695: {  	[tilespmem:s9+$0xFFFFFF50] =	vst v15;
	v15 =	vadd.f32 v17, v18;
	v17 =	vld [tilespmem:s8+$0x30]  }
0x696: {  	v18 =	vld [tilespmem:s7+$0x20];
	v16 =	vadd.f32 v20, v16  }
0x697: {  	[dreg:$0xe] =	wrdreg s28;
	v20 =	vld [tilespmem:s16+$0x20];
	v15 =	vadd.f32 v21, v15  }
0x698: {  	s28 =	smov.u32 s11;
	s11 =	rddreg [dreg:$0xc];
	s24 =	smov.u32 s18;
	v23 =	vld [tilespmem:s19+$0x20];
	v16 =	vadd.f32 v19, v16  }
0x699: {  	[dreg:$0xc] =	wrdreg s24;
	v21 =	vld [tilespmem:s21+$0x20];
	v15 =	vmul.f32 v15, v13  }
0x69a: {  	s25 =	smov.u32 s11;
	s11 =	sld [smem:$0x7DA];
	v63 =	vld [tilespmem:s6+$0x30];
	v16 =	vadd.f32 v17, v16  }
0x69b: {  	s23 =	sadd.s32 $0x2, s23;
	s24 =	smov.u32 s4;
	s4 =	sld [smem:$0x7DB];
	v22 =	vadd.f32 v22, v14;
	v14 =	vld [tilespmem:s14+$0x20];
	[tilespmem:s9+$0x60] =	vst v15  }
0x69c: {  	p0 =	slt.u32 s23, $0x1E;
	s18 =	sld [smem:$0x7D8];
	v15 =	vadd.f32 v20, v18;
	v18 =	vld [tilespmem:s10+$0x30];
	v10 =	vmul.f32 v16, v10  }
.Ltmp3:
0x69d: {  	s15 =	smov.u32 s11;
	s11 =	rddreg [dreg:$0x18];
	v19 =	vld [tilespmem:s13+$0x30];
	(pc) =	sbr.rel @p0 .LBB2_9-.Ltmp3, $4  }
0x69e: {  	(v2sf) =	vpush v2, $0x8;
	s29 =	smov.u32 s4;
	s4 =	rddreg [dreg:$0x1f];
	v16 =	vadd.f32 v21, v15;
	v15 =	vld [tilespmem:s28+$0x20];
	[tilespmem:s20+$0xF0] =	vst v10  }
0x69f: {  	s26 =	sadd.s32 $0x20, s26;
	(v2sf) =	vpush v2, $0x9;
	s5 =	rddreg [dreg:$0x1d];
	v10 =	vadd.f32 v63, v22;
	v20 =	vld [tilespmem:s3+$0x30]  }
0x6a0: {  	s17 =	smov.u32 s1;
	(v2sf) =	vpush v2, $0xA;
	s30 =	smov.u32 s4;
	s13 =	rddreg [dreg:$0x15];
	v21 =	vadd.f32 v23, v16;
	v16 =	vld [tilespmem:s31+$0x20]  }
0x6a1: {  	(v2sf) =	vpush v2, $0xB;
	s8 =	smov.u32 s28;
	s6 =	smov.u32 s5;
	v22 =	vld [tilespmem:s12+$0x30];
	s12 =	rddreg [dreg:$0x13];
	v17 =	vmul.f32 v10, v8;
	v8 =	vmov v9  }
0x6a2: {  	_ =	sdelay $0x2  }
0x6a3: {  	v10 =	vadd.f32 v19, v18  }
0x6a4: {  	v9 =	vmul.f32 v21, v12  }
0x6a5: {  	v55 =	vadd.f32 v20, v10  }
0x6a6: {  	[tilespmem:s9+$0xFFFFFF60] =	vst v9  }
0x6a7: {  	v56 =	vld [tilespmem:s7+$0x30];
	v9 =	vadd.f32 v22, v55  }
0x6a8: {  	v57 =	vld [tilespmem:s16+$0x30]  }
0x6a9: {  	v9 =	vmul.f32 v9, v13  }
0x6aa: {  	v58 =	vld [tilespmem:s21+$0x30]  }
0x6ab: {  	v59 =	vld [tilespmem:s19+$0x30];
	[tilespmem:s9+$0x70] =	vst v9;
	s0 =	spop (v2sf)  }
0x6ac: {  	v61 =	vld [tilespmem:s0+$0x0];
	s1 =	spop (v2sf)  }
0x6ad: {  	v60 =	vadd.f32 v57, v56;
	v62 =	vld [tilespmem:s1+$0x0]  }
0x6ae: {  	s2 =	spop (v2sf)  }
0x6af: {  	v9 =	vadd.f32 v58, v60;
	v63 =	vld [tilespmem:s2+$0x0]  }
0x6b0: {  	s3 =	spop (v2sf)  }
0x6b1: {  	v9 =	vadd.f32 v59, v9;
	v21 =	vld [tilespmem:s3+$0x0]  }
0x6b2: {  	v10 =	vadd.f32 v62, v61  }
0x6b3: {  	v9 =	vmul.f32 v9, v12  }
0x6b4: {  	v22 =	vadd.f32 v63, v10  }
0x6b5: {  	[tilespmem:s9+$0xFFFFFF70] =	vst v9  }
0x6b6: {  	v25 =	vbroadcast v4, $0x8;
	v23 =	vld [tilespmem:s15+$0x0];
	v9 =	vadd.f32 v21, v22  }
0x6b7: {  	v24 =	vld [tilespmem:s29+$0x0]  }
0x6b8: {  	v9 =	vmul.f32 v9, v25  }
0x6b9: {  	v26 =	vld [tilespmem:s30+$0x0]  }
0x6ba: {  	v27 =	vld [tilespmem:s6+$0x0];
	[tilespmem:s9+$0x80] =	vst v9  }
0x6bb: {  	v28 =	vld [tilespmem:s0+$0x10]  }
0x6bc: {  	v10 =	vadd.f32 v24, v23;
	v29 =	vld [tilespmem:s1+$0x10];
	_ =	sdelay $0x1  }
0x6bd: {  	v10 =	vadd.f32 v26, v10;
	v30 =	vld [tilespmem:s2+$0x10];
	_ =	sdelay $0x1  }
0x6be: {  	v9 =	vadd.f32 v27, v10;
	v31 =	vld [tilespmem:s3+$0x10]  }
0x6bf: {  	v12 =	vadd.f32 v29, v28  }
0x6c0: {  	v9 =	vmul.f32 v9, v8  }
0x6c1: {  	v12 =	vadd.f32 v30, v12  }
0x6c2: {  	[tilespmem:s9+$0xFFFFFF80] =	vst v9  }
0x6c3: {  	v9 =	vld [tilespmem:s15+$0x10];
	v10 =	vadd.f32 v31, v12  }
0x6c4: {  	v32 =	vld [tilespmem:s29+$0x10]  }
0x6c5: {  	v10 =	vmul.f32 v10, v25  }
0x6c6: {  	v33 =	vld [tilespmem:s30+$0x10]  }
0x6c7: {  	v34 =	vld [tilespmem:s6+$0x10];
	[tilespmem:s9+$0x90] =	vst v10  }
0x6c8: {  	v35 =	vld [tilespmem:s0+$0x20]  }
0x6c9: {  	v9 =	vadd.f32 v32, v9;
	v36 =	vld [tilespmem:s1+$0x20];
	_ =	sdelay $0x1  }
0x6ca: {  	v9 =	vadd.f32 v33, v9;
	v37 =	vld [tilespmem:s2+$0x20];
	_ =	sdelay $0x1  }
0x6cb: {  	v9 =	vadd.f32 v34, v9;
	v38 =	vld [tilespmem:s3+$0x20]  }
0x6cc: {  	v12 =	vadd.f32 v36, v35  }
0x6cd: {  	v9 =	vmul.f32 v9, v8  }
0x6ce: {  	v12 =	vadd.f32 v37, v12  }
0x6cf: {  	[tilespmem:s9+$0xFFFFFF90] =	vst v9  }
0x6d0: {  	v9 =	vld [tilespmem:s15+$0x20];
	v10 =	vadd.f32 v38, v12  }
0x6d1: {  	v39 =	vld [tilespmem:s29+$0x20]  }
0x6d2: {  	v10 =	vmul.f32 v10, v25  }
0x6d3: {  	v40 =	vld [tilespmem:s30+$0x20]  }
0x6d4: {  	(v2sf) =	vpush v2, $0xC;
	v41 =	vld [tilespmem:s6+$0x20];
	[tilespmem:s9+$0xA0] =	vst v10  }
0x6d5: {  	(v2sf) =	vpush v2, $0xD;
	v42 =	vld [tilespmem:s0+$0x30]  }
0x6d6: {  	v9 =	vadd.f32 v39, v9;
	v43 =	vld [tilespmem:s1+$0x30]  }
0x6d7: {  	(v2sf) =	vpush v2, $0xE  }
0x6d8: {  	v9 =	vadd.f32 v40, v9;
	v44 =	vld [tilespmem:s2+$0x30]  }
0x6d9: {  	(v2sf) =	vpush v2, $0xF  }
0x6da: {  	v2 =	vadd.f32 v41, v9;
	v45 =	vld [tilespmem:s3+$0x30]  }
0x6db: {  	v46 =	vadd.f32 v43, v42  }
0x6dc: {  	v2 =	vmul.f32 v2, v8  }
0x6dd: {  	v10 =	vadd.f32 v44, v46  }
0x6de: {  	[tilespmem:s9+$0xFFFFFFA0] =	vst v2  }
0x6df: {  	v2 =	vld [tilespmem:s15+$0x30];
	v9 =	vadd.f32 v45, v10  }
0x6e0: {  	v47 =	vld [tilespmem:s29+$0x30]  }
0x6e1: {  	v9 =	vmul.f32 v9, v25  }
0x6e2: {  	v48 =	vld [tilespmem:s30+$0x30]  }
0x6e3: {  	s22 =	spop (v2sf);
	v49 =	vld [tilespmem:s6+$0x30];
	[tilespmem:s9+$0xB0] =	vst v9  }
0x6e4: {  	s23 =	spop (v2sf);
	v50 =	vld [tilespmem:s22+$0x0]  }
0x6e5: {  	v2 =	vadd.f32 v47, v2;
	v51 =	vld [tilespmem:s23+$0x0]  }
0x6e6: {  	s26 =	spop (v2sf)  }
0x6e7: {  	v2 =	vadd.f32 v48, v2;
	v52 =	vld [tilespmem:s26+$0x0]  }
0x6e8: {  	s28 =	spop (v2sf)  }
0x6e9: {  	v2 =	vadd.f32 v49, v2;
	v53 =	vld [tilespmem:s28+$0x0]  }
0x6ea: {  	v10 =	vadd.f32 v51, v50  }
0x6eb: {  	[tilespmem:s20+$0xFFFFFFB0] =	vst v17;
	v2 =	vmul.f32 v2, v8  }
0x6ec: {  	v17 =	vld [tilespmem:s25+$0x0];
	s5 =	rddreg [dreg:$0x8];
	v10 =	vadd.f32 v52, v10  }
0x6ed: {  	s29 =	rddreg [dreg:$0xa];
	v54 =	vld [tilespmem:s5+$0x0];
	[tilespmem:s9+$0xFFFFFFB0] =	vst v2  }
0x6ee: {  	v4 =	vbroadcast v4, $0xC;
	v55 =	vld [tilespmem:s29+$0x0];
	s30 =	rddreg [dreg:$0xc];
	v9 =	vadd.f32 v53, v10  }
0x6ef: {  	s15 =	rddreg [dreg:$0x11];
	v2 =	vld [tilespmem:s30+$0x0]  }
0x6f0: {  	s4 =	rddreg [dreg:$0x6];
	v56 =	vld [tilespmem:s15+$0x0];
	v9 =	vmul.f32 v9, v4  }
0x6f1: {  	s19 =	rddreg [dreg:$0xf];
	v57 =	vld [tilespmem:s4+$0x0]  }
0x6f2: {  	v58 =	vld [tilespmem:s19+$0x0];
	v8 =	vadd.f32 v54, v17;
	[tilespmem:s9+$0xC0] =	vst v9  }
0x6f3: {  	s10 =	rddreg [dreg:$0xe]  }
0x6f4: {  	v8 =	vadd.f32 v55, v8;
	v59 =	vld [tilespmem:s10+$0x0]  }
0x6f5: {  	v2 =	vadd.f32 v56, v2  }
0x6f6: {  	v63 =	vld [tilespmem:s11+$0x30];
	v8 =	vadd.f32 v57, v8  }
0x6f7: {  	v2 =	vadd.f32 v58, v2;
	v60 =	vld [tilespmem:s22+$0x10]  }
0x6f8: {  	v8 =	vmul.f32 v8, v6;
	v61 =	vld [tilespmem:s23+$0x10]  }
0x6f9: {  	v62 =	vld [tilespmem:s26+$0x10];
	v2 =	vadd.f32 v59, v2  }
0x6fa: {  	[tilespmem:s20+$0xFFFFFFC0] =	vst v8;
	v24 =	vld [tilespmem:s28+$0x10]  }
0x6fb: {  	v25 =	vld [tilespmem:s25+$0x10];
	v2 =	vmul.f32 v2, v7  }
0x6fc: {  	v26 =	vld [tilespmem:s5+$0x10]  }
0x6fd: {  	v27 =	vld [tilespmem:s29+$0x10];
	v10 =	vadd.f32 v61, v60;
	[tilespmem:s9+$0xFFFFFFC0] =	vst v2  }
0x6fe: {  	v2 =	vld [tilespmem:s30+$0x10]  }
0x6ff: {  	v10 =	vadd.f32 v62, v10;
	v28 =	vld [tilespmem:s15+$0x10]  }
0x700: {  	v29 =	vld [tilespmem:s4+$0x10]  }
0x701: {  	v9 =	vadd.f32 v26, v25;
	v8 =	vadd.f32 v24, v10;
	v30 =	vld [tilespmem:s19+$0x10]  }
0x702: {  	v31 =	vld [tilespmem:s13+$0x30]  }
0x703: {  	v9 =	vadd.f32 v27, v9;
	v8 =	vmul.f32 v8, v4;
	v32 =	vld [tilespmem:s10+$0x10]  }
0x704: {  	v35 =	vld [tilespmem:s17+$0x20];
	v2 =	vadd.f32 v28, v2  }
0x705: {  	v37 =	vld [tilespmem:s12+$0x30];
	v9 =	vadd.f32 v29, v9;
	[tilespmem:s9+$0xD0] =	vst v8  }
0x706: {  	v33 =	vld [tilespmem:s22+$0x20];
	v2 =	vadd.f32 v30, v2  }
0x707: {  	v9 =	vmul.f32 v9, v6;
	v34 =	vld [tilespmem:s23+$0x20]  }
0x708: {  	v14 =	vadd.f32 v15, v14;
	v36 =	vld [tilespmem:s26+$0x20];
	v2 =	vadd.f32 v32, v2  }
0x709: {  	v38 =	vld [tilespmem:s28+$0x20];
	[tilespmem:s20+$0xFFFFFFD0] =	vst v9  }
0x70a: {  	v39 =	vadd.f32 v16, v14;
	v40 =	vld [tilespmem:s25+$0x20];
	v2 =	vmul.f32 v2, v7  }
0x70b: {  	v41 =	vld [tilespmem:s5+$0x20]  }
0x70c: {  	v9 =	vadd.f32 v35, v39;
	v42 =	vld [tilespmem:s29+$0x20];
	[tilespmem:s9+$0xFFFFFFD0] =	vst v2  }
0x70d: {  	v10 =	vadd.f32 v34, v33;
	v2 =	vld [tilespmem:s30+$0x20]  }
0x70e: {  	v9 =	vmul.f32 v9, v5;
	v43 =	vld [tilespmem:s15+$0x20]  }
0x70f: {  	v44 =	vld [tilespmem:s4+$0x20];
	v10 =	vadd.f32 v36, v10  }
0x710: {  	[tilespmem:s24+$0xFFFFFFE0] =	vst v9;
	v45 =	vld [tilespmem:s19+$0x20]  }
0x711: {  	v46 =	vld [tilespmem:s14+$0x30];
	v14 =	vadd.f32 v41, v40;
	v8 =	vadd.f32 v38, v10  }
0x712: {  	v47 =	vld [tilespmem:s10+$0x20]  }
0x713: {  	v52 =	vld [tilespmem:s8+$0x30];
	v12 =	vadd.f32 v42, v14;
	v8 =	vmul.f32 v8, v4;
	v2 =	vadd.f32 v43, v2  }
0x714: {  	v53 =	vld [tilespmem:s31+$0x30]  }
0x715: {  	v54 =	vld [tilespmem:s17+$0x30];
	v12 =	vadd.f32 v44, v12;
	[tilespmem:s9+$0xE0] =	vst v8;
	v2 =	vadd.f32 v45, v2  }
0x716: {  	v48 =	vld [tilespmem:s22+$0x30]  }
0x717: {  	v12 =	vmul.f32 v12, v6;
	v49 =	vld [tilespmem:s23+$0x30];
	v2 =	vadd.f32 v47, v2  }
0x718: {  	v50 =	vld [tilespmem:s26+$0x30]  }
0x719: {  	v51 =	vld [tilespmem:s28+$0x30];
	[tilespmem:s20+$0xFFFFFFE0] =	vst v12;
	v2 =	vmul.f32 v2, v7  }
0x71a: {  	v12 =	vld [tilespmem:s25+$0x30]  }
0x71b: {  	v55 =	vld [tilespmem:s5+$0x30];
	[tilespmem:s9+$0xFFFFFFE0] =	vst v2  }
0x71c: {  	v11 =	vadd.f32 v63, v11;
	v2 =	vld [tilespmem:s30+$0x30]  }
0x71d: {  	v56 =	vld [tilespmem:s15+$0x30]  }
0x71e: {  	v11 =	vadd.f32 v31, v11;
	v57 =	vld [tilespmem:s29+$0x30]  }
0x71f: {  	v13 =	vadd.f32 v52, v46;
	v58 =	vld [tilespmem:s19+$0x30]  }
0x720: {  	v11 =	vadd.f32 v37, v11;
	v59 =	vld [tilespmem:s4+$0x30];
	v10 =	vadd.f32 v49, v48  }
0x721: {  	v8 =	vadd.f32 v53, v13;
	v12 =	vadd.f32 v55, v12;
	v60 =	vld [tilespmem:s10+$0x30]  }
0x722: {  	v10 =	vadd.f32 v50, v10;
	v2 =	vadd.f32 v56, v2  }
0x723: {  	v8 =	vadd.f32 v54, v8;
	v12 =	vadd.f32 v57, v12  }
0x724: {  	v3 =	vmul.f32 v11, v3;
	v9 =	vadd.f32 v51, v10;
	v2 =	vadd.f32 v58, v2  }
0x725: {  	v61 =	vmul.f32 v8, v5;
	v62 =	vadd.f32 v59, v12  }
0x726: {  	[tilespmem:s18+$0xFFFFFFF0] =	vst v3;
	v3 =	vmul.f32 v9, v4;
	v2 =	vadd.f32 v60, v2  }
0x727: {  	[tilespmem:s24+$0xFFFFFFF0] =	vst v61;
	v63 =	vmul.f32 v62, v6  }
0x728: {  	[tilespmem:s9+$0xF0] =	vst v3;
	v2 =	vmul.f32 v2, v7  }
0x729: {  	[tilespmem:s20+$0xFFFFFFF0] =	vst v63  }
0x72a: {  	s21 =	simm.s32 $0x2;
	[tilespmem:s9+$0xFFFFFFF0] =	vst v2  }
0x72b: {  	_ =	swait.ge [sflag:s21], $0x2000  }
0x72c: {  	s22 =	sld [smem:$0x7FB]  }
0x72d: {  	s23 =	sld [smem:$0x7F2]  }
0x72e: {  	s8 =	simm.s32 $0x13548  }
0x72f: {  	s4 =	simm.s32 $0x80;
	[sflag:s21] =	ssyncset.done $0x0;
	s31 =	sld [smem:$0x7F1]  }
0x730: {  	s26 =	sld [smem:$0x7F9];
	[sflag:s21] =	ssyncadd.s32 $0xFFFFE000;
	s0 =	sadd.s32 s23, s22  }
0x731: {  	s25 =	simm.s32 $0x17548;
	s1 =	rddreg [dreg:$0x3];
	s0 =	sshll.u32 s0, $0x4  }
0x732: {  	s24 =	simm.s32 $0x40;
	s2 =	sadd.s32 $0x1, s31;
	s1 =	sadd.s32 s1, s0  }
0x733: {  	[hbm4b:s1+s24] =	stream.strided.scatter [tilespmem:s25], [sflag:$0x6], $0x2000, s4, s24, $0x38;
	[tilespmem:$0x19948] =	vst v63  }
0x734: {  	s28 =	sld [smem:$0x7FC];
	p0 =	sne.s32 s2, $0x19;
	s0 =	sadd.s32 s0, s26  }
0x735: {  	[hbm4b:s0+s24] =	stream.strided.scatter [tilespmem:s8], [sflag:$0x8], $0x2000, s4, s24, $0x38;
	[tilespmem:$0x19948] =	vst v63  }
.Ltmp4:
0x736: {  	s7 =	simm.s32 $0x10D48;
	(pc) =	sbr.rel @p0 .LBB2_2-.Ltmp4, $4  }
0x737: {  	s6 =	simm.s32 $0x104C8;
	s5 =	simm.s32 $0x10548;
	s0 =	sadd.s32 s23, s28  }
0x738: {  	s30 =	simm.s32 $0x0;
	s29 =	rddreg [dreg:$0x0];
	s0 =	sshrl.u32 s0, $0x3  }
0x739: {  	s10 =	simm.s32 $0x19548;
	s9 =	simm.s32 $0x19748;
	s0 =	sadd.s32 s29, s0  }
0x73a: {  	[tilespmem:s6], [sflag:$0xA] =	stream.linear.gather [hbm4b:s0+s30], $0x80, $0x38;
	[tilespmem:$0x19948] =	vst v63  }
0x73b: {  	s0 =	simm.s32 $0x3  }
0x73c: {  	_ =	swait.ge [sflag:s0], $0x800  }
0x73d: {  	[sflag:s0] =	ssyncset.done $0x0  }
0x73e: {  	s26 =	simm.s32 $0x1;
	[sflag:s0] =	ssyncadd.s32 $0xFFFFF800  }
0x73f: {  	_ =	swait.ge [sflag:s26], $0x2000  }
0x740: {  	[sflag:s26] =	ssyncset.done $0x0  }
0x741: {  	s28 =	simm.s32 $0xA;
	[sflag:s26] =	ssyncadd.s32 $0xFFFFE000  }
0x742: {  	_ =	swait.ge [sflag:s28], $0x80  }
0x743: {  	[sflag:s28] =	ssyncset.done $0x0  }
0x744: {  	s29 =	simm.s32 $0x5;
	[sflag:s28] =	ssyncadd.s32 $0xFFFFFF80  }
0x745: {  	_ =	swait.ge [sflag:s29], $0x2000  }
0x746: {  	[sflag:s29] =	ssyncset.done $0x0  }
0x747: {  	s30 =	simm.s32 $0x6;
	[sflag:s29] =	ssyncadd.s32 $0xFFFFE000  }
0x748: {  	_ =	swait.ge [sflag:s30], $0x2000  }
0x749: {  	[sflag:s30] =	ssyncset.done $0x0  }
0x74a: {  	s1 =	simm.s32 $0x8;
	[sflag:s30] =	ssyncadd.s32 $0xFFFFE000  }
0x74b: {  	_ =	swait.ge [sflag:s1], $0x2000  }
0x74c: {  	s2 =	sld [smem:$0x7F3]  }
0x74d: {  	s31 =	sld [smem:$0x7FD];
	_ =	sdelay $0x1  }
0x74e: {  	s2 =	sadd.s32 $0x1, s2  }
0x74f: {  	p0 =	sne.s32 s2, s31  }
.Ltmp5:
0x750: {  	_ = 	snop;
	(pc) =	sbr.rel @p0 .LBB2_1-.Ltmp5, $3  }
0x751: {  	_ =	sdelay $0x1  }
0x752: {  	[sflag:s1] =	ssyncset.done $0x0  }
0x753: {  	[sflag:s1] =	ssyncadd.s32 $0xFFFFE000  }
0x754: {  	_ =	sfence.sel $0x180000  }
0x755: {  	[bflag:$0x0] =	sbarrier.arrive $0xFFFF  }
0x756: {  	_ =	strace $0x90000047  }
0x757: {  	s0 =	stileid.u32;
	[bflag:$0x2] =	sbarrier.arrive $0xFFFF  }
0x758: {  	p0 =	sne.s32 s0, $0x0;
	s0 =	rddreg [dreg:$0x4]  }
0x759: {  	s0 =	sadd.s32 @!p0 $0x100000, s0  }
0x75a: {  	[sflag:s0] =	ssyncadd.tile.s32 @!p0 $0x1;
	_ =	shalt  }
.Lfunc_end2:
_tile_overlayer_lowered:
.L_overlay_start_2:
0x75b: {  	(tag) =	ssettag $0x2  }
0x75c: {  	s0 =	rddreg [dreg:$0x0];
	s2 =	stileid.u32  }
0x75d: {  	s1 =	rddreg [dreg:$0x1];
	p0 =	sne.s32 s2, $0x0  }
0x75e: {  	s3 =	rddreg [dreg:$0x2];
	[bflag:$0x3] =	sbarrier.arrive $0xFFFF;
	s2 =	simm.s32 @!p0 $0x1C0B  }
0x75f: {  	[timem:s3], [sflag:s2] =	dma.local @!p0 [hbm:s0], s1  }
0x760: {  	s0 =	simm.s32 @!p0 $0xB  }
0x761: {  	_ =	swait.ge @!p0 [sflag:s0], s1  }
0x762: {  	s1 =	ssub.s32 @!p0 $0x0, s1;
	[sflag:s0] =	ssyncset.done @!p0 $0x0  }
0x763: {  	[sflag:s0] =	ssyncadd.s32 @!p0 s1  }
0x764: {  	[bflag:$0x3] =	sbarrier.arrive $0xFFFF  }
0x765: {  	_ =	shalt  }

</sc_bundles>
